<compile_context>
chip_gen: v7x
topology: tpu7x:2x2x1
jax: 0.10.2.dev20260603
libtpu: 0.0.44.dev20260713+nightly
codegen_flags: <defaults>
</compile_context>

<pallas_src>
import functools

import jax
import jax.numpy as jnp
from jax import lax
from jax.experimental import pallas as pl
from jax.experimental.pallas import tpu as pltpu
from jax.experimental.pallas import tpu_sc as plsc

N = 10000
E = 320000
F_IN = 128
HID = 16
C = 2

NC = 2
NS = 16
NW = NC * NS
K = 128
NCHUNK = E // K
CPW = NCHUNK // NW
XTRA = NCHUNK - CPW * NW
CPS = NCHUNK // NS
XTRS = NCHUNK - CPS * NS
N_PAD = 10240
RPT = N_PAD // NS
NBUF = 14
NBH = 6
LOOKAHEAD = NBUF // 2

_MESH = plsc.VectorSubcoreMesh(core_axis_name="c", subcore_axis_name="s")
_SC_PARAMS = pltpu.CompilerParams(use_tc_tiling_on_sc=False)



@functools.partial(
    pl.kernel,
    out_type=jax.ShapeDtypeStruct((NC, N_PAD, HID), jnp.float32),
    mesh=_MESH,
    compiler_params=_SC_PARAMS,
    scratch_types=[
        pltpu.VMEM((CPW + 1, K), jnp.int32),
        pltpu.VMEM((CPW + 1, K), jnp.int32),
        pltpu.VMEM((NBUF, K, HID), jnp.float32),
        pltpu.VMEM((RPT, HID), jnp.float32),
        pltpu.VMEM_SHARED((N_PAD, HID), jnp.float32),
        pltpu.SemaphoreType.DMA((NBUF,)),
        pltpu.SemaphoreType.DMA((NBUF,)),
    ],
)
def _sc_segsum(table, ei, out, src_v, dst_v, rows_v, zb_v, acc, gsem, ssem):
    cid = lax.axis_index("c")
    sid = lax.axis_index("s")
    wid = cid * NS + sid

    def _zrow(i, carry):
        zb_v[i] = jnp.zeros((HID,), jnp.float32)
        return carry

    lax.fori_loop(0, RPT, _zrow, 0)

    @pl.when(cid == 0)
    def _():
        pltpu.sync_copy(table.at[pl.ds(sid * RPT, RPT)],
                        acc.at[pl.ds(sid * RPT, RPT)])

    @pl.when(cid == 1)
    def _():
        pltpu.sync_copy(zb_v, acc.at[pl.ds(sid * RPT, RPT)])

    pltpu.sync_copy(ei.at[0, pl.ds(wid * CPW, CPW)], src_v.at[pl.ds(0, CPW)])
    pltpu.sync_copy(ei.at[1, pl.ds(wid * CPW, CPW)], dst_v.at[pl.ds(0, CPW)])

    @pl.when(wid < XTRA)
    def _():
        pltpu.sync_copy(ei.at[0, pl.ds(NW * CPW + wid, 1)],
                        src_v.at[pl.ds(CPW, 1)])
        pltpu.sync_copy(ei.at[1, pl.ds(NW * CPW + wid, 1)],
                        dst_v.at[pl.ds(CPW, 1)])

    trips = CPW + jnp.where(wid < XTRA, 1, 0)
    plsc.subcore_barrier()

    for p in range(LOOKAHEAD):
        pltpu.async_copy(table.at[src_v.at[p]], rows_v.at[p], gsem.at[p])

    def _chunk(j, carry):
        b = j % NBUF
        pltpu.make_async_copy(table.at[src_v.at[j]], rows_v.at[b],
                              gsem.at[b]).wait()
        pltpu.async_copy(rows_v.at[b], acc.at[dst_v.at[j]], ssem.at[b],
                         add=True)

        @pl.when(j >= LOOKAHEAD)
        def _():
            jj = j - LOOKAHEAD
            bb = jj % NBUF
            pltpu.make_async_copy(rows_v.at[bb], acc.at[dst_v.at[jj]],
                                  ssem.at[bb]).wait()

        @pl.when(j + LOOKAHEAD < trips)
        def _():
            jn = j + LOOKAHEAD
            bn = jn % NBUF
            pltpu.async_copy(table.at[src_v.at[jn]], rows_v.at[bn],
                             gsem.at[bn])

        return carry

    lax.fori_loop(0, trips, _chunk, 0)

    def _drain(p, carry):
        jj = trips - LOOKAHEAD + p
        bb = jj % NBUF
        pltpu.make_async_copy(rows_v.at[bb], acc.at[dst_v.at[jj]],
                              ssem.at[bb]).wait()
        return carry

    lax.fori_loop(0, LOOKAHEAD, _drain, 0)
    plsc.subcore_barrier()

    pltpu.sync_copy(acc.at[pl.ds(sid * RPT, RPT)], zb_v)
    pltpu.sync_copy(zb_v, out.at[cid, pl.ds(sid * RPT, RPT)])


@functools.partial(
    pl.kernel,
    out_type=jax.ShapeDtypeStruct((N_PAD,), jnp.float32),
    mesh=_MESH,
    compiler_params=_SC_PARAMS,
    scratch_types=[
        pltpu.VMEM((CPS + 1, K), jnp.int32),
        pltpu.VMEM((K,), jnp.float32),
        pltpu.VMEM((RPT // NC,), jnp.float32),
        pltpu.VMEM_SHARED((N_PAD,), jnp.float32),
        pltpu.SemaphoreType.DMA((NBH,)),
    ],
)
def _sc_hist(ei, out, dst_v, ones_v, zb_v, acc, ssem):
    cid = lax.axis_index("c")
    sid = lax.axis_index("s")
    WRT = RPT // NC

    for i in range(K // 16):
        ones_v[pl.ds(i * 16, 16)] = jnp.ones((16,), jnp.float32)

    def _zrow(i, carry):
        zb_v[pl.ds(i * 16, 16)] = jnp.zeros((16,), jnp.float32)
        return carry

    lax.fori_loop(0, WRT // 16, _zrow, 0)
    for r in range(NC):
        pltpu.sync_copy(zb_v, acc.at[pl.ds((sid * NC + r) * WRT, WRT)])

    pltpu.sync_copy(ei.at[1, pl.ds(sid * CPS, CPS)], dst_v.at[pl.ds(0, CPS)])

    @pl.when(sid < XTRS)
    def _():
        pltpu.sync_copy(ei.at[1, pl.ds(NS * CPS + sid, 1)],
                        dst_v.at[pl.ds(CPS, 1)])

    trips = CPS + jnp.where(sid < XTRS, 1, 0)
    plsc.subcore_barrier()

    def _chunk(j, carry):
        @pl.when(j >= NBH)
        def _():
            jj = j - NBH
            pltpu.make_async_copy(ones_v, acc.at[dst_v.at[jj]],
                                  ssem.at[jj % NBH]).wait()

        pltpu.async_copy(ones_v, acc.at[dst_v.at[j]], ssem.at[j % NBH],
                         add=True)
        return carry

    lax.fori_loop(0, trips, _chunk, 0)

    def _drain(p, carry):
        jj = trips - NBH + p
        pltpu.make_async_copy(ones_v, acc.at[dst_v.at[jj]],
                              ssem.at[jj % NBH]).wait()
        return carry

    lax.fori_loop(0, NBH, _drain, 0)
    plsc.subcore_barrier()

    base = cid * (N_PAD // NC) + sid * WRT
    pltpu.sync_copy(acc.at[pl.ds(base, WRT)], zb_v)
    pltpu.sync_copy(zb_v, out.at[pl.ds(base, WRT)])


MROWS = N_PAD // NW


@functools.partial(
    pl.kernel,
    out_type=jax.ShapeDtypeStruct((N_PAD, HID), jnp.float32),
    mesh=_MESH,
    compiler_params=pltpu.CompilerParams(use_tc_tiling_on_sc=False,
                                         needs_layout_passes=False),
    scratch_types=[
        pltpu.VMEM((MROWS, HID), jnp.float32),
        pltpu.VMEM((MROWS, HID), jnp.float32),
        pltpu.VMEM((MROWS,), jnp.float32),
        pltpu.VMEM((MROWS, HID), jnp.float32),
        pltpu.VMEM((16,), jnp.float32),
    ],
)
def _sc_mid(s1p, deg, b1, u_out, sa_v, sb_v, dg_v, u_v, b1_v):
    cid = lax.axis_index("c")
    sid = lax.axis_index("s")
    wid = cid * NS + sid
    base = wid * MROWS

    pltpu.sync_copy(s1p.at[0, pl.ds(base, MROWS)], sa_v)
    pltpu.sync_copy(s1p.at[1, pl.ds(base, MROWS)], sb_v)
    pltpu.sync_copy(deg.at[pl.ds(base, MROWS)], dg_v)
    pltpu.sync_copy(b1, b1_v)
    bb = b1_v[...]
    lane = lax.iota(jnp.int32, 16)

    def _grp(g, carry):
        d = 1.0 + dg_v[pl.ds(g * 16, 16)]
        i = plsc.bitcast(d, jnp.int32)
        y = plsc.bitcast(0x5F3759DF - (i >> 1), jnp.float32)
        for _ in range(3):
            y = y * (1.5 - 0.5 * d * y * y)
        for r in range(16):
            s = jnp.sum(jnp.where(lane == r, y, 0.0))
            row = sa_v[g * 16 + r] + sb_v[g * 16 + r]
            u_v[g * 16 + r] = s * jnp.maximum(s * row + bb, 0.0)
        return carry

    lax.fori_loop(0, MROWS // 16, _grp, 0)
    pltpu.sync_copy(u_v, u_out.at[pl.ds(base, MROWS)])



_BLK = 5000


def _mm1_body(x_ref, w_ref, o_ref):
    o_ref[...] = jnp.dot(x_ref[...], w_ref[...],
                         preferred_element_type=jnp.float32)


def _scale_body(h1_ref, deg_ref, g1_ref, dis_ref):
    dis = lax.rsqrt(1.0 + deg_ref[...])
    dis_ref[...] = dis
    g1_ref[...] = dis * h1_ref[...]


def _final_body(s2_ref, dis_ref, w2_ref, b2_ref,
                f3w_ref, f3b_ref, f4w_ref, f4b_ref, o_ref):
    v = s2_ref[0] + s2_ref[1]
    out2 = dis_ref[...] * jnp.dot(v, w2_ref[...],
                                  preferred_element_type=jnp.float32) + b2_ref[...]
    t = jnp.maximum(jnp.dot(out2, f3w_ref[...],
                            preferred_element_type=jnp.float32) + f3b_ref[...], 0.0)
    y = jnp.dot(t, f4w_ref[...],
                preferred_element_type=jnp.float32) + f4b_ref[...]
    m = jnp.max(y, axis=1, keepdims=True)
    lse = m + jnp.log(jnp.sum(jnp.exp(y - m), axis=1, keepdims=True))
    o_ref[...] = y - lse


def _row_spec(w):
    return pl.BlockSpec((_BLK, w), lambda i: (i, 0))


def _part_spec(w):
    return pl.BlockSpec((NC, _BLK, w), lambda i: (0, i, 0))


def _full_spec(h, w):
    return pl.BlockSpec((h, w), lambda i: (0, 0))


def kernel(x, edge_index, edge_weight, W1, b1, W2, b2, fc3_w, fc3_b, fc4_w, fc4_b):
    ei3 = edge_index.reshape(2, NCHUNK, K)
    grid = (N // _BLK,)

    degf = _sc_hist(ei3)
    deg = degf.reshape(N_PAD, 1)

    h1 = pl.pallas_call(
        _mm1_body, grid=grid,
        in_specs=[_row_spec(F_IN), _full_spec(F_IN, HID)],
        out_specs=_row_spec(HID),
        out_shape=jax.ShapeDtypeStruct((N, HID), jnp.float32),
    )(x, W1)

    g1, dis = pl.pallas_call(
        _scale_body, grid=grid,
        in_specs=[_row_spec(HID), _row_spec(1)],
        out_specs=[_row_spec(HID), _row_spec(1)],
        out_shape=[jax.ShapeDtypeStruct((N_PAD, HID), jnp.float32),
                   jax.ShapeDtypeStruct((N, 1), jnp.float32)],
    )(h1, deg)

    s1p = _sc_segsum(g1, ei3)
    u = _sc_mid(s1p, degf, b1)
    s2p = _sc_segsum(u, ei3)

    out = pl.pallas_call(
        _final_body, grid=grid,
        in_specs=[_part_spec(HID), _row_spec(1),
                  _full_spec(HID, C), _full_spec(1, C),
                  _full_spec(C, HID), _full_spec(1, HID),
                  _full_spec(HID, C), _full_spec(1, C)],
        out_specs=_row_spec(C),
        out_shape=jax.ShapeDtypeStruct((N, C), jnp.float32),
    )(s2p, dis,
      W2, b2.reshape(1, C),
      fc3_w.T, fc3_b.reshape(1, HID),
      fc4_w.T, fc4_b.reshape(1, C))

    return out

# --- scband reference (transcript-rebuilt; emitter-appended) ---
"""Pipeline reference for scband-gcn-79156247265361 (READ-ONLY COPY).

The authoritative reference and input builder live on the scoring server;
editing this copy changes nothing except your own understanding.
"""

import jax, jax.numpy as jnp
import numpy as np

N = 10000
E = 320000
F_IN = 128
HID = 16
C = 2


def setup_inputs(seed: int = 0) -> dict:
    key = jax.random.key(seed)
    ks = jax.random.split(key, 10)
    x = jax.random.normal(ks[0], (N, F_IN), dtype=jnp.float32)
    edge_index = jax.random.randint(ks[1], (2, E), 0, N, dtype=jnp.int32)
    edge_weight = jnp.ones((E,), dtype=jnp.float32)
    # GCNConv params: lin weight [in, out] (bias=False) plus separate bias [out]
    W1 = jax.random.normal(ks[2], (F_IN, HID), dtype=jnp.float32) * (1.0 / np.sqrt(F_IN))
    b1 = jnp.zeros((HID,), dtype=jnp.float32)
    W2 = jax.random.normal(ks[3], (HID, C), dtype=jnp.float32) * (1.0 / np.sqrt(HID))
    b2 = jnp.zeros((C,), dtype=jnp.float32)
    # fc3: Linear(C, HID); fc4: Linear(HID, C). torch weight layout [out, in]
    fc3_w = jax.random.normal(ks[4], (HID, C), dtype=jnp.float32) * (1.0 / np.sqrt(C))
    fc3_b = jax.random.uniform(ks[5], (HID,), dtype=jnp.float32, minval=-1.0 / np.sqrt(C), maxval=1.0 / np.sqrt(C))
    fc4_w = jax.random.normal(ks[6], (C, HID), dtype=jnp.float32) * (1.0 / np.sqrt(HID))
    fc4_b = jax.random.uniform(ks[7], (C,), dtype=jnp.float32, minval=-1.0 / np.sqrt(HID), maxval=1.0 / np.sqrt(HID))
    return {"x": x, "edge_index": edge_index, "edge_weight": edge_weight,
            "W1": W1, "b1": b1, "W2": W2, "b2": b2,
            "fc3_w": fc3_w, "fc3_b": fc3_b, "fc4_w": fc4_w, "fc4_b": fc4_b}


def gcn_conv(x, edge_index, edge_weight, W, b, num_nodes):
    # PyG GCNConv (normalize=True): add self-loops (weight 1), symmetric normalization
    src = edge_index[0]
    dst = edge_index[1]
    loop = jnp.arange(num_nodes, dtype=src.dtype)
    src_f = jnp.concatenate([src, loop])
    dst_f = jnp.concatenate([dst, loop])
    ew_f = jnp.concatenate([edge_weight, jnp.ones((num_nodes,), dtype=edge_weight.dtype)])
    deg = jnp.zeros((num_nodes,), dtype=x.dtype).at[dst_f].add(ew_f)
    deg_inv_sqrt = jnp.where(deg > 0, jax.lax.rsqrt(jnp.maximum(deg, 1e-12)), 0.0)
    norm = deg_inv_sqrt[src_f] * ew_f * deg_inv_sqrt[dst_f]
    h = x @ W
    msg = h[src_f] * norm[:, None]
    out = jnp.zeros((num_nodes, W.shape[1]), dtype=x.dtype).at[dst_f].add(msg)
    return out + b


def reference(x, edge_index, edge_weight, W1, b1, W2, b2, fc3_w, fc3_b, fc4_w, fc4_b):
    h = gcn_conv(x, edge_index, edge_weight, W1, b1, N)
    h = jax.nn.relu(h)
    # dropout is identity in eval mode (training=self.training)
    h = gcn_conv(h, edge_index, edge_weight, W2, b2, N)
    h = h @ fc3_w.T + fc3_b
    h = jax.nn.relu(h)
    h = h @ fc4_w.T + fc4_b
    return jax.nn.log_softmax(h, axis=1)

if __name__ == "__main__":
    import jax
    _d = setup_inputs()
    print(jax.jit(kernel)(*tuple(_d.values())))

</pallas_src>

<mosaic_0001>
#map = affine_map<(d0, d1) -> (0, 0)>
#map1 = affine_map<(d0, d1) -> (0, 0, 0)>
module attributes {stable_mosaic.version = 14 : i64} {
  func.func @_sc_segsum(%arg0: i32, %arg1: i32, %arg2: memref<10240x16xf32, #tpu.memory_space<hbm>>, %arg3: memref<2x2500x128xi32, #tpu.memory_space<hbm>>, %arg4: memref<2x10240x16xf32, #tpu.memory_space<hbm>>, %arg5: memref<79x128xi32, #tpu.memory_space<vmem>>, %arg6: memref<79x128xi32, #tpu.memory_space<vmem>>, %arg7: memref<14x128x16xf32, #tpu.memory_space<vmem>>, %arg8: memref<640x16xf32, #tpu.memory_space<vmem>>, %arg9: memref<10240x16xf32, #tpu.memory_space<vmem_shared>>, %arg10: memref<14x!tpu.dma_semaphore, #tpu.memory_space<semaphore_mem>>, %arg11: memref<14x!tpu.dma_semaphore, #tpu.memory_space<semaphore_mem>>) attributes {dimension_semantics = [#tpu.dimension_semantics<core_parallel>, #tpu.dimension_semantics<subcore_parallel>], iteration_bounds = array<i64: 2, 16>, scalar_prefetch = 0 : i64, scratch_operands = 7 : i64, tpu.core_type = #tpu.core_type<sc_vector_subcore>, window_params = [{transform_indices = #map}, {transform_indices = #map1}, {transform_indices = #map1}]} {
    %mul3A = arith.constant 16 : i32
    %mul3A_0 = arith.muli %arg0, %mul3A : i32
    %add3A = arith.addi %mul3A_0, %arg1 : i32
    %scan3A = arith.constant 0 : i32
    %scan3A_1 = arith.constant 0 : i32
    %scan3A_2 = arith.constant 640 : i32
    %scan3A_3 = arith.addi %scan3A_1, %scan3A_2 : i32
    %scan3A_4 = arith.constant 1 : i32
    scf.for %scan3A_151 = %scan3A_1 to %scan3A_3 step %scan3A_4  : i32 {
      %broadcast_in_dim3A = arith.constant 0.000000e+00 : f32
      %broadcast_in_dim3A_152 = vector.broadcast %broadcast_in_dim3A : f32 to vector<16xf32>
      %swap3A = arith.index_cast %scan3A_151 : i32 to index
      %swap3A_153 = arith.constant 0 : index
      %swap3A_154 = tpu.vector_load %arg8[%swap3A, %swap3A_153] {strides = array<i32>} : memref<640x16xf32, #tpu.memory_space<vmem>>, vector<1x16xf32>,
      %swap3A_155 = vector.shape_cast %swap3A_154 : vector<1x16xf32> to vector<16xf32>
      %swap3A_156 = vector.shape_cast %broadcast_in_dim3A_152 : vector<16xf32> to vector<1x16xf32>
      tpu.vector_store %arg8[%swap3A, %swap3A_153], %swap3A_156 {strides = array<i32>} : memref<640x16xf32, #tpu.memory_space<vmem>>, vector<1x16xf32>,
    }
    %scan3A_5 = arith.constant 640 : i32
    %eq3A = arith.constant 0 : i32
    %eq3A_6 = arith.cmpi eq, %arg0, %eq3A : i32
    %convert_element_type3A = arith.extui %eq3A_6 : i1 to i32
    %cond3A = arith.constant 0 : i32
    %cond3A_7 = arith.cmpi ne, %convert_element_type3A, %cond3A : i32
    scf.if %cond3A_7 {
      %mul3A_151 = arith.constant 640 : i32
      %mul3A_152 = arith.muli %arg1, %mul3A_151 : i32
      %mul3A_153 = arith.constant 640 : i32
      %mul3A_154 = arith.muli %arg1, %mul3A_153 : i32
      "tpu.region"() ({
        %run_scoped3A_155 = tpu.sem_alloc : memref<!tpu.dma_semaphore, #tpu.memory_space<semaphore_mem>>
        %dma_start3A_156 = arith.constant 0 : i32
        %dma_start3A_157 = tpu.memref_slice %arg9[%mul3A_154, %dma_start3A_156] : memref<10240x16xf32, #tpu.memory_space<vmem_shared>> -> memref<640x16xf32, #tpu.memory_space<vmem_shared>>
        %dma_start3A_158 = arith.constant 0 : i32
        %dma_start3A_159 = tpu.memref_slice %arg2[%mul3A_152, %dma_start3A_158] : memref<10240x16xf32, #tpu.memory_space<hbm>> -> memref<640x16xf32, #tpu.memory_space<hbm>>
        tpu.enqueue_dma source(%dma_start3A_159 : memref<640x16xf32, #tpu.memory_space<hbm>>) target(%dma_start3A_157 : memref<640x16xf32, #tpu.memory_space<vmem_shared>>) target_semaphore(%run_scoped3A_155 : memref<!tpu.dma_semaphore, #tpu.memory_space<semaphore_mem>>)
        %dma_wait3A = arith.constant 0 : i32
        %dma_wait3A_160 = tpu.memref_slice %arg9[%mul3A_154, %dma_wait3A] : memref<10240x16xf32, #tpu.memory_space<vmem_shared>> -> memref<640x16xf32, #tpu.memory_space<vmem_shared>>
        %dma_wait3A_161 = arith.constant 0 : i32
        %dma_wait3A_162 = tpu.memref_slice %arg2[%mul3A_152, %dma_wait3A_161] : memref<10240x16xf32, #tpu.memory_space<hbm>> -> memref<640x16xf32, #tpu.memory_space<hbm>>
        tpu.wait_dma2 semaphore(%run_scoped3A_155 : memref<!tpu.dma_semaphore, #tpu.memory_space<semaphore_mem>>) src(%dma_wait3A_162 : memref<640x16xf32, #tpu.memory_space<hbm>>) dst(%dma_wait3A_160 : memref<640x16xf32, #tpu.memory_space<vmem_shared>>)
        tpu.yield
      }) : () -> ()
    } else {
    }
    %eq3A_8 = arith.constant 1 : i32
    %eq3A_9 = arith.cmpi eq, %arg0, %eq3A_8 : i32
    %convert_element_type3A_10 = arith.extui %eq3A_9 : i1 to i32
    %cond3A_11 = arith.constant 0 : i32
    %cond3A_12 = arith.cmpi ne, %convert_element_type3A_10, %cond3A_11 : i32
    scf.if %cond3A_12 {
      %mul3A_151 = arith.constant 640 : i32
      %mul3A_152 = arith.muli %arg1, %mul3A_151 : i32
      "tpu.region"() ({
        %run_scoped3A_153 = tpu.sem_alloc : memref<!tpu.dma_semaphore, #tpu.memory_space<semaphore_mem>>
        %dma_start3A_154 = arith.constant 0 : i32
        %dma_start3A_155 = tpu.memref_slice %arg9[%mul3A_152, %dma_start3A_154] : memref<10240x16xf32, #tpu.memory_space<vmem_shared>> -> memref<640x16xf32, #tpu.memory_space<vmem_shared>>
        %dma_start3A_156 = arith.constant 0 : i32
        %dma_start3A_157 = tpu.memref_slice %arg9[%mul3A_152, %dma_start3A_156] : memref<10240x16xf32, #tpu.memory_space<vmem_shared>> -> memref<640x16xf32, #tpu.memory_space<vmem_shared>>
        tpu.enqueue_dma source(%arg8 : memref<640x16xf32, #tpu.memory_space<vmem>>) target(%dma_start3A_157 : memref<640x16xf32, #tpu.memory_space<vmem_shared>>) target_semaphore(%run_scoped3A_153 : memref<!tpu.dma_semaphore, #tpu.memory_space<semaphore_mem>>)
        %dma_wait3A = arith.constant 0 : i32
        %dma_wait3A_158 = tpu.memref_slice %arg9[%mul3A_152, %dma_wait3A] : memref<10240x16xf32, #tpu.memory_space<vmem_shared>> -> memref<640x16xf32, #tpu.memory_space<vmem_shared>>
        %dma_wait3A_159 = arith.constant 0 : i32
        %dma_wait3A_160 = tpu.memref_slice %arg9[%mul3A_152, %dma_wait3A_159] : memref<10240x16xf32, #tpu.memory_space<vmem_shared>> -> memref<640x16xf32, #tpu.memory_space<vmem_shared>>
        tpu.wait_dma2 semaphore(%run_scoped3A_153 : memref<!tpu.dma_semaphore, #tpu.memory_space<semaphore_mem>>) src(%arg8 : memref<640x16xf32, #tpu.memory_space<vmem>>) dst(%dma_wait3A_160 : memref<640x16xf32, #tpu.memory_space<vmem_shared>>)
        tpu.yield
      }) : () -> ()
    } else {
    }
    %mul3A_13 = arith.constant 78 : i32
    %mul3A_14 = arith.muli %add3A, %mul3A_13 : i32
    %run_scoped3A = arith.constant 0 : i32
    "tpu.region"() ({
      %run_scoped3A_151 = tpu.sem_alloc : memref<!tpu.dma_semaphore, #tpu.memory_space<semaphore_mem>>
      %dma_start3A_152 = arith.constant 0 : i32
      %dma_start3A_153 = arith.constant 0 : i32
      %dma_start3A_154 = tpu.memref_slice %arg5[%dma_start3A_152, %dma_start3A_153] : memref<79x128xi32, #tpu.memory_space<vmem>> -> memref<78x128xi32, #tpu.memory_space<vmem>>
      %dma_start3A_155 = arith.constant 0 : i32
      %dma_start3A_156 = tpu.memref_slice %arg3[%run_scoped3A, %mul3A_14, %dma_start3A_155] : memref<2x2500x128xi32, #tpu.memory_space<hbm>> -> memref<1x78x128xi32, #tpu.memory_space<hbm>>
      %dma_start3A_157 = tpu.memref_squeeze %dma_start3A_156 : memref<1x78x128xi32, #tpu.memory_space<hbm>> -> memref<78x128xi32, #tpu.memory_space<hbm>>
      %dma_start3A_158 = arith.constant 0 : i32
      %dma_start3A_159 = arith.constant 0 : i32
      %dma_start3A_160 = tpu.memref_slice %arg5[%dma_start3A_158, %dma_start3A_159] : memref<79x128xi32, #tpu.memory_space<vmem>> -> memref<78x128xi32, #tpu.memory_space<vmem>>
      %dma_start3A_161 = arith.constant 0 : i32
      %dma_start3A_162 = tpu.memref_slice %arg3[%run_scoped3A, %mul3A_14, %dma_start3A_161] : memref<2x2500x128xi32, #tpu.memory_space<hbm>> -> memref<1x78x128xi32, #tpu.memory_space<hbm>>
      %dma_start3A_163 = tpu.memref_squeeze %dma_start3A_162 : memref<1x78x128xi32, #tpu.memory_space<hbm>> -> memref<78x128xi32, #tpu.memory_space<hbm>>
      tpu.enqueue_dma source(%dma_start3A_163 : memref<78x128xi32, #tpu.memory_space<hbm>>) target(%dma_start3A_160 : memref<78x128xi32, #tpu.memory_space<vmem>>) target_semaphore(%run_scoped3A_151 : memref<!tpu.dma_semaphore, #tpu.memory_space<semaphore_mem>>)
      %dma_wait3A = arith.constant 0 : i32
      %dma_wait3A_164 = arith.constant 0 : i32
      %dma_wait3A_165 = tpu.memref_slice %arg5[%dma_wait3A, %dma_wait3A_164] : memref<79x128xi32, #tpu.memory_space<vmem>> -> memref<78x128xi32, #tpu.memory_space<vmem>>
      %dma_wait3A_166 = arith.constant 0 : i32
      %dma_wait3A_167 = tpu.memref_slice %arg3[%run_scoped3A, %mul3A_14, %dma_wait3A_166] : memref<2x2500x128xi32, #tpu.memory_space<hbm>> -> memref<1x78x128xi32, #tpu.memory_space<hbm>>
      %dma_wait3A_168 = tpu.memref_squeeze %dma_wait3A_167 : memref<1x78x128xi32, #tpu.memory_space<hbm>> -> memref<78x128xi32, #tpu.memory_space<hbm>>
      %dma_wait3A_169 = arith.constant 0 : i32
      %dma_wait3A_170 = arith.constant 0 : i32
      %dma_wait3A_171 = tpu.memref_slice %arg5[%dma_wait3A_169, %dma_wait3A_170] : memref<79x128xi32, #tpu.memory_space<vmem>> -> memref<78x128xi32, #tpu.memory_space<vmem>>
      %dma_wait3A_172 = arith.constant 0 : i32
      %dma_wait3A_173 = tpu.memref_slice %arg3[%run_scoped3A, %mul3A_14, %dma_wait3A_172] : memref<2x2500x128xi32, #tpu.memory_space<hbm>> -> memref<1x78x128xi32, #tpu.memory_space<hbm>>
      %dma_wait3A_174 = tpu.memref_squeeze %dma_wait3A_173 : memref<1x78x128xi32, #tpu.memory_space<hbm>> -> memref<78x128xi32, #tpu.memory_space<hbm>>
      tpu.wait_dma2 semaphore(%run_scoped3A_151 : memref<!tpu.dma_semaphore, #tpu.memory_space<semaphore_mem>>) src(%dma_wait3A_174 : memref<78x128xi32, #tpu.memory_space<hbm>>) dst(%dma_wait3A_171 : memref<78x128xi32, #tpu.memory_space<vmem>>)
      tpu.yield
    }) : () -> ()
    %mul3A_15 = arith.constant 78 : i32
    %mul3A_16 = arith.muli %add3A, %mul3A_15 : i32
    %run_scoped3A_17 = arith.constant 1 : i32
    "tpu.region"() ({
      %run_scoped3A_151 = tpu.sem_alloc : memref<!tpu.dma_semaphore, #tpu.memory_space<semaphore_mem>>
      %dma_start3A_152 = arith.constant 0 : i32
      %dma_start3A_153 = arith.constant 0 : i32
      %dma_start3A_154 = tpu.memref_slice %arg6[%dma_start3A_152, %dma_start3A_153] : memref<79x128xi32, #tpu.memory_space<vmem>> -> memref<78x128xi32, #tpu.memory_space<vmem>>
      %dma_start3A_155 = arith.constant 0 : i32
      %dma_start3A_156 = tpu.memref_slice %arg3[%run_scoped3A_17, %mul3A_16, %dma_start3A_155] : memref<2x2500x128xi32, #tpu.memory_space<hbm>> -> memref<1x78x128xi32, #tpu.memory_space<hbm>>
      %dma_start3A_157 = tpu.memref_squeeze %dma_start3A_156 : memref<1x78x128xi32, #tpu.memory_space<hbm>> -> memref<78x128xi32, #tpu.memory_space<hbm>>
      %dma_start3A_158 = arith.constant 0 : i32
      %dma_start3A_159 = arith.constant 0 : i32
      %dma_start3A_160 = tpu.memref_slice %arg6[%dma_start3A_158, %dma_start3A_159] : memref<79x128xi32, #tpu.memory_space<vmem>> -> memref<78x128xi32, #tpu.memory_space<vmem>>
      %dma_start3A_161 = arith.constant 0 : i32
      %dma_start3A_162 = tpu.memref_slice %arg3[%run_scoped3A_17, %mul3A_16, %dma_start3A_161] : memref<2x2500x128xi32, #tpu.memory_space<hbm>> -> memref<1x78x128xi32, #tpu.memory_space<hbm>>
      %dma_start3A_163 = tpu.memref_squeeze %dma_start3A_162 : memref<1x78x128xi32, #tpu.memory_space<hbm>> -> memref<78x128xi32, #tpu.memory_space<hbm>>
      tpu.enqueue_dma source(%dma_start3A_163 : memref<78x128xi32, #tpu.memory_space<hbm>>) target(%dma_start3A_160 : memref<78x128xi32, #tpu.memory_space<vmem>>) target_semaphore(%run_scoped3A_151 : memref<!tpu.dma_semaphore, #tpu.memory_space<semaphore_mem>>)
      %dma_wait3A = arith.constant 0 : i32
      %dma_wait3A_164 = arith.constant 0 : i32
      %dma_wait3A_165 = tpu.memref_slice %arg6[%dma_wait3A, %dma_wait3A_164] : memref<79x128xi32, #tpu.memory_space<vmem>> -> memref<78x128xi32, #tpu.memory_space<vmem>>
      %dma_wait3A_166 = arith.constant 0 : i32
      %dma_wait3A_167 = tpu.memref_slice %arg3[%run_scoped3A_17, %mul3A_16, %dma_wait3A_166] : memref<2x2500x128xi32, #tpu.memory_space<hbm>> -> memref<1x78x128xi32, #tpu.memory_space<hbm>>
      %dma_wait3A_168 = tpu.memref_squeeze %dma_wait3A_167 : memref<1x78x128xi32, #tpu.memory_space<hbm>> -> memref<78x128xi32, #tpu.memory_space<hbm>>
      %dma_wait3A_169 = arith.constant 0 : i32
      %dma_wait3A_170 = arith.constant 0 : i32
      %dma_wait3A_171 = tpu.memref_slice %arg6[%dma_wait3A_169, %dma_wait3A_170] : memref<79x128xi32, #tpu.memory_space<vmem>> -> memref<78x128xi32, #tpu.memory_space<vmem>>
      %dma_wait3A_172 = arith.constant 0 : i32
      %dma_wait3A_173 = tpu.memref_slice %arg3[%run_scoped3A_17, %mul3A_16, %dma_wait3A_172] : memref<2x2500x128xi32, #tpu.memory_space<hbm>> -> memref<1x78x128xi32, #tpu.memory_space<hbm>>
      %dma_wait3A_174 = tpu.memref_squeeze %dma_wait3A_173 : memref<1x78x128xi32, #tpu.memory_space<hbm>> -> memref<78x128xi32, #tpu.memory_space<hbm>>
      tpu.wait_dma2 semaphore(%run_scoped3A_151 : memref<!tpu.dma_semaphore, #tpu.memory_space<semaphore_mem>>) src(%dma_wait3A_174 : memref<78x128xi32, #tpu.memory_space<hbm>>) dst(%dma_wait3A_171 : memref<78x128xi32, #tpu.memory_space<vmem>>)
      tpu.yield
    }) : () -> ()
    %lt3A = arith.constant 4 : i32
    %lt3A_18 = arith.cmpi slt, %add3A, %lt3A : i32
    %convert_element_type3A_19 = arith.extui %lt3A_18 : i1 to i32
    %cond3A_20 = arith.constant 0 : i32
    %cond3A_21 = arith.cmpi ne, %convert_element_type3A_19, %cond3A_20 : i32
    scf.if %cond3A_21 {
      %add3A_151 = arith.constant 2496 : i32
      %add3A_152 = arith.addi %add3A_151, %add3A : i32
      %run_scoped3A_153 = arith.constant 0 : i32
      "tpu.region"() ({
        %run_scoped3A_157 = tpu.sem_alloc : memref<!tpu.dma_semaphore, #tpu.memory_space<semaphore_mem>>
        %dma_start3A_158 = arith.constant 78 : i32
        %dma_start3A_159 = arith.constant 0 : i32
        %dma_start3A_160 = tpu.memref_slice %arg5[%dma_start3A_158, %dma_start3A_159] : memref<79x128xi32, #tpu.memory_space<vmem>> -> memref<1x128xi32, #tpu.memory_space<vmem>>
        %dma_start3A_161 = arith.constant 0 : i32
        %dma_start3A_162 = tpu.memref_slice %arg3[%run_scoped3A_153, %add3A_152, %dma_start3A_161] : memref<2x2500x128xi32, #tpu.memory_space<hbm>> -> memref<1x1x128xi32, #tpu.memory_space<hbm>>
        %dma_start3A_163 = tpu.memref_squeeze %dma_start3A_162 : memref<1x1x128xi32, #tpu.memory_space<hbm>> -> memref<1x128xi32, #tpu.memory_space<hbm>>
        %dma_start3A_164 = arith.constant 78 : i32
        %dma_start3A_165 = arith.constant 0 : i32
        %dma_start3A_166 = tpu.memref_slice %arg5[%dma_start3A_164, %dma_start3A_165] : memref<79x128xi32, #tpu.memory_space<vmem>> -> memref<1x128xi32, #tpu.memory_space<vmem>>
        %dma_start3A_167 = arith.constant 0 : i32
        %dma_start3A_168 = tpu.memref_slice %arg3[%run_scoped3A_153, %add3A_152, %dma_start3A_167] : memref<2x2500x128xi32, #tpu.memory_space<hbm>> -> memref<1x1x128xi32, #tpu.memory_space<hbm>>
        %dma_start3A_169 = tpu.memref_squeeze %dma_start3A_168 : memref<1x1x128xi32, #tpu.memory_space<hbm>> -> memref<1x128xi32, #tpu.memory_space<hbm>>
        tpu.enqueue_dma source(%dma_start3A_169 : memref<1x128xi32, #tpu.memory_space<hbm>>) target(%dma_start3A_166 : memref<1x128xi32, #tpu.memory_space<vmem>>) target_semaphore(%run_scoped3A_157 : memref<!tpu.dma_semaphore, #tpu.memory_space<semaphore_mem>>)
        %dma_wait3A = arith.constant 78 : i32
        %dma_wait3A_170 = arith.constant 0 : i32
        %dma_wait3A_171 = tpu.memref_slice %arg5[%dma_wait3A, %dma_wait3A_170] : memref<79x128xi32, #tpu.memory_space<vmem>> -> memref<1x128xi32, #tpu.memory_space<vmem>>
        %dma_wait3A_172 = arith.constant 0 : i32
        %dma_wait3A_173 = tpu.memref_slice %arg3[%run_scoped3A_153, %add3A_152, %dma_wait3A_172] : memref<2x2500x128xi32, #tpu.memory_space<hbm>> -> memref<1x1x128xi32, #tpu.memory_space<hbm>>
        %dma_wait3A_174 = tpu.memref_squeeze %dma_wait3A_173 : memref<1x1x128xi32, #tpu.memory_space<hbm>> -> memref<1x128xi32, #tpu.memory_space<hbm>>
        %dma_wait3A_175 = arith.constant 78 : i32
        %dma_wait3A_176 = arith.constant 0 : i32
        %dma_wait3A_177 = tpu.memref_slice %arg5[%dma_wait3A_175, %dma_wait3A_176] : memref<79x128xi32, #tpu.memory_space<vmem>> -> memref<1x128xi32, #tpu.memory_space<vmem>>
        %dma_wait3A_178 = arith.constant 0 : i32
        %dma_wait3A_179 = tpu.memref_slice %arg3[%run_scoped3A_153, %add3A_152, %dma_wait3A_178] : memref<2x2500x128xi32, #tpu.memory_space<hbm>> -> memref<1x1x128xi32, #tpu.memory_space<hbm>>
        %dma_wait3A_180 = tpu.memref_squeeze %dma_wait3A_179 : memref<1x1x128xi32, #tpu.memory_space<hbm>> -> memref<1x128xi32, #tpu.memory_space<hbm>>
        tpu.wait_dma2 semaphore(%run_scoped3A_157 : memref<!tpu.dma_semaphore, #tpu.memory_space<semaphore_mem>>) src(%dma_wait3A_180 : memref<1x128xi32, #tpu.memory_space<hbm>>) dst(%dma_wait3A_177 : memref<1x128xi32, #tpu.memory_space<vmem>>)
        tpu.yield
      }) : () -> ()
      %add3A_154 = arith.constant 2496 : i32
      %add3A_155 = arith.addi %add3A_154, %add3A : i32
      %run_scoped3A_156 = arith.constant 1 : i32
      "tpu.region"() ({
        %run_scoped3A_157 = tpu.sem_alloc : memref<!tpu.dma_semaphore, #tpu.memory_space<semaphore_mem>>
        %dma_start3A_158 = arith.constant 78 : i32
        %dma_start3A_159 = arith.constant 0 : i32
        %dma_start3A_160 = tpu.memref_slice %arg6[%dma_start3A_158, %dma_start3A_159] : memref<79x128xi32, #tpu.memory_space<vmem>> -> memref<1x128xi32, #tpu.memory_space<vmem>>
        %dma_start3A_161 = arith.constant 0 : i32
        %dma_start3A_162 = tpu.memref_slice %arg3[%run_scoped3A_156, %add3A_155, %dma_start3A_161] : memref<2x2500x128xi32, #tpu.memory_space<hbm>> -> memref<1x1x128xi32, #tpu.memory_space<hbm>>
        %dma_start3A_163 = tpu.memref_squeeze %dma_start3A_162 : memref<1x1x128xi32, #tpu.memory_space<hbm>> -> memref<1x128xi32, #tpu.memory_space<hbm>>
        %dma_start3A_164 = arith.constant 78 : i32
        %dma_start3A_165 = arith.constant 0 : i32
        %dma_start3A_166 = tpu.memref_slice %arg6[%dma_start3A_164, %dma_start3A_165] : memref<79x128xi32, #tpu.memory_space<vmem>> -> memref<1x128xi32, #tpu.memory_space<vmem>>
        %dma_start3A_167 = arith.constant 0 : i32
        %dma_start3A_168 = tpu.memref_slice %arg3[%run_scoped3A_156, %add3A_155, %dma_start3A_167] : memref<2x2500x128xi32, #tpu.memory_space<hbm>> -> memref<1x1x128xi32, #tpu.memory_space<hbm>>
        %dma_start3A_169 = tpu.memref_squeeze %dma_start3A_168 : memref<1x1x128xi32, #tpu.memory_space<hbm>> -> memref<1x128xi32, #tpu.memory_space<hbm>>
        tpu.enqueue_dma source(%dma_start3A_169 : memref<1x128xi32, #tpu.memory_space<hbm>>) target(%dma_start3A_166 : memref<1x128xi32, #tpu.memory_space<vmem>>) target_semaphore(%run_scoped3A_157 : memref<!tpu.dma_semaphore, #tpu.memory_space<semaphore_mem>>)
        %dma_wait3A = arith.constant 78 : i32
        %dma_wait3A_170 = arith.constant 0 : i32
        %dma_wait3A_171 = tpu.memref_slice %arg6[%dma_wait3A, %dma_wait3A_170] : memref<79x128xi32, #tpu.memory_space<vmem>> -> memref<1x128xi32, #tpu.memory_space<vmem>>
        %dma_wait3A_172 = arith.constant 0 : i32
        %dma_wait3A_173 = tpu.memref_slice %arg3[%run_scoped3A_156, %add3A_155, %dma_wait3A_172] : memref<2x2500x128xi32, #tpu.memory_space<hbm>> -> memref<1x1x128xi32, #tpu.memory_space<hbm>>
        %dma_wait3A_174 = tpu.memref_squeeze %dma_wait3A_173 : memref<1x1x128xi32, #tpu.memory_space<hbm>> -> memref<1x128xi32, #tpu.memory_space<hbm>>
        %dma_wait3A_175 = arith.constant 78 : i32
        %dma_wait3A_176 = arith.constant 0 : i32
        %dma_wait3A_177 = tpu.memref_slice %arg6[%dma_wait3A_175, %dma_wait3A_176] : memref<79x128xi32, #tpu.memory_space<vmem>> -> memref<1x128xi32, #tpu.memory_space<vmem>>
        %dma_wait3A_178 = arith.constant 0 : i32
        %dma_wait3A_179 = tpu.memref_slice %arg3[%run_scoped3A_156, %add3A_155, %dma_wait3A_178] : memref<2x2500x128xi32, #tpu.memory_space<hbm>> -> memref<1x1x128xi32, #tpu.memory_space<hbm>>
        %dma_wait3A_180 = tpu.memref_squeeze %dma_wait3A_179 : memref<1x1x128xi32, #tpu.memory_space<hbm>> -> memref<1x128xi32, #tpu.memory_space<hbm>>
        tpu.wait_dma2 semaphore(%run_scoped3A_157 : memref<!tpu.dma_semaphore, #tpu.memory_space<semaphore_mem>>) src(%dma_wait3A_180 : memref<1x128xi32, #tpu.memory_space<hbm>>) dst(%dma_wait3A_177 : memref<1x128xi32, #tpu.memory_space<vmem>>)
        tpu.yield
      }) : () -> ()
    } else {
    }
    %lt3A_22 = arith.constant 4 : i32
    %lt3A_23 = arith.cmpi slt, %add3A, %lt3A_22 : i32
    %jit3A = arith.constant 1 : i32
    %jit3A_24 = arith.constant 0 : i32
    %select_n3A = arith.select %lt3A_23, %jit3A, %jit3A_24 : i32
    %add3A_25 = arith.constant 78 : i32
    %add3A_26 = arith.addi %add3A_25, %select_n3A : i32
    %barrier3A = arith.constant 0 : index
    tpu.barrier barrier_id(%barrier3A)
    %dma_start3A = arith.constant 0 : i32
    %dma_start3A_27 = arith.constant 0 : i32
    %dma_start3A_28 = arith.constant 0 : i32
    %dma_start3A_29 = arith.constant 0 : i32
    %dma_start3A_30 = arith.constant 0 : i32
    %dma_start3A_31 = tpu.memref_slice %arg7[%dma_start3A_27, %dma_start3A_29, %dma_start3A_30] : memref<14x128x16xf32, #tpu.memory_space<vmem>> -> memref<1x128x16xf32, #tpu.memory_space<vmem>>
    %dma_start3A_32 = tpu.memref_squeeze %dma_start3A_31 : memref<1x128x16xf32, #tpu.memory_space<vmem>> -> memref<128x16xf32, #tpu.memory_space<vmem>>
    %dma_start3A_33 = arith.constant 0 : i32
    %dma_start3A_34 = tpu.memref_slice %arg5[%dma_start3A, %dma_start3A_33] : memref<79x128xi32, #tpu.memory_space<vmem>> -> memref<1x128xi32, #tpu.memory_space<vmem>>
    %dma_start3A_35 = tpu.memref_squeeze %dma_start3A_34 : memref<1x128xi32, #tpu.memory_space<vmem>> -> memref<128xi32, #tpu.memory_space<vmem>>
    %dma_start3A_36 = arith.constant 0 : i32
    %dma_start3A_37 = arith.constant 0 : i32
    %dma_start3A_38 = tpu.memref_slice %arg2[%dma_start3A_36, %dma_start3A_37] : memref<10240x16xf32, #tpu.memory_space<hbm>> -> memref<10240x16xf32, #tpu.memory_space<hbm>>
    %dma_start3A_39 = tpu.memref_slice %arg10[%dma_start3A_28] : memref<14x!tpu.dma_semaphore, #tpu.memory_space<semaphore_mem>> -> memref<1x!tpu.dma_semaphore, #tpu.memory_space<semaphore_mem>>
    %dma_start3A_40 = tpu.memref_squeeze %dma_start3A_39 : memref<1x!tpu.dma_semaphore, #tpu.memory_space<semaphore_mem>> -> memref<!tpu.dma_semaphore, #tpu.memory_space<semaphore_mem>>
    tpu.enqueue_indirect_dma source(%dma_start3A_38 : memref<10240x16xf32, #tpu.memory_space<hbm>>) target(%dma_start3A_32 : memref<128x16xf32, #tpu.memory_space<vmem>>) offsets(%dma_start3A_35 : memref<128xi32, #tpu.memory_space<vmem>>) semaphore(%dma_start3A_40 : memref<!tpu.dma_semaphore, #tpu.memory_space<semaphore_mem>>)
    %dma_start3A_41 = arith.constant 1 : i32
    %dma_start3A_42 = arith.constant 1 : i32
    %dma_start3A_43 = arith.constant 1 : i32
    %dma_start3A_44 = arith.constant 0 : i32
    %dma_start3A_45 = arith.constant 0 : i32
    %dma_start3A_46 = tpu.memref_slice %arg7[%dma_start3A_42, %dma_start3A_44, %dma_start3A_45] : memref<14x128x16xf32, #tpu.memory_space<vmem>> -> memref<1x128x16xf32, #tpu.memory_space<vmem>>
    %dma_start3A_47 = tpu.memref_squeeze %dma_start3A_46 : memref<1x128x16xf32, #tpu.memory_space<vmem>> -> memref<128x16xf32, #tpu.memory_space<vmem>>
    %dma_start3A_48 = arith.constant 0 : i32
    %dma_start3A_49 = tpu.memref_slice %arg5[%dma_start3A_41, %dma_start3A_48] : memref<79x128xi32, #tpu.memory_space<vmem>> -> memref<1x128xi32, #tpu.memory_space<vmem>>
    %dma_start3A_50 = tpu.memref_squeeze %dma_start3A_49 : memref<1x128xi32, #tpu.memory_space<vmem>> -> memref<128xi32, #tpu.memory_space<vmem>>
    %dma_start3A_51 = arith.constant 0 : i32
    %dma_start3A_52 = arith.constant 0 : i32
    %dma_start3A_53 = tpu.memref_slice %arg2[%dma_start3A_51, %dma_start3A_52] : memref<10240x16xf32, #tpu.memory_space<hbm>> -> memref<10240x16xf32, #tpu.memory_space<hbm>>
    %dma_start3A_54 = tpu.memref_slice %arg10[%dma_start3A_43] : memref<14x!tpu.dma_semaphore, #tpu.memory_space<semaphore_mem>> -> memref<1x!tpu.dma_semaphore, #tpu.memory_space<semaphore_mem>>
    %dma_start3A_55 = tpu.memref_squeeze %dma_start3A_54 : memref<1x!tpu.dma_semaphore, #tpu.memory_space<semaphore_mem>> -> memref<!tpu.dma_semaphore, #tpu.memory_space<semaphore_mem>>
    tpu.enqueue_indirect_dma source(%dma_start3A_53 : memref<10240x16xf32, #tpu.memory_space<hbm>>) target(%dma_start3A_47 : memref<128x16xf32, #tpu.memory_space<vmem>>) offsets(%dma_start3A_50 : memref<128xi32, #tpu.memory_space<vmem>>) semaphore(%dma_start3A_55 : memref<!tpu.dma_semaphore, #tpu.memory_space<semaphore_mem>>)
    %dma_start3A_56 = arith.constant 2 : i32
    %dma_start3A_57 = arith.constant 2 : i32
    %dma_start3A_58 = arith.constant 2 : i32
    %dma_start3A_59 = arith.constant 0 : i32
    %dma_start3A_60 = arith.constant 0 : i32
    %dma_start3A_61 = tpu.memref_slice %arg7[%dma_start3A_57, %dma_start3A_59, %dma_start3A_60] : memref<14x128x16xf32, #tpu.memory_space<vmem>> -> memref<1x128x16xf32, #tpu.memory_space<vmem>>
    %dma_start3A_62 = tpu.memref_squeeze %dma_start3A_61 : memref<1x128x16xf32, #tpu.memory_space<vmem>> -> memref<128x16xf32, #tpu.memory_space<vmem>>
    %dma_start3A_63 = arith.constant 0 : i32
    %dma_start3A_64 = tpu.memref_slice %arg5[%dma_start3A_56, %dma_start3A_63] : memref<79x128xi32, #tpu.memory_space<vmem>> -> memref<1x128xi32, #tpu.memory_space<vmem>>
    %dma_start3A_65 = tpu.memref_squeeze %dma_start3A_64 : memref<1x128xi32, #tpu.memory_space<vmem>> -> memref<128xi32, #tpu.memory_space<vmem>>
    %dma_start3A_66 = arith.constant 0 : i32
    %dma_start3A_67 = arith.constant 0 : i32
    %dma_start3A_68 = tpu.memref_slice %arg2[%dma_start3A_66, %dma_start3A_67] : memref<10240x16xf32, #tpu.memory_space<hbm>> -> memref<10240x16xf32, #tpu.memory_space<hbm>>
    %dma_start3A_69 = tpu.memref_slice %arg10[%dma_start3A_58] : memref<14x!tpu.dma_semaphore, #tpu.memory_space<semaphore_mem>> -> memref<1x!tpu.dma_semaphore, #tpu.memory_space<semaphore_mem>>
    %dma_start3A_70 = tpu.memref_squeeze %dma_start3A_69 : memref<1x!tpu.dma_semaphore, #tpu.memory_space<semaphore_mem>> -> memref<!tpu.dma_semaphore, #tpu.memory_space<semaphore_mem>>
    tpu.enqueue_indirect_dma source(%dma_start3A_68 : memref<10240x16xf32, #tpu.memory_space<hbm>>) target(%dma_start3A_62 : memref<128x16xf32, #tpu.memory_space<vmem>>) offsets(%dma_start3A_65 : memref<128xi32, #tpu.memory_space<vmem>>) semaphore(%dma_start3A_70 : memref<!tpu.dma_semaphore, #tpu.memory_space<semaphore_mem>>)
    %dma_start3A_71 = arith.constant 3 : i32
    %dma_start3A_72 = arith.constant 3 : i32
    %dma_start3A_73 = arith.constant 3 : i32
    %dma_start3A_74 = arith.constant 0 : i32
    %dma_start3A_75 = arith.constant 0 : i32
    %dma_start3A_76 = tpu.memref_slice %arg7[%dma_start3A_72, %dma_start3A_74, %dma_start3A_75] : memref<14x128x16xf32, #tpu.memory_space<vmem>> -> memref<1x128x16xf32, #tpu.memory_space<vmem>>
    %dma_start3A_77 = tpu.memref_squeeze %dma_start3A_76 : memref<1x128x16xf32, #tpu.memory_space<vmem>> -> memref<128x16xf32, #tpu.memory_space<vmem>>
    %dma_start3A_78 = arith.constant 0 : i32
    %dma_start3A_79 = tpu.memref_slice %arg5[%dma_start3A_71, %dma_start3A_78] : memref<79x128xi32, #tpu.memory_space<vmem>> -> memref<1x128xi32, #tpu.memory_space<vmem>>
    %dma_start3A_80 = tpu.memref_squeeze %dma_start3A_79 : memref<1x128xi32, #tpu.memory_space<vmem>> -> memref<128xi32, #tpu.memory_space<vmem>>
    %dma_start3A_81 = arith.constant 0 : i32
    %dma_start3A_82 = arith.constant 0 : i32
    %dma_start3A_83 = tpu.memref_slice %arg2[%dma_start3A_81, %dma_start3A_82] : memref<10240x16xf32, #tpu.memory_space<hbm>> -> memref<10240x16xf32, #tpu.memory_space<hbm>>
    %dma_start3A_84 = tpu.memref_slice %arg10[%dma_start3A_73] : memref<14x!tpu.dma_semaphore, #tpu.memory_space<semaphore_mem>> -> memref<1x!tpu.dma_semaphore, #tpu.memory_space<semaphore_mem>>
    %dma_start3A_85 = tpu.memref_squeeze %dma_start3A_84 : memref<1x!tpu.dma_semaphore, #tpu.memory_space<semaphore_mem>> -> memref<!tpu.dma_semaphore, #tpu.memory_space<semaphore_mem>>
    tpu.enqueue_indirect_dma source(%dma_start3A_83 : memref<10240x16xf32, #tpu.memory_space<hbm>>) target(%dma_start3A_77 : memref<128x16xf32, #tpu.memory_space<vmem>>) offsets(%dma_start3A_80 : memref<128xi32, #tpu.memory_space<vmem>>) semaphore(%dma_start3A_85 : memref<!tpu.dma_semaphore, #tpu.memory_space<semaphore_mem>>)
    %dma_start3A_86 = arith.constant 4 : i32
    %dma_start3A_87 = arith.constant 4 : i32
    %dma_start3A_88 = arith.constant 4 : i32
    %dma_start3A_89 = arith.constant 0 : i32
    %dma_start3A_90 = arith.constant 0 : i32
    %dma_start3A_91 = tpu.memref_slice %arg7[%dma_start3A_87, %dma_start3A_89, %dma_start3A_90] : memref<14x128x16xf32, #tpu.memory_space<vmem>> -> memref<1x128x16xf32, #tpu.memory_space<vmem>>
    %dma_start3A_92 = tpu.memref_squeeze %dma_start3A_91 : memref<1x128x16xf32, #tpu.memory_space<vmem>> -> memref<128x16xf32, #tpu.memory_space<vmem>>
    %dma_start3A_93 = arith.constant 0 : i32
    %dma_start3A_94 = tpu.memref_slice %arg5[%dma_start3A_86, %dma_start3A_93] : memref<79x128xi32, #tpu.memory_space<vmem>> -> memref<1x128xi32, #tpu.memory_space<vmem>>
    %dma_start3A_95 = tpu.memref_squeeze %dma_start3A_94 : memref<1x128xi32, #tpu.memory_space<vmem>> -> memref<128xi32, #tpu.memory_space<vmem>>
    %dma_start3A_96 = arith.constant 0 : i32
    %dma_start3A_97 = arith.constant 0 : i32
    %dma_start3A_98 = tpu.memref_slice %arg2[%dma_start3A_96, %dma_start3A_97] : memref<10240x16xf32, #tpu.memory_space<hbm>> -> memref<10240x16xf32, #tpu.memory_space<hbm>>
    %dma_start3A_99 = tpu.memref_slice %arg10[%dma_start3A_88] : memref<14x!tpu.dma_semaphore, #tpu.memory_space<semaphore_mem>> -> memref<1x!tpu.dma_semaphore, #tpu.memory_space<semaphore_mem>>
    %dma_start3A_100 = tpu.memref_squeeze %dma_start3A_99 : memref<1x!tpu.dma_semaphore, #tpu.memory_space<semaphore_mem>> -> memref<!tpu.dma_semaphore, #tpu.memory_space<semaphore_mem>>
    tpu.enqueue_indirect_dma source(%dma_start3A_98 : memref<10240x16xf32, #tpu.memory_space<hbm>>) target(%dma_start3A_92 : memref<128x16xf32, #tpu.memory_space<vmem>>) offsets(%dma_start3A_95 : memref<128xi32, #tpu.memory_space<vmem>>) semaphore(%dma_start3A_100 : memref<!tpu.dma_semaphore, #tpu.memory_space<semaphore_mem>>)
    %dma_start3A_101 = arith.constant 5 : i32
    %dma_start3A_102 = arith.constant 5 : i32
    %dma_start3A_103 = arith.constant 5 : i32
    %dma_start3A_104 = arith.constant 0 : i32
    %dma_start3A_105 = arith.constant 0 : i32
    %dma_start3A_106 = tpu.memref_slice %arg7[%dma_start3A_102, %dma_start3A_104, %dma_start3A_105] : memref<14x128x16xf32, #tpu.memory_space<vmem>> -> memref<1x128x16xf32, #tpu.memory_space<vmem>>
    %dma_start3A_107 = tpu.memref_squeeze %dma_start3A_106 : memref<1x128x16xf32, #tpu.memory_space<vmem>> -> memref<128x16xf32, #tpu.memory_space<vmem>>
    %dma_start3A_108 = arith.constant 0 : i32
    %dma_start3A_109 = tpu.memref_slice %arg5[%dma_start3A_101, %dma_start3A_108] : memref<79x128xi32, #tpu.memory_space<vmem>> -> memref<1x128xi32, #tpu.memory_space<vmem>>
    %dma_start3A_110 = tpu.memref_squeeze %dma_start3A_109 : memref<1x128xi32, #tpu.memory_space<vmem>> -> memref<128xi32, #tpu.memory_space<vmem>>
    %dma_start3A_111 = arith.constant 0 : i32
    %dma_start3A_112 = arith.constant 0 : i32
    %dma_start3A_113 = tpu.memref_slice %arg2[%dma_start3A_111, %dma_start3A_112] : memref<10240x16xf32, #tpu.memory_space<hbm>> -> memref<10240x16xf32, #tpu.memory_space<hbm>>
    %dma_start3A_114 = tpu.memref_slice %arg10[%dma_start3A_103] : memref<14x!tpu.dma_semaphore, #tpu.memory_space<semaphore_mem>> -> memref<1x!tpu.dma_semaphore, #tpu.memory_space<semaphore_mem>>
    %dma_start3A_115 = tpu.memref_squeeze %dma_start3A_114 : memref<1x!tpu.dma_semaphore, #tpu.memory_space<semaphore_mem>> -> memref<!tpu.dma_semaphore, #tpu.memory_space<semaphore_mem>>
    tpu.enqueue_indirect_dma source(%dma_start3A_113 : memref<10240x16xf32, #tpu.memory_space<hbm>>) target(%dma_start3A_107 : memref<128x16xf32, #tpu.memory_space<vmem>>) offsets(%dma_start3A_110 : memref<128xi32, #tpu.memory_space<vmem>>) semaphore(%dma_start3A_115 : memref<!tpu.dma_semaphore, #tpu.memory_space<semaphore_mem>>)
    %dma_start3A_116 = arith.constant 6 : i32
    %dma_start3A_117 = arith.constant 6 : i32
    %dma_start3A_118 = arith.constant 6 : i32
    %dma_start3A_119 = arith.constant 0 : i32
    %dma_start3A_120 = arith.constant 0 : i32
    %dma_start3A_121 = tpu.memref_slice %arg7[%dma_start3A_117, %dma_start3A_119, %dma_start3A_120] : memref<14x128x16xf32, #tpu.memory_space<vmem>> -> memref<1x128x16xf32, #tpu.memory_space<vmem>>
    %dma_start3A_122 = tpu.memref_squeeze %dma_start3A_121 : memref<1x128x16xf32, #tpu.memory_space<vmem>> -> memref<128x16xf32, #tpu.memory_space<vmem>>
    %dma_start3A_123 = arith.constant 0 : i32
    %dma_start3A_124 = tpu.memref_slice %arg5[%dma_start3A_116, %dma_start3A_123] : memref<79x128xi32, #tpu.memory_space<vmem>> -> memref<1x128xi32, #tpu.memory_space<vmem>>
    %dma_start3A_125 = tpu.memref_squeeze %dma_start3A_124 : memref<1x128xi32, #tpu.memory_space<vmem>> -> memref<128xi32, #tpu.memory_space<vmem>>
    %dma_start3A_126 = arith.constant 0 : i32
    %dma_start3A_127 = arith.constant 0 : i32
    %dma_start3A_128 = tpu.memref_slice %arg2[%dma_start3A_126, %dma_start3A_127] : memref<10240x16xf32, #tpu.memory_space<hbm>> -> memref<10240x16xf32, #tpu.memory_space<hbm>>
    %dma_start3A_129 = tpu.memref_slice %arg10[%dma_start3A_118] : memref<14x!tpu.dma_semaphore, #tpu.memory_space<semaphore_mem>> -> memref<1x!tpu.dma_semaphore, #tpu.memory_space<semaphore_mem>>
    %dma_start3A_130 = tpu.memref_squeeze %dma_start3A_129 : memref<1x!tpu.dma_semaphore, #tpu.memory_space<semaphore_mem>> -> memref<!tpu.dma_semaphore, #tpu.memory_space<semaphore_mem>>
    tpu.enqueue_indirect_dma source(%dma_start3A_128 : memref<10240x16xf32, #tpu.memory_space<hbm>>) target(%dma_start3A_122 : memref<128x16xf32, #tpu.memory_space<vmem>>) offsets(%dma_start3A_125 : memref<128xi32, #tpu.memory_space<vmem>>) semaphore(%dma_start3A_130 : memref<!tpu.dma_semaphore, #tpu.memory_space<semaphore_mem>>)
    %while3A = arith.constant 0 : i32
    %while3A_131 = arith.constant 0 : i32
    %while3A_132 = arith.subi %add3A_26, %while3A_131 : i32
    %while3A_133 = arith.addi %while3A_131, %while3A_132 : i32
    %while3A_134 = arith.constant 1 : i32
    %while3A_135 = arith.divsi %while3A_132, %while3A_134 : i32
    %while3A_136 = arith.muli %while3A_135, %while3A_134 : i32
    %while3A_137 = arith.addi %while3A_131, %while3A_136 : i32
    %while3A_138 = arith.constant 1 : i32
    scf.for %while3A_151 = %while3A_131 to %while3A_137 step %while3A_138  : i32 {
      %jit3A_152 = arith.constant 14 : i32
      %eq3A_153 = arith.constant 0 : i32
      %eq3A_154 = arith.cmpi eq, %jit3A_152, %eq3A_153 : i32
      %jit3A_155 = arith.constant 1 : i32
      %select_n3A_156 = arith.select %eq3A_154, %jit3A_155, %jit3A_152 : i32
      %rem3A = arith.remsi %while3A_151, %select_n3A_156 : i32
      %ne3A = arith.constant 0 : i32
      %ne3A_157 = arith.cmpi ne, %rem3A, %ne3A : i32
      %lt3A_158 = arith.constant 0 : i32
      %lt3A_159 = arith.cmpi slt, %rem3A, %lt3A_158 : i32
      %lt3A_160 = arith.constant 0 : i32
      %lt3A_161 = arith.cmpi slt, %select_n3A_156, %lt3A_160 : i32
      %ne3A_162 = arith.xori %lt3A_159, %lt3A_161 : i1
      %and3A = arith.andi %ne3A_162, %ne3A_157 : i1
      %add3A_163 = arith.addi %rem3A, %select_n3A_156 : i32
      %select_n3A_164 = arith.select %and3A, %add3A_163, %rem3A : i32
      %dma_wait3A = arith.constant 0 : i32
      %dma_wait3A_165 = arith.constant 0 : i32
      %dma_wait3A_166 = tpu.memref_slice %arg7[%select_n3A_164, %dma_wait3A, %dma_wait3A_165] : memref<14x128x16xf32, #tpu.memory_space<vmem>> -> memref<1x128x16xf32, #tpu.memory_space<vmem>>
      %dma_wait3A_167 = tpu.memref_squeeze %dma_wait3A_166 : memref<1x128x16xf32, #tpu.memory_space<vmem>> -> memref<128x16xf32, #tpu.memory_space<vmem>>
      %dma_wait3A_168 = arith.constant 0 : i32
      %dma_wait3A_169 = tpu.memref_slice %arg5[%while3A_151, %dma_wait3A_168] : memref<79x128xi32, #tpu.memory_space<vmem>> -> memref<1x128xi32, #tpu.memory_space<vmem>>
      %dma_wait3A_170 = tpu.memref_squeeze %dma_wait3A_169 : memref<1x128xi32, #tpu.memory_space<vmem>> -> memref<128xi32, #tpu.memory_space<vmem>>
      %dma_wait3A_171 = arith.constant 0 : i32
      %dma_wait3A_172 = arith.constant 0 : i32
      %dma_wait3A_173 = tpu.memref_slice %arg2[%dma_wait3A_171, %dma_wait3A_172] : memref<10240x16xf32, #tpu.memory_space<hbm>> -> memref<10240x16xf32, #tpu.memory_space<hbm>>
      %dma_wait3A_174 = tpu.memref_slice %arg10[%select_n3A_164] : memref<14x!tpu.dma_semaphore, #tpu.memory_space<semaphore_mem>> -> memref<1x!tpu.dma_semaphore, #tpu.memory_space<semaphore_mem>>
      %dma_wait3A_175 = tpu.memref_squeeze %dma_wait3A_174 : memref<1x!tpu.dma_semaphore, #tpu.memory_space<semaphore_mem>> -> memref<!tpu.dma_semaphore, #tpu.memory_space<semaphore_mem>>
      tpu.wait_indirect_dma semaphore(%dma_wait3A_175 : memref<!tpu.dma_semaphore, #tpu.memory_space<semaphore_mem>>) src(%dma_wait3A_173 : memref<10240x16xf32, #tpu.memory_space<hbm>>) dst(%dma_wait3A_167 : memref<128x16xf32, #tpu.memory_space<vmem>>)
      %dma_start3A_176 = arith.constant 0 : i32
      %dma_start3A_177 = arith.constant 0 : i32
      %dma_start3A_178 = tpu.memref_slice %arg7[%select_n3A_164, %dma_start3A_176, %dma_start3A_177] : memref<14x128x16xf32, #tpu.memory_space<vmem>> -> memref<1x128x16xf32, #tpu.memory_space<vmem>>
      %dma_start3A_179 = tpu.memref_squeeze %dma_start3A_178 : memref<1x128x16xf32, #tpu.memory_space<vmem>> -> memref<128x16xf32, #tpu.memory_space<vmem>>
      %dma_start3A_180 = arith.constant 0 : i32
      %dma_start3A_181 = tpu.memref_slice %arg6[%while3A_151, %dma_start3A_180] : memref<79x128xi32, #tpu.memory_space<vmem>> -> memref<1x128xi32, #tpu.memory_space<vmem>>
      %dma_start3A_182 = tpu.memref_squeeze %dma_start3A_181 : memref<1x128xi32, #tpu.memory_space<vmem>> -> memref<128xi32, #tpu.memory_space<vmem>>
      %dma_start3A_183 = arith.constant 0 : i32
      %dma_start3A_184 = arith.constant 0 : i32
      %dma_start3A_185 = tpu.memref_slice %arg9[%dma_start3A_183, %dma_start3A_184] : memref<10240x16xf32, #tpu.memory_space<vmem_shared>> -> memref<10240x16xf32, #tpu.memory_space<vmem_shared>>
      %dma_start3A_186 = tpu.memref_slice %arg11[%select_n3A_164] : memref<14x!tpu.dma_semaphore, #tpu.memory_space<semaphore_mem>> -> memref<1x!tpu.dma_semaphore, #tpu.memory_space<semaphore_mem>>
      %dma_start3A_187 = tpu.memref_squeeze %dma_start3A_186 : memref<1x!tpu.dma_semaphore, #tpu.memory_space<semaphore_mem>> -> memref<!tpu.dma_semaphore, #tpu.memory_space<semaphore_mem>>
      tpu.enqueue_indirect_dma source(%dma_start3A_179 : memref<128x16xf32, #tpu.memory_space<vmem>>) target(%dma_start3A_185 : memref<10240x16xf32, #tpu.memory_space<vmem_shared>>) offsets(%dma_start3A_182 : memref<128xi32, #tpu.memory_space<vmem>>) semaphore(%dma_start3A_187 : memref<!tpu.dma_semaphore, #tpu.memory_space<semaphore_mem>>) {add = true}
      %ge3A = arith.constant 7 : i32
      %ge3A_188 = arith.cmpi sge, %while3A_151, %ge3A : i32
      %convert_element_type3A_189 = arith.extui %ge3A_188 : i1 to i32
      %cond3A_190 = arith.constant 0 : i32
      %cond3A_191 = arith.cmpi ne, %convert_element_type3A_189, %cond3A_190 : i32
      scf.if %cond3A_191 {
        %sub3A = arith.constant 7 : i32
        %sub3A_198 = arith.subi %while3A_151, %sub3A : i32
        %jit3A_199 = arith.constant 14 : i32
        %eq3A_200 = arith.constant 0 : i32
        %eq3A_201 = arith.cmpi eq, %jit3A_199, %eq3A_200 : i32
        %jit3A_202 = arith.constant 1 : i32
        %select_n3A_203 = arith.select %eq3A_201, %jit3A_202, %jit3A_199 : i32
        %rem3A_204 = arith.remsi %sub3A_198, %select_n3A_203 : i32
        %ne3A_205 = arith.constant 0 : i32
        %ne3A_206 = arith.cmpi ne, %rem3A_204, %ne3A_205 : i32
        %lt3A_207 = arith.constant 0 : i32
        %lt3A_208 = arith.cmpi slt, %rem3A_204, %lt3A_207 : i32
        %lt3A_209 = arith.constant 0 : i32
        %lt3A_210 = arith.cmpi slt, %select_n3A_203, %lt3A_209 : i32
        %ne3A_211 = arith.xori %lt3A_208, %lt3A_210 : i1
        %and3A_212 = arith.andi %ne3A_211, %ne3A_206 : i1
        %add3A_213 = arith.addi %rem3A_204, %select_n3A_203 : i32
        %select_n3A_214 = arith.select %and3A_212, %add3A_213, %rem3A_204 : i32
        %dma_wait3A_215 = arith.constant 0 : i32
        %dma_wait3A_216 = arith.constant 0 : i32
        %dma_wait3A_217 = tpu.memref_slice %arg7[%select_n3A_214, %dma_wait3A_215, %dma_wait3A_216] : memref<14x128x16xf32, #tpu.memory_space<vmem>> -> memref<1x128x16xf32, #tpu.memory_space<vmem>>
        %dma_wait3A_218 = tpu.memref_squeeze %dma_wait3A_217 : memref<1x128x16xf32, #tpu.memory_space<vmem>> -> memref<128x16xf32, #tpu.memory_space<vmem>>
        %dma_wait3A_219 = arith.constant 0 : i32
        %dma_wait3A_220 = tpu.memref_slice %arg6[%sub3A_198, %dma_wait3A_219] : memref<79x128xi32, #tpu.memory_space<vmem>> -> memref<1x128xi32, #tpu.memory_space<vmem>>
        %dma_wait3A_221 = tpu.memref_squeeze %dma_wait3A_220 : memref<1x128xi32, #tpu.memory_space<vmem>> -> memref<128xi32, #tpu.memory_space<vmem>>
        %dma_wait3A_222 = arith.constant 0 : i32
        %dma_wait3A_223 = arith.constant 0 : i32
        %dma_wait3A_224 = tpu.memref_slice %arg9[%dma_wait3A_222, %dma_wait3A_223] : memref<10240x16xf32, #tpu.memory_space<vmem_shared>> -> memref<10240x16xf32, #tpu.memory_space<vmem_shared>>
        %dma_wait3A_225 = tpu.memref_slice %arg11[%select_n3A_214] : memref<14x!tpu.dma_semaphore, #tpu.memory_space<semaphore_mem>> -> memref<1x!tpu.dma_semaphore, #tpu.memory_space<semaphore_mem>>
        %dma_wait3A_226 = tpu.memref_squeeze %dma_wait3A_225 : memref<1x!tpu.dma_semaphore, #tpu.memory_space<semaphore_mem>> -> memref<!tpu.dma_semaphore, #tpu.memory_space<semaphore_mem>>
        tpu.wait_indirect_dma semaphore(%dma_wait3A_226 : memref<!tpu.dma_semaphore, #tpu.memory_space<semaphore_mem>>) src(%dma_wait3A_218 : memref<128x16xf32, #tpu.memory_space<vmem>>) dst(%dma_wait3A_224 : memref<10240x16xf32, #tpu.memory_space<vmem_shared>>)
      } else {
      }
      %add3A_192 = arith.constant 7 : i32
      %add3A_193 = arith.addi %while3A_151, %add3A_192 : i32
      %lt3A_194 = arith.cmpi slt, %add3A_193, %add3A_26 : i32
      %convert_element_type3A_195 = arith.extui %lt3A_194 : i1 to i32
      %cond3A_196 = arith.constant 0 : i32
      %cond3A_197 = arith.cmpi ne, %convert_element_type3A_195, %cond3A_196 : i32
      scf.if %cond3A_197 {
        %add3A_198 = arith.constant 7 : i32
        %add3A_199 = arith.addi %while3A_151, %add3A_198 : i32
        %jit3A_200 = arith.constant 14 : i32
        %eq3A_201 = arith.constant 0 : i32
        %eq3A_202 = arith.cmpi eq, %jit3A_200, %eq3A_201 : i32
        %jit3A_203 = arith.constant 1 : i32
        %select_n3A_204 = arith.select %eq3A_202, %jit3A_203, %jit3A_200 : i32
        %rem3A_205 = arith.remsi %add3A_199, %select_n3A_204 : i32
        %ne3A_206 = arith.constant 0 : i32
        %ne3A_207 = arith.cmpi ne, %rem3A_205, %ne3A_206 : i32
        %lt3A_208 = arith.constant 0 : i32
        %lt3A_209 = arith.cmpi slt, %rem3A_205, %lt3A_208 : i32
        %lt3A_210 = arith.constant 0 : i32
        %lt3A_211 = arith.cmpi slt, %select_n3A_204, %lt3A_210 : i32
        %ne3A_212 = arith.xori %lt3A_209, %lt3A_211 : i1
        %and3A_213 = arith.andi %ne3A_212, %ne3A_207 : i1
        %add3A_214 = arith.addi %rem3A_205, %select_n3A_204 : i32
        %select_n3A_215 = arith.select %and3A_213, %add3A_214, %rem3A_205 : i32
        %dma_start3A_216 = arith.constant 0 : i32
        %dma_start3A_217 = arith.constant 0 : i32
        %dma_start3A_218 = tpu.memref_slice %arg7[%select_n3A_215, %dma_start3A_216, %dma_start3A_217] : memref<14x128x16xf32, #tpu.memory_space<vmem>> -> memref<1x128x16xf32, #tpu.memory_space<vmem>>
        %dma_start3A_219 = tpu.memref_squeeze %dma_start3A_218 : memref<1x128x16xf32, #tpu.memory_space<vmem>> -> memref<128x16xf32, #tpu.memory_space<vmem>>
        %dma_start3A_220 = arith.constant 0 : i32
        %dma_start3A_221 = tpu.memref_slice %arg5[%add3A_199, %dma_start3A_220] : memref<79x128xi32, #tpu.memory_space<vmem>> -> memref<1x128xi32, #tpu.memory_space<vmem>>
        %dma_start3A_222 = tpu.memref_squeeze %dma_start3A_221 : memref<1x128xi32, #tpu.memory_space<vmem>> -> memref<128xi32, #tpu.memory_space<vmem>>
        %dma_start3A_223 = arith.constant 0 : i32
        %dma_start3A_224 = arith.constant 0 : i32
        %dma_start3A_225 = tpu.memref_slice %arg2[%dma_start3A_223, %dma_start3A_224] : memref<10240x16xf32, #tpu.memory_space<hbm>> -> memref<10240x16xf32, #tpu.memory_space<hbm>>
        %dma_start3A_226 = tpu.memref_slice %arg10[%select_n3A_215] : memref<14x!tpu.dma_semaphore, #tpu.memory_space<semaphore_mem>> -> memref<1x!tpu.dma_semaphore, #tpu.memory_space<semaphore_mem>>
        %dma_start3A_227 = tpu.memref_squeeze %dma_start3A_226 : memref<1x!tpu.dma_semaphore, #tpu.memory_space<semaphore_mem>> -> memref<!tpu.dma_semaphore, #tpu.memory_space<semaphore_mem>>
        tpu.enqueue_indirect_dma source(%dma_start3A_225 : memref<10240x16xf32, #tpu.memory_space<hbm>>) target(%dma_start3A_219 : memref<128x16xf32, #tpu.memory_space<vmem>>) offsets(%dma_start3A_222 : memref<128xi32, #tpu.memory_space<vmem>>) semaphore(%dma_start3A_227 : memref<!tpu.dma_semaphore, #tpu.memory_space<semaphore_mem>>)
      } else {
      }
    }
    %while3A_139 = arith.constant 1 : i32
    scf.for %while3A_151 = %while3A_137 to %while3A_133 step %while3A_139  : i32 {
      %jit3A_152 = arith.constant 14 : i32
      %eq3A_153 = arith.constant 0 : i32
      %eq3A_154 = arith.cmpi eq, %jit3A_152, %eq3A_153 : i32
      %jit3A_155 = arith.constant 1 : i32
      %select_n3A_156 = arith.select %eq3A_154, %jit3A_155, %jit3A_152 : i32
      %rem3A = arith.remsi %while3A_151, %select_n3A_156 : i32
      %ne3A = arith.constant 0 : i32
      %ne3A_157 = arith.cmpi ne, %rem3A, %ne3A : i32
      %lt3A_158 = arith.constant 0 : i32
      %lt3A_159 = arith.cmpi slt, %rem3A, %lt3A_158 : i32
      %lt3A_160 = arith.constant 0 : i32
      %lt3A_161 = arith.cmpi slt, %select_n3A_156, %lt3A_160 : i32
      %ne3A_162 = arith.xori %lt3A_159, %lt3A_161 : i1
      %and3A = arith.andi %ne3A_162, %ne3A_157 : i1
      %add3A_163 = arith.addi %rem3A, %select_n3A_156 : i32
      %select_n3A_164 = arith.select %and3A, %add3A_163, %rem3A : i32
      %dma_wait3A = arith.constant 0 : i32
      %dma_wait3A_165 = arith.constant 0 : i32
      %dma_wait3A_166 = tpu.memref_slice %arg7[%select_n3A_164, %dma_wait3A, %dma_wait3A_165] : memref<14x128x16xf32, #tpu.memory_space<vmem>> -> memref<1x128x16xf32, #tpu.memory_space<vmem>>
      %dma_wait3A_167 = tpu.memref_squeeze %dma_wait3A_166 : memref<1x128x16xf32, #tpu.memory_space<vmem>> -> memref<128x16xf32, #tpu.memory_space<vmem>>
      %dma_wait3A_168 = arith.constant 0 : i32
      %dma_wait3A_169 = tpu.memref_slice %arg5[%while3A_151, %dma_wait3A_168] : memref<79x128xi32, #tpu.memory_space<vmem>> -> memref<1x128xi32, #tpu.memory_space<vmem>>
      %dma_wait3A_170 = tpu.memref_squeeze %dma_wait3A_169 : memref<1x128xi32, #tpu.memory_space<vmem>> -> memref<128xi32, #tpu.memory_space<vmem>>
      %dma_wait3A_171 = arith.constant 0 : i32
      %dma_wait3A_172 = arith.constant 0 : i32
      %dma_wait3A_173 = tpu.memref_slice %arg2[%dma_wait3A_171, %dma_wait3A_172] : memref<10240x16xf32, #tpu.memory_space<hbm>> -> memref<10240x16xf32, #tpu.memory_space<hbm>>
      %dma_wait3A_174 = tpu.memref_slice %arg10[%select_n3A_164] : memref<14x!tpu.dma_semaphore, #tpu.memory_space<semaphore_mem>> -> memref<1x!tpu.dma_semaphore, #tpu.memory_space<semaphore_mem>>
      %dma_wait3A_175 = tpu.memref_squeeze %dma_wait3A_174 : memref<1x!tpu.dma_semaphore, #tpu.memory_space<semaphore_mem>> -> memref<!tpu.dma_semaphore, #tpu.memory_space<semaphore_mem>>
      tpu.wait_indirect_dma semaphore(%dma_wait3A_175 : memref<!tpu.dma_semaphore, #tpu.memory_space<semaphore_mem>>) src(%dma_wait3A_173 : memref<10240x16xf32, #tpu.memory_space<hbm>>) dst(%dma_wait3A_167 : memref<128x16xf32, #tpu.memory_space<vmem>>)
      %dma_start3A_176 = arith.constant 0 : i32
      %dma_start3A_177 = arith.constant 0 : i32
      %dma_start3A_178 = tpu.memref_slice %arg7[%select_n3A_164, %dma_start3A_176, %dma_start3A_177] : memref<14x128x16xf32, #tpu.memory_space<vmem>> -> memref<1x128x16xf32, #tpu.memory_space<vmem>>
      %dma_start3A_179 = tpu.memref_squeeze %dma_start3A_178 : memref<1x128x16xf32, #tpu.memory_space<vmem>> -> memref<128x16xf32, #tpu.memory_space<vmem>>
      %dma_start3A_180 = arith.constant 0 : i32
      %dma_start3A_181 = tpu.memref_slice %arg6[%while3A_151, %dma_start3A_180] : memref<79x128xi32, #tpu.memory_space<vmem>> -> memref<1x128xi32, #tpu.memory_space<vmem>>
      %dma_start3A_182 = tpu.memref_squeeze %dma_start3A_181 : memref<1x128xi32, #tpu.memory_space<vmem>> -> memref<128xi32, #tpu.memory_space<vmem>>
      %dma_start3A_183 = arith.constant 0 : i32
      %dma_start3A_184 = arith.constant 0 : i32
      %dma_start3A_185 = tpu.memref_slice %arg9[%dma_start3A_183, %dma_start3A_184] : memref<10240x16xf32, #tpu.memory_space<vmem_shared>> -> memref<10240x16xf32, #tpu.memory_space<vmem_shared>>
      %dma_start3A_186 = tpu.memref_slice %arg11[%select_n3A_164] : memref<14x!tpu.dma_semaphore, #tpu.memory_space<semaphore_mem>> -> memref<1x!tpu.dma_semaphore, #tpu.memory_space<semaphore_mem>>
      %dma_start3A_187 = tpu.memref_squeeze %dma_start3A_186 : memref<1x!tpu.dma_semaphore, #tpu.memory_space<semaphore_mem>> -> memref<!tpu.dma_semaphore, #tpu.memory_space<semaphore_mem>>
      tpu.enqueue_indirect_dma source(%dma_start3A_179 : memref<128x16xf32, #tpu.memory_space<vmem>>) target(%dma_start3A_185 : memref<10240x16xf32, #tpu.memory_space<vmem_shared>>) offsets(%dma_start3A_182 : memref<128xi32, #tpu.memory_space<vmem>>) semaphore(%dma_start3A_187 : memref<!tpu.dma_semaphore, #tpu.memory_space<semaphore_mem>>) {add = true}
      %ge3A = arith.constant 7 : i32
      %ge3A_188 = arith.cmpi sge, %while3A_151, %ge3A : i32
      %convert_element_type3A_189 = arith.extui %ge3A_188 : i1 to i32
      %cond3A_190 = arith.constant 0 : i32
      %cond3A_191 = arith.cmpi ne, %convert_element_type3A_189, %cond3A_190 : i32
      scf.if %cond3A_191 {
        %sub3A = arith.constant 7 : i32
        %sub3A_198 = arith.subi %while3A_151, %sub3A : i32
        %jit3A_199 = arith.constant 14 : i32
        %eq3A_200 = arith.constant 0 : i32
        %eq3A_201 = arith.cmpi eq, %jit3A_199, %eq3A_200 : i32
        %jit3A_202 = arith.constant 1 : i32
        %select_n3A_203 = arith.select %eq3A_201, %jit3A_202, %jit3A_199 : i32
        %rem3A_204 = arith.remsi %sub3A_198, %select_n3A_203 : i32
        %ne3A_205 = arith.constant 0 : i32
        %ne3A_206 = arith.cmpi ne, %rem3A_204, %ne3A_205 : i32
        %lt3A_207 = arith.constant 0 : i32
        %lt3A_208 = arith.cmpi slt, %rem3A_204, %lt3A_207 : i32
        %lt3A_209 = arith.constant 0 : i32
        %lt3A_210 = arith.cmpi slt, %select_n3A_203, %lt3A_209 : i32
        %ne3A_211 = arith.xori %lt3A_208, %lt3A_210 : i1
        %and3A_212 = arith.andi %ne3A_211, %ne3A_206 : i1
        %add3A_213 = arith.addi %rem3A_204, %select_n3A_203 : i32
        %select_n3A_214 = arith.select %and3A_212, %add3A_213, %rem3A_204 : i32
        %dma_wait3A_215 = arith.constant 0 : i32
        %dma_wait3A_216 = arith.constant 0 : i32
        %dma_wait3A_217 = tpu.memref_slice %arg7[%select_n3A_214, %dma_wait3A_215, %dma_wait3A_216] : memref<14x128x16xf32, #tpu.memory_space<vmem>> -> memref<1x128x16xf32, #tpu.memory_space<vmem>>
        %dma_wait3A_218 = tpu.memref_squeeze %dma_wait3A_217 : memref<1x128x16xf32, #tpu.memory_space<vmem>> -> memref<128x16xf32, #tpu.memory_space<vmem>>
        %dma_wait3A_219 = arith.constant 0 : i32
        %dma_wait3A_220 = tpu.memref_slice %arg6[%sub3A_198, %dma_wait3A_219] : memref<79x128xi32, #tpu.memory_space<vmem>> -> memref<1x128xi32, #tpu.memory_space<vmem>>
        %dma_wait3A_221 = tpu.memref_squeeze %dma_wait3A_220 : memref<1x128xi32, #tpu.memory_space<vmem>> -> memref<128xi32, #tpu.memory_space<vmem>>
        %dma_wait3A_222 = arith.constant 0 : i32
        %dma_wait3A_223 = arith.constant 0 : i32
        %dma_wait3A_224 = tpu.memref_slice %arg9[%dma_wait3A_222, %dma_wait3A_223] : memref<10240x16xf32, #tpu.memory_space<vmem_shared>> -> memref<10240x16xf32, #tpu.memory_space<vmem_shared>>
        %dma_wait3A_225 = tpu.memref_slice %arg11[%select_n3A_214] : memref<14x!tpu.dma_semaphore, #tpu.memory_space<semaphore_mem>> -> memref<1x!tpu.dma_semaphore, #tpu.memory_space<semaphore_mem>>
        %dma_wait3A_226 = tpu.memref_squeeze %dma_wait3A_225 : memref<1x!tpu.dma_semaphore, #tpu.memory_space<semaphore_mem>> -> memref<!tpu.dma_semaphore, #tpu.memory_space<semaphore_mem>>
        tpu.wait_indirect_dma semaphore(%dma_wait3A_226 : memref<!tpu.dma_semaphore, #tpu.memory_space<semaphore_mem>>) src(%dma_wait3A_218 : memref<128x16xf32, #tpu.memory_space<vmem>>) dst(%dma_wait3A_224 : memref<10240x16xf32, #tpu.memory_space<vmem_shared>>)
      } else {
      }
      %add3A_192 = arith.constant 7 : i32
      %add3A_193 = arith.addi %while3A_151, %add3A_192 : i32
      %lt3A_194 = arith.cmpi slt, %add3A_193, %add3A_26 : i32
      %convert_element_type3A_195 = arith.extui %lt3A_194 : i1 to i32
      %cond3A_196 = arith.constant 0 : i32
      %cond3A_197 = arith.cmpi ne, %convert_element_type3A_195, %cond3A_196 : i32
      scf.if %cond3A_197 {
        %add3A_198 = arith.constant 7 : i32
        %add3A_199 = arith.addi %while3A_151, %add3A_198 : i32
        %jit3A_200 = arith.constant 14 : i32
        %eq3A_201 = arith.constant 0 : i32
        %eq3A_202 = arith.cmpi eq, %jit3A_200, %eq3A_201 : i32
        %jit3A_203 = arith.constant 1 : i32
        %select_n3A_204 = arith.select %eq3A_202, %jit3A_203, %jit3A_200 : i32
        %rem3A_205 = arith.remsi %add3A_199, %select_n3A_204 : i32
        %ne3A_206 = arith.constant 0 : i32
        %ne3A_207 = arith.cmpi ne, %rem3A_205, %ne3A_206 : i32
        %lt3A_208 = arith.constant 0 : i32
        %lt3A_209 = arith.cmpi slt, %rem3A_205, %lt3A_208 : i32
        %lt3A_210 = arith.constant 0 : i32
        %lt3A_211 = arith.cmpi slt, %select_n3A_204, %lt3A_210 : i32
        %ne3A_212 = arith.xori %lt3A_209, %lt3A_211 : i1
        %and3A_213 = arith.andi %ne3A_212, %ne3A_207 : i1
        %add3A_214 = arith.addi %rem3A_205, %select_n3A_204 : i32
        %select_n3A_215 = arith.select %and3A_213, %add3A_214, %rem3A_205 : i32
        %dma_start3A_216 = arith.constant 0 : i32
        %dma_start3A_217 = arith.constant 0 : i32
        %dma_start3A_218 = tpu.memref_slice %arg7[%select_n3A_215, %dma_start3A_216, %dma_start3A_217] : memref<14x128x16xf32, #tpu.memory_space<vmem>> -> memref<1x128x16xf32, #tpu.memory_space<vmem>>
        %dma_start3A_219 = tpu.memref_squeeze %dma_start3A_218 : memref<1x128x16xf32, #tpu.memory_space<vmem>> -> memref<128x16xf32, #tpu.memory_space<vmem>>
        %dma_start3A_220 = arith.constant 0 : i32
        %dma_start3A_221 = tpu.memref_slice %arg5[%add3A_199, %dma_start3A_220] : memref<79x128xi32, #tpu.memory_space<vmem>> -> memref<1x128xi32, #tpu.memory_space<vmem>>
        %dma_start3A_222 = tpu.memref_squeeze %dma_start3A_221 : memref<1x128xi32, #tpu.memory_space<vmem>> -> memref<128xi32, #tpu.memory_space<vmem>>
        %dma_start3A_223 = arith.constant 0 : i32
        %dma_start3A_224 = arith.constant 0 : i32
        %dma_start3A_225 = tpu.memref_slice %arg2[%dma_start3A_223, %dma_start3A_224] : memref<10240x16xf32, #tpu.memory_space<hbm>> -> memref<10240x16xf32, #tpu.memory_space<hbm>>
        %dma_start3A_226 = tpu.memref_slice %arg10[%select_n3A_215] : memref<14x!tpu.dma_semaphore, #tpu.memory_space<semaphore_mem>> -> memref<1x!tpu.dma_semaphore, #tpu.memory_space<semaphore_mem>>
        %dma_start3A_227 = tpu.memref_squeeze %dma_start3A_226 : memref<1x!tpu.dma_semaphore, #tpu.memory_space<semaphore_mem>> -> memref<!tpu.dma_semaphore, #tpu.memory_space<semaphore_mem>>
        tpu.enqueue_indirect_dma source(%dma_start3A_225 : memref<10240x16xf32, #tpu.memory_space<hbm>>) target(%dma_start3A_219 : memref<128x16xf32, #tpu.memory_space<vmem>>) offsets(%dma_start3A_222 : memref<128xi32, #tpu.memory_space<vmem>>) semaphore(%dma_start3A_227 : memref<!tpu.dma_semaphore, #tpu.memory_space<semaphore_mem>>)
      } else {
      }
    }
    %scan3A_140 = arith.constant 0 : i32
    %scan3A_141 = arith.constant 0 : i32
    %scan3A_142 = arith.constant 7 : i32
    %scan3A_143 = arith.addi %scan3A_141, %scan3A_142 : i32
    %scan3A_144 = arith.constant 1 : i32
    scf.for %scan3A_151 = %scan3A_141 to %scan3A_143 step %scan3A_144  : i32 {
      %sub3A = arith.constant 7 : i32
      %sub3A_152 = arith.subi %add3A_26, %sub3A : i32
      %add3A_153 = arith.addi %sub3A_152, %scan3A_151 : i32
      %jit3A_154 = arith.constant 14 : i32
      %eq3A_155 = arith.constant 0 : i32
      %eq3A_156 = arith.cmpi eq, %jit3A_154, %eq3A_155 : i32
      %jit3A_157 = arith.constant 1 : i32
      %select_n3A_158 = arith.select %eq3A_156, %jit3A_157, %jit3A_154 : i32
      %rem3A = arith.remsi %add3A_153, %select_n3A_158 : i32
      %ne3A = arith.constant 0 : i32
      %ne3A_159 = arith.cmpi ne, %rem3A, %ne3A : i32
      %lt3A_160 = arith.constant 0 : i32
      %lt3A_161 = arith.cmpi slt, %rem3A, %lt3A_160 : i32
      %lt3A_162 = arith.constant 0 : i32
      %lt3A_163 = arith.cmpi slt, %select_n3A_158, %lt3A_162 : i32
      %ne3A_164 = arith.xori %lt3A_161, %lt3A_163 : i1
      %and3A = arith.andi %ne3A_164, %ne3A_159 : i1
      %add3A_165 = arith.addi %rem3A, %select_n3A_158 : i32
      %select_n3A_166 = arith.select %and3A, %add3A_165, %rem3A : i32
      %dma_wait3A = arith.constant 0 : i32
      %dma_wait3A_167 = arith.constant 0 : i32
      %dma_wait3A_168 = tpu.memref_slice %arg7[%select_n3A_166, %dma_wait3A, %dma_wait3A_167] : memref<14x128x16xf32, #tpu.memory_space<vmem>> -> memref<1x128x16xf32, #tpu.memory_space<vmem>>
      %dma_wait3A_169 = tpu.memref_squeeze %dma_wait3A_168 : memref<1x128x16xf32, #tpu.memory_space<vmem>> -> memref<128x16xf32, #tpu.memory_space<vmem>>
      %dma_wait3A_170 = arith.constant 0 : i32
      %dma_wait3A_171 = tpu.memref_slice %arg6[%add3A_153, %dma_wait3A_170] : memref<79x128xi32, #tpu.memory_space<vmem>> -> memref<1x128xi32, #tpu.memory_space<vmem>>
      %dma_wait3A_172 = tpu.memref_squeeze %dma_wait3A_171 : memref<1x128xi32, #tpu.memory_space<vmem>> -> memref<128xi32, #tpu.memory_space<vmem>>
      %dma_wait3A_173 = arith.constant 0 : i32
      %dma_wait3A_174 = arith.constant 0 : i32
      %dma_wait3A_175 = tpu.memref_slice %arg9[%dma_wait3A_173, %dma_wait3A_174] : memref<10240x16xf32, #tpu.memory_space<vmem_shared>> -> memref<10240x16xf32, #tpu.memory_space<vmem_shared>>
      %dma_wait3A_176 = tpu.memref_slice %arg11[%select_n3A_166] : memref<14x!tpu.dma_semaphore, #tpu.memory_space<semaphore_mem>> -> memref<1x!tpu.dma_semaphore, #tpu.memory_space<semaphore_mem>>
      %dma_wait3A_177 = tpu.memref_squeeze %dma_wait3A_176 : memref<1x!tpu.dma_semaphore, #tpu.memory_space<semaphore_mem>> -> memref<!tpu.dma_semaphore, #tpu.memory_space<semaphore_mem>>
      tpu.wait_indirect_dma semaphore(%dma_wait3A_177 : memref<!tpu.dma_semaphore, #tpu.memory_space<semaphore_mem>>) src(%dma_wait3A_169 : memref<128x16xf32, #tpu.memory_space<vmem>>) dst(%dma_wait3A_175 : memref<10240x16xf32, #tpu.memory_space<vmem_shared>>)
    }
    %scan3A_145 = arith.constant 7 : i32
    %barrier3A_146 = arith.constant 0 : index
    tpu.barrier barrier_id(%barrier3A_146)
    %mul3A_147 = arith.constant 640 : i32
    %mul3A_148 = arith.muli %arg1, %mul3A_147 : i32
    "tpu.region"() ({
      %run_scoped3A_151 = tpu.sem_alloc : memref<!tpu.dma_semaphore, #tpu.memory_space<semaphore_mem>>
      %dma_start3A_152 = arith.constant 0 : i32
      %dma_start3A_153 = tpu.memref_slice %arg9[%mul3A_148, %dma_start3A_152] : memref<10240x16xf32, #tpu.memory_space<vmem_shared>> -> memref<640x16xf32, #tpu.memory_space<vmem_shared>>
      %dma_start3A_154 = arith.constant 0 : i32
      %dma_start3A_155 = tpu.memref_slice %arg9[%mul3A_148, %dma_start3A_154] : memref<10240x16xf32, #tpu.memory_space<vmem_shared>> -> memref<640x16xf32, #tpu.memory_space<vmem_shared>>
      tpu.enqueue_dma source(%dma_start3A_155 : memref<640x16xf32, #tpu.memory_space<vmem_shared>>) target(%arg8 : memref<640x16xf32, #tpu.memory_space<vmem>>) target_semaphore(%run_scoped3A_151 : memref<!tpu.dma_semaphore, #tpu.memory_space<semaphore_mem>>)
      %dma_wait3A = arith.constant 0 : i32
      %dma_wait3A_156 = tpu.memref_slice %arg9[%mul3A_148, %dma_wait3A] : memref<10240x16xf32, #tpu.memory_space<vmem_shared>> -> memref<640x16xf32, #tpu.memory_space<vmem_shared>>
      %dma_wait3A_157 = arith.constant 0 : i32
      %dma_wait3A_158 = tpu.memref_slice %arg9[%mul3A_148, %dma_wait3A_157] : memref<10240x16xf32, #tpu.memory_space<vmem_shared>> -> memref<640x16xf32, #tpu.memory_space<vmem_shared>>
      tpu.wait_dma2 semaphore(%run_scoped3A_151 : memref<!tpu.dma_semaphore, #tpu.memory_space<semaphore_mem>>) src(%dma_wait3A_158 : memref<640x16xf32, #tpu.memory_space<vmem_shared>>) dst(%arg8 : memref<640x16xf32, #tpu.memory_space<vmem>>)
      tpu.yield
    }) : () -> ()
    %mul3A_149 = arith.constant 640 : i32
    %mul3A_150 = arith.muli %arg1, %mul3A_149 : i32
    "tpu.region"() ({
      %run_scoped3A_151 = tpu.sem_alloc : memref<!tpu.dma_semaphore, #tpu.memory_space<semaphore_mem>>
      %dma_start3A_152 = arith.constant 0 : i32
      %dma_start3A_153 = tpu.memref_slice %arg4[%arg0, %mul3A_150, %dma_start3A_152] : memref<2x10240x16xf32, #tpu.memory_space<hbm>> -> memref<1x640x16xf32, #tpu.memory_space<hbm>>
      %dma_start3A_154 = tpu.memref_squeeze %dma_start3A_153 : memref<1x640x16xf32, #tpu.memory_space<hbm>> -> memref<640x16xf32, #tpu.memory_space<hbm>>
      %dma_start3A_155 = arith.constant 0 : i32
      %dma_start3A_156 = tpu.memref_slice %arg4[%arg0, %mul3A_150, %dma_start3A_155] : memref<2x10240x16xf32, #tpu.memory_space<hbm>> -> memref<1x640x16xf32, #tpu.memory_space<hbm>>
      %dma_start3A_157 = tpu.memref_squeeze %dma_start3A_156 : memref<1x640x16xf32, #tpu.memory_space<hbm>> -> memref<640x16xf32, #tpu.memory_space<hbm>>
      tpu.enqueue_dma source(%arg8 : memref<640x16xf32, #tpu.memory_space<vmem>>) target(%dma_start3A_157 : memref<640x16xf32, #tpu.memory_space<hbm>>) target_semaphore(%run_scoped3A_151 : memref<!tpu.dma_semaphore, #tpu.memory_space<semaphore_mem>>)
      %dma_wait3A = arith.constant 0 : i32
      %dma_wait3A_158 = tpu.memref_slice %arg4[%arg0, %mul3A_150, %dma_wait3A] : memref<2x10240x16xf32, #tpu.memory_space<hbm>> -> memref<1x640x16xf32, #tpu.memory_space<hbm>>
      %dma_wait3A_159 = tpu.memref_squeeze %dma_wait3A_158 : memref<1x640x16xf32, #tpu.memory_space<hbm>> -> memref<640x16xf32, #tpu.memory_space<hbm>>
      %dma_wait3A_160 = arith.constant 0 : i32
      %dma_wait3A_161 = tpu.memref_slice %arg4[%arg0, %mul3A_150, %dma_wait3A_160] : memref<2x10240x16xf32, #tpu.memory_space<hbm>> -> memref<1x640x16xf32, #tpu.memory_space<hbm>>
      %dma_wait3A_162 = tpu.memref_squeeze %dma_wait3A_161 : memref<1x640x16xf32, #tpu.memory_space<hbm>> -> memref<640x16xf32, #tpu.memory_space<hbm>>
      tpu.wait_dma2 semaphore(%run_scoped3A_151 : memref<!tpu.dma_semaphore, #tpu.memory_space<semaphore_mem>>) src(%arg8 : memref<640x16xf32, #tpu.memory_space<vmem>>) dst(%dma_wait3A_162 : memref<640x16xf32, #tpu.memory_space<hbm>>)
      tpu.yield
    }) : () -> ()
    return
  }
}

#map = affine_map<(d0, d1) -> (0, 0, 0)>
#map1 = affine_map<(d0, d1) -> (0)>
#map2 = affine_map<(d0, d1) -> (0, 0)>
module attributes {stable_mosaic.version = 14 : i64} {
  func.func @_sc_mid(%arg0: i32, %arg1: i32, %arg2: memref<2x10240x16xf32, #tpu.memory_space<hbm>>, %arg3: memref<10240xf32, #tpu.memory_space<hbm>>, %arg4: memref<16xf32, #tpu.memory_space<hbm>>, %arg5: memref<10240x16xf32, #tpu.memory_space<hbm>>, %arg6: memref<320x16xf32, #tpu.memory_space<vmem>>, %arg7: memref<320x16xf32, #tpu.memory_space<vmem>>, %arg8: memref<320xf32, #tpu.memory_space<vmem>>, %arg9: memref<320x16xf32, #tpu.memory_space<vmem>>, %arg10: memref<16xf32, #tpu.memory_space<vmem>>) attributes {dimension_semantics = [#tpu.dimension_semantics<core_parallel>, #tpu.dimension_semantics<subcore_parallel>], iteration_bounds = array<i64: 2, 16>, scalar_prefetch = 0 : i64, scratch_operands = 5 : i64, tpu.core_type = #tpu.core_type<sc_vector_subcore>, window_params = [{transform_indices = #map}, {transform_indices = #map1}, {transform_indices = #map1}, {transform_indices = #map2}]} {
    %mul3A = arith.constant 16 : i32
    %mul3A_0 = arith.muli %arg0, %mul3A : i32
    %add3A = arith.addi %mul3A_0, %arg1 : i32
    %mul3A_1 = arith.constant 320 : i32
    %mul3A_2 = arith.muli %add3A, %mul3A_1 : i32
    %run_scoped3A = arith.constant 0 : i32
    "tpu.region"() ({
      %run_scoped3A_10 = tpu.sem_alloc : memref<!tpu.dma_semaphore, #tpu.memory_space<semaphore_mem>>
      %dma_start3A = arith.constant 0 : i32
      %dma_start3A_11 = tpu.memref_slice %arg2[%run_scoped3A, %mul3A_2, %dma_start3A] : memref<2x10240x16xf32, #tpu.memory_space<hbm>> -> memref<1x320x16xf32, #tpu.memory_space<hbm>>
      %dma_start3A_12 = tpu.memref_squeeze %dma_start3A_11 : memref<1x320x16xf32, #tpu.memory_space<hbm>> -> memref<320x16xf32, #tpu.memory_space<hbm>>
      %dma_start3A_13 = arith.constant 0 : i32
      %dma_start3A_14 = tpu.memref_slice %arg2[%run_scoped3A, %mul3A_2, %dma_start3A_13] : memref<2x10240x16xf32, #tpu.memory_space<hbm>> -> memref<1x320x16xf32, #tpu.memory_space<hbm>>
      %dma_start3A_15 = tpu.memref_squeeze %dma_start3A_14 : memref<1x320x16xf32, #tpu.memory_space<hbm>> -> memref<320x16xf32, #tpu.memory_space<hbm>>
      tpu.enqueue_dma source(%dma_start3A_15 : memref<320x16xf32, #tpu.memory_space<hbm>>) target(%arg6 : memref<320x16xf32, #tpu.memory_space<vmem>>) target_semaphore(%run_scoped3A_10 : memref<!tpu.dma_semaphore, #tpu.memory_space<semaphore_mem>>)
      %dma_wait3A = arith.constant 0 : i32
      %dma_wait3A_16 = tpu.memref_slice %arg2[%run_scoped3A, %mul3A_2, %dma_wait3A] : memref<2x10240x16xf32, #tpu.memory_space<hbm>> -> memref<1x320x16xf32, #tpu.memory_space<hbm>>
      %dma_wait3A_17 = tpu.memref_squeeze %dma_wait3A_16 : memref<1x320x16xf32, #tpu.memory_space<hbm>> -> memref<320x16xf32, #tpu.memory_space<hbm>>
      %dma_wait3A_18 = arith.constant 0 : i32
      %dma_wait3A_19 = tpu.memref_slice %arg2[%run_scoped3A, %mul3A_2, %dma_wait3A_18] : memref<2x10240x16xf32, #tpu.memory_space<hbm>> -> memref<1x320x16xf32, #tpu.memory_space<hbm>>
      %dma_wait3A_20 = tpu.memref_squeeze %dma_wait3A_19 : memref<1x320x16xf32, #tpu.memory_space<hbm>> -> memref<320x16xf32, #tpu.memory_space<hbm>>
      tpu.wait_dma2 semaphore(%run_scoped3A_10 : memref<!tpu.dma_semaphore, #tpu.memory_space<semaphore_mem>>) src(%dma_wait3A_20 : memref<320x16xf32, #tpu.memory_space<hbm>>) dst(%arg6 : memref<320x16xf32, #tpu.memory_space<vmem>>)
      tpu.yield
    }) : () -> ()
    %run_scoped3A_3 = arith.constant 1 : i32
    "tpu.region"() ({
      %run_scoped3A_10 = tpu.sem_alloc : memref<!tpu.dma_semaphore, #tpu.memory_space<semaphore_mem>>
      %dma_start3A = arith.constant 0 : i32
      %dma_start3A_11 = tpu.memref_slice %arg2[%run_scoped3A_3, %mul3A_2, %dma_start3A] : memref<2x10240x16xf32, #tpu.memory_space<hbm>> -> memref<1x320x16xf32, #tpu.memory_space<hbm>>
      %dma_start3A_12 = tpu.memref_squeeze %dma_start3A_11 : memref<1x320x16xf32, #tpu.memory_space<hbm>> -> memref<320x16xf32, #tpu.memory_space<hbm>>
      %dma_start3A_13 = arith.constant 0 : i32
      %dma_start3A_14 = tpu.memref_slice %arg2[%run_scoped3A_3, %mul3A_2, %dma_start3A_13] : memref<2x10240x16xf32, #tpu.memory_space<hbm>> -> memref<1x320x16xf32, #tpu.memory_space<hbm>>
      %dma_start3A_15 = tpu.memref_squeeze %dma_start3A_14 : memref<1x320x16xf32, #tpu.memory_space<hbm>> -> memref<320x16xf32, #tpu.memory_space<hbm>>
      tpu.enqueue_dma source(%dma_start3A_15 : memref<320x16xf32, #tpu.memory_space<hbm>>) target(%arg7 : memref<320x16xf32, #tpu.memory_space<vmem>>) target_semaphore(%run_scoped3A_10 : memref<!tpu.dma_semaphore, #tpu.memory_space<semaphore_mem>>)
      %dma_wait3A = arith.constant 0 : i32
      %dma_wait3A_16 = tpu.memref_slice %arg2[%run_scoped3A_3, %mul3A_2, %dma_wait3A] : memref<2x10240x16xf32, #tpu.memory_space<hbm>> -> memref<1x320x16xf32, #tpu.memory_space<hbm>>
      %dma_wait3A_17 = tpu.memref_squeeze %dma_wait3A_16 : memref<1x320x16xf32, #tpu.memory_space<hbm>> -> memref<320x16xf32, #tpu.memory_space<hbm>>
      %dma_wait3A_18 = arith.constant 0 : i32
      %dma_wait3A_19 = tpu.memref_slice %arg2[%run_scoped3A_3, %mul3A_2, %dma_wait3A_18] : memref<2x10240x16xf32, #tpu.memory_space<hbm>> -> memref<1x320x16xf32, #tpu.memory_space<hbm>>
      %dma_wait3A_20 = tpu.memref_squeeze %dma_wait3A_19 : memref<1x320x16xf32, #tpu.memory_space<hbm>> -> memref<320x16xf32, #tpu.memory_space<hbm>>
      tpu.wait_dma2 semaphore(%run_scoped3A_10 : memref<!tpu.dma_semaphore, #tpu.memory_space<semaphore_mem>>) src(%dma_wait3A_20 : memref<320x16xf32, #tpu.memory_space<hbm>>) dst(%arg7 : memref<320x16xf32, #tpu.memory_space<vmem>>)
      tpu.yield
    }) : () -> ()
    "tpu.region"() ({
      %run_scoped3A_10 = tpu.sem_alloc : memref<!tpu.dma_semaphore, #tpu.memory_space<semaphore_mem>>
      %dma_start3A = tpu.memref_slice %arg3[%mul3A_2] : memref<10240xf32, #tpu.memory_space<hbm>> -> memref<320xf32, #tpu.memory_space<hbm>>
      %dma_start3A_11 = tpu.memref_slice %arg3[%mul3A_2] : memref<10240xf32, #tpu.memory_space<hbm>> -> memref<320xf32, #tpu.memory_space<hbm>>
      tpu.enqueue_dma source(%dma_start3A_11 : memref<320xf32, #tpu.memory_space<hbm>>) target(%arg8 : memref<320xf32, #tpu.memory_space<vmem>>) target_semaphore(%run_scoped3A_10 : memref<!tpu.dma_semaphore, #tpu.memory_space<semaphore_mem>>)
      %dma_wait3A = tpu.memref_slice %arg3[%mul3A_2] : memref<10240xf32, #tpu.memory_space<hbm>> -> memref<320xf32, #tpu.memory_space<hbm>>
      %dma_wait3A_12 = tpu.memref_slice %arg3[%mul3A_2] : memref<10240xf32, #tpu.memory_space<hbm>> -> memref<320xf32, #tpu.memory_space<hbm>>
      tpu.wait_dma2 semaphore(%run_scoped3A_10 : memref<!tpu.dma_semaphore, #tpu.memory_space<semaphore_mem>>) src(%dma_wait3A_12 : memref<320xf32, #tpu.memory_space<hbm>>) dst(%arg8 : memref<320xf32, #tpu.memory_space<vmem>>)
      tpu.yield
    }) : () -> ()
    "tpu.region"() ({
      %run_scoped3A_10 = tpu.sem_alloc : memref<!tpu.dma_semaphore, #tpu.memory_space<semaphore_mem>>
      tpu.enqueue_dma source(%arg4 : memref<16xf32, #tpu.memory_space<hbm>>) target(%arg10 : memref<16xf32, #tpu.memory_space<vmem>>) target_semaphore(%run_scoped3A_10 : memref<!tpu.dma_semaphore, #tpu.memory_space<semaphore_mem>>)
      tpu.wait_dma2 semaphore(%run_scoped3A_10 : memref<!tpu.dma_semaphore, #tpu.memory_space<semaphore_mem>>) src(%arg4 : memref<16xf32, #tpu.memory_space<hbm>>) dst(%arg10 : memref<16xf32, #tpu.memory_space<vmem>>)
      tpu.yield
    }) : () -> ()
    %get3A = arith.constant 0 : index
    %get3A_4 = tpu.vector_load %arg10[%get3A] {strides = array<i32>} : memref<16xf32, #tpu.memory_space<vmem>>, vector<16xf32>,
    %iota3A = tpu.iota {dimensions = array<i32: 0>} : vector<16xi32>
    %scan3A = arith.constant 0 : i32
    %scan3A_5 = arith.constant 0 : i32
    %scan3A_6 = arith.constant 20 : i32
    %scan3A_7 = arith.addi %scan3A_5, %scan3A_6 : i32
    %scan3A_8 = arith.constant 1 : i32
    scf.for %scan3A_10 = %scan3A_5 to %scan3A_7 step %scan3A_8  : i32 {
      %mul3A_11 = arith.constant 16 : i32
      %mul3A_12 = arith.muli %scan3A_10, %mul3A_11 : i32
      %get3A_13 = arith.index_cast %mul3A_12 : i32 to index
      %get3A_14 = tpu.vector_load %arg8[%get3A_13] {strides = array<i32>} : memref<320xf32, #tpu.memory_space<vmem>>, vector<16xf32>,
      %add3A_15 = arith.constant 1.000000e+00 : f32
      %add3A_16 = vector.broadcast %add3A_15 : f32 to vector<16xf32>
      %add3A_17 = arith.addf %add3A_16, %get3A_14 : vector<16xf32>
      %bitcast3A = vector.bitcast %add3A_17 : vector<16xf32> to vector<16xi32>
      %shift_right_arithmetic3A = arith.constant 1 : i32
      %shift_right_arithmetic3A_18 = vector.broadcast %shift_right_arithmetic3A : i32 to vector<16xi32>
      %shift_right_arithmetic3A_19 = arith.shrsi %bitcast3A, %shift_right_arithmetic3A_18 : vector<16xi32>
      %sub3A = arith.constant 1597463007 : i32
      %sub3A_20 = vector.broadcast %sub3A : i32 to vector<16xi32>
      %sub3A_21 = arith.subi %sub3A_20, %shift_right_arithmetic3A_19 : vector<16xi32>
      %bitcast3A_22 = vector.bitcast %sub3A_21 : vector<16xi32> to vector<16xf32>
      %mul3A_23 = arith.constant 5.000000e-01 : f32
      %mul3A_24 = vector.broadcast %mul3A_23 : f32 to vector<16xf32>
      %mul3A_25 = arith.mulf %mul3A_24, %add3A_17 : vector<16xf32>
      %mul3A_26 = arith.mulf %mul3A_25, %bitcast3A_22 : vector<16xf32>
      %mul3A_27 = arith.mulf %mul3A_26, %bitcast3A_22 : vector<16xf32>
      %sub3A_28 = arith.constant 1.500000e+00 : f32
      %sub3A_29 = vector.broadcast %sub3A_28 : f32 to vector<16xf32>
      %sub3A_30 = arith.subf %sub3A_29, %mul3A_27 : vector<16xf32>
      %mul3A_31 = arith.mulf %bitcast3A_22, %sub3A_30 : vector<16xf32>
      %mul3A_32 = arith.constant 5.000000e-01 : f32
      %mul3A_33 = vector.broadcast %mul3A_32 : f32 to vector<16xf32>
      %mul3A_34 = arith.mulf %mul3A_33, %add3A_17 : vector<16xf32>
      %mul3A_35 = arith.mulf %mul3A_34, %mul3A_31 : vector<16xf32>
      %mul3A_36 = arith.mulf %mul3A_35, %mul3A_31 : vector<16xf32>
      %sub3A_37 = arith.constant 1.500000e+00 : f32
      %sub3A_38 = vector.broadcast %sub3A_37 : f32 to vector<16xf32>
      %sub3A_39 = arith.subf %sub3A_38, %mul3A_36 : vector<16xf32>
      %mul3A_40 = arith.mulf %mul3A_31, %sub3A_39 : vector<16xf32>
      %mul3A_41 = arith.constant 5.000000e-01 : f32
      %mul3A_42 = vector.broadcast %mul3A_41 : f32 to vector<16xf32>
      %mul3A_43 = arith.mulf %mul3A_42, %add3A_17 : vector<16xf32>
      %mul3A_44 = arith.mulf %mul3A_43, %mul3A_40 : vector<16xf32>
      %mul3A_45 = arith.mulf %mul3A_44, %mul3A_40 : vector<16xf32>
      %sub3A_46 = arith.constant 1.500000e+00 : f32
      %sub3A_47 = vector.broadcast %sub3A_46 : f32 to vector<16xf32>
      %sub3A_48 = arith.subf %sub3A_47, %mul3A_45 : vector<16xf32>
      %mul3A_49 = arith.mulf %mul3A_40, %sub3A_48 : vector<16xf32>
      %eq3A = arith.constant 0 : i32
      %eq3A_50 = vector.broadcast %eq3A : i32 to vector<16xi32>
      %eq3A_51 = arith.cmpi eq, %iota3A, %eq3A_50 : vector<16xi32>
      %jit3A = arith.constant 0.000000e+00 : f32
      %broadcast_in_dim3A = vector.broadcast %jit3A : f32 to vector<16xf32>
      %select_n3A = arith.select %eq3A_51, %mul3A_49, %broadcast_in_dim3A : vector<16xi1>, vector<16xf32>
      %reduce_sum3A = arith.constant true
      %reduce_sum3A_52 = vector.broadcast %reduce_sum3A : i1 to vector<16xi1>
      %reduce_sum3A_53 = tpu.scan <sum>, %select_n3A masked %reduce_sum3A_52 : vector<16xf32>, vector<16xi1> -> vector<16xf32>
      %reduce_sum3A_54 = vector.extract %reduce_sum3A_53[15] : f32 from vector<16xf32>
      %mul3A_55 = arith.constant 16 : i32
      %mul3A_56 = arith.muli %scan3A_10, %mul3A_55 : i32
      %add3A_57 = arith.constant 0 : i32
      %add3A_58 = arith.addi %mul3A_56, %add3A_57 : i32
      %get3A_59 = arith.index_cast %add3A_58 : i32 to index
      %get3A_60 = arith.constant 0 : index
      %get3A_61 = tpu.vector_load %arg6[%get3A_59, %get3A_60] {strides = array<i32>} : memref<320x16xf32, #tpu.memory_space<vmem>>, vector<16xf32>,
      %mul3A_62 = arith.constant 16 : i32
      %mul3A_63 = arith.muli %scan3A_10, %mul3A_62 : i32
      %add3A_64 = arith.constant 0 : i32
      %add3A_65 = arith.addi %mul3A_63, %add3A_64 : i32
      %get3A_66 = arith.index_cast %add3A_65 : i32 to index
      %get3A_67 = arith.constant 0 : index
      %get3A_68 = tpu.vector_load %arg7[%get3A_66, %get3A_67] {strides = array<i32>} : memref<320x16xf32, #tpu.memory_space<vmem>>, vector<16xf32>,
      %add3A_69 = arith.addf %get3A_61, %get3A_68 : vector<16xf32>
      %mul3A_70 = vector.broadcast %reduce_sum3A_54 : f32 to vector<16xf32>
      %mul3A_71 = arith.mulf %mul3A_70, %add3A_69 : vector<16xf32>
      %add3A_72 = arith.addf %mul3A_71, %get3A_4 : vector<16xf32>
      %max3A = arith.constant 0.000000e+00 : f32
      %max3A_73 = vector.broadcast %max3A : f32 to vector<16xf32>
      %max3A_74 = arith.maximumf %add3A_72, %max3A_73 : vector<16xf32>
      %mul3A_75 = vector.broadcast %reduce_sum3A_54 : f32 to vector<16xf32>
      %mul3A_76 = arith.mulf %mul3A_75, %max3A_74 : vector<16xf32>
      %mul3A_77 = arith.constant 16 : i32
      %mul3A_78 = arith.muli %scan3A_10, %mul3A_77 : i32
      %add3A_79 = arith.constant 0 : i32
      %add3A_80 = arith.addi %mul3A_78, %add3A_79 : i32
      %swap3A = arith.index_cast %add3A_80 : i32 to index
      %swap3A_81 = arith.constant 0 : index
      %swap3A_82 = tpu.vector_load %arg9[%swap3A, %swap3A_81] {strides = array<i32>} : memref<320x16xf32, #tpu.memory_space<vmem>>, vector<16xf32>,
      tpu.vector_store %arg9[%swap3A, %swap3A_81], %mul3A_76 {strides = array<i32>} : memref<320x16xf32, #tpu.memory_space<vmem>>, vector<16xf32>,
      %eq3A_83 = arith.constant 1 : i32
      %eq3A_84 = vector.broadcast %eq3A_83 : i32 to vector<16xi32>
      %eq3A_85 = arith.cmpi eq, %iota3A, %eq3A_84 : vector<16xi32>
      %jit3A_86 = arith.constant 0.000000e+00 : f32
      %broadcast_in_dim3A_87 = vector.broadcast %jit3A_86 : f32 to vector<16xf32>
      %select_n3A_88 = arith.select %eq3A_85, %mul3A_49, %broadcast_in_dim3A_87 : vector<16xi1>, vector<16xf32>
      %reduce_sum3A_89 = arith.constant true
      %reduce_sum3A_90 = vector.broadcast %reduce_sum3A_89 : i1 to vector<16xi1>
      %reduce_sum3A_91 = tpu.scan <sum>, %select_n3A_88 masked %reduce_sum3A_90 : vector<16xf32>, vector<16xi1> -> vector<16xf32>
      %reduce_sum3A_92 = vector.extract %reduce_sum3A_91[15] : f32 from vector<16xf32>
      %mul3A_93 = arith.constant 16 : i32
      %mul3A_94 = arith.muli %scan3A_10, %mul3A_93 : i32
      %add3A_95 = arith.constant 1 : i32
      %add3A_96 = arith.addi %mul3A_94, %add3A_95 : i32
      %get3A_97 = arith.index_cast %add3A_96 : i32 to index
      %get3A_98 = arith.constant 0 : index
      %get3A_99 = tpu.vector_load %arg6[%get3A_97, %get3A_98] {strides = array<i32>} : memref<320x16xf32, #tpu.memory_space<vmem>>, vector<16xf32>,
      %mul3A_100 = arith.constant 16 : i32
      %mul3A_101 = arith.muli %scan3A_10, %mul3A_100 : i32
      %add3A_102 = arith.constant 1 : i32
      %add3A_103 = arith.addi %mul3A_101, %add3A_102 : i32
      %get3A_104 = arith.index_cast %add3A_103 : i32 to index
      %get3A_105 = arith.constant 0 : index
      %get3A_106 = tpu.vector_load %arg7[%get3A_104, %get3A_105] {strides = array<i32>} : memref<320x16xf32, #tpu.memory_space<vmem>>, vector<16xf32>,
      %add3A_107 = arith.addf %get3A_99, %get3A_106 : vector<16xf32>
      %mul3A_108 = vector.broadcast %reduce_sum3A_92 : f32 to vector<16xf32>
      %mul3A_109 = arith.mulf %mul3A_108, %add3A_107 : vector<16xf32>
      %add3A_110 = arith.addf %mul3A_109, %get3A_4 : vector<16xf32>
      %max3A_111 = arith.constant 0.000000e+00 : f32
      %max3A_112 = vector.broadcast %max3A_111 : f32 to vector<16xf32>
      %max3A_113 = arith.maximumf %add3A_110, %max3A_112 : vector<16xf32>
      %mul3A_114 = vector.broadcast %reduce_sum3A_92 : f32 to vector<16xf32>
      %mul3A_115 = arith.mulf %mul3A_114, %max3A_113 : vector<16xf32>
      %mul3A_116 = arith.constant 16 : i32
      %mul3A_117 = arith.muli %scan3A_10, %mul3A_116 : i32
      %add3A_118 = arith.constant 1 : i32
      %add3A_119 = arith.addi %mul3A_117, %add3A_118 : i32
      %swap3A_120 = arith.index_cast %add3A_119 : i32 to index
      %swap3A_121 = arith.constant 0 : index
      %swap3A_122 = tpu.vector_load %arg9[%swap3A_120, %swap3A_121] {strides = array<i32>} : memref<320x16xf32, #tpu.memory_space<vmem>>, vector<16xf32>,
      tpu.vector_store %arg9[%swap3A_120, %swap3A_121], %mul3A_115 {strides = array<i32>} : memref<320x16xf32, #tpu.memory_space<vmem>>, vector<16xf32>,
      %eq3A_123 = arith.constant 2 : i32
      %eq3A_124 = vector.broadcast %eq3A_123 : i32 to vector<16xi32>
      %eq3A_125 = arith.cmpi eq, %iota3A, %eq3A_124 : vector<16xi32>
      %jit3A_126 = arith.constant 0.000000e+00 : f32
      %broadcast_in_dim3A_127 = vector.broadcast %jit3A_126 : f32 to vector<16xf32>
      %select_n3A_128 = arith.select %eq3A_125, %mul3A_49, %broadcast_in_dim3A_127 : vector<16xi1>, vector<16xf32>
      %reduce_sum3A_129 = arith.constant true
      %reduce_sum3A_130 = vector.broadcast %reduce_sum3A_129 : i1 to vector<16xi1>
      %reduce_sum3A_131 = tpu.scan <sum>, %select_n3A_128 masked %reduce_sum3A_130 : vector<16xf32>, vector<16xi1> -> vector<16xf32>
      %reduce_sum3A_132 = vector.extract %reduce_sum3A_131[15] : f32 from vector<16xf32>
      %mul3A_133 = arith.constant 16 : i32
      %mul3A_134 = arith.muli %scan3A_10, %mul3A_133 : i32
      %add3A_135 = arith.constant 2 : i32
      %add3A_136 = arith.addi %mul3A_134, %add3A_135 : i32
      %get3A_137 = arith.index_cast %add3A_136 : i32 to index
      %get3A_138 = arith.constant 0 : index
      %get3A_139 = tpu.vector_load %arg6[%get3A_137, %get3A_138] {strides = array<i32>} : memref<320x16xf32, #tpu.memory_space<vmem>>, vector<16xf32>,
      %mul3A_140 = arith.constant 16 : i32
      %mul3A_141 = arith.muli %scan3A_10, %mul3A_140 : i32
      %add3A_142 = arith.constant 2 : i32
      %add3A_143 = arith.addi %mul3A_141, %add3A_142 : i32
      %get3A_144 = arith.index_cast %add3A_143 : i32 to index
      %get3A_145 = arith.constant 0 : index
      %get3A_146 = tpu.vector_load %arg7[%get3A_144, %get3A_145] {strides = array<i32>} : memref<320x16xf32, #tpu.memory_space<vmem>>, vector<16xf32>,
      %add3A_147 = arith.addf %get3A_139, %get3A_146 : vector<16xf32>
      %mul3A_148 = vector.broadcast %reduce_sum3A_132 : f32 to vector<16xf32>
      %mul3A_149 = arith.mulf %mul3A_148, %add3A_147 : vector<16xf32>
      %add3A_150 = arith.addf %mul3A_149, %get3A_4 : vector<16xf32>
      %max3A_151 = arith.constant 0.000000e+00 : f32
      %max3A_152 = vector.broadcast %max3A_151 : f32 to vector<16xf32>
      %max3A_153 = arith.maximumf %add3A_150, %max3A_152 : vector<16xf32>
      %mul3A_154 = vector.broadcast %reduce_sum3A_132 : f32 to vector<16xf32>
      %mul3A_155 = arith.mulf %mul3A_154, %max3A_153 : vector<16xf32>
      %mul3A_156 = arith.constant 16 : i32
      %mul3A_157 = arith.muli %scan3A_10, %mul3A_156 : i32
      %add3A_158 = arith.constant 2 : i32
      %add3A_159 = arith.addi %mul3A_157, %add3A_158 : i32
      %swap3A_160 = arith.index_cast %add3A_159 : i32 to index
      %swap3A_161 = arith.constant 0 : index
      %swap3A_162 = tpu.vector_load %arg9[%swap3A_160, %swap3A_161] {strides = array<i32>} : memref<320x16xf32, #tpu.memory_space<vmem>>, vector<16xf32>,
      tpu.vector_store %arg9[%swap3A_160, %swap3A_161], %mul3A_155 {strides = array<i32>} : memref<320x16xf32, #tpu.memory_space<vmem>>, vector<16xf32>,
      %eq3A_163 = arith.constant 3 : i32
      %eq3A_164 = vector.broadcast %eq3A_163 : i32 to vector<16xi32>
      %eq3A_165 = arith.cmpi eq, %iota3A, %eq3A_164 : vector<16xi32>
      %jit3A_166 = arith.constant 0.000000e+00 : f32
      %broadcast_in_dim3A_167 = vector.broadcast %jit3A_166 : f32 to vector<16xf32>
      %select_n3A_168 = arith.select %eq3A_165, %mul3A_49, %broadcast_in_dim3A_167 : vector<16xi1>, vector<16xf32>
      %reduce_sum3A_169 = arith.constant true
      %reduce_sum3A_170 = vector.broadcast %reduce_sum3A_169 : i1 to vector<16xi1>
      %reduce_sum3A_171 = tpu.scan <sum>, %select_n3A_168 masked %reduce_sum3A_170 : vector<16xf32>, vector<16xi1> -> vector<16xf32>
      %reduce_sum3A_172 = vector.extract %reduce_sum3A_171[15] : f32 from vector<16xf32>
      %mul3A_173 = arith.constant 16 : i32
      %mul3A_174 = arith.muli %scan3A_10, %mul3A_173 : i32
      %add3A_175 = arith.constant 3 : i32
      %add3A_176 = arith.addi %mul3A_174, %add3A_175 : i32
      %get3A_177 = arith.index_cast %add3A_176 : i32 to index
      %get3A_178 = arith.constant 0 : index
      %get3A_179 = tpu.vector_load %arg6[%get3A_177, %get3A_178] {strides = array<i32>} : memref<320x16xf32, #tpu.memory_space<vmem>>, vector<16xf32>,
      %mul3A_180 = arith.constant 16 : i32
      %mul3A_181 = arith.muli %scan3A_10, %mul3A_180 : i32
      %add3A_182 = arith.constant 3 : i32
      %add3A_183 = arith.addi %mul3A_181, %add3A_182 : i32
      %get3A_184 = arith.index_cast %add3A_183 : i32 to index
      %get3A_185 = arith.constant 0 : index
      %get3A_186 = tpu.vector_load %arg7[%get3A_184, %get3A_185] {strides = array<i32>} : memref<320x16xf32, #tpu.memory_space<vmem>>, vector<16xf32>,
      %add3A_187 = arith.addf %get3A_179, %get3A_186 : vector<16xf32>
      %mul3A_188 = vector.broadcast %reduce_sum3A_172 : f32 to vector<16xf32>
      %mul3A_189 = arith.mulf %mul3A_188, %add3A_187 : vector<16xf32>
      %add3A_190 = arith.addf %mul3A_189, %get3A_4 : vector<16xf32>
      %max3A_191 = arith.constant 0.000000e+00 : f32
      %max3A_192 = vector.broadcast %max3A_191 : f32 to vector<16xf32>
      %max3A_193 = arith.maximumf %add3A_190, %max3A_192 : vector<16xf32>
      %mul3A_194 = vector.broadcast %reduce_sum3A_172 : f32 to vector<16xf32>
      %mul3A_195 = arith.mulf %mul3A_194, %max3A_193 : vector<16xf32>
      %mul3A_196 = arith.constant 16 : i32
      %mul3A_197 = arith.muli %scan3A_10, %mul3A_196 : i32
      %add3A_198 = arith.constant 3 : i32
      %add3A_199 = arith.addi %mul3A_197, %add3A_198 : i32
      %swap3A_200 = arith.index_cast %add3A_199 : i32 to index
      %swap3A_201 = arith.constant 0 : index
      %swap3A_202 = tpu.vector_load %arg9[%swap3A_200, %swap3A_201] {strides = array<i32>} : memref<320x16xf32, #tpu.memory_space<vmem>>, vector<16xf32>,
      tpu.vector_store %arg9[%swap3A_200, %swap3A_201], %mul3A_195 {strides = array<i32>} : memref<320x16xf32, #tpu.memory_space<vmem>>, vector<16xf32>,
      %eq3A_203 = arith.constant 4 : i32
      %eq3A_204 = vector.broadcast %eq3A_203 : i32 to vector<16xi32>
      %eq3A_205 = arith.cmpi eq, %iota3A, %eq3A_204 : vector<16xi32>
      %jit3A_206 = arith.constant 0.000000e+00 : f32
      %broadcast_in_dim3A_207 = vector.broadcast %jit3A_206 : f32 to vector<16xf32>
      %select_n3A_208 = arith.select %eq3A_205, %mul3A_49, %broadcast_in_dim3A_207 : vector<16xi1>, vector<16xf32>
      %reduce_sum3A_209 = arith.constant true
      %reduce_sum3A_210 = vector.broadcast %reduce_sum3A_209 : i1 to vector<16xi1>
      %reduce_sum3A_211 = tpu.scan <sum>, %select_n3A_208 masked %reduce_sum3A_210 : vector<16xf32>, vector<16xi1> -> vector<16xf32>
      %reduce_sum3A_212 = vector.extract %reduce_sum3A_211[15] : f32 from vector<16xf32>
      %mul3A_213 = arith.constant 16 : i32
      %mul3A_214 = arith.muli %scan3A_10, %mul3A_213 : i32
      %add3A_215 = arith.constant 4 : i32
      %add3A_216 = arith.addi %mul3A_214, %add3A_215 : i32
      %get3A_217 = arith.index_cast %add3A_216 : i32 to index
      %get3A_218 = arith.constant 0 : index
      %get3A_219 = tpu.vector_load %arg6[%get3A_217, %get3A_218] {strides = array<i32>} : memref<320x16xf32, #tpu.memory_space<vmem>>, vector<16xf32>,
      %mul3A_220 = arith.constant 16 : i32
      %mul3A_221 = arith.muli %scan3A_10, %mul3A_220 : i32
      %add3A_222 = arith.constant 4 : i32
      %add3A_223 = arith.addi %mul3A_221, %add3A_222 : i32
      %get3A_224 = arith.index_cast %add3A_223 : i32 to index
      %get3A_225 = arith.constant 0 : index
      %get3A_226 = tpu.vector_load %arg7[%get3A_224, %get3A_225] {strides = array<i32>} : memref<320x16xf32, #tpu.memory_space<vmem>>, vector<16xf32>,
      %add3A_227 = arith.addf %get3A_219, %get3A_226 : vector<16xf32>
      %mul3A_228 = vector.broadcast %reduce_sum3A_212 : f32 to vector<16xf32>
      %mul3A_229 = arith.mulf %mul3A_228, %add3A_227 : vector<16xf32>
      %add3A_230 = arith.addf %mul3A_229, %get3A_4 : vector<16xf32>
      %max3A_231 = arith.constant 0.000000e+00 : f32
      %max3A_232 = vector.broadcast %max3A_231 : f32 to vector<16xf32>
      %max3A_233 = arith.maximumf %add3A_230, %max3A_232 : vector<16xf32>
      %mul3A_234 = vector.broadcast %reduce_sum3A_212 : f32 to vector<16xf32>
      %mul3A_235 = arith.mulf %mul3A_234, %max3A_233 : vector<16xf32>
      %mul3A_236 = arith.constant 16 : i32
      %mul3A_237 = arith.muli %scan3A_10, %mul3A_236 : i32
      %add3A_238 = arith.constant 4 : i32
      %add3A_239 = arith.addi %mul3A_237, %add3A_238 : i32
      %swap3A_240 = arith.index_cast %add3A_239 : i32 to index
      %swap3A_241 = arith.constant 0 : index
      %swap3A_242 = tpu.vector_load %arg9[%swap3A_240, %swap3A_241] {strides = array<i32>} : memref<320x16xf32, #tpu.memory_space<vmem>>, vector<16xf32>,
      tpu.vector_store %arg9[%swap3A_240, %swap3A_241], %mul3A_235 {strides = array<i32>} : memref<320x16xf32, #tpu.memory_space<vmem>>, vector<16xf32>,
      %eq3A_243 = arith.constant 5 : i32
      %eq3A_244 = vector.broadcast %eq3A_243 : i32 to vector<16xi32>
      %eq3A_245 = arith.cmpi eq, %iota3A, %eq3A_244 : vector<16xi32>
      %jit3A_246 = arith.constant 0.000000e+00 : f32
      %broadcast_in_dim3A_247 = vector.broadcast %jit3A_246 : f32 to vector<16xf32>
      %select_n3A_248 = arith.select %eq3A_245, %mul3A_49, %broadcast_in_dim3A_247 : vector<16xi1>, vector<16xf32>
      %reduce_sum3A_249 = arith.constant true
      %reduce_sum3A_250 = vector.broadcast %reduce_sum3A_249 : i1 to vector<16xi1>
      %reduce_sum3A_251 = tpu.scan <sum>, %select_n3A_248 masked %reduce_sum3A_250 : vector<16xf32>, vector<16xi1> -> vector<16xf32>
      %reduce_sum3A_252 = vector.extract %reduce_sum3A_251[15] : f32 from vector<16xf32>
      %mul3A_253 = arith.constant 16 : i32
      %mul3A_254 = arith.muli %scan3A_10, %mul3A_253 : i32
      %add3A_255 = arith.constant 5 : i32
      %add3A_256 = arith.addi %mul3A_254, %add3A_255 : i32
      %get3A_257 = arith.index_cast %add3A_256 : i32 to index
      %get3A_258 = arith.constant 0 : index
      %get3A_259 = tpu.vector_load %arg6[%get3A_257, %get3A_258] {strides = array<i32>} : memref<320x16xf32, #tpu.memory_space<vmem>>, vector<16xf32>,
      %mul3A_260 = arith.constant 16 : i32
      %mul3A_261 = arith.muli %scan3A_10, %mul3A_260 : i32
      %add3A_262 = arith.constant 5 : i32
      %add3A_263 = arith.addi %mul3A_261, %add3A_262 : i32
      %get3A_264 = arith.index_cast %add3A_263 : i32 to index
      %get3A_265 = arith.constant 0 : index
      %get3A_266 = tpu.vector_load %arg7[%get3A_264, %get3A_265] {strides = array<i32>} : memref<320x16xf32, #tpu.memory_space<vmem>>, vector<16xf32>,
      %add3A_267 = arith.addf %get3A_259, %get3A_266 : vector<16xf32>
      %mul3A_268 = vector.broadcast %reduce_sum3A_252 : f32 to vector<16xf32>
      %mul3A_269 = arith.mulf %mul3A_268, %add3A_267 : vector<16xf32>
      %add3A_270 = arith.addf %mul3A_269, %get3A_4 : vector<16xf32>
      %max3A_271 = arith.constant 0.000000e+00 : f32
      %max3A_272 = vector.broadcast %max3A_271 : f32 to vector<16xf32>
      %max3A_273 = arith.maximumf %add3A_270, %max3A_272 : vector<16xf32>
      %mul3A_274 = vector.broadcast %reduce_sum3A_252 : f32 to vector<16xf32>
      %mul3A_275 = arith.mulf %mul3A_274, %max3A_273 : vector<16xf32>
      %mul3A_276 = arith.constant 16 : i32
      %mul3A_277 = arith.muli %scan3A_10, %mul3A_276 : i32
      %add3A_278 = arith.constant 5 : i32
      %add3A_279 = arith.addi %mul3A_277, %add3A_278 : i32
      %swap3A_280 = arith.index_cast %add3A_279 : i32 to index
      %swap3A_281 = arith.constant 0 : index
      %swap3A_282 = tpu.vector_load %arg9[%swap3A_280, %swap3A_281] {strides = array<i32>} : memref<320x16xf32, #tpu.memory_space<vmem>>, vector<16xf32>,
      tpu.vector_store %arg9[%swap3A_280, %swap3A_281], %mul3A_275 {strides = array<i32>} : memref<320x16xf32, #tpu.memory_space<vmem>>, vector<16xf32>,
      %eq3A_283 = arith.constant 6 : i32
      %eq3A_284 = vector.broadcast %eq3A_283 : i32 to vector<16xi32>
      %eq3A_285 = arith.cmpi eq, %iota3A, %eq3A_284 : vector<16xi32>
      %jit3A_286 = arith.constant 0.000000e+00 : f32
      %broadcast_in_dim3A_287 = vector.broadcast %jit3A_286 : f32 to vector<16xf32>
      %select_n3A_288 = arith.select %eq3A_285, %mul3A_49, %broadcast_in_dim3A_287 : vector<16xi1>, vector<16xf32>
      %reduce_sum3A_289 = arith.constant true
      %reduce_sum3A_290 = vector.broadcast %reduce_sum3A_289 : i1 to vector<16xi1>
      %reduce_sum3A_291 = tpu.scan <sum>, %select_n3A_288 masked %reduce_sum3A_290 : vector<16xf32>, vector<16xi1> -> vector<16xf32>
      %reduce_sum3A_292 = vector.extract %reduce_sum3A_291[15] : f32 from vector<16xf32>
      %mul3A_293 = arith.constant 16 : i32
      %mul3A_294 = arith.muli %scan3A_10, %mul3A_293 : i32
      %add3A_295 = arith.constant 6 : i32
      %add3A_296 = arith.addi %mul3A_294, %add3A_295 : i32
      %get3A_297 = arith.index_cast %add3A_296 : i32 to index
      %get3A_298 = arith.constant 0 : index
      %get3A_299 = tpu.vector_load %arg6[%get3A_297, %get3A_298] {strides = array<i32>} : memref<320x16xf32, #tpu.memory_space<vmem>>, vector<16xf32>,
      %mul3A_300 = arith.constant 16 : i32
      %mul3A_301 = arith.muli %scan3A_10, %mul3A_300 : i32
      %add3A_302 = arith.constant 6 : i32
      %add3A_303 = arith.addi %mul3A_301, %add3A_302 : i32
      %get3A_304 = arith.index_cast %add3A_303 : i32 to index
      %get3A_305 = arith.constant 0 : index
      %get3A_306 = tpu.vector_load %arg7[%get3A_304, %get3A_305] {strides = array<i32>} : memref<320x16xf32, #tpu.memory_space<vmem>>, vector<16xf32>,
      %add3A_307 = arith.addf %get3A_299, %get3A_306 : vector<16xf32>
      %mul3A_308 = vector.broadcast %reduce_sum3A_292 : f32 to vector<16xf32>
      %mul3A_309 = arith.mulf %mul3A_308, %add3A_307 : vector<16xf32>
      %add3A_310 = arith.addf %mul3A_309, %get3A_4 : vector<16xf32>
      %max3A_311 = arith.constant 0.000000e+00 : f32
      %max3A_312 = vector.broadcast %max3A_311 : f32 to vector<16xf32>
      %max3A_313 = arith.maximumf %add3A_310, %max3A_312 : vector<16xf32>
      %mul3A_314 = vector.broadcast %reduce_sum3A_292 : f32 to vector<16xf32>
      %mul3A_315 = arith.mulf %mul3A_314, %max3A_313 : vector<16xf32>
      %mul3A_316 = arith.constant 16 : i32
      %mul3A_317 = arith.muli %scan3A_10, %mul3A_316 : i32
      %add3A_318 = arith.constant 6 : i32
      %add3A_319 = arith.addi %mul3A_317, %add3A_318 : i32
      %swap3A_320 = arith.index_cast %add3A_319 : i32 to index
      %swap3A_321 = arith.constant 0 : index
      %swap3A_322 = tpu.vector_load %arg9[%swap3A_320, %swap3A_321] {strides = array<i32>} : memref<320x16xf32, #tpu.memory_space<vmem>>, vector<16xf32>,
      tpu.vector_store %arg9[%swap3A_320, %swap3A_321], %mul3A_315 {strides = array<i32>} : memref<320x16xf32, #tpu.memory_space<vmem>>, vector<16xf32>,
      %eq3A_323 = arith.constant 7 : i32
      %eq3A_324 = vector.broadcast %eq3A_323 : i32 to vector<16xi32>
      %eq3A_325 = arith.cmpi eq, %iota3A, %eq3A_324 : vector<16xi32>
      %jit3A_326 = arith.constant 0.000000e+00 : f32
      %broadcast_in_dim3A_327 = vector.broadcast %jit3A_326 : f32 to vector<16xf32>
      %select_n3A_328 = arith.select %eq3A_325, %mul3A_49, %broadcast_in_dim3A_327 : vector<16xi1>, vector<16xf32>
      %reduce_sum3A_329 = arith.constant true
      %reduce_sum3A_330 = vector.broadcast %reduce_sum3A_329 : i1 to vector<16xi1>
      %reduce_sum3A_331 = tpu.scan <sum>, %select_n3A_328 masked %reduce_sum3A_330 : vector<16xf32>, vector<16xi1> -> vector<16xf32>
      %reduce_sum3A_332 = vector.extract %reduce_sum3A_331[15] : f32 from vector<16xf32>
      %mul3A_333 = arith.constant 16 : i32
      %mul3A_334 = arith.muli %scan3A_10, %mul3A_333 : i32
      %add3A_335 = arith.constant 7 : i32
      %add3A_336 = arith.addi %mul3A_334, %add3A_335 : i32
      %get3A_337 = arith.index_cast %add3A_336 : i32 to index
      %get3A_338 = arith.constant 0 : index
      %get3A_339 = tpu.vector_load %arg6[%get3A_337, %get3A_338] {strides = array<i32>} : memref<320x16xf32, #tpu.memory_space<vmem>>, vector<16xf32>,
      %mul3A_340 = arith.constant 16 : i32
      %mul3A_341 = arith.muli %scan3A_10, %mul3A_340 : i32
      %add3A_342 = arith.constant 7 : i32
      %add3A_343 = arith.addi %mul3A_341, %add3A_342 : i32
      %get3A_344 = arith.index_cast %add3A_343 : i32 to index
      %get3A_345 = arith.constant 0 : index
      %get3A_346 = tpu.vector_load %arg7[%get3A_344, %get3A_345] {strides = array<i32>} : memref<320x16xf32, #tpu.memory_space<vmem>>, vector<16xf32>,
      %add3A_347 = arith.addf %get3A_339, %get3A_346 : vector<16xf32>
      %mul3A_348 = vector.broadcast %reduce_sum3A_332 : f32 to vector<16xf32>
      %mul3A_349 = arith.mulf %mul3A_348, %add3A_347 : vector<16xf32>
      %add3A_350 = arith.addf %mul3A_349, %get3A_4 : vector<16xf32>
      %max3A_351 = arith.constant 0.000000e+00 : f32
      %max3A_352 = vector.broadcast %max3A_351 : f32 to vector<16xf32>
      %max3A_353 = arith.maximumf %add3A_350, %max3A_352 : vector<16xf32>
      %mul3A_354 = vector.broadcast %reduce_sum3A_332 : f32 to vector<16xf32>
      %mul3A_355 = arith.mulf %mul3A_354, %max3A_353 : vector<16xf32>
      %mul3A_356 = arith.constant 16 : i32
      %mul3A_357 = arith.muli %scan3A_10, %mul3A_356 : i32
      %add3A_358 = arith.constant 7 : i32
      %add3A_359 = arith.addi %mul3A_357, %add3A_358 : i32
      %swap3A_360 = arith.index_cast %add3A_359 : i32 to index
      %swap3A_361 = arith.constant 0 : index
      %swap3A_362 = tpu.vector_load %arg9[%swap3A_360, %swap3A_361] {strides = array<i32>} : memref<320x16xf32, #tpu.memory_space<vmem>>, vector<16xf32>,
      tpu.vector_store %arg9[%swap3A_360, %swap3A_361], %mul3A_355 {strides = array<i32>} : memref<320x16xf32, #tpu.memory_space<vmem>>, vector<16xf32>,
      %eq3A_363 = arith.constant 8 : i32
      %eq3A_364 = vector.broadcast %eq3A_363 : i32 to vector<16xi32>
      %eq3A_365 = arith.cmpi eq, %iota3A, %eq3A_364 : vector<16xi32>
      %jit3A_366 = arith.constant 0.000000e+00 : f32
      %broadcast_in_dim3A_367 = vector.broadcast %jit3A_366 : f32 to vector<16xf32>
      %select_n3A_368 = arith.select %eq3A_365, %mul3A_49, %broadcast_in_dim3A_367 : vector<16xi1>, vector<16xf32>
      %reduce_sum3A_369 = arith.constant true
      %reduce_sum3A_370 = vector.broadcast %reduce_sum3A_369 : i1 to vector<16xi1>
      %reduce_sum3A_371 = tpu.scan <sum>, %select_n3A_368 masked %reduce_sum3A_370 : vector<16xf32>, vector<16xi1> -> vector<16xf32>
      %reduce_sum3A_372 = vector.extract %reduce_sum3A_371[15] : f32 from vector<16xf32>
      %mul3A_373 = arith.constant 16 : i32
      %mul3A_374 = arith.muli %scan3A_10, %mul3A_373 : i32
      %add3A_375 = arith.constant 8 : i32
      %add3A_376 = arith.addi %mul3A_374, %add3A_375 : i32
      %get3A_377 = arith.index_cast %add3A_376 : i32 to index
      %get3A_378 = arith.constant 0 : index
      %get3A_379 = tpu.vector_load %arg6[%get3A_377, %get3A_378] {strides = array<i32>} : memref<320x16xf32, #tpu.memory_space<vmem>>, vector<16xf32>,
      %mul3A_380 = arith.constant 16 : i32
      %mul3A_381 = arith.muli %scan3A_10, %mul3A_380 : i32
      %add3A_382 = arith.constant 8 : i32
      %add3A_383 = arith.addi %mul3A_381, %add3A_382 : i32
      %get3A_384 = arith.index_cast %add3A_383 : i32 to index
      %get3A_385 = arith.constant 0 : index
      %get3A_386 = tpu.vector_load %arg7[%get3A_384, %get3A_385] {strides = array<i32>} : memref<320x16xf32, #tpu.memory_space<vmem>>, vector<16xf32>,
      %add3A_387 = arith.addf %get3A_379, %get3A_386 : vector<16xf32>
      %mul3A_388 = vector.broadcast %reduce_sum3A_372 : f32 to vector<16xf32>
      %mul3A_389 = arith.mulf %mul3A_388, %add3A_387 : vector<16xf32>
      %add3A_390 = arith.addf %mul3A_389, %get3A_4 : vector<16xf32>
      %max3A_391 = arith.constant 0.000000e+00 : f32
      %max3A_392 = vector.broadcast %max3A_391 : f32 to vector<16xf32>
      %max3A_393 = arith.maximumf %add3A_390, %max3A_392 : vector<16xf32>
      %mul3A_394 = vector.broadcast %reduce_sum3A_372 : f32 to vector<16xf32>
      %mul3A_395 = arith.mulf %mul3A_394, %max3A_393 : vector<16xf32>
      %mul3A_396 = arith.constant 16 : i32
      %mul3A_397 = arith.muli %scan3A_10, %mul3A_396 : i32
      %add3A_398 = arith.constant 8 : i32
      %add3A_399 = arith.addi %mul3A_397, %add3A_398 : i32
      %swap3A_400 = arith.index_cast %add3A_399 : i32 to index
      %swap3A_401 = arith.constant 0 : index
      %swap3A_402 = tpu.vector_load %arg9[%swap3A_400, %swap3A_401] {strides = array<i32>} : memref<320x16xf32, #tpu.memory_space<vmem>>, vector<16xf32>,
      tpu.vector_store %arg9[%swap3A_400, %swap3A_401], %mul3A_395 {strides = array<i32>} : memref<320x16xf32, #tpu.memory_space<vmem>>, vector<16xf32>,
      %eq3A_403 = arith.constant 9 : i32
      %eq3A_404 = vector.broadcast %eq3A_403 : i32 to vector<16xi32>
      %eq3A_405 = arith.cmpi eq, %iota3A, %eq3A_404 : vector<16xi32>
      %jit3A_406 = arith.constant 0.000000e+00 : f32
      %broadcast_in_dim3A_407 = vector.broadcast %jit3A_406 : f32 to vector<16xf32>
      %select_n3A_408 = arith.select %eq3A_405, %mul3A_49, %broadcast_in_dim3A_407 : vector<16xi1>, vector<16xf32>
      %reduce_sum3A_409 = arith.constant true
      %reduce_sum3A_410 = vector.broadcast %reduce_sum3A_409 : i1 to vector<16xi1>
      %reduce_sum3A_411 = tpu.scan <sum>, %select_n3A_408 masked %reduce_sum3A_410 : vector<16xf32>, vector<16xi1> -> vector<16xf32>
      %reduce_sum3A_412 = vector.extract %reduce_sum3A_411[15] : f32 from vector<16xf32>
      %mul3A_413 = arith.constant 16 : i32
      %mul3A_414 = arith.muli %scan3A_10, %mul3A_413 : i32
      %add3A_415 = arith.constant 9 : i32
      %add3A_416 = arith.addi %mul3A_414, %add3A_415 : i32
      %get3A_417 = arith.index_cast %add3A_416 : i32 to index
      %get3A_418 = arith.constant 0 : index
      %get3A_419 = tpu.vector_load %arg6[%get3A_417, %get3A_418] {strides = array<i32>} : memref<320x16xf32, #tpu.memory_space<vmem>>, vector<16xf32>,
      %mul3A_420 = arith.constant 16 : i32
      %mul3A_421 = arith.muli %scan3A_10, %mul3A_420 : i32
      %add3A_422 = arith.constant 9 : i32
      %add3A_423 = arith.addi %mul3A_421, %add3A_422 : i32
      %get3A_424 = arith.index_cast %add3A_423 : i32 to index
      %get3A_425 = arith.constant 0 : index
      %get3A_426 = tpu.vector_load %arg7[%get3A_424, %get3A_425] {strides = array<i32>} : memref<320x16xf32, #tpu.memory_space<vmem>>, vector<16xf32>,
      %add3A_427 = arith.addf %get3A_419, %get3A_426 : vector<16xf32>
      %mul3A_428 = vector.broadcast %reduce_sum3A_412 : f32 to vector<16xf32>
      %mul3A_429 = arith.mulf %mul3A_428, %add3A_427 : vector<16xf32>
      %add3A_430 = arith.addf %mul3A_429, %get3A_4 : vector<16xf32>
      %max3A_431 = arith.constant 0.000000e+00 : f32
      %max3A_432 = vector.broadcast %max3A_431 : f32 to vector<16xf32>
      %max3A_433 = arith.maximumf %add3A_430, %max3A_432 : vector<16xf32>
      %mul3A_434 = vector.broadcast %reduce_sum3A_412 : f32 to vector<16xf32>
      %mul3A_435 = arith.mulf %mul3A_434, %max3A_433 : vector<16xf32>
      %mul3A_436 = arith.constant 16 : i32
      %mul3A_437 = arith.muli %scan3A_10, %mul3A_436 : i32
      %add3A_438 = arith.constant 9 : i32
      %add3A_439 = arith.addi %mul3A_437, %add3A_438 : i32
      %swap3A_440 = arith.index_cast %add3A_439 : i32 to index
      %swap3A_441 = arith.constant 0 : index
      %swap3A_442 = tpu.vector_load %arg9[%swap3A_440, %swap3A_441] {strides = array<i32>} : memref<320x16xf32, #tpu.memory_space<vmem>>, vector<16xf32>,
      tpu.vector_store %arg9[%swap3A_440, %swap3A_441], %mul3A_435 {strides = array<i32>} : memref<320x16xf32, #tpu.memory_space<vmem>>, vector<16xf32>,
      %eq3A_443 = arith.constant 10 : i32
      %eq3A_444 = vector.broadcast %eq3A_443 : i32 to vector<16xi32>
      %eq3A_445 = arith.cmpi eq, %iota3A, %eq3A_444 : vector<16xi32>
      %jit3A_446 = arith.constant 0.000000e+00 : f32
      %broadcast_in_dim3A_447 = vector.broadcast %jit3A_446 : f32 to vector<16xf32>
      %select_n3A_448 = arith.select %eq3A_445, %mul3A_49, %broadcast_in_dim3A_447 : vector<16xi1>, vector<16xf32>
      %reduce_sum3A_449 = arith.constant true
      %reduce_sum3A_450 = vector.broadcast %reduce_sum3A_449 : i1 to vector<16xi1>
      %reduce_sum3A_451 = tpu.scan <sum>, %select_n3A_448 masked %reduce_sum3A_450 : vector<16xf32>, vector<16xi1> -> vector<16xf32>
      %reduce_sum3A_452 = vector.extract %reduce_sum3A_451[15] : f32 from vector<16xf32>
      %mul3A_453 = arith.constant 16 : i32
      %mul3A_454 = arith.muli %scan3A_10, %mul3A_453 : i32
      %add3A_455 = arith.constant 10 : i32
      %add3A_456 = arith.addi %mul3A_454, %add3A_455 : i32
      %get3A_457 = arith.index_cast %add3A_456 : i32 to index
      %get3A_458 = arith.constant 0 : index
      %get3A_459 = tpu.vector_load %arg6[%get3A_457, %get3A_458] {strides = array<i32>} : memref<320x16xf32, #tpu.memory_space<vmem>>, vector<16xf32>,
      %mul3A_460 = arith.constant 16 : i32
      %mul3A_461 = arith.muli %scan3A_10, %mul3A_460 : i32
      %add3A_462 = arith.constant 10 : i32
      %add3A_463 = arith.addi %mul3A_461, %add3A_462 : i32
      %get3A_464 = arith.index_cast %add3A_463 : i32 to index
      %get3A_465 = arith.constant 0 : index
      %get3A_466 = tpu.vector_load %arg7[%get3A_464, %get3A_465] {strides = array<i32>} : memref<320x16xf32, #tpu.memory_space<vmem>>, vector<16xf32>,
      %add3A_467 = arith.addf %get3A_459, %get3A_466 : vector<16xf32>
      %mul3A_468 = vector.broadcast %reduce_sum3A_452 : f32 to vector<16xf32>
      %mul3A_469 = arith.mulf %mul3A_468, %add3A_467 : vector<16xf32>
      %add3A_470 = arith.addf %mul3A_469, %get3A_4 : vector<16xf32>
      %max3A_471 = arith.constant 0.000000e+00 : f32
      %max3A_472 = vector.broadcast %max3A_471 : f32 to vector<16xf32>
      %max3A_473 = arith.maximumf %add3A_470, %max3A_472 : vector<16xf32>
      %mul3A_474 = vector.broadcast %reduce_sum3A_452 : f32 to vector<16xf32>
      %mul3A_475 = arith.mulf %mul3A_474, %max3A_473 : vector<16xf32>
      %mul3A_476 = arith.constant 16 : i32
      %mul3A_477 = arith.muli %scan3A_10, %mul3A_476 : i32
      %add3A_478 = arith.constant 10 : i32
      %add3A_479 = arith.addi %mul3A_477, %add3A_478 : i32
      %swap3A_480 = arith.index_cast %add3A_479 : i32 to index
      %swap3A_481 = arith.constant 0 : index
      %swap3A_482 = tpu.vector_load %arg9[%swap3A_480, %swap3A_481] {strides = array<i32>} : memref<320x16xf32, #tpu.memory_space<vmem>>, vector<16xf32>,
      tpu.vector_store %arg9[%swap3A_480, %swap3A_481], %mul3A_475 {strides = array<i32>} : memref<320x16xf32, #tpu.memory_space<vmem>>, vector<16xf32>,
      %eq3A_483 = arith.constant 11 : i32
      %eq3A_484 = vector.broadcast %eq3A_483 : i32 to vector<16xi32>
      %eq3A_485 = arith.cmpi eq, %iota3A, %eq3A_484 : vector<16xi32>
      %jit3A_486 = arith.constant 0.000000e+00 : f32
      %broadcast_in_dim3A_487 = vector.broadcast %jit3A_486 : f32 to vector<16xf32>
      %select_n3A_488 = arith.select %eq3A_485, %mul3A_49, %broadcast_in_dim3A_487 : vector<16xi1>, vector<16xf32>
      %reduce_sum3A_489 = arith.constant true
      %reduce_sum3A_490 = vector.broadcast %reduce_sum3A_489 : i1 to vector<16xi1>
      %reduce_sum3A_491 = tpu.scan <sum>, %select_n3A_488 masked %reduce_sum3A_490 : vector<16xf32>, vector<16xi1> -> vector<16xf32>
      %reduce_sum3A_492 = vector.extract %reduce_sum3A_491[15] : f32 from vector<16xf32>
      %mul3A_493 = arith.constant 16 : i32
      %mul3A_494 = arith.muli %scan3A_10, %mul3A_493 : i32
      %add3A_495 = arith.constant 11 : i32
      %add3A_496 = arith.addi %mul3A_494, %add3A_495 : i32
      %get3A_497 = arith.index_cast %add3A_496 : i32 to index
      %get3A_498 = arith.constant 0 : index
      %get3A_499 = tpu.vector_load %arg6[%get3A_497, %get3A_498] {strides = array<i32>} : memref<320x16xf32, #tpu.memory_space<vmem>>, vector<16xf32>,
      %mul3A_500 = arith.constant 16 : i32
      %mul3A_501 = arith.muli %scan3A_10, %mul3A_500 : i32
      %add3A_502 = arith.constant 11 : i32
      %add3A_503 = arith.addi %mul3A_501, %add3A_502 : i32
      %get3A_504 = arith.index_cast %add3A_503 : i32 to index
      %get3A_505 = arith.constant 0 : index
      %get3A_506 = tpu.vector_load %arg7[%get3A_504, %get3A_505] {strides = array<i32>} : memref<320x16xf32, #tpu.memory_space<vmem>>, vector<16xf32>,
      %add3A_507 = arith.addf %get3A_499, %get3A_506 : vector<16xf32>
      %mul3A_508 = vector.broadcast %reduce_sum3A_492 : f32 to vector<16xf32>
      %mul3A_509 = arith.mulf %mul3A_508, %add3A_507 : vector<16xf32>
      %add3A_510 = arith.addf %mul3A_509, %get3A_4 : vector<16xf32>
      %max3A_511 = arith.constant 0.000000e+00 : f32
      %max3A_512 = vector.broadcast %max3A_511 : f32 to vector<16xf32>
      %max3A_513 = arith.maximumf %add3A_510, %max3A_512 : vector<16xf32>
      %mul3A_514 = vector.broadcast %reduce_sum3A_492 : f32 to vector<16xf32>
      %mul3A_515 = arith.mulf %mul3A_514, %max3A_513 : vector<16xf32>
      %mul3A_516 = arith.constant 16 : i32
      %mul3A_517 = arith.muli %scan3A_10, %mul3A_516 : i32
      %add3A_518 = arith.constant 11 : i32
      %add3A_519 = arith.addi %mul3A_517, %add3A_518 : i32
      %swap3A_520 = arith.index_cast %add3A_519 : i32 to index
      %swap3A_521 = arith.constant 0 : index
      %swap3A_522 = tpu.vector_load %arg9[%swap3A_520, %swap3A_521] {strides = array<i32>} : memref<320x16xf32, #tpu.memory_space<vmem>>, vector<16xf32>,
      tpu.vector_store %arg9[%swap3A_520, %swap3A_521], %mul3A_515 {strides = array<i32>} : memref<320x16xf32, #tpu.memory_space<vmem>>, vector<16xf32>,
      %eq3A_523 = arith.constant 12 : i32
      %eq3A_524 = vector.broadcast %eq3A_523 : i32 to vector<16xi32>
      %eq3A_525 = arith.cmpi eq, %iota3A, %eq3A_524 : vector<16xi32>
      %jit3A_526 = arith.constant 0.000000e+00 : f32
      %broadcast_in_dim3A_527 = vector.broadcast %jit3A_526 : f32 to vector<16xf32>
      %select_n3A_528 = arith.select %eq3A_525, %mul3A_49, %broadcast_in_dim3A_527 : vector<16xi1>, vector<16xf32>
      %reduce_sum3A_529 = arith.constant true
      %reduce_sum3A_530 = vector.broadcast %reduce_sum3A_529 : i1 to vector<16xi1>
      %reduce_sum3A_531 = tpu.scan <sum>, %select_n3A_528 masked %reduce_sum3A_530 : vector<16xf32>, vector<16xi1> -> vector<16xf32>
      %reduce_sum3A_532 = vector.extract %reduce_sum3A_531[15] : f32 from vector<16xf32>
      %mul3A_533 = arith.constant 16 : i32
      %mul3A_534 = arith.muli %scan3A_10, %mul3A_533 : i32
      %add3A_535 = arith.constant 12 : i32
      %add3A_536 = arith.addi %mul3A_534, %add3A_535 : i32
      %get3A_537 = arith.index_cast %add3A_536 : i32 to index
      %get3A_538 = arith.constant 0 : index
      %get3A_539 = tpu.vector_load %arg6[%get3A_537, %get3A_538] {strides = array<i32>} : memref<320x16xf32, #tpu.memory_space<vmem>>, vector<16xf32>,
      %mul3A_540 = arith.constant 16 : i32
      %mul3A_541 = arith.muli %scan3A_10, %mul3A_540 : i32
      %add3A_542 = arith.constant 12 : i32
      %add3A_543 = arith.addi %mul3A_541, %add3A_542 : i32
      %get3A_544 = arith.index_cast %add3A_543 : i32 to index
      %get3A_545 = arith.constant 0 : index
      %get3A_546 = tpu.vector_load %arg7[%get3A_544, %get3A_545] {strides = array<i32>} : memref<320x16xf32, #tpu.memory_space<vmem>>, vector<16xf32>,
      %add3A_547 = arith.addf %get3A_539, %get3A_546 : vector<16xf32>
      %mul3A_548 = vector.broadcast %reduce_sum3A_532 : f32 to vector<16xf32>
      %mul3A_549 = arith.mulf %mul3A_548, %add3A_547 : vector<16xf32>
      %add3A_550 = arith.addf %mul3A_549, %get3A_4 : vector<16xf32>
      %max3A_551 = arith.constant 0.000000e+00 : f32
      %max3A_552 = vector.broadcast %max3A_551 : f32 to vector<16xf32>
      %max3A_553 = arith.maximumf %add3A_550, %max3A_552 : vector<16xf32>
      %mul3A_554 = vector.broadcast %reduce_sum3A_532 : f32 to vector<16xf32>
      %mul3A_555 = arith.mulf %mul3A_554, %max3A_553 : vector<16xf32>
      %mul3A_556 = arith.constant 16 : i32
      %mul3A_557 = arith.muli %scan3A_10, %mul3A_556 : i32
      %add3A_558 = arith.constant 12 : i32
      %add3A_559 = arith.addi %mul3A_557, %add3A_558 : i32
      %swap3A_560 = arith.index_cast %add3A_559 : i32 to index
      %swap3A_561 = arith.constant 0 : index
      %swap3A_562 = tpu.vector_load %arg9[%swap3A_560, %swap3A_561] {strides = array<i32>} : memref<320x16xf32, #tpu.memory_space<vmem>>, vector<16xf32>,
      tpu.vector_store %arg9[%swap3A_560, %swap3A_561], %mul3A_555 {strides = array<i32>} : memref<320x16xf32, #tpu.memory_space<vmem>>, vector<16xf32>,
      %eq3A_563 = arith.constant 13 : i32
      %eq3A_564 = vector.broadcast %eq3A_563 : i32 to vector<16xi32>
      %eq3A_565 = arith.cmpi eq, %iota3A, %eq3A_564 : vector<16xi32>
      %jit3A_566 = arith.constant 0.000000e+00 : f32
      %broadcast_in_dim3A_567 = vector.broadcast %jit3A_566 : f32 to vector<16xf32>
      %select_n3A_568 = arith.select %eq3A_565, %mul3A_49, %broadcast_in_dim3A_567 : vector<16xi1>, vector<16xf32>
      %reduce_sum3A_569 = arith.constant true
      %reduce_sum3A_570 = vector.broadcast %reduce_sum3A_569 : i1 to vector<16xi1>
      %reduce_sum3A_571 = tpu.scan <sum>, %select_n3A_568 masked %reduce_sum3A_570 : vector<16xf32>, vector<16xi1> -> vector<16xf32>
      %reduce_sum3A_572 = vector.extract %reduce_sum3A_571[15] : f32 from vector<16xf32>
      %mul3A_573 = arith.constant 16 : i32
      %mul3A_574 = arith.muli %scan3A_10, %mul3A_573 : i32
      %add3A_575 = arith.constant 13 : i32
      %add3A_576 = arith.addi %mul3A_574, %add3A_575 : i32
      %get3A_577 = arith.index_cast %add3A_576 : i32 to index
      %get3A_578 = arith.constant 0 : index
      %get3A_579 = tpu.vector_load %arg6[%get3A_577, %get3A_578] {strides = array<i32>} : memref<320x16xf32, #tpu.memory_space<vmem>>, vector<16xf32>,
      %mul3A_580 = arith.constant 16 : i32
      %mul3A_581 = arith.muli %scan3A_10, %mul3A_580 : i32
      %add3A_582 = arith.constant 13 : i32
      %add3A_583 = arith.addi %mul3A_581, %add3A_582 : i32
      %get3A_584 = arith.index_cast %add3A_583 : i32 to index
      %get3A_585 = arith.constant 0 : index
      %get3A_586 = tpu.vector_load %arg7[%get3A_584, %get3A_585] {strides = array<i32>} : memref<320x16xf32, #tpu.memory_space<vmem>>, vector<16xf32>,
      %add3A_587 = arith.addf %get3A_579, %get3A_586 : vector<16xf32>
      %mul3A_588 = vector.broadcast %reduce_sum3A_572 : f32 to vector<16xf32>
      %mul3A_589 = arith.mulf %mul3A_588, %add3A_587 : vector<16xf32>
      %add3A_590 = arith.addf %mul3A_589, %get3A_4 : vector<16xf32>
      %max3A_591 = arith.constant 0.000000e+00 : f32
      %max3A_592 = vector.broadcast %max3A_591 : f32 to vector<16xf32>
      %max3A_593 = arith.maximumf %add3A_590, %max3A_592 : vector<16xf32>
      %mul3A_594 = vector.broadcast %reduce_sum3A_572 : f32 to vector<16xf32>
      %mul3A_595 = arith.mulf %mul3A_594, %max3A_593 : vector<16xf32>
      %mul3A_596 = arith.constant 16 : i32
      %mul3A_597 = arith.muli %scan3A_10, %mul3A_596 : i32
      %add3A_598 = arith.constant 13 : i32
      %add3A_599 = arith.addi %mul3A_597, %add3A_598 : i32
      %swap3A_600 = arith.index_cast %add3A_599 : i32 to index
      %swap3A_601 = arith.constant 0 : index
      %swap3A_602 = tpu.vector_load %arg9[%swap3A_600, %swap3A_601] {strides = array<i32>} : memref<320x16xf32, #tpu.memory_space<vmem>>, vector<16xf32>,
      tpu.vector_store %arg9[%swap3A_600, %swap3A_601], %mul3A_595 {strides = array<i32>} : memref<320x16xf32, #tpu.memory_space<vmem>>, vector<16xf32>,
      %eq3A_603 = arith.constant 14 : i32
      %eq3A_604 = vector.broadcast %eq3A_603 : i32 to vector<16xi32>
      %eq3A_605 = arith.cmpi eq, %iota3A, %eq3A_604 : vector<16xi32>
      %jit3A_606 = arith.constant 0.000000e+00 : f32
      %broadcast_in_dim3A_607 = vector.broadcast %jit3A_606 : f32 to vector<16xf32>
      %select_n3A_608 = arith.select %eq3A_605, %mul3A_49, %broadcast_in_dim3A_607 : vector<16xi1>, vector<16xf32>
      %reduce_sum3A_609 = arith.constant true
      %reduce_sum3A_610 = vector.broadcast %reduce_sum3A_609 : i1 to vector<16xi1>
      %reduce_sum3A_611 = tpu.scan <sum>, %select_n3A_608 masked %reduce_sum3A_610 : vector<16xf32>, vector<16xi1> -> vector<16xf32>
      %reduce_sum3A_612 = vector.extract %reduce_sum3A_611[15] : f32 from vector<16xf32>
      %mul3A_613 = arith.constant 16 : i32
      %mul3A_614 = arith.muli %scan3A_10, %mul3A_613 : i32
      %add3A_615 = arith.constant 14 : i32
      %add3A_616 = arith.addi %mul3A_614, %add3A_615 : i32
      %get3A_617 = arith.index_cast %add3A_616 : i32 to index
      %get3A_618 = arith.constant 0 : index
      %get3A_619 = tpu.vector_load %arg6[%get3A_617, %get3A_618] {strides = array<i32>} : memref<320x16xf32, #tpu.memory_space<vmem>>, vector<16xf32>,
      %mul3A_620 = arith.constant 16 : i32
      %mul3A_621 = arith.muli %scan3A_10, %mul3A_620 : i32
      %add3A_622 = arith.constant 14 : i32
      %add3A_623 = arith.addi %mul3A_621, %add3A_622 : i32
      %get3A_624 = arith.index_cast %add3A_623 : i32 to index
      %get3A_625 = arith.constant 0 : index
      %get3A_626 = tpu.vector_load %arg7[%get3A_624, %get3A_625] {strides = array<i32>} : memref<320x16xf32, #tpu.memory_space<vmem>>, vector<16xf32>,
      %add3A_627 = arith.addf %get3A_619, %get3A_626 : vector<16xf32>
      %mul3A_628 = vector.broadcast %reduce_sum3A_612 : f32 to vector<16xf32>
      %mul3A_629 = arith.mulf %mul3A_628, %add3A_627 : vector<16xf32>
      %add3A_630 = arith.addf %mul3A_629, %get3A_4 : vector<16xf32>
      %max3A_631 = arith.constant 0.000000e+00 : f32
      %max3A_632 = vector.broadcast %max3A_631 : f32 to vector<16xf32>
      %max3A_633 = arith.maximumf %add3A_630, %max3A_632 : vector<16xf32>
      %mul3A_634 = vector.broadcast %reduce_sum3A_612 : f32 to vector<16xf32>
      %mul3A_635 = arith.mulf %mul3A_634, %max3A_633 : vector<16xf32>
      %mul3A_636 = arith.constant 16 : i32
      %mul3A_637 = arith.muli %scan3A_10, %mul3A_636 : i32
      %add3A_638 = arith.constant 14 : i32
      %add3A_639 = arith.addi %mul3A_637, %add3A_638 : i32
      %swap3A_640 = arith.index_cast %add3A_639 : i32 to index
      %swap3A_641 = arith.constant 0 : index
      %swap3A_642 = tpu.vector_load %arg9[%swap3A_640, %swap3A_641] {strides = array<i32>} : memref<320x16xf32, #tpu.memory_space<vmem>>, vector<16xf32>,
      tpu.vector_store %arg9[%swap3A_640, %swap3A_641], %mul3A_635 {strides = array<i32>} : memref<320x16xf32, #tpu.memory_space<vmem>>, vector<16xf32>,
      %eq3A_643 = arith.constant 15 : i32
      %eq3A_644 = vector.broadcast %eq3A_643 : i32 to vector<16xi32>
      %eq3A_645 = arith.cmpi eq, %iota3A, %eq3A_644 : vector<16xi32>
      %jit3A_646 = arith.constant 0.000000e+00 : f32
      %broadcast_in_dim3A_647 = vector.broadcast %jit3A_646 : f32 to vector<16xf32>
      %select_n3A_648 = arith.select %eq3A_645, %mul3A_49, %broadcast_in_dim3A_647 : vector<16xi1>, vector<16xf32>
      %reduce_sum3A_649 = arith.constant true
      %reduce_sum3A_650 = vector.broadcast %reduce_sum3A_649 : i1 to vector<16xi1>
      %reduce_sum3A_651 = tpu.scan <sum>, %select_n3A_648 masked %reduce_sum3A_650 : vector<16xf32>, vector<16xi1> -> vector<16xf32>
      %reduce_sum3A_652 = vector.extract %reduce_sum3A_651[15] : f32 from vector<16xf32>
      %mul3A_653 = arith.constant 16 : i32
      %mul3A_654 = arith.muli %scan3A_10, %mul3A_653 : i32
      %add3A_655 = arith.constant 15 : i32
      %add3A_656 = arith.addi %mul3A_654, %add3A_655 : i32
      %get3A_657 = arith.index_cast %add3A_656 : i32 to index
      %get3A_658 = arith.constant 0 : index
      %get3A_659 = tpu.vector_load %arg6[%get3A_657, %get3A_658] {strides = array<i32>} : memref<320x16xf32, #tpu.memory_space<vmem>>, vector<16xf32>,
      %mul3A_660 = arith.constant 16 : i32
      %mul3A_661 = arith.muli %scan3A_10, %mul3A_660 : i32
      %add3A_662 = arith.constant 15 : i32
      %add3A_663 = arith.addi %mul3A_661, %add3A_662 : i32
      %get3A_664 = arith.index_cast %add3A_663 : i32 to index
      %get3A_665 = arith.constant 0 : index
      %get3A_666 = tpu.vector_load %arg7[%get3A_664, %get3A_665] {strides = array<i32>} : memref<320x16xf32, #tpu.memory_space<vmem>>, vector<16xf32>,
      %add3A_667 = arith.addf %get3A_659, %get3A_666 : vector<16xf32>
      %mul3A_668 = vector.broadcast %reduce_sum3A_652 : f32 to vector<16xf32>
      %mul3A_669 = arith.mulf %mul3A_668, %add3A_667 : vector<16xf32>
      %add3A_670 = arith.addf %mul3A_669, %get3A_4 : vector<16xf32>
      %max3A_671 = arith.constant 0.000000e+00 : f32
      %max3A_672 = vector.broadcast %max3A_671 : f32 to vector<16xf32>
      %max3A_673 = arith.maximumf %add3A_670, %max3A_672 : vector<16xf32>
      %mul3A_674 = vector.broadcast %reduce_sum3A_652 : f32 to vector<16xf32>
      %mul3A_675 = arith.mulf %mul3A_674, %max3A_673 : vector<16xf32>
      %mul3A_676 = arith.constant 16 : i32
      %mul3A_677 = arith.muli %scan3A_10, %mul3A_676 : i32
      %add3A_678 = arith.constant 15 : i32
      %add3A_679 = arith.addi %mul3A_677, %add3A_678 : i32
      %swap3A_680 = arith.index_cast %add3A_679 : i32 to index
      %swap3A_681 = arith.constant 0 : index
      %swap3A_682 = tpu.vector_load %arg9[%swap3A_680, %swap3A_681] {strides = array<i32>} : memref<320x16xf32, #tpu.memory_space<vmem>>, vector<16xf32>,
      tpu.vector_store %arg9[%swap3A_680, %swap3A_681], %mul3A_675 {strides = array<i32>} : memref<320x16xf32, #tpu.memory_space<vmem>>, vector<16xf32>,
    }
    %scan3A_9 = arith.constant 20 : i32
    "tpu.region"() ({
      %run_scoped3A_10 = tpu.sem_alloc : memref<!tpu.dma_semaphore, #tpu.memory_space<semaphore_mem>>
      %dma_start3A = arith.constant 0 : i32
      %dma_start3A_11 = tpu.memref_slice %arg5[%mul3A_2, %dma_start3A] : memref<10240x16xf32, #tpu.memory_space<hbm>> -> memref<320x16xf32, #tpu.memory_space<hbm>>
      %dma_start3A_12 = arith.constant 0 : i32
      %dma_start3A_13 = tpu.memref_slice %arg5[%mul3A_2, %dma_start3A_12] : memref<10240x16xf32, #tpu.memory_space<hbm>> -> memref<320x16xf32, #tpu.memory_space<hbm>>
      tpu.enqueue_dma source(%arg9 : memref<320x16xf32, #tpu.memory_space<vmem>>) target(%dma_start3A_13 : memref<320x16xf32, #tpu.memory_space<hbm>>) target_semaphore(%run_scoped3A_10 : memref<!tpu.dma_semaphore, #tpu.memory_space<semaphore_mem>>)
      %dma_wait3A = arith.constant 0 : i32
      %dma_wait3A_14 = tpu.memref_slice %arg5[%mul3A_2, %dma_wait3A] : memref<10240x16xf32, #tpu.memory_space<hbm>> -> memref<320x16xf32, #tpu.memory_space<hbm>>
      %dma_wait3A_15 = arith.constant 0 : i32
      %dma_wait3A_16 = tpu.memref_slice %arg5[%mul3A_2, %dma_wait3A_15] : memref<10240x16xf32, #tpu.memory_space<hbm>> -> memref<320x16xf32, #tpu.memory_space<hbm>>
      tpu.wait_dma2 semaphore(%run_scoped3A_10 : memref<!tpu.dma_semaphore, #tpu.memory_space<semaphore_mem>>) src(%arg9 : memref<320x16xf32, #tpu.memory_space<vmem>>) dst(%dma_wait3A_16 : memref<320x16xf32, #tpu.memory_space<hbm>>)
      tpu.yield
    }) : () -> ()
    return
  }
}

#map = affine_map<(d0, d1) -> (0, 0, 0)>
#map1 = affine_map<(d0, d1) -> (0)>
module attributes {stable_mosaic.version = 14 : i64} {
  func.func @_sc_hist(%arg0: i32, %arg1: i32, %arg2: memref<2x2500x128xi32, #tpu.memory_space<hbm>>, %arg3: memref<10240xf32, #tpu.memory_space<hbm>>, %arg4: memref<157x128xi32, #tpu.memory_space<vmem>>, %arg5: memref<128xf32, #tpu.memory_space<vmem>>, %arg6: memref<320xf32, #tpu.memory_space<vmem>>, %arg7: memref<10240xf32, #tpu.memory_space<vmem_shared>>, %arg8: memref<6x!tpu.dma_semaphore, #tpu.memory_space<semaphore_mem>>) attributes {dimension_semantics = [#tpu.dimension_semantics<core_parallel>, #tpu.dimension_semantics<subcore_parallel>], iteration_bounds = array<i64: 2, 16>, scalar_prefetch = 0 : i64, scratch_operands = 5 : i64, tpu.core_type = #tpu.core_type<sc_vector_subcore>, window_params = [{transform_indices = #map}, {transform_indices = #map1}]} {
    %broadcast_in_dim3A = arith.constant 1.000000e+00 : f32
    %broadcast_in_dim3A_0 = vector.broadcast %broadcast_in_dim3A : f32 to vector<16xf32>
    %swap3A = arith.constant 0 : index
    %swap3A_1 = tpu.vector_load %arg5[%swap3A] {strides = array<i32>} : memref<128xf32, #tpu.memory_space<vmem>>, vector<16xf32>,
    %swap3A_2 = vector.shape_cast %swap3A_1 : vector<16xf32> to vector<16xf32>
    %swap3A_3 = vector.shape_cast %broadcast_in_dim3A_0 : vector<16xf32> to vector<16xf32>
    tpu.vector_store %arg5[%swap3A], %swap3A_3 {strides = array<i32>} : memref<128xf32, #tpu.memory_space<vmem>>, vector<16xf32>,
    %broadcast_in_dim3A_4 = arith.constant 1.000000e+00 : f32
    %broadcast_in_dim3A_5 = vector.broadcast %broadcast_in_dim3A_4 : f32 to vector<16xf32>
    %swap3A_6 = arith.constant 16 : index
    %swap3A_7 = tpu.vector_load %arg5[%swap3A_6] {strides = array<i32>} : memref<128xf32, #tpu.memory_space<vmem>>, vector<16xf32>,
    %swap3A_8 = vector.shape_cast %swap3A_7 : vector<16xf32> to vector<16xf32>
    %swap3A_9 = vector.shape_cast %broadcast_in_dim3A_5 : vector<16xf32> to vector<16xf32>
    tpu.vector_store %arg5[%swap3A_6], %swap3A_9 {strides = array<i32>} : memref<128xf32, #tpu.memory_space<vmem>>, vector<16xf32>,
    %broadcast_in_dim3A_10 = arith.constant 1.000000e+00 : f32
    %broadcast_in_dim3A_11 = vector.broadcast %broadcast_in_dim3A_10 : f32 to vector<16xf32>
    %swap3A_12 = arith.constant 32 : index
    %swap3A_13 = tpu.vector_load %arg5[%swap3A_12] {strides = array<i32>} : memref<128xf32, #tpu.memory_space<vmem>>, vector<16xf32>,
    %swap3A_14 = vector.shape_cast %swap3A_13 : vector<16xf32> to vector<16xf32>
    %swap3A_15 = vector.shape_cast %broadcast_in_dim3A_11 : vector<16xf32> to vector<16xf32>
    tpu.vector_store %arg5[%swap3A_12], %swap3A_15 {strides = array<i32>} : memref<128xf32, #tpu.memory_space<vmem>>, vector<16xf32>,
    %broadcast_in_dim3A_16 = arith.constant 1.000000e+00 : f32
    %broadcast_in_dim3A_17 = vector.broadcast %broadcast_in_dim3A_16 : f32 to vector<16xf32>
    %swap3A_18 = arith.constant 48 : index
    %swap3A_19 = tpu.vector_load %arg5[%swap3A_18] {strides = array<i32>} : memref<128xf32, #tpu.memory_space<vmem>>, vector<16xf32>,
    %swap3A_20 = vector.shape_cast %swap3A_19 : vector<16xf32> to vector<16xf32>
    %swap3A_21 = vector.shape_cast %broadcast_in_dim3A_17 : vector<16xf32> to vector<16xf32>
    tpu.vector_store %arg5[%swap3A_18], %swap3A_21 {strides = array<i32>} : memref<128xf32, #tpu.memory_space<vmem>>, vector<16xf32>,
    %broadcast_in_dim3A_22 = arith.constant 1.000000e+00 : f32
    %broadcast_in_dim3A_23 = vector.broadcast %broadcast_in_dim3A_22 : f32 to vector<16xf32>
    %swap3A_24 = arith.constant 64 : index
    %swap3A_25 = tpu.vector_load %arg5[%swap3A_24] {strides = array<i32>} : memref<128xf32, #tpu.memory_space<vmem>>, vector<16xf32>,
    %swap3A_26 = vector.shape_cast %swap3A_25 : vector<16xf32> to vector<16xf32>
    %swap3A_27 = vector.shape_cast %broadcast_in_dim3A_23 : vector<16xf32> to vector<16xf32>
    tpu.vector_store %arg5[%swap3A_24], %swap3A_27 {strides = array<i32>} : memref<128xf32, #tpu.memory_space<vmem>>, vector<16xf32>,
    %broadcast_in_dim3A_28 = arith.constant 1.000000e+00 : f32
    %broadcast_in_dim3A_29 = vector.broadcast %broadcast_in_dim3A_28 : f32 to vector<16xf32>
    %swap3A_30 = arith.constant 80 : index
    %swap3A_31 = tpu.vector_load %arg5[%swap3A_30] {strides = array<i32>} : memref<128xf32, #tpu.memory_space<vmem>>, vector<16xf32>,
    %swap3A_32 = vector.shape_cast %swap3A_31 : vector<16xf32> to vector<16xf32>
    %swap3A_33 = vector.shape_cast %broadcast_in_dim3A_29 : vector<16xf32> to vector<16xf32>
    tpu.vector_store %arg5[%swap3A_30], %swap3A_33 {strides = array<i32>} : memref<128xf32, #tpu.memory_space<vmem>>, vector<16xf32>,
    %broadcast_in_dim3A_34 = arith.constant 1.000000e+00 : f32
    %broadcast_in_dim3A_35 = vector.broadcast %broadcast_in_dim3A_34 : f32 to vector<16xf32>
    %swap3A_36 = arith.constant 96 : index
    %swap3A_37 = tpu.vector_load %arg5[%swap3A_36] {strides = array<i32>} : memref<128xf32, #tpu.memory_space<vmem>>, vector<16xf32>,
    %swap3A_38 = vector.shape_cast %swap3A_37 : vector<16xf32> to vector<16xf32>
    %swap3A_39 = vector.shape_cast %broadcast_in_dim3A_35 : vector<16xf32> to vector<16xf32>
    tpu.vector_store %arg5[%swap3A_36], %swap3A_39 {strides = array<i32>} : memref<128xf32, #tpu.memory_space<vmem>>, vector<16xf32>,
    %broadcast_in_dim3A_40 = arith.constant 1.000000e+00 : f32
    %broadcast_in_dim3A_41 = vector.broadcast %broadcast_in_dim3A_40 : f32 to vector<16xf32>
    %swap3A_42 = arith.constant 112 : index
    %swap3A_43 = tpu.vector_load %arg5[%swap3A_42] {strides = array<i32>} : memref<128xf32, #tpu.memory_space<vmem>>, vector<16xf32>,
    %swap3A_44 = vector.shape_cast %swap3A_43 : vector<16xf32> to vector<16xf32>
    %swap3A_45 = vector.shape_cast %broadcast_in_dim3A_41 : vector<16xf32> to vector<16xf32>
    tpu.vector_store %arg5[%swap3A_42], %swap3A_45 {strides = array<i32>} : memref<128xf32, #tpu.memory_space<vmem>>, vector<16xf32>,
    %scan3A = arith.constant 0 : i32
    %scan3A_46 = arith.constant 0 : i32
    %scan3A_47 = arith.constant 20 : i32
    %scan3A_48 = arith.addi %scan3A_46, %scan3A_47 : i32
    %scan3A_49 = arith.constant 1 : i32
    scf.for %scan3A_91 = %scan3A_46 to %scan3A_48 step %scan3A_49  : i32 {
      %broadcast_in_dim3A_92 = arith.constant 0.000000e+00 : f32
      %broadcast_in_dim3A_93 = vector.broadcast %broadcast_in_dim3A_92 : f32 to vector<16xf32>
      %mul3A_94 = arith.constant 16 : i32
      %mul3A_95 = arith.muli %scan3A_91, %mul3A_94 : i32
      %swap3A_96 = arith.index_cast %mul3A_95 : i32 to index
      %swap3A_97 = tpu.vector_load %arg6[%swap3A_96] {strides = array<i32>} : memref<320xf32, #tpu.memory_space<vmem>>, vector<16xf32>,
      %swap3A_98 = vector.shape_cast %swap3A_97 : vector<16xf32> to vector<16xf32>
      %swap3A_99 = vector.shape_cast %broadcast_in_dim3A_93 : vector<16xf32> to vector<16xf32>
      tpu.vector_store %arg6[%swap3A_96], %swap3A_99 {strides = array<i32>} : memref<320xf32, #tpu.memory_space<vmem>>, vector<16xf32>,
    }
    %scan3A_50 = arith.constant 20 : i32
    %mul3A = arith.constant 2 : i32
    %mul3A_51 = arith.muli %arg1, %mul3A : i32
    %add3A = arith.constant 0 : i32
    %add3A_52 = arith.addi %mul3A_51, %add3A : i32
    %mul3A_53 = arith.constant 320 : i32
    %mul3A_54 = arith.muli %add3A_52, %mul3A_53 : i32
    "tpu.region"() ({
      %run_scoped3A_91 = tpu.sem_alloc : memref<!tpu.dma_semaphore, #tpu.memory_space<semaphore_mem>>
      %dma_start3A = tpu.memref_slice %arg7[%mul3A_54] : memref<10240xf32, #tpu.memory_space<vmem_shared>> -> memref<320xf32, #tpu.memory_space<vmem_shared>>
      %dma_start3A_92 = tpu.memref_slice %arg7[%mul3A_54] : memref<10240xf32, #tpu.memory_space<vmem_shared>> -> memref<320xf32, #tpu.memory_space<vmem_shared>>
      tpu.enqueue_dma source(%arg6 : memref<320xf32, #tpu.memory_space<vmem>>) target(%dma_start3A_92 : memref<320xf32, #tpu.memory_space<vmem_shared>>) target_semaphore(%run_scoped3A_91 : memref<!tpu.dma_semaphore, #tpu.memory_space<semaphore_mem>>)
      %dma_wait3A = tpu.memref_slice %arg7[%mul3A_54] : memref<10240xf32, #tpu.memory_space<vmem_shared>> -> memref<320xf32, #tpu.memory_space<vmem_shared>>
      %dma_wait3A_93 = tpu.memref_slice %arg7[%mul3A_54] : memref<10240xf32, #tpu.memory_space<vmem_shared>> -> memref<320xf32, #tpu.memory_space<vmem_shared>>
      tpu.wait_dma2 semaphore(%run_scoped3A_91 : memref<!tpu.dma_semaphore, #tpu.memory_space<semaphore_mem>>) src(%arg6 : memref<320xf32, #tpu.memory_space<vmem>>) dst(%dma_wait3A_93 : memref<320xf32, #tpu.memory_space<vmem_shared>>)
      tpu.yield
    }) : () -> ()
    %mul3A_55 = arith.constant 2 : i32
    %mul3A_56 = arith.muli %arg1, %mul3A_55 : i32
    %add3A_57 = arith.constant 1 : i32
    %add3A_58 = arith.addi %mul3A_56, %add3A_57 : i32
    %mul3A_59 = arith.constant 320 : i32
    %mul3A_60 = arith.muli %add3A_58, %mul3A_59 : i32
    "tpu.region"() ({
      %run_scoped3A_91 = tpu.sem_alloc : memref<!tpu.dma_semaphore, #tpu.memory_space<semaphore_mem>>
      %dma_start3A = tpu.memref_slice %arg7[%mul3A_60] : memref<10240xf32, #tpu.memory_space<vmem_shared>> -> memref<320xf32, #tpu.memory_space<vmem_shared>>
      %dma_start3A_92 = tpu.memref_slice %arg7[%mul3A_60] : memref<10240xf32, #tpu.memory_space<vmem_shared>> -> memref<320xf32, #tpu.memory_space<vmem_shared>>
      tpu.enqueue_dma source(%arg6 : memref<320xf32, #tpu.memory_space<vmem>>) target(%dma_start3A_92 : memref<320xf32, #tpu.memory_space<vmem_shared>>) target_semaphore(%run_scoped3A_91 : memref<!tpu.dma_semaphore, #tpu.memory_space<semaphore_mem>>)
      %dma_wait3A = tpu.memref_slice %arg7[%mul3A_60] : memref<10240xf32, #tpu.memory_space<vmem_shared>> -> memref<320xf32, #tpu.memory_space<vmem_shared>>
      %dma_wait3A_93 = tpu.memref_slice %arg7[%mul3A_60] : memref<10240xf32, #tpu.memory_space<vmem_shared>> -> memref<320xf32, #tpu.memory_space<vmem_shared>>
      tpu.wait_dma2 semaphore(%run_scoped3A_91 : memref<!tpu.dma_semaphore, #tpu.memory_space<semaphore_mem>>) src(%arg6 : memref<320xf32, #tpu.memory_space<vmem>>) dst(%dma_wait3A_93 : memref<320xf32, #tpu.memory_space<vmem_shared>>)
      tpu.yield
    }) : () -> ()
    %mul3A_61 = arith.constant 156 : i32
    %mul3A_62 = arith.muli %arg1, %mul3A_61 : i32
    %run_scoped3A = arith.constant 1 : i32
    "tpu.region"() ({
      %run_scoped3A_91 = tpu.sem_alloc : memref<!tpu.dma_semaphore, #tpu.memory_space<semaphore_mem>>
      %dma_start3A = arith.constant 0 : i32
      %dma_start3A_92 = arith.constant 0 : i32
      %dma_start3A_93 = tpu.memref_slice %arg4[%dma_start3A, %dma_start3A_92] : memref<157x128xi32, #tpu.memory_space<vmem>> -> memref<156x128xi32, #tpu.memory_space<vmem>>
      %dma_start3A_94 = arith.constant 0 : i32
      %dma_start3A_95 = tpu.memref_slice %arg2[%run_scoped3A, %mul3A_62, %dma_start3A_94] : memref<2x2500x128xi32, #tpu.memory_space<hbm>> -> memref<1x156x128xi32, #tpu.memory_space<hbm>>
      %dma_start3A_96 = tpu.memref_squeeze %dma_start3A_95 : memref<1x156x128xi32, #tpu.memory_space<hbm>> -> memref<156x128xi32, #tpu.memory_space<hbm>>
      %dma_start3A_97 = arith.constant 0 : i32
      %dma_start3A_98 = arith.constant 0 : i32
      %dma_start3A_99 = tpu.memref_slice %arg4[%dma_start3A_97, %dma_start3A_98] : memref<157x128xi32, #tpu.memory_space<vmem>> -> memref<156x128xi32, #tpu.memory_space<vmem>>
      %dma_start3A_100 = arith.constant 0 : i32
      %dma_start3A_101 = tpu.memref_slice %arg2[%run_scoped3A, %mul3A_62, %dma_start3A_100] : memref<2x2500x128xi32, #tpu.memory_space<hbm>> -> memref<1x156x128xi32, #tpu.memory_space<hbm>>
      %dma_start3A_102 = tpu.memref_squeeze %dma_start3A_101 : memref<1x156x128xi32, #tpu.memory_space<hbm>> -> memref<156x128xi32, #tpu.memory_space<hbm>>
      tpu.enqueue_dma source(%dma_start3A_102 : memref<156x128xi32, #tpu.memory_space<hbm>>) target(%dma_start3A_99 : memref<156x128xi32, #tpu.memory_space<vmem>>) target_semaphore(%run_scoped3A_91 : memref<!tpu.dma_semaphore, #tpu.memory_space<semaphore_mem>>)
      %dma_wait3A = arith.constant 0 : i32
      %dma_wait3A_103 = arith.constant 0 : i32
      %dma_wait3A_104 = tpu.memref_slice %arg4[%dma_wait3A, %dma_wait3A_103] : memref<157x128xi32, #tpu.memory_space<vmem>> -> memref<156x128xi32, #tpu.memory_space<vmem>>
      %dma_wait3A_105 = arith.constant 0 : i32
      %dma_wait3A_106 = tpu.memref_slice %arg2[%run_scoped3A, %mul3A_62, %dma_wait3A_105] : memref<2x2500x128xi32, #tpu.memory_space<hbm>> -> memref<1x156x128xi32, #tpu.memory_space<hbm>>
      %dma_wait3A_107 = tpu.memref_squeeze %dma_wait3A_106 : memref<1x156x128xi32, #tpu.memory_space<hbm>> -> memref<156x128xi32, #tpu.memory_space<hbm>>
      %dma_wait3A_108 = arith.constant 0 : i32
      %dma_wait3A_109 = arith.constant 0 : i32
      %dma_wait3A_110 = tpu.memref_slice %arg4[%dma_wait3A_108, %dma_wait3A_109] : memref<157x128xi32, #tpu.memory_space<vmem>> -> memref<156x128xi32, #tpu.memory_space<vmem>>
      %dma_wait3A_111 = arith.constant 0 : i32
      %dma_wait3A_112 = tpu.memref_slice %arg2[%run_scoped3A, %mul3A_62, %dma_wait3A_111] : memref<2x2500x128xi32, #tpu.memory_space<hbm>> -> memref<1x156x128xi32, #tpu.memory_space<hbm>>
      %dma_wait3A_113 = tpu.memref_squeeze %dma_wait3A_112 : memref<1x156x128xi32, #tpu.memory_space<hbm>> -> memref<156x128xi32, #tpu.memory_space<hbm>>
      tpu.wait_dma2 semaphore(%run_scoped3A_91 : memref<!tpu.dma_semaphore, #tpu.memory_space<semaphore_mem>>) src(%dma_wait3A_113 : memref<156x128xi32, #tpu.memory_space<hbm>>) dst(%dma_wait3A_110 : memref<156x128xi32, #tpu.memory_space<vmem>>)
      tpu.yield
    }) : () -> ()
    %lt3A = arith.constant 4 : i32
    %lt3A_63 = arith.cmpi slt, %arg1, %lt3A : i32
    %convert_element_type3A = arith.extui %lt3A_63 : i1 to i32
    %cond3A = arith.constant 0 : i32
    %cond3A_64 = arith.cmpi ne, %convert_element_type3A, %cond3A : i32
    scf.if %cond3A_64 {
      %add3A_91 = arith.constant 2496 : i32
      %add3A_92 = arith.addi %add3A_91, %arg1 : i32
      %run_scoped3A_93 = arith.constant 1 : i32
      "tpu.region"() ({
        %run_scoped3A_94 = tpu.sem_alloc : memref<!tpu.dma_semaphore, #tpu.memory_space<semaphore_mem>>
        %dma_start3A = arith.constant 156 : i32
        %dma_start3A_95 = arith.constant 0 : i32
        %dma_start3A_96 = tpu.memref_slice %arg4[%dma_start3A, %dma_start3A_95] : memref<157x128xi32, #tpu.memory_space<vmem>> -> memref<1x128xi32, #tpu.memory_space<vmem>>
        %dma_start3A_97 = arith.constant 0 : i32
        %dma_start3A_98 = tpu.memref_slice %arg2[%run_scoped3A_93, %add3A_92, %dma_start3A_97] : memref<2x2500x128xi32, #tpu.memory_space<hbm>> -> memref<1x1x128xi32, #tpu.memory_space<hbm>>
        %dma_start3A_99 = tpu.memref_squeeze %dma_start3A_98 : memref<1x1x128xi32, #tpu.memory_space<hbm>> -> memref<1x128xi32, #tpu.memory_space<hbm>>
        %dma_start3A_100 = arith.constant 156 : i32
        %dma_start3A_101 = arith.constant 0 : i32
        %dma_start3A_102 = tpu.memref_slice %arg4[%dma_start3A_100, %dma_start3A_101] : memref<157x128xi32, #tpu.memory_space<vmem>> -> memref<1x128xi32, #tpu.memory_space<vmem>>
        %dma_start3A_103 = arith.constant 0 : i32
        %dma_start3A_104 = tpu.memref_slice %arg2[%run_scoped3A_93, %add3A_92, %dma_start3A_103] : memref<2x2500x128xi32, #tpu.memory_space<hbm>> -> memref<1x1x128xi32, #tpu.memory_space<hbm>>
        %dma_start3A_105 = tpu.memref_squeeze %dma_start3A_104 : memref<1x1x128xi32, #tpu.memory_space<hbm>> -> memref<1x128xi32, #tpu.memory_space<hbm>>
        tpu.enqueue_dma source(%dma_start3A_105 : memref<1x128xi32, #tpu.memory_space<hbm>>) target(%dma_start3A_102 : memref<1x128xi32, #tpu.memory_space<vmem>>) target_semaphore(%run_scoped3A_94 : memref<!tpu.dma_semaphore, #tpu.memory_space<semaphore_mem>>)
        %dma_wait3A = arith.constant 156 : i32
        %dma_wait3A_106 = arith.constant 0 : i32
        %dma_wait3A_107 = tpu.memref_slice %arg4[%dma_wait3A, %dma_wait3A_106] : memref<157x128xi32, #tpu.memory_space<vmem>> -> memref<1x128xi32, #tpu.memory_space<vmem>>
        %dma_wait3A_108 = arith.constant 0 : i32
        %dma_wait3A_109 = tpu.memref_slice %arg2[%run_scoped3A_93, %add3A_92, %dma_wait3A_108] : memref<2x2500x128xi32, #tpu.memory_space<hbm>> -> memref<1x1x128xi32, #tpu.memory_space<hbm>>
        %dma_wait3A_110 = tpu.memref_squeeze %dma_wait3A_109 : memref<1x1x128xi32, #tpu.memory_space<hbm>> -> memref<1x128xi32, #tpu.memory_space<hbm>>
        %dma_wait3A_111 = arith.constant 156 : i32
        %dma_wait3A_112 = arith.constant 0 : i32
        %dma_wait3A_113 = tpu.memref_slice %arg4[%dma_wait3A_111, %dma_wait3A_112] : memref<157x128xi32, #tpu.memory_space<vmem>> -> memref<1x128xi32, #tpu.memory_space<vmem>>
        %dma_wait3A_114 = arith.constant 0 : i32
        %dma_wait3A_115 = tpu.memref_slice %arg2[%run_scoped3A_93, %add3A_92, %dma_wait3A_114] : memref<2x2500x128xi32, #tpu.memory_space<hbm>> -> memref<1x1x128xi32, #tpu.memory_space<hbm>>
        %dma_wait3A_116 = tpu.memref_squeeze %dma_wait3A_115 : memref<1x1x128xi32, #tpu.memory_space<hbm>> -> memref<1x128xi32, #tpu.memory_space<hbm>>
        tpu.wait_dma2 semaphore(%run_scoped3A_94 : memref<!tpu.dma_semaphore, #tpu.memory_space<semaphore_mem>>) src(%dma_wait3A_116 : memref<1x128xi32, #tpu.memory_space<hbm>>) dst(%dma_wait3A_113 : memref<1x128xi32, #tpu.memory_space<vmem>>)
        tpu.yield
      }) : () -> ()
    } else {
    }
    %lt3A_65 = arith.constant 4 : i32
    %lt3A_66 = arith.cmpi slt, %arg1, %lt3A_65 : i32
    %jit3A = arith.constant 1 : i32
    %jit3A_67 = arith.constant 0 : i32
    %select_n3A = arith.select %lt3A_66, %jit3A, %jit3A_67 : i32
    %add3A_68 = arith.constant 156 : i32
    %add3A_69 = arith.addi %add3A_68, %select_n3A : i32
    %barrier3A = arith.constant 0 : index
    tpu.barrier barrier_id(%barrier3A)
    %while3A = arith.constant 0 : i32
    %while3A_70 = arith.constant 0 : i32
    %while3A_71 = arith.subi %add3A_69, %while3A_70 : i32
    %while3A_72 = arith.addi %while3A_70, %while3A_71 : i32
    %while3A_73 = arith.constant 1 : i32
    %while3A_74 = arith.divsi %while3A_71, %while3A_73 : i32
    %while3A_75 = arith.muli %while3A_74, %while3A_73 : i32
    %while3A_76 = arith.addi %while3A_70, %while3A_75 : i32
    %while3A_77 = arith.constant 1 : i32
    scf.for %while3A_91 = %while3A_70 to %while3A_76 step %while3A_77  : i32 {
      %ge3A = arith.constant 6 : i32
      %ge3A_92 = arith.cmpi sge, %while3A_91, %ge3A : i32
      %convert_element_type3A_93 = arith.extui %ge3A_92 : i1 to i32
      %cond3A_94 = arith.constant 0 : i32
      %cond3A_95 = arith.cmpi ne, %convert_element_type3A_93, %cond3A_94 : i32
      scf.if %cond3A_95 {
        %sub3A = arith.constant 6 : i32
        %sub3A_114 = arith.subi %while3A_91, %sub3A : i32
        %jit3A_115 = arith.constant 6 : i32
        %eq3A_116 = arith.constant 0 : i32
        %eq3A_117 = arith.cmpi eq, %jit3A_115, %eq3A_116 : i32
        %jit3A_118 = arith.constant 1 : i32
        %select_n3A_119 = arith.select %eq3A_117, %jit3A_118, %jit3A_115 : i32
        %rem3A_120 = arith.remsi %sub3A_114, %select_n3A_119 : i32
        %ne3A_121 = arith.constant 0 : i32
        %ne3A_122 = arith.cmpi ne, %rem3A_120, %ne3A_121 : i32
        %lt3A_123 = arith.constant 0 : i32
        %lt3A_124 = arith.cmpi slt, %rem3A_120, %lt3A_123 : i32
        %lt3A_125 = arith.constant 0 : i32
        %lt3A_126 = arith.cmpi slt, %select_n3A_119, %lt3A_125 : i32
        %ne3A_127 = arith.xori %lt3A_124, %lt3A_126 : i1
        %and3A_128 = arith.andi %ne3A_127, %ne3A_122 : i1
        %add3A_129 = arith.addi %rem3A_120, %select_n3A_119 : i32
        %select_n3A_130 = arith.select %and3A_128, %add3A_129, %rem3A_120 : i32
        %dma_wait3A = arith.constant 0 : i32
        %dma_wait3A_131 = tpu.memref_slice %arg4[%sub3A_114, %dma_wait3A] : memref<157x128xi32, #tpu.memory_space<vmem>> -> memref<1x128xi32, #tpu.memory_space<vmem>>
        %dma_wait3A_132 = tpu.memref_squeeze %dma_wait3A_131 : memref<1x128xi32, #tpu.memory_space<vmem>> -> memref<128xi32, #tpu.memory_space<vmem>>
        %dma_wait3A_133 = arith.constant 0 : i32
        %dma_wait3A_134 = tpu.memref_slice %arg7[%dma_wait3A_133] : memref<10240xf32, #tpu.memory_space<vmem_shared>> -> memref<10240xf32, #tpu.memory_space<vmem_shared>>
        %dma_wait3A_135 = tpu.memref_slice %arg8[%select_n3A_130] : memref<6x!tpu.dma_semaphore, #tpu.memory_space<semaphore_mem>> -> memref<1x!tpu.dma_semaphore, #tpu.memory_space<semaphore_mem>>
        %dma_wait3A_136 = tpu.memref_squeeze %dma_wait3A_135 : memref<1x!tpu.dma_semaphore, #tpu.memory_space<semaphore_mem>> -> memref<!tpu.dma_semaphore, #tpu.memory_space<semaphore_mem>>
        tpu.wait_indirect_dma semaphore(%dma_wait3A_136 : memref<!tpu.dma_semaphore, #tpu.memory_space<semaphore_mem>>) src(%arg5 : memref<128xf32, #tpu.memory_space<vmem>>) dst(%dma_wait3A_134 : memref<10240xf32, #tpu.memory_space<vmem_shared>>)
      } else {
      }
      %jit3A_96 = arith.constant 6 : i32
      %eq3A = arith.constant 0 : i32
      %eq3A_97 = arith.cmpi eq, %jit3A_96, %eq3A : i32
      %jit3A_98 = arith.constant 1 : i32
      %select_n3A_99 = arith.select %eq3A_97, %jit3A_98, %jit3A_96 : i32
      %rem3A = arith.remsi %while3A_91, %select_n3A_99 : i32
      %ne3A = arith.constant 0 : i32
      %ne3A_100 = arith.cmpi ne, %rem3A, %ne3A : i32
      %lt3A_101 = arith.constant 0 : i32
      %lt3A_102 = arith.cmpi slt, %rem3A, %lt3A_101 : i32
      %lt3A_103 = arith.constant 0 : i32
      %lt3A_104 = arith.cmpi slt, %select_n3A_99, %lt3A_103 : i32
      %ne3A_105 = arith.xori %lt3A_102, %lt3A_104 : i1
      %and3A = arith.andi %ne3A_105, %ne3A_100 : i1
      %add3A_106 = arith.addi %rem3A, %select_n3A_99 : i32
      %select_n3A_107 = arith.select %and3A, %add3A_106, %rem3A : i32
      %dma_start3A = arith.constant 0 : i32
      %dma_start3A_108 = tpu.memref_slice %arg4[%while3A_91, %dma_start3A] : memref<157x128xi32, #tpu.memory_space<vmem>> -> memref<1x128xi32, #tpu.memory_space<vmem>>
      %dma_start3A_109 = tpu.memref_squeeze %dma_start3A_108 : memref<1x128xi32, #tpu.memory_space<vmem>> -> memref<128xi32, #tpu.memory_space<vmem>>
      %dma_start3A_110 = arith.constant 0 : i32
      %dma_start3A_111 = tpu.memref_slice %arg7[%dma_start3A_110] : memref<10240xf32, #tpu.memory_space<vmem_shared>> -> memref<10240xf32, #tpu.memory_space<vmem_shared>>
      %dma_start3A_112 = tpu.memref_slice %arg8[%select_n3A_107] : memref<6x!tpu.dma_semaphore, #tpu.memory_space<semaphore_mem>> -> memref<1x!tpu.dma_semaphore, #tpu.memory_space<semaphore_mem>>
      %dma_start3A_113 = tpu.memref_squeeze %dma_start3A_112 : memref<1x!tpu.dma_semaphore, #tpu.memory_space<semaphore_mem>> -> memref<!tpu.dma_semaphore, #tpu.memory_space<semaphore_mem>>
      tpu.enqueue_indirect_dma source(%arg5 : memref<128xf32, #tpu.memory_space<vmem>>) target(%dma_start3A_111 : memref<10240xf32, #tpu.memory_space<vmem_shared>>) offsets(%dma_start3A_109 : memref<128xi32, #tpu.memory_space<vmem>>) semaphore(%dma_start3A_113 : memref<!tpu.dma_semaphore, #tpu.memory_space<semaphore_mem>>) {add = true}
    }
    %while3A_78 = arith.constant 1 : i32
    scf.for %while3A_91 = %while3A_76 to %while3A_72 step %while3A_78  : i32 {
      %ge3A = arith.constant 6 : i32
      %ge3A_92 = arith.cmpi sge, %while3A_91, %ge3A : i32
      %convert_element_type3A_93 = arith.extui %ge3A_92 : i1 to i32
      %cond3A_94 = arith.constant 0 : i32
      %cond3A_95 = arith.cmpi ne, %convert_element_type3A_93, %cond3A_94 : i32
      scf.if %cond3A_95 {
        %sub3A = arith.constant 6 : i32
        %sub3A_114 = arith.subi %while3A_91, %sub3A : i32
        %jit3A_115 = arith.constant 6 : i32
        %eq3A_116 = arith.constant 0 : i32
        %eq3A_117 = arith.cmpi eq, %jit3A_115, %eq3A_116 : i32
        %jit3A_118 = arith.constant 1 : i32
        %select_n3A_119 = arith.select %eq3A_117, %jit3A_118, %jit3A_115 : i32
        %rem3A_120 = arith.remsi %sub3A_114, %select_n3A_119 : i32
        %ne3A_121 = arith.constant 0 : i32
        %ne3A_122 = arith.cmpi ne, %rem3A_120, %ne3A_121 : i32
        %lt3A_123 = arith.constant 0 : i32
        %lt3A_124 = arith.cmpi slt, %rem3A_120, %lt3A_123 : i32
        %lt3A_125 = arith.constant 0 : i32
        %lt3A_126 = arith.cmpi slt, %select_n3A_119, %lt3A_125 : i32
        %ne3A_127 = arith.xori %lt3A_124, %lt3A_126 : i1
        %and3A_128 = arith.andi %ne3A_127, %ne3A_122 : i1
        %add3A_129 = arith.addi %rem3A_120, %select_n3A_119 : i32
        %select_n3A_130 = arith.select %and3A_128, %add3A_129, %rem3A_120 : i32
        %dma_wait3A = arith.constant 0 : i32
        %dma_wait3A_131 = tpu.memref_slice %arg4[%sub3A_114, %dma_wait3A] : memref<157x128xi32, #tpu.memory_space<vmem>> -> memref<1x128xi32, #tpu.memory_space<vmem>>
        %dma_wait3A_132 = tpu.memref_squeeze %dma_wait3A_131 : memref<1x128xi32, #tpu.memory_space<vmem>> -> memref<128xi32, #tpu.memory_space<vmem>>
        %dma_wait3A_133 = arith.constant 0 : i32
        %dma_wait3A_134 = tpu.memref_slice %arg7[%dma_wait3A_133] : memref<10240xf32, #tpu.memory_space<vmem_shared>> -> memref<10240xf32, #tpu.memory_space<vmem_shared>>
        %dma_wait3A_135 = tpu.memref_slice %arg8[%select_n3A_130] : memref<6x!tpu.dma_semaphore, #tpu.memory_space<semaphore_mem>> -> memref<1x!tpu.dma_semaphore, #tpu.memory_space<semaphore_mem>>
        %dma_wait3A_136 = tpu.memref_squeeze %dma_wait3A_135 : memref<1x!tpu.dma_semaphore, #tpu.memory_space<semaphore_mem>> -> memref<!tpu.dma_semaphore, #tpu.memory_space<semaphore_mem>>
        tpu.wait_indirect_dma semaphore(%dma_wait3A_136 : memref<!tpu.dma_semaphore, #tpu.memory_space<semaphore_mem>>) src(%arg5 : memref<128xf32, #tpu.memory_space<vmem>>) dst(%dma_wait3A_134 : memref<10240xf32, #tpu.memory_space<vmem_shared>>)
      } else {
      }
      %jit3A_96 = arith.constant 6 : i32
      %eq3A = arith.constant 0 : i32
      %eq3A_97 = arith.cmpi eq, %jit3A_96, %eq3A : i32
      %jit3A_98 = arith.constant 1 : i32
      %select_n3A_99 = arith.select %eq3A_97, %jit3A_98, %jit3A_96 : i32
      %rem3A = arith.remsi %while3A_91, %select_n3A_99 : i32
      %ne3A = arith.constant 0 : i32
      %ne3A_100 = arith.cmpi ne, %rem3A, %ne3A : i32
      %lt3A_101 = arith.constant 0 : i32
      %lt3A_102 = arith.cmpi slt, %rem3A, %lt3A_101 : i32
      %lt3A_103 = arith.constant 0 : i32
      %lt3A_104 = arith.cmpi slt, %select_n3A_99, %lt3A_103 : i32
      %ne3A_105 = arith.xori %lt3A_102, %lt3A_104 : i1
      %and3A = arith.andi %ne3A_105, %ne3A_100 : i1
      %add3A_106 = arith.addi %rem3A, %select_n3A_99 : i32
      %select_n3A_107 = arith.select %and3A, %add3A_106, %rem3A : i32
      %dma_start3A = arith.constant 0 : i32
      %dma_start3A_108 = tpu.memref_slice %arg4[%while3A_91, %dma_start3A] : memref<157x128xi32, #tpu.memory_space<vmem>> -> memref<1x128xi32, #tpu.memory_space<vmem>>
      %dma_start3A_109 = tpu.memref_squeeze %dma_start3A_108 : memref<1x128xi32, #tpu.memory_space<vmem>> -> memref<128xi32, #tpu.memory_space<vmem>>
      %dma_start3A_110 = arith.constant 0 : i32
      %dma_start3A_111 = tpu.memref_slice %arg7[%dma_start3A_110] : memref<10240xf32, #tpu.memory_space<vmem_shared>> -> memref<10240xf32, #tpu.memory_space<vmem_shared>>
      %dma_start3A_112 = tpu.memref_slice %arg8[%select_n3A_107] : memref<6x!tpu.dma_semaphore, #tpu.memory_space<semaphore_mem>> -> memref<1x!tpu.dma_semaphore, #tpu.memory_space<semaphore_mem>>
      %dma_start3A_113 = tpu.memref_squeeze %dma_start3A_112 : memref<1x!tpu.dma_semaphore, #tpu.memory_space<semaphore_mem>> -> memref<!tpu.dma_semaphore, #tpu.memory_space<semaphore_mem>>
      tpu.enqueue_indirect_dma source(%arg5 : memref<128xf32, #tpu.memory_space<vmem>>) target(%dma_start3A_111 : memref<10240xf32, #tpu.memory_space<vmem_shared>>) offsets(%dma_start3A_109 : memref<128xi32, #tpu.memory_space<vmem>>) semaphore(%dma_start3A_113 : memref<!tpu.dma_semaphore, #tpu.memory_space<semaphore_mem>>) {add = true}
    }
    %scan3A_79 = arith.constant 0 : i32
    %scan3A_80 = arith.constant 0 : i32
    %scan3A_81 = arith.constant 6 : i32
    %scan3A_82 = arith.addi %scan3A_80, %scan3A_81 : i32
    %scan3A_83 = arith.constant 1 : i32
    scf.for %scan3A_91 = %scan3A_80 to %scan3A_82 step %scan3A_83  : i32 {
      %sub3A = arith.constant 6 : i32
      %sub3A_92 = arith.subi %add3A_69, %sub3A : i32
      %add3A_93 = arith.addi %sub3A_92, %scan3A_91 : i32
      %jit3A_94 = arith.constant 6 : i32
      %eq3A = arith.constant 0 : i32
      %eq3A_95 = arith.cmpi eq, %jit3A_94, %eq3A : i32
      %jit3A_96 = arith.constant 1 : i32
      %select_n3A_97 = arith.select %eq3A_95, %jit3A_96, %jit3A_94 : i32
      %rem3A = arith.remsi %add3A_93, %select_n3A_97 : i32
      %ne3A = arith.constant 0 : i32
      %ne3A_98 = arith.cmpi ne, %rem3A, %ne3A : i32
      %lt3A_99 = arith.constant 0 : i32
      %lt3A_100 = arith.cmpi slt, %rem3A, %lt3A_99 : i32
      %lt3A_101 = arith.constant 0 : i32
      %lt3A_102 = arith.cmpi slt, %select_n3A_97, %lt3A_101 : i32
      %ne3A_103 = arith.xori %lt3A_100, %lt3A_102 : i1
      %and3A = arith.andi %ne3A_103, %ne3A_98 : i1
      %add3A_104 = arith.addi %rem3A, %select_n3A_97 : i32
      %select_n3A_105 = arith.select %and3A, %add3A_104, %rem3A : i32
      %dma_wait3A = arith.constant 0 : i32
      %dma_wait3A_106 = tpu.memref_slice %arg4[%add3A_93, %dma_wait3A] : memref<157x128xi32, #tpu.memory_space<vmem>> -> memref<1x128xi32, #tpu.memory_space<vmem>>
      %dma_wait3A_107 = tpu.memref_squeeze %dma_wait3A_106 : memref<1x128xi32, #tpu.memory_space<vmem>> -> memref<128xi32, #tpu.memory_space<vmem>>
      %dma_wait3A_108 = arith.constant 0 : i32
      %dma_wait3A_109 = tpu.memref_slice %arg7[%dma_wait3A_108] : memref<10240xf32, #tpu.memory_space<vmem_shared>> -> memref<10240xf32, #tpu.memory_space<vmem_shared>>
      %dma_wait3A_110 = tpu.memref_slice %arg8[%select_n3A_105] : memref<6x!tpu.dma_semaphore, #tpu.memory_space<semaphore_mem>> -> memref<1x!tpu.dma_semaphore, #tpu.memory_space<semaphore_mem>>
      %dma_wait3A_111 = tpu.memref_squeeze %dma_wait3A_110 : memref<1x!tpu.dma_semaphore, #tpu.memory_space<semaphore_mem>> -> memref<!tpu.dma_semaphore, #tpu.memory_space<semaphore_mem>>
      tpu.wait_indirect_dma semaphore(%dma_wait3A_111 : memref<!tpu.dma_semaphore, #tpu.memory_space<semaphore_mem>>) src(%arg5 : memref<128xf32, #tpu.memory_space<vmem>>) dst(%dma_wait3A_109 : memref<10240xf32, #tpu.memory_space<vmem_shared>>)
    }
    %scan3A_84 = arith.constant 6 : i32
    %barrier3A_85 = arith.constant 0 : index
    tpu.barrier barrier_id(%barrier3A_85)
    %mul3A_86 = arith.constant 5120 : i32
    %mul3A_87 = arith.muli %arg0, %mul3A_86 : i32
    %mul3A_88 = arith.constant 320 : i32
    %mul3A_89 = arith.muli %arg1, %mul3A_88 : i32
    %add3A_90 = arith.addi %mul3A_87, %mul3A_89 : i32
    "tpu.region"() ({
      %run_scoped3A_91 = tpu.sem_alloc : memref<!tpu.dma_semaphore, #tpu.memory_space<semaphore_mem>>
      %dma_start3A = tpu.memref_slice %arg7[%add3A_90] : memref<10240xf32, #tpu.memory_space<vmem_shared>> -> memref<320xf32, #tpu.memory_space<vmem_shared>>
      %dma_start3A_92 = tpu.memref_slice %arg7[%add3A_90] : memref<10240xf32, #tpu.memory_space<vmem_shared>> -> memref<320xf32, #tpu.memory_space<vmem_shared>>
      tpu.enqueue_dma source(%dma_start3A_92 : memref<320xf32, #tpu.memory_space<vmem_shared>>) target(%arg6 : memref<320xf32, #tpu.memory_space<vmem>>) target_semaphore(%run_scoped3A_91 : memref<!tpu.dma_semaphore, #tpu.memory_space<semaphore_mem>>)
      %dma_wait3A = tpu.memref_slice %arg7[%add3A_90] : memref<10240xf32, #tpu.memory_space<vmem_shared>> -> memref<320xf32, #tpu.memory_space<vmem_shared>>
      %dma_wait3A_93 = tpu.memref_slice %arg7[%add3A_90] : memref<10240xf32, #tpu.memory_space<vmem_shared>> -> memref<320xf32, #tpu.memory_space<vmem_shared>>
      tpu.wait_dma2 semaphore(%run_scoped3A_91 : memref<!tpu.dma_semaphore, #tpu.memory_space<semaphore_mem>>) src(%dma_wait3A_93 : memref<320xf32, #tpu.memory_space<vmem_shared>>) dst(%arg6 : memref<320xf32, #tpu.memory_space<vmem>>)
      tpu.yield
    }) : () -> ()
    "tpu.region"() ({
      %run_scoped3A_91 = tpu.sem_alloc : memref<!tpu.dma_semaphore, #tpu.memory_space<semaphore_mem>>
      %dma_start3A = tpu.memref_slice %arg3[%add3A_90] : memref<10240xf32, #tpu.memory_space<hbm>> -> memref<320xf32, #tpu.memory_space<hbm>>
      %dma_start3A_92 = tpu.memref_slice %arg3[%add3A_90] : memref<10240xf32, #tpu.memory_space<hbm>> -> memref<320xf32, #tpu.memory_space<hbm>>
      tpu.enqueue_dma source(%arg6 : memref<320xf32, #tpu.memory_space<vmem>>) target(%dma_start3A_92 : memref<320xf32, #tpu.memory_space<hbm>>) target_semaphore(%run_scoped3A_91 : memref<!tpu.dma_semaphore, #tpu.memory_space<semaphore_mem>>)
      %dma_wait3A = tpu.memref_slice %arg3[%add3A_90] : memref<10240xf32, #tpu.memory_space<hbm>> -> memref<320xf32, #tpu.memory_space<hbm>>
      %dma_wait3A_93 = tpu.memref_slice %arg3[%add3A_90] : memref<10240xf32, #tpu.memory_space<hbm>> -> memref<320xf32, #tpu.memory_space<hbm>>
      tpu.wait_dma2 semaphore(%run_scoped3A_91 : memref<!tpu.dma_semaphore, #tpu.memory_space<semaphore_mem>>) src(%arg6 : memref<320xf32, #tpu.memory_space<vmem>>) dst(%dma_wait3A_93 : memref<320xf32, #tpu.memory_space<hbm>>)
      tpu.yield
    }) : () -> ()
    return
  }
}

#map = affine_map<(d0, d1) -> (0, 0)>
#map1 = affine_map<(d0, d1) -> (0, 0, 0)>
module attributes {stable_mosaic.version = 14 : i64} {
  func.func @_sc_segsum(%arg0: i32, %arg1: i32, %arg2: memref<10240x16xf32, #tpu.memory_space<hbm>>, %arg3: memref<2x2500x128xi32, #tpu.memory_space<hbm>>, %arg4: memref<2x10240x16xf32, #tpu.memory_space<hbm>>, %arg5: memref<79x128xi32, #tpu.memory_space<vmem>>, %arg6: memref<79x128xi32, #tpu.memory_space<vmem>>, %arg7: memref<14x128x16xf32, #tpu.memory_space<vmem>>, %arg8: memref<640x16xf32, #tpu.memory_space<vmem>>, %arg9: memref<10240x16xf32, #tpu.memory_space<vmem_shared>>, %arg10: memref<14x!tpu.dma_semaphore, #tpu.memory_space<semaphore_mem>>, %arg11: memref<14x!tpu.dma_semaphore, #tpu.memory_space<semaphore_mem>>) attributes {dimension_semantics = [#tpu.dimension_semantics<core_parallel>, #tpu.dimension_semantics<subcore_parallel>], iteration_bounds = array<i64: 2, 16>, scalar_prefetch = 0 : i64, scratch_operands = 7 : i64, tpu.core_type = #tpu.core_type<sc_vector_subcore>, window_params = [{transform_indices = #map}, {transform_indices = #map1}, {transform_indices = #map1}]} {
    %mul3A = arith.constant 16 : i32
    %mul3A_0 = arith.muli %arg0, %mul3A : i32
    %add3A = arith.addi %mul3A_0, %arg1 : i32
    %scan3A = arith.constant 0 : i32
    %scan3A_1 = arith.constant 0 : i32
    %scan3A_2 = arith.constant 640 : i32
    %scan3A_3 = arith.addi %scan3A_1, %scan3A_2 : i32
    %scan3A_4 = arith.constant 1 : i32
    scf.for %scan3A_151 = %scan3A_1 to %scan3A_3 step %scan3A_4  : i32 {
      %broadcast_in_dim3A = arith.constant 0.000000e+00 : f32
      %broadcast_in_dim3A_152 = vector.broadcast %broadcast_in_dim3A : f32 to vector<16xf32>
      %swap3A = arith.index_cast %scan3A_151 : i32 to index
      %swap3A_153 = arith.constant 0 : index
      %swap3A_154 = tpu.vector_load %arg8[%swap3A, %swap3A_153] {strides = array<i32>} : memref<640x16xf32, #tpu.memory_space<vmem>>, vector<1x16xf32>,
      %swap3A_155 = vector.shape_cast %swap3A_154 : vector<1x16xf32> to vector<16xf32>
      %swap3A_156 = vector.shape_cast %broadcast_in_dim3A_152 : vector<16xf32> to vector<1x16xf32>
      tpu.vector_store %arg8[%swap3A, %swap3A_153], %swap3A_156 {strides = array<i32>} : memref<640x16xf32, #tpu.memory_space<vmem>>, vector<1x16xf32>,
    }
    %scan3A_5 = arith.constant 640 : i32
    %eq3A = arith.constant 0 : i32
    %eq3A_6 = arith.cmpi eq, %arg0, %eq3A : i32
    %convert_element_type3A = arith.extui %eq3A_6 : i1 to i32
    %cond3A = arith.constant 0 : i32
    %cond3A_7 = arith.cmpi ne, %convert_element_type3A, %cond3A : i32
    scf.if %cond3A_7 {
      %mul3A_151 = arith.constant 640 : i32
      %mul3A_152 = arith.muli %arg1, %mul3A_151 : i32
      %mul3A_153 = arith.constant 640 : i32
      %mul3A_154 = arith.muli %arg1, %mul3A_153 : i32
      "tpu.region"() ({
        %run_scoped3A_155 = tpu.sem_alloc : memref<!tpu.dma_semaphore, #tpu.memory_space<semaphore_mem>>
        %dma_start3A_156 = arith.constant 0 : i32
        %dma_start3A_157 = tpu.memref_slice %arg9[%mul3A_154, %dma_start3A_156] : memref<10240x16xf32, #tpu.memory_space<vmem_shared>> -> memref<640x16xf32, #tpu.memory_space<vmem_shared>>
        %dma_start3A_158 = arith.constant 0 : i32
        %dma_start3A_159 = tpu.memref_slice %arg2[%mul3A_152, %dma_start3A_158] : memref<10240x16xf32, #tpu.memory_space<hbm>> -> memref<640x16xf32, #tpu.memory_space<hbm>>
        tpu.enqueue_dma source(%dma_start3A_159 : memref<640x16xf32, #tpu.memory_space<hbm>>) target(%dma_start3A_157 : memref<640x16xf32, #tpu.memory_space<vmem_shared>>) target_semaphore(%run_scoped3A_155 : memref<!tpu.dma_semaphore, #tpu.memory_space<semaphore_mem>>)
        %dma_wait3A = arith.constant 0 : i32
        %dma_wait3A_160 = tpu.memref_slice %arg9[%mul3A_154, %dma_wait3A] : memref<10240x16xf32, #tpu.memory_space<vmem_shared>> -> memref<640x16xf32, #tpu.memory_space<vmem_shared>>
        %dma_wait3A_161 = arith.constant 0 : i32
        %dma_wait3A_162 = tpu.memref_slice %arg2[%mul3A_152, %dma_wait3A_161] : memref<10240x16xf32, #tpu.memory_space<hbm>> -> memref<640x16xf32, #tpu.memory_space<hbm>>
        tpu.wait_dma2 semaphore(%run_scoped3A_155 : memref<!tpu.dma_semaphore, #tpu.memory_space<semaphore_mem>>) src(%dma_wait3A_162 : memref<640x16xf32, #tpu.memory_space<hbm>>) dst(%dma_wait3A_160 : memref<640x16xf32, #tpu.memory_space<vmem_shared>>)
        tpu.yield
      }) : () -> ()
    } else {
    }
    %eq3A_8 = arith.constant 1 : i32
    %eq3A_9 = arith.cmpi eq, %arg0, %eq3A_8 : i32
    %convert_element_type3A_10 = arith.extui %eq3A_9 : i1 to i32
    %cond3A_11 = arith.constant 0 : i32
    %cond3A_12 = arith.cmpi ne, %convert_element_type3A_10, %cond3A_11 : i32
    scf.if %cond3A_12 {
      %mul3A_151 = arith.constant 640 : i32
      %mul3A_152 = arith.muli %arg1, %mul3A_151 : i32
      "tpu.region"() ({
        %run_scoped3A_153 = tpu.sem_alloc : memref<!tpu.dma_semaphore, #tpu.memory_space<semaphore_mem>>
        %dma_start3A_154 = arith.constant 0 : i32
        %dma_start3A_155 = tpu.memref_slice %arg9[%mul3A_152, %dma_start3A_154] : memref<10240x16xf32, #tpu.memory_space<vmem_shared>> -> memref<640x16xf32, #tpu.memory_space<vmem_shared>>
        %dma_start3A_156 = arith.constant 0 : i32
        %dma_start3A_157 = tpu.memref_slice %arg9[%mul3A_152, %dma_start3A_156] : memref<10240x16xf32, #tpu.memory_space<vmem_shared>> -> memref<640x16xf32, #tpu.memory_space<vmem_shared>>
        tpu.enqueue_dma source(%arg8 : memref<640x16xf32, #tpu.memory_space<vmem>>) target(%dma_start3A_157 : memref<640x16xf32, #tpu.memory_space<vmem_shared>>) target_semaphore(%run_scoped3A_153 : memref<!tpu.dma_semaphore, #tpu.memory_space<semaphore_mem>>)
        %dma_wait3A = arith.constant 0 : i32
        %dma_wait3A_158 = tpu.memref_slice %arg9[%mul3A_152, %dma_wait3A] : memref<10240x16xf32, #tpu.memory_space<vmem_shared>> -> memref<640x16xf32, #tpu.memory_space<vmem_shared>>
        %dma_wait3A_159 = arith.constant 0 : i32
        %dma_wait3A_160 = tpu.memref_slice %arg9[%mul3A_152, %dma_wait3A_159] : memref<10240x16xf32, #tpu.memory_space<vmem_shared>> -> memref<640x16xf32, #tpu.memory_space<vmem_shared>>
        tpu.wait_dma2 semaphore(%run_scoped3A_153 : memref<!tpu.dma_semaphore, #tpu.memory_space<semaphore_mem>>) src(%arg8 : memref<640x16xf32, #tpu.memory_space<vmem>>) dst(%dma_wait3A_160 : memref<640x16xf32, #tpu.memory_space<vmem_shared>>)
        tpu.yield
      }) : () -> ()
    } else {
    }
    %mul3A_13 = arith.constant 78 : i32
    %mul3A_14 = arith.muli %add3A, %mul3A_13 : i32
    %run_scoped3A = arith.constant 0 : i32
    "tpu.region"() ({
      %run_scoped3A_151 = tpu.sem_alloc : memref<!tpu.dma_semaphore, #tpu.memory_space<semaphore_mem>>
      %dma_start3A_152 = arith.constant 0 : i32
      %dma_start3A_153 = arith.constant 0 : i32
      %dma_start3A_154 = tpu.memref_slice %arg5[%dma_start3A_152, %dma_start3A_153] : memref<79x128xi32, #tpu.memory_space<vmem>> -> memref<78x128xi32, #tpu.memory_space<vmem>>
      %dma_start3A_155 = arith.constant 0 : i32
      %dma_start3A_156 = tpu.memref_slice %arg3[%run_scoped3A, %mul3A_14, %dma_start3A_155] : memref<2x2500x128xi32, #tpu.memory_space<hbm>> -> memref<1x78x128xi32, #tpu.memory_space<hbm>>
      %dma_start3A_157 = tpu.memref_squeeze %dma_start3A_156 : memref<1x78x128xi32, #tpu.memory_space<hbm>> -> memref<78x128xi32, #tpu.memory_space<hbm>>
      %dma_start3A_158 = arith.constant 0 : i32
      %dma_start3A_159 = arith.constant 0 : i32
      %dma_start3A_160 = tpu.memref_slice %arg5[%dma_start3A_158, %dma_start3A_159] : memref<79x128xi32, #tpu.memory_space<vmem>> -> memref<78x128xi32, #tpu.memory_space<vmem>>
      %dma_start3A_161 = arith.constant 0 : i32
      %dma_start3A_162 = tpu.memref_slice %arg3[%run_scoped3A, %mul3A_14, %dma_start3A_161] : memref<2x2500x128xi32, #tpu.memory_space<hbm>> -> memref<1x78x128xi32, #tpu.memory_space<hbm>>
      %dma_start3A_163 = tpu.memref_squeeze %dma_start3A_162 : memref<1x78x128xi32, #tpu.memory_space<hbm>> -> memref<78x128xi32, #tpu.memory_space<hbm>>
      tpu.enqueue_dma source(%dma_start3A_163 : memref<78x128xi32, #tpu.memory_space<hbm>>) target(%dma_start3A_160 : memref<78x128xi32, #tpu.memory_space<vmem>>) target_semaphore(%run_scoped3A_151 : memref<!tpu.dma_semaphore, #tpu.memory_space<semaphore_mem>>)
      %dma_wait3A = arith.constant 0 : i32
      %dma_wait3A_164 = arith.constant 0 : i32
      %dma_wait3A_165 = tpu.memref_slice %arg5[%dma_wait3A, %dma_wait3A_164] : memref<79x128xi32, #tpu.memory_space<vmem>> -> memref<78x128xi32, #tpu.memory_space<vmem>>
      %dma_wait3A_166 = arith.constant 0 : i32
      %dma_wait3A_167 = tpu.memref_slice %arg3[%run_scoped3A, %mul3A_14, %dma_wait3A_166] : memref<2x2500x128xi32, #tpu.memory_space<hbm>> -> memref<1x78x128xi32, #tpu.memory_space<hbm>>
      %dma_wait3A_168 = tpu.memref_squeeze %dma_wait3A_167 : memref<1x78x128xi32, #tpu.memory_space<hbm>> -> memref<78x128xi32, #tpu.memory_space<hbm>>
      %dma_wait3A_169 = arith.constant 0 : i32
      %dma_wait3A_170 = arith.constant 0 : i32
      %dma_wait3A_171 = tpu.memref_slice %arg5[%dma_wait3A_169, %dma_wait3A_170] : memref<79x128xi32, #tpu.memory_space<vmem>> -> memref<78x128xi32, #tpu.memory_space<vmem>>
      %dma_wait3A_172 = arith.constant 0 : i32
      %dma_wait3A_173 = tpu.memref_slice %arg3[%run_scoped3A, %mul3A_14, %dma_wait3A_172] : memref<2x2500x128xi32, #tpu.memory_space<hbm>> -> memref<1x78x128xi32, #tpu.memory_space<hbm>>
      %dma_wait3A_174 = tpu.memref_squeeze %dma_wait3A_173 : memref<1x78x128xi32, #tpu.memory_space<hbm>> -> memref<78x128xi32, #tpu.memory_space<hbm>>
      tpu.wait_dma2 semaphore(%run_scoped3A_151 : memref<!tpu.dma_semaphore, #tpu.memory_space<semaphore_mem>>) src(%dma_wait3A_174 : memref<78x128xi32, #tpu.memory_space<hbm>>) dst(%dma_wait3A_171 : memref<78x128xi32, #tpu.memory_space<vmem>>)
      tpu.yield
    }) : () -> ()
    %mul3A_15 = arith.constant 78 : i32
    %mul3A_16 = arith.muli %add3A, %mul3A_15 : i32
    %run_scoped3A_17 = arith.constant 1 : i32
    "tpu.region"() ({
      %run_scoped3A_151 = tpu.sem_alloc : memref<!tpu.dma_semaphore, #tpu.memory_space<semaphore_mem>>
      %dma_start3A_152 = arith.constant 0 : i32
      %dma_start3A_153 = arith.constant 0 : i32
      %dma_start3A_154 = tpu.memref_slice %arg6[%dma_start3A_152, %dma_start3A_153] : memref<79x128xi32, #tpu.memory_space<vmem>> -> memref<78x128xi32, #tpu.memory_space<vmem>>
      %dma_start3A_155 = arith.constant 0 : i32
      %dma_start3A_156 = tpu.memref_slice %arg3[%run_scoped3A_17, %mul3A_16, %dma_start3A_155] : memref<2x2500x128xi32, #tpu.memory_space<hbm>> -> memref<1x78x128xi32, #tpu.memory_space<hbm>>
      %dma_start3A_157 = tpu.memref_squeeze %dma_start3A_156 : memref<1x78x128xi32, #tpu.memory_space<hbm>> -> memref<78x128xi32, #tpu.memory_space<hbm>>
      %dma_start3A_158 = arith.constant 0 : i32
      %dma_start3A_159 = arith.constant 0 : i32
      %dma_start3A_160 = tpu.memref_slice %arg6[%dma_start3A_158, %dma_start3A_159] : memref<79x128xi32, #tpu.memory_space<vmem>> -> memref<78x128xi32, #tpu.memory_space<vmem>>
      %dma_start3A_161 = arith.constant 0 : i32
      %dma_start3A_162 = tpu.memref_slice %arg3[%run_scoped3A_17, %mul3A_16, %dma_start3A_161] : memref<2x2500x128xi32, #tpu.memory_space<hbm>> -> memref<1x78x128xi32, #tpu.memory_space<hbm>>
      %dma_start3A_163 = tpu.memref_squeeze %dma_start3A_162 : memref<1x78x128xi32, #tpu.memory_space<hbm>> -> memref<78x128xi32, #tpu.memory_space<hbm>>
      tpu.enqueue_dma source(%dma_start3A_163 : memref<78x128xi32, #tpu.memory_space<hbm>>) target(%dma_start3A_160 : memref<78x128xi32, #tpu.memory_space<vmem>>) target_semaphore(%run_scoped3A_151 : memref<!tpu.dma_semaphore, #tpu.memory_space<semaphore_mem>>)
      %dma_wait3A = arith.constant 0 : i32
      %dma_wait3A_164 = arith.constant 0 : i32
      %dma_wait3A_165 = tpu.memref_slice %arg6[%dma_wait3A, %dma_wait3A_164] : memref<79x128xi32, #tpu.memory_space<vmem>> -> memref<78x128xi32, #tpu.memory_space<vmem>>
      %dma_wait3A_166 = arith.constant 0 : i32
      %dma_wait3A_167 = tpu.memref_slice %arg3[%run_scoped3A_17, %mul3A_16, %dma_wait3A_166] : memref<2x2500x128xi32, #tpu.memory_space<hbm>> -> memref<1x78x128xi32, #tpu.memory_space<hbm>>
      %dma_wait3A_168 = tpu.memref_squeeze %dma_wait3A_167 : memref<1x78x128xi32, #tpu.memory_space<hbm>> -> memref<78x128xi32, #tpu.memory_space<hbm>>
      %dma_wait3A_169 = arith.constant 0 : i32
      %dma_wait3A_170 = arith.constant 0 : i32
      %dma_wait3A_171 = tpu.memref_slice %arg6[%dma_wait3A_169, %dma_wait3A_170] : memref<79x128xi32, #tpu.memory_space<vmem>> -> memref<78x128xi32, #tpu.memory_space<vmem>>
      %dma_wait3A_172 = arith.constant 0 : i32
      %dma_wait3A_173 = tpu.memref_slice %arg3[%run_scoped3A_17, %mul3A_16, %dma_wait3A_172] : memref<2x2500x128xi32, #tpu.memory_space<hbm>> -> memref<1x78x128xi32, #tpu.memory_space<hbm>>
      %dma_wait3A_174 = tpu.memref_squeeze %dma_wait3A_173 : memref<1x78x128xi32, #tpu.memory_space<hbm>> -> memref<78x128xi32, #tpu.memory_space<hbm>>
      tpu.wait_dma2 semaphore(%run_scoped3A_151 : memref<!tpu.dma_semaphore, #tpu.memory_space<semaphore_mem>>) src(%dma_wait3A_174 : memref<78x128xi32, #tpu.memory_space<hbm>>) dst(%dma_wait3A_171 : memref<78x128xi32, #tpu.memory_space<vmem>>)
      tpu.yield
    }) : () -> ()
    %lt3A = arith.constant 4 : i32
    %lt3A_18 = arith.cmpi slt, %add3A, %lt3A : i32
    %convert_element_type3A_19 = arith.extui %lt3A_18 : i1 to i32
    %cond3A_20 = arith.constant 0 : i32
    %cond3A_21 = arith.cmpi ne, %convert_element_type3A_19, %cond3A_20 : i32
    scf.if %cond3A_21 {
      %add3A_151 = arith.constant 2496 : i32
      %add3A_152 = arith.addi %add3A_151, %add3A : i32
      %run_scoped3A_153 = arith.constant 0 : i32
      "tpu.region"() ({
        %run_scoped3A_157 = tpu.sem_alloc : memref<!tpu.dma_semaphore, #tpu.memory_space<semaphore_mem>>
        %dma_start3A_158 = arith.constant 78 : i32
        %dma_start3A_159 = arith.constant 0 : i32
        %dma_start3A_160 = tpu.memref_slice %arg5[%dma_start3A_158, %dma_start3A_159] : memref<79x128xi32, #tpu.memory_space<vmem>> -> memref<1x128xi32, #tpu.memory_space<vmem>>
        %dma_start3A_161 = arith.constant 0 : i32
        %dma_start3A_162 = tpu.memref_slice %arg3[%run_scoped3A_153, %add3A_152, %dma_start3A_161] : memref<2x2500x128xi32, #tpu.memory_space<hbm>> -> memref<1x1x128xi32, #tpu.memory_space<hbm>>
        %dma_start3A_163 = tpu.memref_squeeze %dma_start3A_162 : memref<1x1x128xi32, #tpu.memory_space<hbm>> -> memref<1x128xi32, #tpu.memory_space<hbm>>
        %dma_start3A_164 = arith.constant 78 : i32
        %dma_start3A_165 = arith.constant 0 : i32
        %dma_start3A_166 = tpu.memref_slice %arg5[%dma_start3A_164, %dma_start3A_165] : memref<79x128xi32, #tpu.memory_space<vmem>> -> memref<1x128xi32, #tpu.memory_space<vmem>>
        %dma_start3A_167 = arith.constant 0 : i32
        %dma_start3A_168 = tpu.memref_slice %arg3[%run_scoped3A_153, %add3A_152, %dma_start3A_167] : memref<2x2500x128xi32, #tpu.memory_space<hbm>> -> memref<1x1x128xi32, #tpu.memory_space<hbm>>
        %dma_start3A_169 = tpu.memref_squeeze %dma_start3A_168 : memref<1x1x128xi32, #tpu.memory_space<hbm>> -> memref<1x128xi32, #tpu.memory_space<hbm>>
        tpu.enqueue_dma source(%dma_start3A_169 : memref<1x128xi32, #tpu.memory_space<hbm>>) target(%dma_start3A_166 : memref<1x128xi32, #tpu.memory_space<vmem>>) target_semaphore(%run_scoped3A_157 : memref<!tpu.dma_semaphore, #tpu.memory_space<semaphore_mem>>)
        %dma_wait3A = arith.constant 78 : i32
        %dma_wait3A_170 = arith.constant 0 : i32
        %dma_wait3A_171 = tpu.memref_slice %arg5[%dma_wait3A, %dma_wait3A_170] : memref<79x128xi32, #tpu.memory_space<vmem>> -> memref<1x128xi32, #tpu.memory_space<vmem>>
        %dma_wait3A_172 = arith.constant 0 : i32
        %dma_wait3A_173 = tpu.memref_slice %arg3[%run_scoped3A_153, %add3A_152, %dma_wait3A_172] : memref<2x2500x128xi32, #tpu.memory_space<hbm>> -> memref<1x1x128xi32, #tpu.memory_space<hbm>>
        %dma_wait3A_174 = tpu.memref_squeeze %dma_wait3A_173 : memref<1x1x128xi32, #tpu.memory_space<hbm>> -> memref<1x128xi32, #tpu.memory_space<hbm>>
        %dma_wait3A_175 = arith.constant 78 : i32
        %dma_wait3A_176 = arith.constant 0 : i32
        %dma_wait3A_177 = tpu.memref_slice %arg5[%dma_wait3A_175, %dma_wait3A_176] : memref<79x128xi32, #tpu.memory_space<vmem>> -> memref<1x128xi32, #tpu.memory_space<vmem>>
        %dma_wait3A_178 = arith.constant 0 : i32
        %dma_wait3A_179 = tpu.memref_slice %arg3[%run_scoped3A_153, %add3A_152, %dma_wait3A_178] : memref<2x2500x128xi32, #tpu.memory_space<hbm>> -> memref<1x1x128xi32, #tpu.memory_space<hbm>>
        %dma_wait3A_180 = tpu.memref_squeeze %dma_wait3A_179 : memref<1x1x128xi32, #tpu.memory_space<hbm>> -> memref<1x128xi32, #tpu.memory_space<hbm>>
        tpu.wait_dma2 semaphore(%run_scoped3A_157 : memref<!tpu.dma_semaphore, #tpu.memory_space<semaphore_mem>>) src(%dma_wait3A_180 : memref<1x128xi32, #tpu.memory_space<hbm>>) dst(%dma_wait3A_177 : memref<1x128xi32, #tpu.memory_space<vmem>>)
        tpu.yield
      }) : () -> ()
      %add3A_154 = arith.constant 2496 : i32
      %add3A_155 = arith.addi %add3A_154, %add3A : i32
      %run_scoped3A_156 = arith.constant 1 : i32
      "tpu.region"() ({
        %run_scoped3A_157 = tpu.sem_alloc : memref<!tpu.dma_semaphore, #tpu.memory_space<semaphore_mem>>
        %dma_start3A_158 = arith.constant 78 : i32
        %dma_start3A_159 = arith.constant 0 : i32
        %dma_start3A_160 = tpu.memref_slice %arg6[%dma_start3A_158, %dma_start3A_159] : memref<79x128xi32, #tpu.memory_space<vmem>> -> memref<1x128xi32, #tpu.memory_space<vmem>>
        %dma_start3A_161 = arith.constant 0 : i32
        %dma_start3A_162 = tpu.memref_slice %arg3[%run_scoped3A_156, %add3A_155, %dma_start3A_161] : memref<2x2500x128xi32, #tpu.memory_space<hbm>> -> memref<1x1x128xi32, #tpu.memory_space<hbm>>
        %dma_start3A_163 = tpu.memref_squeeze %dma_start3A_162 : memref<1x1x128xi32, #tpu.memory_space<hbm>> -> memref<1x128xi32, #tpu.memory_space<hbm>>
        %dma_start3A_164 = arith.constant 78 : i32
        %dma_start3A_165 = arith.constant 0 : i32
        %dma_start3A_166 = tpu.memref_slice %arg6[%dma_start3A_164, %dma_start3A_165] : memref<79x128xi32, #tpu.memory_space<vmem>> -> memref<1x128xi32, #tpu.memory_space<vmem>>
        %dma_start3A_167 = arith.constant 0 : i32
        %dma_start3A_168 = tpu.memref_slice %arg3[%run_scoped3A_156, %add3A_155, %dma_start3A_167] : memref<2x2500x128xi32, #tpu.memory_space<hbm>> -> memref<1x1x128xi32, #tpu.memory_space<hbm>>
        %dma_start3A_169 = tpu.memref_squeeze %dma_start3A_168 : memref<1x1x128xi32, #tpu.memory_space<hbm>> -> memref<1x128xi32, #tpu.memory_space<hbm>>
        tpu.enqueue_dma source(%dma_start3A_169 : memref<1x128xi32, #tpu.memory_space<hbm>>) target(%dma_start3A_166 : memref<1x128xi32, #tpu.memory_space<vmem>>) target_semaphore(%run_scoped3A_157 : memref<!tpu.dma_semaphore, #tpu.memory_space<semaphore_mem>>)
        %dma_wait3A = arith.constant 78 : i32
        %dma_wait3A_170 = arith.constant 0 : i32
        %dma_wait3A_171 = tpu.memref_slice %arg6[%dma_wait3A, %dma_wait3A_170] : memref<79x128xi32, #tpu.memory_space<vmem>> -> memref<1x128xi32, #tpu.memory_space<vmem>>
        %dma_wait3A_172 = arith.constant 0 : i32
        %dma_wait3A_173 = tpu.memref_slice %arg3[%run_scoped3A_156, %add3A_155, %dma_wait3A_172] : memref<2x2500x128xi32, #tpu.memory_space<hbm>> -> memref<1x1x128xi32, #tpu.memory_space<hbm>>
        %dma_wait3A_174 = tpu.memref_squeeze %dma_wait3A_173 : memref<1x1x128xi32, #tpu.memory_space<hbm>> -> memref<1x128xi32, #tpu.memory_space<hbm>>
        %dma_wait3A_175 = arith.constant 78 : i32
        %dma_wait3A_176 = arith.constant 0 : i32
        %dma_wait3A_177 = tpu.memref_slice %arg6[%dma_wait3A_175, %dma_wait3A_176] : memref<79x128xi32, #tpu.memory_space<vmem>> -> memref<1x128xi32, #tpu.memory_space<vmem>>
        %dma_wait3A_178 = arith.constant 0 : i32
        %dma_wait3A_179 = tpu.memref_slice %arg3[%run_scoped3A_156, %add3A_155, %dma_wait3A_178] : memref<2x2500x128xi32, #tpu.memory_space<hbm>> -> memref<1x1x128xi32, #tpu.memory_space<hbm>>
        %dma_wait3A_180 = tpu.memref_squeeze %dma_wait3A_179 : memref<1x1x128xi32, #tpu.memory_space<hbm>> -> memref<1x128xi32, #tpu.memory_space<hbm>>
        tpu.wait_dma2 semaphore(%run_scoped3A_157 : memref<!tpu.dma_semaphore, #tpu.memory_space<semaphore_mem>>) src(%dma_wait3A_180 : memref<1x128xi32, #tpu.memory_space<hbm>>) dst(%dma_wait3A_177 : memref<1x128xi32, #tpu.memory_space<vmem>>)
        tpu.yield
      }) : () -> ()
    } else {
    }
    %lt3A_22 = arith.constant 4 : i32
    %lt3A_23 = arith.cmpi slt, %add3A, %lt3A_22 : i32
    %jit3A = arith.constant 1 : i32
    %jit3A_24 = arith.constant 0 : i32
    %select_n3A = arith.select %lt3A_23, %jit3A, %jit3A_24 : i32
    %add3A_25 = arith.constant 78 : i32
    %add3A_26 = arith.addi %add3A_25, %select_n3A : i32
    %barrier3A = arith.constant 0 : index
    tpu.barrier barrier_id(%barrier3A)
    %dma_start3A = arith.constant 0 : i32
    %dma_start3A_27 = arith.constant 0 : i32
    %dma_start3A_28 = arith.constant 0 : i32
    %dma_start3A_29 = arith.constant 0 : i32
    %dma_start3A_30 = arith.constant 0 : i32
    %dma_start3A_31 = tpu.memref_slice %arg7[%dma_start3A_27, %dma_start3A_29, %dma_start3A_30] : memref<14x128x16xf32, #tpu.memory_space<vmem>> -> memref<1x128x16xf32, #tpu.memory_space<vmem>>
    %dma_start3A_32 = tpu.memref_squeeze %dma_start3A_31 : memref<1x128x16xf32, #tpu.memory_space<vmem>> -> memref<128x16xf32, #tpu.memory_space<vmem>>
    %dma_start3A_33 = arith.constant 0 : i32
    %dma_start3A_34 = tpu.memref_slice %arg5[%dma_start3A, %dma_start3A_33] : memref<79x128xi32, #tpu.memory_space<vmem>> -> memref<1x128xi32, #tpu.memory_space<vmem>>
    %dma_start3A_35 = tpu.memref_squeeze %dma_start3A_34 : memref<1x128xi32, #tpu.memory_space<vmem>> -> memref<128xi32, #tpu.memory_space<vmem>>
    %dma_start3A_36 = arith.constant 0 : i32
    %dma_start3A_37 = arith.constant 0 : i32
    %dma_start3A_38 = tpu.memref_slice %arg2[%dma_start3A_36, %dma_start3A_37] : memref<10240x16xf32, #tpu.memory_space<hbm>> -> memref<10240x16xf32, #tpu.memory_space<hbm>>
    %dma_start3A_39 = tpu.memref_slice %arg10[%dma_start3A_28] : memref<14x!tpu.dma_semaphore, #tpu.memory_space<semaphore_mem>> -> memref<1x!tpu.dma_semaphore, #tpu.memory_space<semaphore_mem>>
    %dma_start3A_40 = tpu.memref_squeeze %dma_start3A_39 : memref<1x!tpu.dma_semaphore, #tpu.memory_space<semaphore_mem>> -> memref<!tpu.dma_semaphore, #tpu.memory_space<semaphore_mem>>
    tpu.enqueue_indirect_dma source(%dma_start3A_38 : memref<10240x16xf32, #tpu.memory_space<hbm>>) target(%dma_start3A_32 : memref<128x16xf32, #tpu.memory_space<vmem>>) offsets(%dma_start3A_35 : memref<128xi32, #tpu.memory_space<vmem>>) semaphore(%dma_start3A_40 : memref<!tpu.dma_semaphore, #tpu.memory_space<semaphore_mem>>)
    %dma_start3A_41 = arith.constant 1 : i32
    %dma_start3A_42 = arith.constant 1 : i32
    %dma_start3A_43 = arith.constant 1 : i32
    %dma_start3A_44 = arith.constant 0 : i32
    %dma_start3A_45 = arith.constant 0 : i32
    %dma_start3A_46 = tpu.memref_slice %arg7[%dma_start3A_42, %dma_start3A_44, %dma_start3A_45] : memref<14x128x16xf32, #tpu.memory_space<vmem>> -> memref<1x128x16xf32, #tpu.memory_space<vmem>>
    %dma_start3A_47 = tpu.memref_squeeze %dma_start3A_46 : memref<1x128x16xf32, #tpu.memory_space<vmem>> -> memref<128x16xf32, #tpu.memory_space<vmem>>
    %dma_start3A_48 = arith.constant 0 : i32
    %dma_start3A_49 = tpu.memref_slice %arg5[%dma_start3A_41, %dma_start3A_48] : memref<79x128xi32, #tpu.memory_space<vmem>> -> memref<1x128xi32, #tpu.memory_space<vmem>>
    %dma_start3A_50 = tpu.memref_squeeze %dma_start3A_49 : memref<1x128xi32, #tpu.memory_space<vmem>> -> memref<128xi32, #tpu.memory_space<vmem>>
    %dma_start3A_51 = arith.constant 0 : i32
    %dma_start3A_52 = arith.constant 0 : i32
    %dma_start3A_53 = tpu.memref_slice %arg2[%dma_start3A_51, %dma_start3A_52] : memref<10240x16xf32, #tpu.memory_space<hbm>> -> memref<10240x16xf32, #tpu.memory_space<hbm>>
    %dma_start3A_54 = tpu.memref_slice %arg10[%dma_start3A_43] : memref<14x!tpu.dma_semaphore, #tpu.memory_space<semaphore_mem>> -> memref<1x!tpu.dma_semaphore, #tpu.memory_space<semaphore_mem>>
    %dma_start3A_55 = tpu.memref_squeeze %dma_start3A_54 : memref<1x!tpu.dma_semaphore, #tpu.memory_space<semaphore_mem>> -> memref<!tpu.dma_semaphore, #tpu.memory_space<semaphore_mem>>
    tpu.enqueue_indirect_dma source(%dma_start3A_53 : memref<10240x16xf32, #tpu.memory_space<hbm>>) target(%dma_start3A_47 : memref<128x16xf32, #tpu.memory_space<vmem>>) offsets(%dma_start3A_50 : memref<128xi32, #tpu.memory_space<vmem>>) semaphore(%dma_start3A_55 : memref<!tpu.dma_semaphore, #tpu.memory_space<semaphore_mem>>)
    %dma_start3A_56 = arith.constant 2 : i32
    %dma_start3A_57 = arith.constant 2 : i32
    %dma_start3A_58 = arith.constant 2 : i32
    %dma_start3A_59 = arith.constant 0 : i32
    %dma_start3A_60 = arith.constant 0 : i32
    %dma_start3A_61 = tpu.memref_slice %arg7[%dma_start3A_57, %dma_start3A_59, %dma_start3A_60] : memref<14x128x16xf32, #tpu.memory_space<vmem>> -> memref<1x128x16xf32, #tpu.memory_space<vmem>>
    %dma_start3A_62 = tpu.memref_squeeze %dma_start3A_61 : memref<1x128x16xf32, #tpu.memory_space<vmem>> -> memref<128x16xf32, #tpu.memory_space<vmem>>
    %dma_start3A_63 = arith.constant 0 : i32
    %dma_start3A_64 = tpu.memref_slice %arg5[%dma_start3A_56, %dma_start3A_63] : memref<79x128xi32, #tpu.memory_space<vmem>> -> memref<1x128xi32, #tpu.memory_space<vmem>>
    %dma_start3A_65 = tpu.memref_squeeze %dma_start3A_64 : memref<1x128xi32, #tpu.memory_space<vmem>> -> memref<128xi32, #tpu.memory_space<vmem>>
    %dma_start3A_66 = arith.constant 0 : i32
    %dma_start3A_67 = arith.constant 0 : i32
    %dma_start3A_68 = tpu.memref_slice %arg2[%dma_start3A_66, %dma_start3A_67] : memref<10240x16xf32, #tpu.memory_space<hbm>> -> memref<10240x16xf32, #tpu.memory_space<hbm>>
    %dma_start3A_69 = tpu.memref_slice %arg10[%dma_start3A_58] : memref<14x!tpu.dma_semaphore, #tpu.memory_space<semaphore_mem>> -> memref<1x!tpu.dma_semaphore, #tpu.memory_space<semaphore_mem>>
    %dma_start3A_70 = tpu.memref_squeeze %dma_start3A_69 : memref<1x!tpu.dma_semaphore, #tpu.memory_space<semaphore_mem>> -> memref<!tpu.dma_semaphore, #tpu.memory_space<semaphore_mem>>
    tpu.enqueue_indirect_dma source(%dma_start3A_68 : memref<10240x16xf32, #tpu.memory_space<hbm>>) target(%dma_start3A_62 : memref<128x16xf32, #tpu.memory_space<vmem>>) offsets(%dma_start3A_65 : memref<128xi32, #tpu.memory_space<vmem>>) semaphore(%dma_start3A_70 : memref<!tpu.dma_semaphore, #tpu.memory_space<semaphore_mem>>)
    %dma_start3A_71 = arith.constant 3 : i32
    %dma_start3A_72 = arith.constant 3 : i32
    %dma_start3A_73 = arith.constant 3 : i32
    %dma_start3A_74 = arith.constant 0 : i32
    %dma_start3A_75 = arith.constant 0 : i32
    %dma_start3A_76 = tpu.memref_slice %arg7[%dma_start3A_72, %dma_start3A_74, %dma_start3A_75] : memref<14x128x16xf32, #tpu.memory_space<vmem>> -> memref<1x128x16xf32, #tpu.memory_space<vmem>>
    %dma_start3A_77 = tpu.memref_squeeze %dma_start3A_76 : memref<1x128x16xf32, #tpu.memory_space<vmem>> -> memref<128x16xf32, #tpu.memory_space<vmem>>
    %dma_start3A_78 = arith.constant 0 : i32
    %dma_start3A_79 = tpu.memref_slice %arg5[%dma_start3A_71, %dma_start3A_78] : memref<79x128xi32, #tpu.memory_space<vmem>> -> memref<1x128xi32, #tpu.memory_space<vmem>>
    %dma_start3A_80 = tpu.memref_squeeze %dma_start3A_79 : memref<1x128xi32, #tpu.memory_space<vmem>> -> memref<128xi32, #tpu.memory_space<vmem>>
    %dma_start3A_81 = arith.constant 0 : i32
    %dma_start3A_82 = arith.constant 0 : i32
    %dma_start3A_83 = tpu.memref_slice %arg2[%dma_start3A_81, %dma_start3A_82] : memref<10240x16xf32, #tpu.memory_space<hbm>> -> memref<10240x16xf32, #tpu.memory_space<hbm>>
    %dma_start3A_84 = tpu.memref_slice %arg10[%dma_start3A_73] : memref<14x!tpu.dma_semaphore, #tpu.memory_space<semaphore_mem>> -> memref<1x!tpu.dma_semaphore, #tpu.memory_space<semaphore_mem>>
    %dma_start3A_85 = tpu.memref_squeeze %dma_start3A_84 : memref<1x!tpu.dma_semaphore, #tpu.memory_space<semaphore_mem>> -> memref<!tpu.dma_semaphore, #tpu.memory_space<semaphore_mem>>
    tpu.enqueue_indirect_dma source(%dma_start3A_83 : memref<10240x16xf32, #tpu.memory_space<hbm>>) target(%dma_start3A_77 : memref<128x16xf32, #tpu.memory_space<vmem>>) offsets(%dma_start3A_80 : memref<128xi32, #tpu.memory_space<vmem>>) semaphore(%dma_start3A_85 : memref<!tpu.dma_semaphore, #tpu.memory_space<semaphore_mem>>)
    %dma_start3A_86 = arith.constant 4 : i32
    %dma_start3A_87 = arith.constant 4 : i32
    %dma_start3A_88 = arith.constant 4 : i32
    %dma_start3A_89 = arith.constant 0 : i32
    %dma_start3A_90 = arith.constant 0 : i32
    %dma_start3A_91 = tpu.memref_slice %arg7[%dma_start3A_87, %dma_start3A_89, %dma_start3A_90] : memref<14x128x16xf32, #tpu.memory_space<vmem>> -> memref<1x128x16xf32, #tpu.memory_space<vmem>>
    %dma_start3A_92 = tpu.memref_squeeze %dma_start3A_91 : memref<1x128x16xf32, #tpu.memory_space<vmem>> -> memref<128x16xf32, #tpu.memory_space<vmem>>
    %dma_start3A_93 = arith.constant 0 : i32
    %dma_start3A_94 = tpu.memref_slice %arg5[%dma_start3A_86, %dma_start3A_93] : memref<79x128xi32, #tpu.memory_space<vmem>> -> memref<1x128xi32, #tpu.memory_space<vmem>>
    %dma_start3A_95 = tpu.memref_squeeze %dma_start3A_94 : memref<1x128xi32, #tpu.memory_space<vmem>> -> memref<128xi32, #tpu.memory_space<vmem>>
    %dma_start3A_96 = arith.constant 0 : i32
    %dma_start3A_97 = arith.constant 0 : i32
    %dma_start3A_98 = tpu.memref_slice %arg2[%dma_start3A_96, %dma_start3A_97] : memref<10240x16xf32, #tpu.memory_space<hbm>> -> memref<10240x16xf32, #tpu.memory_space<hbm>>
    %dma_start3A_99 = tpu.memref_slice %arg10[%dma_start3A_88] : memref<14x!tpu.dma_semaphore, #tpu.memory_space<semaphore_mem>> -> memref<1x!tpu.dma_semaphore, #tpu.memory_space<semaphore_mem>>
    %dma_start3A_100 = tpu.memref_squeeze %dma_start3A_99 : memref<1x!tpu.dma_semaphore, #tpu.memory_space<semaphore_mem>> -> memref<!tpu.dma_semaphore, #tpu.memory_space<semaphore_mem>>
    tpu.enqueue_indirect_dma source(%dma_start3A_98 : memref<10240x16xf32, #tpu.memory_space<hbm>>) target(%dma_start3A_92 : memref<128x16xf32, #tpu.memory_space<vmem>>) offsets(%dma_start3A_95 : memref<128xi32, #tpu.memory_space<vmem>>) semaphore(%dma_start3A_100 : memref<!tpu.dma_semaphore, #tpu.memory_space<semaphore_mem>>)
    %dma_start3A_101 = arith.constant 5 : i32
    %dma_start3A_102 = arith.constant 5 : i32
    %dma_start3A_103 = arith.constant 5 : i32
    %dma_start3A_104 = arith.constant 0 : i32
    %dma_start3A_105 = arith.constant 0 : i32
    %dma_start3A_106 = tpu.memref_slice %arg7[%dma_start3A_102, %dma_start3A_104, %dma_start3A_105] : memref<14x128x16xf32, #tpu.memory_space<vmem>> -> memref<1x128x16xf32, #tpu.memory_space<vmem>>
    %dma_start3A_107 = tpu.memref_squeeze %dma_start3A_106 : memref<1x128x16xf32, #tpu.memory_space<vmem>> -> memref<128x16xf32, #tpu.memory_space<vmem>>
    %dma_start3A_108 = arith.constant 0 : i32
    %dma_start3A_109 = tpu.memref_slice %arg5[%dma_start3A_101, %dma_start3A_108] : memref<79x128xi32, #tpu.memory_space<vmem>> -> memref<1x128xi32, #tpu.memory_space<vmem>>
    %dma_start3A_110 = tpu.memref_squeeze %dma_start3A_109 : memref<1x128xi32, #tpu.memory_space<vmem>> -> memref<128xi32, #tpu.memory_space<vmem>>
    %dma_start3A_111 = arith.constant 0 : i32
    %dma_start3A_112 = arith.constant 0 : i32
    %dma_start3A_113 = tpu.memref_slice %arg2[%dma_start3A_111, %dma_start3A_112] : memref<10240x16xf32, #tpu.memory_space<hbm>> -> memref<10240x16xf32, #tpu.memory_space<hbm>>
    %dma_start3A_114 = tpu.memref_slice %arg10[%dma_start3A_103] : memref<14x!tpu.dma_semaphore, #tpu.memory_space<semaphore_mem>> -> memref<1x!tpu.dma_semaphore, #tpu.memory_space<semaphore_mem>>
    %dma_start3A_115 = tpu.memref_squeeze %dma_start3A_114 : memref<1x!tpu.dma_semaphore, #tpu.memory_space<semaphore_mem>> -> memref<!tpu.dma_semaphore, #tpu.memory_space<semaphore_mem>>
    tpu.enqueue_indirect_dma source(%dma_start3A_113 : memref<10240x16xf32, #tpu.memory_space<hbm>>) target(%dma_start3A_107 : memref<128x16xf32, #tpu.memory_space<vmem>>) offsets(%dma_start3A_110 : memref<128xi32, #tpu.memory_space<vmem>>) semaphore(%dma_start3A_115 : memref<!tpu.dma_semaphore, #tpu.memory_space<semaphore_mem>>)
    %dma_start3A_116 = arith.constant 6 : i32
    %dma_start3A_117 = arith.constant 6 : i32
    %dma_start3A_118 = arith.constant 6 : i32
    %dma_start3A_119 = arith.constant 0 : i32
    %dma_start3A_120 = arith.constant 0 : i32
    %dma_start3A_121 = tpu.memref_slice %arg7[%dma_start3A_117, %dma_start3A_119, %dma_start3A_120] : memref<14x128x16xf32, #tpu.memory_space<vmem>> -> memref<1x128x16xf32, #tpu.memory_space<vmem>>
    %dma_start3A_122 = tpu.memref_squeeze %dma_start3A_121 : memref<1x128x16xf32, #tpu.memory_space<vmem>> -> memref<128x16xf32, #tpu.memory_space<vmem>>
    %dma_start3A_123 = arith.constant 0 : i32
    %dma_start3A_124 = tpu.memref_slice %arg5[%dma_start3A_116, %dma_start3A_123] : memref<79x128xi32, #tpu.memory_space<vmem>> -> memref<1x128xi32, #tpu.memory_space<vmem>>
    %dma_start3A_125 = tpu.memref_squeeze %dma_start3A_124 : memref<1x128xi32, #tpu.memory_space<vmem>> -> memref<128xi32, #tpu.memory_space<vmem>>
    %dma_start3A_126 = arith.constant 0 : i32
    %dma_start3A_127 = arith.constant 0 : i32
    %dma_start3A_128 = tpu.memref_slice %arg2[%dma_start3A_126, %dma_start3A_127] : memref<10240x16xf32, #tpu.memory_space<hbm>> -> memref<10240x16xf32, #tpu.memory_space<hbm>>
    %dma_start3A_129 = tpu.memref_slice %arg10[%dma_start3A_118] : memref<14x!tpu.dma_semaphore, #tpu.memory_space<semaphore_mem>> -> memref<1x!tpu.dma_semaphore, #tpu.memory_space<semaphore_mem>>
    %dma_start3A_130 = tpu.memref_squeeze %dma_start3A_129 : memref<1x!tpu.dma_semaphore, #tpu.memory_space<semaphore_mem>> -> memref<!tpu.dma_semaphore, #tpu.memory_space<semaphore_mem>>
    tpu.enqueue_indirect_dma source(%dma_start3A_128 : memref<10240x16xf32, #tpu.memory_space<hbm>>) target(%dma_start3A_122 : memref<128x16xf32, #tpu.memory_space<vmem>>) offsets(%dma_start3A_125 : memref<128xi32, #tpu.memory_space<vmem>>) semaphore(%dma_start3A_130 : memref<!tpu.dma_semaphore, #tpu.memory_space<semaphore_mem>>)
    %while3A = arith.constant 0 : i32
    %while3A_131 = arith.constant 0 : i32
    %while3A_132 = arith.subi %add3A_26, %while3A_131 : i32
    %while3A_133 = arith.addi %while3A_131, %while3A_132 : i32
    %while3A_134 = arith.constant 1 : i32
    %while3A_135 = arith.divsi %while3A_132, %while3A_134 : i32
    %while3A_136 = arith.muli %while3A_135, %while3A_134 : i32
    %while3A_137 = arith.addi %while3A_131, %while3A_136 : i32
    %while3A_138 = arith.constant 1 : i32
    scf.for %while3A_151 = %while3A_131 to %while3A_137 step %while3A_138  : i32 {
      %jit3A_152 = arith.constant 14 : i32
      %eq3A_153 = arith.constant 0 : i32
      %eq3A_154 = arith.cmpi eq, %jit3A_152, %eq3A_153 : i32
      %jit3A_155 = arith.constant 1 : i32
      %select_n3A_156 = arith.select %eq3A_154, %jit3A_155, %jit3A_152 : i32
      %rem3A = arith.remsi %while3A_151, %select_n3A_156 : i32
      %ne3A = arith.constant 0 : i32
      %ne3A_157 = arith.cmpi ne, %rem3A, %ne3A : i32
      %lt3A_158 = arith.constant 0 : i32
      %lt3A_159 = arith.cmpi slt, %rem3A, %lt3A_158 : i32
      %lt3A_160 = arith.constant 0 : i32
      %lt3A_161 = arith.cmpi slt, %select_n3A_156, %lt3A_160 : i32
      %ne3A_162 = arith.xori %lt3A_159, %lt3A_161 : i1
      %and3A = arith.andi %ne3A_162, %ne3A_157 : i1
      %add3A_163 = arith.addi %rem3A, %select_n3A_156 : i32
      %select_n3A_164 = arith.select %and3A, %add3A_163, %rem3A : i32
      %dma_wait3A = arith.constant 0 : i32
      %dma_wait3A_165 = arith.constant 0 : i32
      %dma_wait3A_166 = tpu.memref_slice %arg7[%select_n3A_164, %dma_wait3A, %dma_wait3A_165] : memref<14x128x16xf32, #tpu.memory_space<vmem>> -> memref<1x128x16xf32, #tpu.memory_space<vmem>>
      %dma_wait3A_167 = tpu.memref_squeeze %dma_wait3A_166 : memref<1x128x16xf32, #tpu.memory_space<vmem>> -> memref<128x16xf32, #tpu.memory_space<vmem>>
      %dma_wait3A_168 = arith.constant 0 : i32
      %dma_wait3A_169 = tpu.memref_slice %arg5[%while3A_151, %dma_wait3A_168] : memref<79x128xi32, #tpu.memory_space<vmem>> -> memref<1x128xi32, #tpu.memory_space<vmem>>
      %dma_wait3A_170 = tpu.memref_squeeze %dma_wait3A_169 : memref<1x128xi32, #tpu.memory_space<vmem>> -> memref<128xi32, #tpu.memory_space<vmem>>
      %dma_wait3A_171 = arith.constant 0 : i32
      %dma_wait3A_172 = arith.constant 0 : i32
      %dma_wait3A_173 = tpu.memref_slice %arg2[%dma_wait3A_171, %dma_wait3A_172] : memref<10240x16xf32, #tpu.memory_space<hbm>> -> memref<10240x16xf32, #tpu.memory_space<hbm>>
      %dma_wait3A_174 = tpu.memref_slice %arg10[%select_n3A_164] : memref<14x!tpu.dma_semaphore, #tpu.memory_space<semaphore_mem>> -> memref<1x!tpu.dma_semaphore, #tpu.memory_space<semaphore_mem>>
      %dma_wait3A_175 = tpu.memref_squeeze %dma_wait3A_174 : memref<1x!tpu.dma_semaphore, #tpu.memory_space<semaphore_mem>> -> memref<!tpu.dma_semaphore, #tpu.memory_space<semaphore_mem>>
      tpu.wait_indirect_dma semaphore(%dma_wait3A_175 : memref<!tpu.dma_semaphore, #tpu.memory_space<semaphore_mem>>) src(%dma_wait3A_173 : memref<10240x16xf32, #tpu.memory_space<hbm>>) dst(%dma_wait3A_167 : memref<128x16xf32, #tpu.memory_space<vmem>>)
      %dma_start3A_176 = arith.constant 0 : i32
      %dma_start3A_177 = arith.constant 0 : i32
      %dma_start3A_178 = tpu.memref_slice %arg7[%select_n3A_164, %dma_start3A_176, %dma_start3A_177] : memref<14x128x16xf32, #tpu.memory_space<vmem>> -> memref<1x128x16xf32, #tpu.memory_space<vmem>>
      %dma_start3A_179 = tpu.memref_squeeze %dma_start3A_178 : memref<1x128x16xf32, #tpu.memory_space<vmem>> -> memref<128x16xf32, #tpu.memory_space<vmem>>
      %dma_start3A_180 = arith.constant 0 : i32
      %dma_start3A_181 = tpu.memref_slice %arg6[%while3A_151, %dma_start3A_180] : memref<79x128xi32, #tpu.memory_space<vmem>> -> memref<1x128xi32, #tpu.memory_space<vmem>>
      %dma_start3A_182 = tpu.memref_squeeze %dma_start3A_181 : memref<1x128xi32, #tpu.memory_space<vmem>> -> memref<128xi32, #tpu.memory_space<vmem>>
      %dma_start3A_183 = arith.constant 0 : i32
      %dma_start3A_184 = arith.constant 0 : i32
      %dma_start3A_185 = tpu.memref_slice %arg9[%dma_start3A_183, %dma_start3A_184] : memref<10240x16xf32, #tpu.memory_space<vmem_shared>> -> memref<10240x16xf32, #tpu.memory_space<vmem_shared>>
      %dma_start3A_186 = tpu.memref_slice %arg11[%select_n3A_164] : memref<14x!tpu.dma_semaphore, #tpu.memory_space<semaphore_mem>> -> memref<1x!tpu.dma_semaphore, #tpu.memory_space<semaphore_mem>>
      %dma_start3A_187 = tpu.memref_squeeze %dma_start3A_186 : memref<1x!tpu.dma_semaphore, #tpu.memory_space<semaphore_mem>> -> memref<!tpu.dma_semaphore, #tpu.memory_space<semaphore_mem>>
      tpu.enqueue_indirect_dma source(%dma_start3A_179 : memref<128x16xf32, #tpu.memory_space<vmem>>) target(%dma_start3A_185 : memref<10240x16xf32, #tpu.memory_space<vmem_shared>>) offsets(%dma_start3A_182 : memref<128xi32, #tpu.memory_space<vmem>>) semaphore(%dma_start3A_187 : memref<!tpu.dma_semaphore, #tpu.memory_space<semaphore_mem>>) {add = true}
      %ge3A = arith.constant 7 : i32
      %ge3A_188 = arith.cmpi sge, %while3A_151, %ge3A : i32
      %convert_element_type3A_189 = arith.extui %ge3A_188 : i1 to i32
      %cond3A_190 = arith.constant 0 : i32
      %cond3A_191 = arith.cmpi ne, %convert_element_type3A_189, %cond3A_190 : i32
      scf.if %cond3A_191 {
        %sub3A = arith.constant 7 : i32
        %sub3A_198 = arith.subi %while3A_151, %sub3A : i32
        %jit3A_199 = arith.constant 14 : i32
        %eq3A_200 = arith.constant 0 : i32
        %eq3A_201 = arith.cmpi eq, %jit3A_199, %eq3A_200 : i32
        %jit3A_202 = arith.constant 1 : i32
        %select_n3A_203 = arith.select %eq3A_201, %jit3A_202, %jit3A_199 : i32
        %rem3A_204 = arith.remsi %sub3A_198, %select_n3A_203 : i32
        %ne3A_205 = arith.constant 0 : i32
        %ne3A_206 = arith.cmpi ne, %rem3A_204, %ne3A_205 : i32
        %lt3A_207 = arith.constant 0 : i32
        %lt3A_208 = arith.cmpi slt, %rem3A_204, %lt3A_207 : i32
        %lt3A_209 = arith.constant 0 : i32
        %lt3A_210 = arith.cmpi slt, %select_n3A_203, %lt3A_209 : i32
        %ne3A_211 = arith.xori %lt3A_208, %lt3A_210 : i1
        %and3A_212 = arith.andi %ne3A_211, %ne3A_206 : i1
        %add3A_213 = arith.addi %rem3A_204, %select_n3A_203 : i32
        %select_n3A_214 = arith.select %and3A_212, %add3A_213, %rem3A_204 : i32
        %dma_wait3A_215 = arith.constant 0 : i32
        %dma_wait3A_216 = arith.constant 0 : i32
        %dma_wait3A_217 = tpu.memref_slice %arg7[%select_n3A_214, %dma_wait3A_215, %dma_wait3A_216] : memref<14x128x16xf32, #tpu.memory_space<vmem>> -> memref<1x128x16xf32, #tpu.memory_space<vmem>>
        %dma_wait3A_218 = tpu.memref_squeeze %dma_wait3A_217 : memref<1x128x16xf32, #tpu.memory_space<vmem>> -> memref<128x16xf32, #tpu.memory_space<vmem>>
        %dma_wait3A_219 = arith.constant 0 : i32
        %dma_wait3A_220 = tpu.memref_slice %arg6[%sub3A_198, %dma_wait3A_219] : memref<79x128xi32, #tpu.memory_space<vmem>> -> memref<1x128xi32, #tpu.memory_space<vmem>>
        %dma_wait3A_221 = tpu.memref_squeeze %dma_wait3A_220 : memref<1x128xi32, #tpu.memory_space<vmem>> -> memref<128xi32, #tpu.memory_space<vmem>>
        %dma_wait3A_222 = arith.constant 0 : i32
        %dma_wait3A_223 = arith.constant 0 : i32
        %dma_wait3A_224 = tpu.memref_slice %arg9[%dma_wait3A_222, %dma_wait3A_223] : memref<10240x16xf32, #tpu.memory_space<vmem_shared>> -> memref<10240x16xf32, #tpu.memory_space<vmem_shared>>
        %dma_wait3A_225 = tpu.memref_slice %arg11[%select_n3A_214] : memref<14x!tpu.dma_semaphore, #tpu.memory_space<semaphore_mem>> -> memref<1x!tpu.dma_semaphore, #tpu.memory_space<semaphore_mem>>
        %dma_wait3A_226 = tpu.memref_squeeze %dma_wait3A_225 : memref<1x!tpu.dma_semaphore, #tpu.memory_space<semaphore_mem>> -> memref<!tpu.dma_semaphore, #tpu.memory_space<semaphore_mem>>
        tpu.wait_indirect_dma semaphore(%dma_wait3A_226 : memref<!tpu.dma_semaphore, #tpu.memory_space<semaphore_mem>>) src(%dma_wait3A_218 : memref<128x16xf32, #tpu.memory_space<vmem>>) dst(%dma_wait3A_224 : memref<10240x16xf32, #tpu.memory_space<vmem_shared>>)
      } else {
      }
      %add3A_192 = arith.constant 7 : i32
      %add3A_193 = arith.addi %while3A_151, %add3A_192 : i32
      %lt3A_194 = arith.cmpi slt, %add3A_193, %add3A_26 : i32
      %convert_element_type3A_195 = arith.extui %lt3A_194 : i1 to i32
      %cond3A_196 = arith.constant 0 : i32
      %cond3A_197 = arith.cmpi ne, %convert_element_type3A_195, %cond3A_196 : i32
      scf.if %cond3A_197 {
        %add3A_198 = arith.constant 7 : i32
        %add3A_199 = arith.addi %while3A_151, %add3A_198 : i32
        %jit3A_200 = arith.constant 14 : i32
        %eq3A_201 = arith.constant 0 : i32
        %eq3A_202 = arith.cmpi eq, %jit3A_200, %eq3A_201 : i32
        %jit3A_203 = arith.constant 1 : i32
        %select_n3A_204 = arith.select %eq3A_202, %jit3A_203, %jit3A_200 : i32
        %rem3A_205 = arith.remsi %add3A_199, %select_n3A_204 : i32
        %ne3A_206 = arith.constant 0 : i32
        %ne3A_207 = arith.cmpi ne, %rem3A_205, %ne3A_206 : i32
        %lt3A_208 = arith.constant 0 : i32
        %lt3A_209 = arith.cmpi slt, %rem3A_205, %lt3A_208 : i32
        %lt3A_210 = arith.constant 0 : i32
        %lt3A_211 = arith.cmpi slt, %select_n3A_204, %lt3A_210 : i32
        %ne3A_212 = arith.xori %lt3A_209, %lt3A_211 : i1
        %and3A_213 = arith.andi %ne3A_212, %ne3A_207 : i1
        %add3A_214 = arith.addi %rem3A_205, %select_n3A_204 : i32
        %select_n3A_215 = arith.select %and3A_213, %add3A_214, %rem3A_205 : i32
        %dma_start3A_216 = arith.constant 0 : i32
        %dma_start3A_217 = arith.constant 0 : i32
        %dma_start3A_218 = tpu.memref_slice %arg7[%select_n3A_215, %dma_start3A_216, %dma_start3A_217] : memref<14x128x16xf32, #tpu.memory_space<vmem>> -> memref<1x128x16xf32, #tpu.memory_space<vmem>>
        %dma_start3A_219 = tpu.memref_squeeze %dma_start3A_218 : memref<1x128x16xf32, #tpu.memory_space<vmem>> -> memref<128x16xf32, #tpu.memory_space<vmem>>
        %dma_start3A_220 = arith.constant 0 : i32
        %dma_start3A_221 = tpu.memref_slice %arg5[%add3A_199, %dma_start3A_220] : memref<79x128xi32, #tpu.memory_space<vmem>> -> memref<1x128xi32, #tpu.memory_space<vmem>>
        %dma_start3A_222 = tpu.memref_squeeze %dma_start3A_221 : memref<1x128xi32, #tpu.memory_space<vmem>> -> memref<128xi32, #tpu.memory_space<vmem>>
        %dma_start3A_223 = arith.constant 0 : i32
        %dma_start3A_224 = arith.constant 0 : i32
        %dma_start3A_225 = tpu.memref_slice %arg2[%dma_start3A_223, %dma_start3A_224] : memref<10240x16xf32, #tpu.memory_space<hbm>> -> memref<10240x16xf32, #tpu.memory_space<hbm>>
        %dma_start3A_226 = tpu.memref_slice %arg10[%select_n3A_215] : memref<14x!tpu.dma_semaphore, #tpu.memory_space<semaphore_mem>> -> memref<1x!tpu.dma_semaphore, #tpu.memory_space<semaphore_mem>>
        %dma_start3A_227 = tpu.memref_squeeze %dma_start3A_226 : memref<1x!tpu.dma_semaphore, #tpu.memory_space<semaphore_mem>> -> memref<!tpu.dma_semaphore, #tpu.memory_space<semaphore_mem>>
        tpu.enqueue_indirect_dma source(%dma_start3A_225 : memref<10240x16xf32, #tpu.memory_space<hbm>>) target(%dma_start3A_219 : memref<128x16xf32, #tpu.memory_space<vmem>>) offsets(%dma_start3A_222 : memref<128xi32, #tpu.memory_space<vmem>>) semaphore(%dma_start3A_227 : memref<!tpu.dma_semaphore, #tpu.memory_space<semaphore_mem>>)
      } else {
      }
    }
    %while3A_139 = arith.constant 1 : i32
    scf.for %while3A_151 = %while3A_137 to %while3A_133 step %while3A_139  : i32 {
      %jit3A_152 = arith.constant 14 : i32
      %eq3A_153 = arith.constant 0 : i32
      %eq3A_154 = arith.cmpi eq, %jit3A_152, %eq3A_153 : i32
      %jit3A_155 = arith.constant 1 : i32
      %select_n3A_156 = arith.select %eq3A_154, %jit3A_155, %jit3A_152 : i32
      %rem3A = arith.remsi %while3A_151, %select_n3A_156 : i32
      %ne3A = arith.constant 0 : i32
      %ne3A_157 = arith.cmpi ne, %rem3A, %ne3A : i32
      %lt3A_158 = arith.constant 0 : i32
      %lt3A_159 = arith.cmpi slt, %rem3A, %lt3A_158 : i32
      %lt3A_160 = arith.constant 0 : i32
      %lt3A_161 = arith.cmpi slt, %select_n3A_156, %lt3A_160 : i32
      %ne3A_162 = arith.xori %lt3A_159, %lt3A_161 : i1
      %and3A = arith.andi %ne3A_162, %ne3A_157 : i1
      %add3A_163 = arith.addi %rem3A, %select_n3A_156 : i32
      %select_n3A_164 = arith.select %and3A, %add3A_163, %rem3A : i32
      %dma_wait3A = arith.constant 0 : i32
      %dma_wait3A_165 = arith.constant 0 : i32
      %dma_wait3A_166 = tpu.memref_slice %arg7[%select_n3A_164, %dma_wait3A, %dma_wait3A_165] : memref<14x128x16xf32, #tpu.memory_space<vmem>> -> memref<1x128x16xf32, #tpu.memory_space<vmem>>
      %dma_wait3A_167 = tpu.memref_squeeze %dma_wait3A_166 : memref<1x128x16xf32, #tpu.memory_space<vmem>> -> memref<128x16xf32, #tpu.memory_space<vmem>>
      %dma_wait3A_168 = arith.constant 0 : i32
      %dma_wait3A_169 = tpu.memref_slice %arg5[%while3A_151, %dma_wait3A_168] : memref<79x128xi32, #tpu.memory_space<vmem>> -> memref<1x128xi32, #tpu.memory_space<vmem>>
      %dma_wait3A_170 = tpu.memref_squeeze %dma_wait3A_169 : memref<1x128xi32, #tpu.memory_space<vmem>> -> memref<128xi32, #tpu.memory_space<vmem>>
      %dma_wait3A_171 = arith.constant 0 : i32
      %dma_wait3A_172 = arith.constant 0 : i32
      %dma_wait3A_173 = tpu.memref_slice %arg2[%dma_wait3A_171, %dma_wait3A_172] : memref<10240x16xf32, #tpu.memory_space<hbm>> -> memref<10240x16xf32, #tpu.memory_space<hbm>>
      %dma_wait3A_174 = tpu.memref_slice %arg10[%select_n3A_164] : memref<14x!tpu.dma_semaphore, #tpu.memory_space<semaphore_mem>> -> memref<1x!tpu.dma_semaphore, #tpu.memory_space<semaphore_mem>>
      %dma_wait3A_175 = tpu.memref_squeeze %dma_wait3A_174 : memref<1x!tpu.dma_semaphore, #tpu.memory_space<semaphore_mem>> -> memref<!tpu.dma_semaphore, #tpu.memory_space<semaphore_mem>>
      tpu.wait_indirect_dma semaphore(%dma_wait3A_175 : memref<!tpu.dma_semaphore, #tpu.memory_space<semaphore_mem>>) src(%dma_wait3A_173 : memref<10240x16xf32, #tpu.memory_space<hbm>>) dst(%dma_wait3A_167 : memref<128x16xf32, #tpu.memory_space<vmem>>)
      %dma_start3A_176 = arith.constant 0 : i32
      %dma_start3A_177 = arith.constant 0 : i32
      %dma_start3A_178 = tpu.memref_slice %arg7[%select_n3A_164, %dma_start3A_176, %dma_start3A_177] : memref<14x128x16xf32, #tpu.memory_space<vmem>> -> memref<1x128x16xf32, #tpu.memory_space<vmem>>
      %dma_start3A_179 = tpu.memref_squeeze %dma_start3A_178 : memref<1x128x16xf32, #tpu.memory_space<vmem>> -> memref<128x16xf32, #tpu.memory_space<vmem>>
      %dma_start3A_180 = arith.constant 0 : i32
      %dma_start3A_181 = tpu.memref_slice %arg6[%while3A_151, %dma_start3A_180] : memref<79x128xi32, #tpu.memory_space<vmem>> -> memref<1x128xi32, #tpu.memory_space<vmem>>
      %dma_start3A_182 = tpu.memref_squeeze %dma_start3A_181 : memref<1x128xi32, #tpu.memory_space<vmem>> -> memref<128xi32, #tpu.memory_space<vmem>>
      %dma_start3A_183 = arith.constant 0 : i32
      %dma_start3A_184 = arith.constant 0 : i32
      %dma_start3A_185 = tpu.memref_slice %arg9[%dma_start3A_183, %dma_start3A_184] : memref<10240x16xf32, #tpu.memory_space<vmem_shared>> -> memref<10240x16xf32, #tpu.memory_space<vmem_shared>>
      %dma_start3A_186 = tpu.memref_slice %arg11[%select_n3A_164] : memref<14x!tpu.dma_semaphore, #tpu.memory_space<semaphore_mem>> -> memref<1x!tpu.dma_semaphore, #tpu.memory_space<semaphore_mem>>
      %dma_start3A_187 = tpu.memref_squeeze %dma_start3A_186 : memref<1x!tpu.dma_semaphore, #tpu.memory_space<semaphore_mem>> -> memref<!tpu.dma_semaphore, #tpu.memory_space<semaphore_mem>>
      tpu.enqueue_indirect_dma source(%dma_start3A_179 : memref<128x16xf32, #tpu.memory_space<vmem>>) target(%dma_start3A_185 : memref<10240x16xf32, #tpu.memory_space<vmem_shared>>) offsets(%dma_start3A_182 : memref<128xi32, #tpu.memory_space<vmem>>) semaphore(%dma_start3A_187 : memref<!tpu.dma_semaphore, #tpu.memory_space<semaphore_mem>>) {add = true}
      %ge3A = arith.constant 7 : i32
      %ge3A_188 = arith.cmpi sge, %while3A_151, %ge3A : i32
      %convert_element_type3A_189 = arith.extui %ge3A_188 : i1 to i32
      %cond3A_190 = arith.constant 0 : i32
      %cond3A_191 = arith.cmpi ne, %convert_element_type3A_189, %cond3A_190 : i32
      scf.if %cond3A_191 {
        %sub3A = arith.constant 7 : i32
        %sub3A_198 = arith.subi %while3A_151, %sub3A : i32
        %jit3A_199 = arith.constant 14 : i32
        %eq3A_200 = arith.constant 0 : i32
        %eq3A_201 = arith.cmpi eq, %jit3A_199, %eq3A_200 : i32
        %jit3A_202 = arith.constant 1 : i32
        %select_n3A_203 = arith.select %eq3A_201, %jit3A_202, %jit3A_199 : i32
        %rem3A_204 = arith.remsi %sub3A_198, %select_n3A_203 : i32
        %ne3A_205 = arith.constant 0 : i32
        %ne3A_206 = arith.cmpi ne, %rem3A_204, %ne3A_205 : i32
        %lt3A_207 = arith.constant 0 : i32
        %lt3A_208 = arith.cmpi slt, %rem3A_204, %lt3A_207 : i32
        %lt3A_209 = arith.constant 0 : i32
        %lt3A_210 = arith.cmpi slt, %select_n3A_203, %lt3A_209 : i32
        %ne3A_211 = arith.xori %lt3A_208, %lt3A_210 : i1
        %and3A_212 = arith.andi %ne3A_211, %ne3A_206 : i1
        %add3A_213 = arith.addi %rem3A_204, %select_n3A_203 : i32
        %select_n3A_214 = arith.select %and3A_212, %add3A_213, %rem3A_204 : i32
        %dma_wait3A_215 = arith.constant 0 : i32
        %dma_wait3A_216 = arith.constant 0 : i32
        %dma_wait3A_217 = tpu.memref_slice %arg7[%select_n3A_214, %dma_wait3A_215, %dma_wait3A_216] : memref<14x128x16xf32, #tpu.memory_space<vmem>> -> memref<1x128x16xf32, #tpu.memory_space<vmem>>
        %dma_wait3A_218 = tpu.memref_squeeze %dma_wait3A_217 : memref<1x128x16xf32, #tpu.memory_space<vmem>> -> memref<128x16xf32, #tpu.memory_space<vmem>>
        %dma_wait3A_219 = arith.constant 0 : i32
        %dma_wait3A_220 = tpu.memref_slice %arg6[%sub3A_198, %dma_wait3A_219] : memref<79x128xi32, #tpu.memory_space<vmem>> -> memref<1x128xi32, #tpu.memory_space<vmem>>
        %dma_wait3A_221 = tpu.memref_squeeze %dma_wait3A_220 : memref<1x128xi32, #tpu.memory_space<vmem>> -> memref<128xi32, #tpu.memory_space<vmem>>
        %dma_wait3A_222 = arith.constant 0 : i32
        %dma_wait3A_223 = arith.constant 0 : i32
        %dma_wait3A_224 = tpu.memref_slice %arg9[%dma_wait3A_222, %dma_wait3A_223] : memref<10240x16xf32, #tpu.memory_space<vmem_shared>> -> memref<10240x16xf32, #tpu.memory_space<vmem_shared>>
        %dma_wait3A_225 = tpu.memref_slice %arg11[%select_n3A_214] : memref<14x!tpu.dma_semaphore, #tpu.memory_space<semaphore_mem>> -> memref<1x!tpu.dma_semaphore, #tpu.memory_space<semaphore_mem>>
        %dma_wait3A_226 = tpu.memref_squeeze %dma_wait3A_225 : memref<1x!tpu.dma_semaphore, #tpu.memory_space<semaphore_mem>> -> memref<!tpu.dma_semaphore, #tpu.memory_space<semaphore_mem>>
        tpu.wait_indirect_dma semaphore(%dma_wait3A_226 : memref<!tpu.dma_semaphore, #tpu.memory_space<semaphore_mem>>) src(%dma_wait3A_218 : memref<128x16xf32, #tpu.memory_space<vmem>>) dst(%dma_wait3A_224 : memref<10240x16xf32, #tpu.memory_space<vmem_shared>>)
      } else {
      }
      %add3A_192 = arith.constant 7 : i32
      %add3A_193 = arith.addi %while3A_151, %add3A_192 : i32
      %lt3A_194 = arith.cmpi slt, %add3A_193, %add3A_26 : i32
      %convert_element_type3A_195 = arith.extui %lt3A_194 : i1 to i32
      %cond3A_196 = arith.constant 0 : i32
      %cond3A_197 = arith.cmpi ne, %convert_element_type3A_195, %cond3A_196 : i32
      scf.if %cond3A_197 {
        %add3A_198 = arith.constant 7 : i32
        %add3A_199 = arith.addi %while3A_151, %add3A_198 : i32
        %jit3A_200 = arith.constant 14 : i32
        %eq3A_201 = arith.constant 0 : i32
        %eq3A_202 = arith.cmpi eq, %jit3A_200, %eq3A_201 : i32
        %jit3A_203 = arith.constant 1 : i32
        %select_n3A_204 = arith.select %eq3A_202, %jit3A_203, %jit3A_200 : i32
        %rem3A_205 = arith.remsi %add3A_199, %select_n3A_204 : i32
        %ne3A_206 = arith.constant 0 : i32
        %ne3A_207 = arith.cmpi ne, %rem3A_205, %ne3A_206 : i32
        %lt3A_208 = arith.constant 0 : i32
        %lt3A_209 = arith.cmpi slt, %rem3A_205, %lt3A_208 : i32
        %lt3A_210 = arith.constant 0 : i32
        %lt3A_211 = arith.cmpi slt, %select_n3A_204, %lt3A_210 : i32
        %ne3A_212 = arith.xori %lt3A_209, %lt3A_211 : i1
        %and3A_213 = arith.andi %ne3A_212, %ne3A_207 : i1
        %add3A_214 = arith.addi %rem3A_205, %select_n3A_204 : i32
        %select_n3A_215 = arith.select %and3A_213, %add3A_214, %rem3A_205 : i32
        %dma_start3A_216 = arith.constant 0 : i32
        %dma_start3A_217 = arith.constant 0 : i32
        %dma_start3A_218 = tpu.memref_slice %arg7[%select_n3A_215, %dma_start3A_216, %dma_start3A_217] : memref<14x128x16xf32, #tpu.memory_space<vmem>> -> memref<1x128x16xf32, #tpu.memory_space<vmem>>
        %dma_start3A_219 = tpu.memref_squeeze %dma_start3A_218 : memref<1x128x16xf32, #tpu.memory_space<vmem>> -> memref<128x16xf32, #tpu.memory_space<vmem>>
        %dma_start3A_220 = arith.constant 0 : i32
        %dma_start3A_221 = tpu.memref_slice %arg5[%add3A_199, %dma_start3A_220] : memref<79x128xi32, #tpu.memory_space<vmem>> -> memref<1x128xi32, #tpu.memory_space<vmem>>
        %dma_start3A_222 = tpu.memref_squeeze %dma_start3A_221 : memref<1x128xi32, #tpu.memory_space<vmem>> -> memref<128xi32, #tpu.memory_space<vmem>>
        %dma_start3A_223 = arith.constant 0 : i32
        %dma_start3A_224 = arith.constant 0 : i32
        %dma_start3A_225 = tpu.memref_slice %arg2[%dma_start3A_223, %dma_start3A_224] : memref<10240x16xf32, #tpu.memory_space<hbm>> -> memref<10240x16xf32, #tpu.memory_space<hbm>>
        %dma_start3A_226 = tpu.memref_slice %arg10[%select_n3A_215] : memref<14x!tpu.dma_semaphore, #tpu.memory_space<semaphore_mem>> -> memref<1x!tpu.dma_semaphore, #tpu.memory_space<semaphore_mem>>
        %dma_start3A_227 = tpu.memref_squeeze %dma_start3A_226 : memref<1x!tpu.dma_semaphore, #tpu.memory_space<semaphore_mem>> -> memref<!tpu.dma_semaphore, #tpu.memory_space<semaphore_mem>>
        tpu.enqueue_indirect_dma source(%dma_start3A_225 : memref<10240x16xf32, #tpu.memory_space<hbm>>) target(%dma_start3A_219 : memref<128x16xf32, #tpu.memory_space<vmem>>) offsets(%dma_start3A_222 : memref<128xi32, #tpu.memory_space<vmem>>) semaphore(%dma_start3A_227 : memref<!tpu.dma_semaphore, #tpu.memory_space<semaphore_mem>>)
      } else {
      }
    }
    %scan3A_140 = arith.constant 0 : i32
    %scan3A_141 = arith.constant 0 : i32
    %scan3A_142 = arith.constant 7 : i32
    %scan3A_143 = arith.addi %scan3A_141, %scan3A_142 : i32
    %scan3A_144 = arith.constant 1 : i32
    scf.for %scan3A_151 = %scan3A_141 to %scan3A_143 step %scan3A_144  : i32 {
      %sub3A = arith.constant 7 : i32
      %sub3A_152 = arith.subi %add3A_26, %sub3A : i32
      %add3A_153 = arith.addi %sub3A_152, %scan3A_151 : i32
      %jit3A_154 = arith.constant 14 : i32
      %eq3A_155 = arith.constant 0 : i32
      %eq3A_156 = arith.cmpi eq, %jit3A_154, %eq3A_155 : i32
      %jit3A_157 = arith.constant 1 : i32
      %select_n3A_158 = arith.select %eq3A_156, %jit3A_157, %jit3A_154 : i32
      %rem3A = arith.remsi %add3A_153, %select_n3A_158 : i32
      %ne3A = arith.constant 0 : i32
      %ne3A_159 = arith.cmpi ne, %rem3A, %ne3A : i32
      %lt3A_160 = arith.constant 0 : i32
      %lt3A_161 = arith.cmpi slt, %rem3A, %lt3A_160 : i32
      %lt3A_162 = arith.constant 0 : i32
      %lt3A_163 = arith.cmpi slt, %select_n3A_158, %lt3A_162 : i32
      %ne3A_164 = arith.xori %lt3A_161, %lt3A_163 : i1
      %and3A = arith.andi %ne3A_164, %ne3A_159 : i1
      %add3A_165 = arith.addi %rem3A, %select_n3A_158 : i32
      %select_n3A_166 = arith.select %and3A, %add3A_165, %rem3A : i32
      %dma_wait3A = arith.constant 0 : i32
      %dma_wait3A_167 = arith.constant 0 : i32
      %dma_wait3A_168 = tpu.memref_slice %arg7[%select_n3A_166, %dma_wait3A, %dma_wait3A_167] : memref<14x128x16xf32, #tpu.memory_space<vmem>> -> memref<1x128x16xf32, #tpu.memory_space<vmem>>
      %dma_wait3A_169 = tpu.memref_squeeze %dma_wait3A_168 : memref<1x128x16xf32, #tpu.memory_space<vmem>> -> memref<128x16xf32, #tpu.memory_space<vmem>>
      %dma_wait3A_170 = arith.constant 0 : i32
      %dma_wait3A_171 = tpu.memref_slice %arg6[%add3A_153, %dma_wait3A_170] : memref<79x128xi32, #tpu.memory_space<vmem>> -> memref<1x128xi32, #tpu.memory_space<vmem>>
      %dma_wait3A_172 = tpu.memref_squeeze %dma_wait3A_171 : memref<1x128xi32, #tpu.memory_space<vmem>> -> memref<128xi32, #tpu.memory_space<vmem>>
      %dma_wait3A_173 = arith.constant 0 : i32
      %dma_wait3A_174 = arith.constant 0 : i32
      %dma_wait3A_175 = tpu.memref_slice %arg9[%dma_wait3A_173, %dma_wait3A_174] : memref<10240x16xf32, #tpu.memory_space<vmem_shared>> -> memref<10240x16xf32, #tpu.memory_space<vmem_shared>>
      %dma_wait3A_176 = tpu.memref_slice %arg11[%select_n3A_166] : memref<14x!tpu.dma_semaphore, #tpu.memory_space<semaphore_mem>> -> memref<1x!tpu.dma_semaphore, #tpu.memory_space<semaphore_mem>>
      %dma_wait3A_177 = tpu.memref_squeeze %dma_wait3A_176 : memref<1x!tpu.dma_semaphore, #tpu.memory_space<semaphore_mem>> -> memref<!tpu.dma_semaphore, #tpu.memory_space<semaphore_mem>>
      tpu.wait_indirect_dma semaphore(%dma_wait3A_177 : memref<!tpu.dma_semaphore, #tpu.memory_space<semaphore_mem>>) src(%dma_wait3A_169 : memref<128x16xf32, #tpu.memory_space<vmem>>) dst(%dma_wait3A_175 : memref<10240x16xf32, #tpu.memory_space<vmem_shared>>)
    }
    %scan3A_145 = arith.constant 7 : i32
    %barrier3A_146 = arith.constant 0 : index
    tpu.barrier barrier_id(%barrier3A_146)
    %mul3A_147 = arith.constant 640 : i32
    %mul3A_148 = arith.muli %arg1, %mul3A_147 : i32
    "tpu.region"() ({
      %run_scoped3A_151 = tpu.sem_alloc : memref<!tpu.dma_semaphore, #tpu.memory_space<semaphore_mem>>
      %dma_start3A_152 = arith.constant 0 : i32
      %dma_start3A_153 = tpu.memref_slice %arg9[%mul3A_148, %dma_start3A_152] : memref<10240x16xf32, #tpu.memory_space<vmem_shared>> -> memref<640x16xf32, #tpu.memory_space<vmem_shared>>
      %dma_start3A_154 = arith.constant 0 : i32
      %dma_start3A_155 = tpu.memref_slice %arg9[%mul3A_148, %dma_start3A_154] : memref<10240x16xf32, #tpu.memory_space<vmem_shared>> -> memref<640x16xf32, #tpu.memory_space<vmem_shared>>
      tpu.enqueue_dma source(%dma_start3A_155 : memref<640x16xf32, #tpu.memory_space<vmem_shared>>) target(%arg8 : memref<640x16xf32, #tpu.memory_space<vmem>>) target_semaphore(%run_scoped3A_151 : memref<!tpu.dma_semaphore, #tpu.memory_space<semaphore_mem>>)
      %dma_wait3A = arith.constant 0 : i32
      %dma_wait3A_156 = tpu.memref_slice %arg9[%mul3A_148, %dma_wait3A] : memref<10240x16xf32, #tpu.memory_space<vmem_shared>> -> memref<640x16xf32, #tpu.memory_space<vmem_shared>>
      %dma_wait3A_157 = arith.constant 0 : i32
      %dma_wait3A_158 = tpu.memref_slice %arg9[%mul3A_148, %dma_wait3A_157] : memref<10240x16xf32, #tpu.memory_space<vmem_shared>> -> memref<640x16xf32, #tpu.memory_space<vmem_shared>>
      tpu.wait_dma2 semaphore(%run_scoped3A_151 : memref<!tpu.dma_semaphore, #tpu.memory_space<semaphore_mem>>) src(%dma_wait3A_158 : memref<640x16xf32, #tpu.memory_space<vmem_shared>>) dst(%arg8 : memref<640x16xf32, #tpu.memory_space<vmem>>)
      tpu.yield
    }) : () -> ()
    %mul3A_149 = arith.constant 640 : i32
    %mul3A_150 = arith.muli %arg1, %mul3A_149 : i32
    "tpu.region"() ({
      %run_scoped3A_151 = tpu.sem_alloc : memref<!tpu.dma_semaphore, #tpu.memory_space<semaphore_mem>>
      %dma_start3A_152 = arith.constant 0 : i32
      %dma_start3A_153 = tpu.memref_slice %arg4[%arg0, %mul3A_150, %dma_start3A_152] : memref<2x10240x16xf32, #tpu.memory_space<hbm>> -> memref<1x640x16xf32, #tpu.memory_space<hbm>>
      %dma_start3A_154 = tpu.memref_squeeze %dma_start3A_153 : memref<1x640x16xf32, #tpu.memory_space<hbm>> -> memref<640x16xf32, #tpu.memory_space<hbm>>
      %dma_start3A_155 = arith.constant 0 : i32
      %dma_start3A_156 = tpu.memref_slice %arg4[%arg0, %mul3A_150, %dma_start3A_155] : memref<2x10240x16xf32, #tpu.memory_space<hbm>> -> memref<1x640x16xf32, #tpu.memory_space<hbm>>
      %dma_start3A_157 = tpu.memref_squeeze %dma_start3A_156 : memref<1x640x16xf32, #tpu.memory_space<hbm>> -> memref<640x16xf32, #tpu.memory_space<hbm>>
      tpu.enqueue_dma source(%arg8 : memref<640x16xf32, #tpu.memory_space<vmem>>) target(%dma_start3A_157 : memref<640x16xf32, #tpu.memory_space<hbm>>) target_semaphore(%run_scoped3A_151 : memref<!tpu.dma_semaphore, #tpu.memory_space<semaphore_mem>>)
      %dma_wait3A = arith.constant 0 : i32
      %dma_wait3A_158 = tpu.memref_slice %arg4[%arg0, %mul3A_150, %dma_wait3A] : memref<2x10240x16xf32, #tpu.memory_space<hbm>> -> memref<1x640x16xf32, #tpu.memory_space<hbm>>
      %dma_wait3A_159 = tpu.memref_squeeze %dma_wait3A_158 : memref<1x640x16xf32, #tpu.memory_space<hbm>> -> memref<640x16xf32, #tpu.memory_space<hbm>>
      %dma_wait3A_160 = arith.constant 0 : i32
      %dma_wait3A_161 = tpu.memref_slice %arg4[%arg0, %mul3A_150, %dma_wait3A_160] : memref<2x10240x16xf32, #tpu.memory_space<hbm>> -> memref<1x640x16xf32, #tpu.memory_space<hbm>>
      %dma_wait3A_162 = tpu.memref_squeeze %dma_wait3A_161 : memref<1x640x16xf32, #tpu.memory_space<hbm>> -> memref<640x16xf32, #tpu.memory_space<hbm>>
      tpu.wait_dma2 semaphore(%run_scoped3A_151 : memref<!tpu.dma_semaphore, #tpu.memory_space<semaphore_mem>>) src(%arg8 : memref<640x16xf32, #tpu.memory_space<vmem>>) dst(%dma_wait3A_162 : memref<640x16xf32, #tpu.memory_space<hbm>>)
      tpu.yield
    }) : () -> ()
    return
  }
}

module attributes {stable_mosaic.version = 14 : i64} {
  func.func @_mm1_body(%arg0: i32, %arg1: memref<5000x128xf32, #tpu.memory_space<vmem>>, %arg2: memref<128x16xf32, #tpu.memory_space<vmem>>, %arg3: memref<5000x16xf32, #tpu.memory_space<vmem>>) attributes {dimension_semantics = [#tpu.dimension_semantics<arbitrary>], iteration_bounds = array<i64: 2>, scalar_prefetch = 0 : i64, scratch_operands = 0 : i64, tpu.core_type = #tpu.core_type<tc>, window_params = [{transform_indices = @transform_0, window_bounds = array<i64: 5000, 128>}, {pipeline_mode = #tpu.pipeline_mode<synchronous>, transform_indices = @transform_1, window_bounds = array<i64: 128, 16>}, {transform_indices = @transform_2, window_bounds = array<i64: 5000, 16>}]} {
    %get3A = arith.constant 0 : index
    %get3A_0 = arith.constant 0 : index
    %get3A_1 = vector.load %arg1[%get3A, %get3A_0] : memref<5000x128xf32, #tpu.memory_space<vmem>>, vector<5000x128xf32>
    %get3A_2 = arith.constant 0 : index
    %get3A_3 = arith.constant 0 : index
    %get3A_4 = vector.load %arg2[%get3A_2, %get3A_3] : memref<128x16xf32, #tpu.memory_space<vmem>>, vector<128x16xf32>
    %dot_general3A = arith.constant dense<0.000000e+00> : vector<5000x16xf32>
    %dot_general3A_5 = tpu.matmul %get3A_1, %get3A_4, %dot_general3A {dimension_numbers = #tpu.dot_dimension_numbers<[1], [0], [0], [1], [0, 0, 1, 1], [], []>, transpose_lhs_hint = false} : vector<5000x128xf32>, vector<128x16xf32>, vector<5000x16xf32> -> vector<5000x16xf32>
    %swap3A = arith.constant 0 : index
    %swap3A_6 = arith.constant 0 : index
    %swap3A_7 = vector.load %arg3[%swap3A, %swap3A_6] : memref<5000x16xf32, #tpu.memory_space<vmem>>, vector<5000x16xf32>
    tpu.vector_store %arg3[%swap3A, %swap3A_6], %dot_general3A_5 {strides = array<i32>} : memref<5000x16xf32, #tpu.memory_space<vmem>>, vector<5000x16xf32>,
    return
  }
  func.func @transform_0(%arg0: i32) -> (i32, i32) {
    %c0_i32 = arith.constant 0 : i32
    %c0_i32_0 = arith.constant 0 : i32
    return %arg0, %c0_i32 : i32, i32
  }
  func.func @transform_1(%arg0: i32) -> (i32, i32) {
    %c0_i32 = arith.constant 0 : i32
    %c0_i32_0 = arith.constant 0 : i32
    %c0_i32_1 = arith.constant 0 : i32
    return %c0_i32, %c0_i32_0 : i32, i32
  }
  func.func @transform_2(%arg0: i32) -> (i32, i32) {
    %c0_i32 = arith.constant 0 : i32
    %c0_i32_0 = arith.constant 0 : i32
    return %arg0, %c0_i32 : i32, i32
  }
}

module attributes {stable_mosaic.version = 14 : i64} {
  func.func @_scale_body(%arg0: i32, %arg1: memref<5000x16xf32, #tpu.memory_space<vmem>>, %arg2: memref<5000x1xf32, #tpu.memory_space<vmem>>, %arg3: memref<5000x16xf32, #tpu.memory_space<vmem>>, %arg4: memref<5000x1xf32, #tpu.memory_space<vmem>>) attributes {dimension_semantics = [#tpu.dimension_semantics<arbitrary>], iteration_bounds = array<i64: 2>, scalar_prefetch = 0 : i64, scratch_operands = 0 : i64, tpu.core_type = #tpu.core_type<tc>, window_params = [{transform_indices = @transform_0, window_bounds = array<i64: 5000, 16>}, {transform_indices = @transform_1, window_bounds = array<i64: 5000, 1>}, {transform_indices = @transform_2, window_bounds = array<i64: 5000, 16>}, {transform_indices = @transform_3, window_bounds = array<i64: 5000, 1>}]} {
    %get3A = arith.constant 0 : index
    %get3A_0 = arith.constant 0 : index
    %get3A_1 = vector.load %arg2[%get3A, %get3A_0] : memref<5000x1xf32, #tpu.memory_space<vmem>>, vector<5000x1xf32>
    %add3A = arith.constant 1.000000e+00 : f32
    %add3A_2 = vector.broadcast %add3A : f32 to vector<5000x1xf32>
    %add3A_3 = arith.addf %add3A_2, %get3A_1 : vector<5000x1xf32>
    %rsqrt3A = math.rsqrt %add3A_3 : vector<5000x1xf32>
    %swap3A = arith.constant 0 : index
    %swap3A_4 = arith.constant 0 : index
    %swap3A_5 = vector.load %arg4[%swap3A, %swap3A_4] : memref<5000x1xf32, #tpu.memory_space<vmem>>, vector<5000x1xf32>
    tpu.vector_store %arg4[%swap3A, %swap3A_4], %rsqrt3A {strides = array<i32>} : memref<5000x1xf32, #tpu.memory_space<vmem>>, vector<5000x1xf32>,
    %get3A_6 = arith.constant 0 : index
    %get3A_7 = arith.constant 0 : index
    %get3A_8 = vector.load %arg1[%get3A_6, %get3A_7] : memref<5000x16xf32, #tpu.memory_space<vmem>>, vector<5000x16xf32>
    %mul3A = vector.broadcast %rsqrt3A : vector<5000x1xf32> to vector<5000x16xf32>
    %mul3A_9 = arith.mulf %mul3A, %get3A_8 : vector<5000x16xf32>
    %swap3A_10 = arith.constant 0 : index
    %swap3A_11 = arith.constant 0 : index
    %swap3A_12 = vector.load %arg3[%swap3A_10, %swap3A_11] : memref<5000x16xf32, #tpu.memory_space<vmem>>, vector<5000x16xf32>
    tpu.vector_store %arg3[%swap3A_10, %swap3A_11], %mul3A_9 {strides = array<i32>} : memref<5000x16xf32, #tpu.memory_space<vmem>>, vector<5000x16xf32>,
    return
  }
  func.func @transform_0(%arg0: i32) -> (i32, i32) {
    %c0_i32 = arith.constant 0 : i32
    %c0_i32_0 = arith.constant 0 : i32
    return %arg0, %c0_i32 : i32, i32
  }
  func.func @transform_1(%arg0: i32) -> (i32, i32) {
    %c0_i32 = arith.constant 0 : i32
    %c0_i32_0 = arith.constant 0 : i32
    return %arg0, %c0_i32 : i32, i32
  }
  func.func @transform_2(%arg0: i32) -> (i32, i32) {
    %c0_i32 = arith.constant 0 : i32
    %c0_i32_0 = arith.constant 0 : i32
    return %arg0, %c0_i32 : i32, i32
  }
  func.func @transform_3(%arg0: i32) -> (i32, i32) {
    %c0_i32 = arith.constant 0 : i32
    %c0_i32_0 = arith.constant 0 : i32
    return %arg0, %c0_i32 : i32, i32
  }
}

module attributes {stable_mosaic.version = 14 : i64} {
  func.func @_final_body(%arg0: i32, %arg1: memref<2x5000x16xf32, #tpu.memory_space<vmem>>, %arg2: memref<5000x1xf32, #tpu.memory_space<vmem>>, %arg3: memref<16x2xf32, #tpu.memory_space<vmem>>, %arg4: memref<1x2xf32, #tpu.memory_space<vmem>>, %arg5: memref<2x16xf32, #tpu.memory_space<vmem>>, %arg6: memref<1x16xf32, #tpu.memory_space<vmem>>, %arg7: memref<16x2xf32, #tpu.memory_space<vmem>>, %arg8: memref<1x2xf32, #tpu.memory_space<vmem>>, %arg9: memref<5000x2xf32, #tpu.memory_space<vmem>>) attributes {dimension_semantics = [#tpu.dimension_semantics<arbitrary>], iteration_bounds = array<i64: 2>, scalar_prefetch = 0 : i64, scratch_operands = 0 : i64, tpu.core_type = #tpu.core_type<tc>, window_params = [{transform_indices = @transform_0, window_bounds = array<i64: 2, 5000, 16>}, {transform_indices = @transform_1, window_bounds = array<i64: 5000, 1>}, {pipeline_mode = #tpu.pipeline_mode<synchronous>, transform_indices = @transform_2, window_bounds = array<i64: 16, 2>}, {pipeline_mode = #tpu.pipeline_mode<synchronous>, transform_indices = @transform_3, window_bounds = array<i64: 1, 2>}, {pipeline_mode = #tpu.pipeline_mode<synchronous>, transform_indices = @transform_4, window_bounds = array<i64: 2, 16>}, {pipeline_mode = #tpu.pipeline_mode<synchronous>, transform_indices = @transform_5, window_bounds = array<i64: 1, 16>}, {pipeline_mode = #tpu.pipeline_mode<synchronous>, transform_indices = @transform_6, window_bounds = array<i64: 16, 2>}, {pipeline_mode = #tpu.pipeline_mode<synchronous>, transform_indices = @transform_7, window_bounds = array<i64: 1, 2>}, {transform_indices = @transform_8, window_bounds = array<i64: 5000, 2>}]} {
    %get3A = arith.constant 0 : index
    %get3A_0 = arith.constant 0 : index
    %get3A_1 = arith.constant 0 : index
    %get3A_2 = vector.load %arg1[%get3A, %get3A_0, %get3A_1] : memref<2x5000x16xf32, #tpu.memory_space<vmem>>, vector<1x5000x16xf32>
    %get3A_3 = vector.shape_cast %get3A_2 : vector<1x5000x16xf32> to vector<5000x16xf32>
    %get3A_4 = arith.constant 1 : index
    %get3A_5 = arith.constant 0 : index
    %get3A_6 = arith.constant 0 : index
    %get3A_7 = vector.load %arg1[%get3A_4, %get3A_5, %get3A_6] : memref<2x5000x16xf32, #tpu.memory_space<vmem>>, vector<1x5000x16xf32>
    %get3A_8 = vector.shape_cast %get3A_7 : vector<1x5000x16xf32> to vector<5000x16xf32>
    %add3A = arith.addf %get3A_3, %get3A_8 : vector<5000x16xf32>
    %get3A_9 = arith.constant 0 : index
    %get3A_10 = arith.constant 0 : index
    %get3A_11 = vector.load %arg2[%get3A_9, %get3A_10] : memref<5000x1xf32, #tpu.memory_space<vmem>>, vector<5000x1xf32>
    %get3A_12 = arith.constant 0 : index
    %get3A_13 = arith.constant 0 : index
    %get3A_14 = vector.load %arg3[%get3A_12, %get3A_13] : memref<16x2xf32, #tpu.memory_space<vmem>>, vector<16x2xf32>
    %dot_general3A = arith.constant dense<0.000000e+00> : vector<5000x2xf32>
    %dot_general3A_15 = tpu.matmul %add3A, %get3A_14, %dot_general3A {dimension_numbers = #tpu.dot_dimension_numbers<[1], [0], [0], [1], [0, 0, 1, 1], [], []>, transpose_lhs_hint = false} : vector<5000x16xf32>, vector<16x2xf32>, vector<5000x2xf32> -> vector<5000x2xf32>
    %mul3A = vector.broadcast %get3A_11 : vector<5000x1xf32> to vector<5000x2xf32>
    %mul3A_16 = arith.mulf %mul3A, %dot_general3A_15 : vector<5000x2xf32>
    %get3A_17 = arith.constant 0 : index
    %get3A_18 = arith.constant 0 : index
    %get3A_19 = vector.load %arg4[%get3A_17, %get3A_18] : memref<1x2xf32, #tpu.memory_space<vmem>>, vector<1x2xf32>
    %add3A_20 = vector.broadcast %get3A_19 : vector<1x2xf32> to vector<5000x2xf32>
    %add3A_21 = arith.addf %mul3A_16, %add3A_20 : vector<5000x2xf32>
    %get3A_22 = arith.constant 0 : index
    %get3A_23 = arith.constant 0 : index
    %get3A_24 = vector.load %arg5[%get3A_22, %get3A_23] : memref<2x16xf32, #tpu.memory_space<vmem>>, vector<2x16xf32>
    %dot_general3A_25 = arith.constant dense<0.000000e+00> : vector<5000x16xf32>
    %dot_general3A_26 = tpu.matmul %add3A_21, %get3A_24, %dot_general3A_25 {dimension_numbers = #tpu.dot_dimension_numbers<[1], [0], [0], [1], [0, 0, 1, 1], [], []>, transpose_lhs_hint = false} : vector<5000x2xf32>, vector<2x16xf32>, vector<5000x16xf32> -> vector<5000x16xf32>
    %get3A_27 = arith.constant 0 : index
    %get3A_28 = arith.constant 0 : index
    %get3A_29 = vector.load %arg6[%get3A_27, %get3A_28] : memref<1x16xf32, #tpu.memory_space<vmem>>, vector<1x16xf32>
    %add3A_30 = vector.broadcast %get3A_29 : vector<1x16xf32> to vector<5000x16xf32>
    %add3A_31 = arith.addf %dot_general3A_26, %add3A_30 : vector<5000x16xf32>
    %max3A = arith.constant 0.000000e+00 : f32
    %max3A_32 = vector.broadcast %max3A : f32 to vector<5000x16xf32>
    %max3A_33 = arith.maximumf %add3A_31, %max3A_32 : vector<5000x16xf32>
    %get3A_34 = arith.constant 0 : index
    %get3A_35 = arith.constant 0 : index
    %get3A_36 = vector.load %arg7[%get3A_34, %get3A_35] : memref<16x2xf32, #tpu.memory_space<vmem>>, vector<16x2xf32>
    %dot_general3A_37 = arith.constant dense<0.000000e+00> : vector<5000x2xf32>
    %dot_general3A_38 = tpu.matmul %max3A_33, %get3A_36, %dot_general3A_37 {dimension_numbers = #tpu.dot_dimension_numbers<[1], [0], [0], [1], [0, 0, 1, 1], [], []>, transpose_lhs_hint = false} : vector<5000x16xf32>, vector<16x2xf32>, vector<5000x2xf32> -> vector<5000x2xf32>
    %get3A_39 = arith.constant 0 : index
    %get3A_40 = arith.constant 0 : index
    %get3A_41 = vector.load %arg8[%get3A_39, %get3A_40] : memref<1x2xf32, #tpu.memory_space<vmem>>, vector<1x2xf32>
    %add3A_42 = vector.broadcast %get3A_41 : vector<1x2xf32> to vector<5000x2xf32>
    %add3A_43 = arith.addf %dot_general3A_38, %add3A_42 : vector<5000x2xf32>
    %reduce_max3A = arith.constant dense<0xFF800000> : vector<5000xf32>
    %reduce_max3A_44 = vector.multi_reduction <maximumf>, %add3A_43, %reduce_max3A [1] : vector<5000x2xf32> to vector<5000xf32>
    %broadcast_in_dim3A = vector.shape_cast %reduce_max3A_44 : vector<5000xf32> to vector<5000x1xf32>
    %sub3A = vector.broadcast %broadcast_in_dim3A : vector<5000x1xf32> to vector<5000x2xf32>
    %sub3A_45 = arith.subf %add3A_43, %sub3A : vector<5000x2xf32>
    %exp3A = math.exp %sub3A_45 : vector<5000x2xf32>
    %reduce_sum3A = arith.constant dense<0.000000e+00> : vector<5000xf32>
    %reduce_sum3A_46 = vector.multi_reduction <add>, %exp3A, %reduce_sum3A [1] : vector<5000x2xf32> to vector<5000xf32>
    %broadcast_in_dim3A_47 = vector.shape_cast %reduce_sum3A_46 : vector<5000xf32> to vector<5000x1xf32>
    %log3A = math.log %broadcast_in_dim3A_47 : vector<5000x1xf32>
    %add3A_48 = arith.addf %broadcast_in_dim3A, %log3A : vector<5000x1xf32>
    %sub3A_49 = vector.broadcast %add3A_48 : vector<5000x1xf32> to vector<5000x2xf32>
    %sub3A_50 = arith.subf %add3A_43, %sub3A_49 : vector<5000x2xf32>
    %swap3A = arith.constant 0 : index
    %swap3A_51 = arith.constant 0 : index
    %swap3A_52 = vector.load %arg9[%swap3A, %swap3A_51] : memref<5000x2xf32, #tpu.memory_space<vmem>>, vector<5000x2xf32>
    tpu.vector_store %arg9[%swap3A, %swap3A_51], %sub3A_50 {strides = array<i32>} : memref<5000x2xf32, #tpu.memory_space<vmem>>, vector<5000x2xf32>,
    return
  }
  func.func @transform_0(%arg0: i32) -> (i32, i32, i32) {
    %c0_i32 = arith.constant 0 : i32
    %c0_i32_0 = arith.constant 0 : i32
    %c0_i32_1 = arith.constant 0 : i32
    return %c0_i32, %arg0, %c0_i32_0 : i32, i32, i32
  }
  func.func @transform_1(%arg0: i32) -> (i32, i32) {
    %c0_i32 = arith.constant 0 : i32
    %c0_i32_0 = arith.constant 0 : i32
    return %arg0, %c0_i32 : i32, i32
  }
  func.func @transform_2(%arg0: i32) -> (i32, i32) {
    %c0_i32 = arith.constant 0 : i32
    %c0_i32_0 = arith.constant 0 : i32
    %c0_i32_1 = arith.constant 0 : i32
    return %c0_i32, %c0_i32_0 : i32, i32
  }
  func.func @transform_3(%arg0: i32) -> (i32, i32) {
    %c0_i32 = arith.constant 0 : i32
    %c0_i32_0 = arith.constant 0 : i32
    %c0_i32_1 = arith.constant 0 : i32
    return %c0_i32, %c0_i32_0 : i32, i32
  }
  func.func @transform_4(%arg0: i32) -> (i32, i32) {
    %c0_i32 = arith.constant 0 : i32
    %c0_i32_0 = arith.constant 0 : i32
    %c0_i32_1 = arith.constant 0 : i32
    return %c0_i32, %c0_i32_0 : i32, i32
  }
  func.func @transform_5(%arg0: i32) -> (i32, i32) {
    %c0_i32 = arith.constant 0 : i32
    %c0_i32_0 = arith.constant 0 : i32
    %c0_i32_1 = arith.constant 0 : i32
    return %c0_i32, %c0_i32_0 : i32, i32
  }
  func.func @transform_6(%arg0: i32) -> (i32, i32) {
    %c0_i32 = arith.constant 0 : i32
    %c0_i32_0 = arith.constant 0 : i32
    %c0_i32_1 = arith.constant 0 : i32
    return %c0_i32, %c0_i32_0 : i32, i32
  }
  func.func @transform_7(%arg0: i32) -> (i32, i32) {
    %c0_i32 = arith.constant 0 : i32
    %c0_i32_0 = arith.constant 0 : i32
    %c0_i32_1 = arith.constant 0 : i32
    return %c0_i32, %c0_i32_0 : i32, i32
  }
  func.func @transform_8(%arg0: i32) -> (i32, i32) {
    %c0_i32 = arith.constant 0 : i32
    %c0_i32_0 = arith.constant 0 : i32
    return %arg0, %c0_i32 : i32, i32
  }
}

</mosaic_0001>

<sc_bundles>
// kernel: kernel.12.cloned.1.call-start
scs
__scs_entry_jumppad:
0x0: {  	(pc) =	sbr.rel $0x88, $3  }
0x1: {  	(tag) =	ssettag $0x0;
	lr =	simm.s32 $0x1  }
0x2: {  	[smem:$0x3F97] =	sst lr;
	_ =	strace $0xD0000000  }
0x3: {  	_ = 	snop  }
0x4: {  	_ = 	snop  }
0x5: {  	_ = 	snop  }
0x6: {  	_ = 	snop  }
0x7: {  	_ = 	snop  }
__scs_overlays_trampoline_lowered:
0x8: {  	[smem:$0x3FA6] =	sst s0  }
0x9: {  	[smem:$0x3FA7] =	sst s1  }
0xa: {  	[smem:$0x3FA8] =	sst s2  }
0xb: {  	[smem:$0x3FA9] =	sst s3  }
0xc: {  	[smem:$0x3FAA] =	sst s4  }
0xd: {  	[smem:$0x3FAB] =	sst s5  }
0xe: {  	[smem:$0x3FAC] =	sst s6  }
0xf: {  	[smem:$0x3FAD] =	sst s7  }
0x10: {  	[smem:$0x3FAE] =	sst s8  }
0x11: {  	[smem:$0x3FAF] =	sst s9;
	s0 =	simm.s32 @!p0 $0x0  }
0x12: {  	s1 =	sld [smem:$0x3F95];
	s0 =	simm.s32 @p0 $0x1  }
0x13: {  	[smem:$0x3FB0] =	sst s0;
	s0 =	simm.s32 @!p1 $0x0  }
0x14: {  	s2 =	sld [smem:$0x3F94];
	s0 =	simm.s32 @p1 $0x1  }
0x15: {  	[smem:$0x3FB1] =	sst s0;
	s0 =	simm.s32 @!p2 $0x0  }
0x16: {  	s3 =	sld [smem:$0x3FDB];
	s0 =	simm.s32 @p2 $0x1  }
0x17: {  	s4 =	simm.s32 $0x1BF5;
	[smem:$0x3FB3] =	sst s0  }
0x18: {  	s0 =	sld [smem:$0x3F96];
	_ =	swait.ge [sflag:s4], $0x0  }
0x19: {  	s7 =	sld [smem:$0x3F97]  }
0x1a: {  	s8 =	sadd.s32 $0xFFFFE003, lr  }
0x1b: {  	s9 =	sadd.s32 $0xFFFFFEF7, lr;
	s5 =	simm.s32 $0xFFFFFFFF;
	p2 =	slt.u32 s8, $0xFFFFF086  }
0x1c: {  	p1 =	slt.u32 s9, $0xF7A;
	s5 =	simm.s32 @!p2 $0x0  }
0x1d: {  	s5 =	simm.s32 @p1 $0x1;
	p0 =	seq.s32 s7, s2  }
0x1e: {  	s7 =	smul.u32 @!p0 $0xF7A, s2;
	p2 =	seq.s32 @!p0 s5, $0x0  }
0x1f: {  	s9 =	smul.u32 $0xF7A, s1;
	s8 =	simm.s32 @!p0 $0x1BF5;
	p2 =	por !p2, p0  }
0x20: {  	[sflag:s8] =	ssyncset.s32 @!p0 $0xFFFFF086;
	s6 =	sadd.s32 @!p0 s3, s7;
	s7 =	simm.s32 @!p0 $0x108  }
0x21: {  	s3 =	sadd.s32 s3, s9;
	s6 =	sadd.s32 @!p0 $0x88, s6;
	s7 =	simm.s32 @p2 $0x1082  }
0x22: {  	[simem:s7], [sflag:s8] =	dma.local @!p0 [hbm:s6], $0xF7A  }
0x23: {  	s9 =	sor.u32 $0xD0000000, s2;
	s6 =	simm.s32 $0x108;
	_ =	swait.ge @!p0 [sflag:s8], $0x0  }
0x24: {  	s3 =	sadd.s32 $0x88, s3;
	s6 =	simm.s32 @!p1 $0x1082;
	[sflag:s4] =	ssyncset.s32 $0xFFFFF086  }
0x25: {  	[simem:s6], [sflag:s4] =	dma.local [hbm:s3], $0xF7A  }
0x26: {  	[smem:$0x3F97] =	sst s1;
	(tag) =	ssettag s2;
	_ =	strace s9  }
0x27: {  	s1 =	sld [smem:$0x3FA7]  }
0x28: {  	s2 =	sld [smem:$0x3FA8]  }
0x29: {  	s4 =	sld [smem:$0x3FAA]  }
0x2a: {  	p0 =	seq.s32 s5, $0x0;
	s5 =	sld [smem:$0x3FAB]  }
0x2b: {  	s6 =	sld [smem:$0x3FAC]  }
0x2c: {  	s7 =	sld [smem:$0x3FAD]  }
0x2d: {  	s3 =	simm.s32 $0x108;
	s8 =	sld [smem:$0x3FAE]  }
0x2e: {  	s3 =	simm.s32 @!p0 $0x1082;
	s9 =	sld [smem:$0x3FAF]  }
0x2f: {  	lr =	sadd.s32 s0, s3;
	s0 =	sld [smem:$0x3FA6]  }
0x30: {  	s3 =	sld [smem:$0x3FA9]  }
0x31: {  	[smem:$0x3FB2] =	sst s10  }
0x32: {  	s10 =	sld [smem:$0x3FB0];
	_ =	sdelay $0x3  }
0x33: {  	p0 =	seq.s32 s10, $0x1;
	s10 =	sld [smem:$0x3FB2];
	_ =	sdelay $0x3  }
0x34: {  	[smem:$0x3FB2] =	sst s10  }
0x35: {  	s10 =	sld [smem:$0x3FB1];
	_ =	sdelay $0x3  }
0x36: {  	p1 =	seq.s32 s10, $0x1;
	s10 =	sld [smem:$0x3FB2];
	_ =	sdelay $0x3  }
0x37: {  	[smem:$0x3FB2] =	sst s10  }
0x38: {  	s10 =	sld [smem:$0x3FB3]  }
0x39: {  	_ = 	snop;
	(pc) =	sbr.ind lr, $3  }
0x3a: {  	_ = 	snop  }
0x3b: {  	_ = 	snop  }
0x3c: {  	p2 =	seq.s32 s10, $0x1;
	s10 =	sld [smem:$0x3FB2]  }
0x3d: {  	_ =	shalt  }
0x3e: {  	_ =	shalt  }
0x3f: {  	_ =	shalt  }
0x40: {  	_ =	shalt  }
0x41: {  	_ =	shalt  }
0x42: {  	_ =	shalt  }
0x43: {  	_ =	shalt  }
0x44: {  	_ =	shalt  }
0x45: {  	_ =	shalt  }
0x46: {  	_ =	shalt  }
0x47: {  	_ =	shalt  }
0x48: {  	_ =	shalt  }
0x49: {  	_ =	shalt  }
0x4a: {  	_ =	shalt  }
0x4b: {  	_ =	shalt  }
0x4c: {  	_ =	shalt  }
0x4d: {  	_ =	shalt  }
0x4e: {  	_ =	shalt  }
0x4f: {  	_ =	shalt  }
0x50: {  	_ =	shalt  }
0x51: {  	_ =	shalt  }
0x52: {  	_ =	shalt  }
0x53: {  	_ =	shalt  }
0x54: {  	_ =	shalt  }
0x55: {  	_ =	shalt  }
0x56: {  	_ =	shalt  }
0x57: {  	_ =	shalt  }
0x58: {  	_ =	shalt  }
0x59: {  	_ =	shalt  }
0x5a: {  	_ =	shalt  }
0x5b: {  	_ =	shalt  }
0x5c: {  	_ =	shalt  }
0x5d: {  	_ =	shalt  }
0x5e: {  	_ =	shalt  }
0x5f: {  	_ =	shalt  }
0x60: {  	_ =	shalt  }
0x61: {  	_ =	shalt  }
0x62: {  	_ =	shalt  }
0x63: {  	_ =	shalt  }
0x64: {  	_ =	shalt  }
0x65: {  	_ =	shalt  }
0x66: {  	_ =	shalt  }
0x67: {  	_ =	shalt  }
0x68: {  	_ =	shalt  }
0x69: {  	_ =	shalt  }
0x6a: {  	_ =	shalt  }
0x6b: {  	_ =	shalt  }
0x6c: {  	_ =	shalt  }
0x6d: {  	_ =	shalt  }
0x6e: {  	_ =	shalt  }
0x6f: {  	_ =	shalt  }
0x70: {  	_ =	shalt  }
0x71: {  	_ =	shalt  }
0x72: {  	_ =	shalt  }
0x73: {  	_ =	shalt  }
0x74: {  	_ =	shalt  }
0x75: {  	_ =	shalt  }
0x76: {  	_ =	shalt  }
0x77: {  	_ =	shalt  }
0x78: {  	_ =	shalt  }
0x79: {  	_ =	shalt  }
0x7a: {  	_ =	shalt  }
0x7b: {  	_ =	shalt  }
0x7c: {  	_ =	shalt  }
0x7d: {  	_ =	shalt  }
0x7e: {  	_ =	shalt  }
0x7f: {  	_ =	shalt  }
0x80: {  	_ =	shalt  }
0x81: {  	_ =	shalt  }
0x82: {  	_ =	shalt  }
0x83: {  	_ =	shalt  }
0x84: {  	_ =	shalt  }
0x85: {  	_ =	shalt  }
0x86: {  	_ =	shalt  }
0x87: {  	_ =	shalt  }
.Lfunc_end0:
.L_simem_size_0:
called_computation.1_lowered:
.L_overlay_start_0:
0x88: {  	s2 =	sld [smem:$0x3FD9]  }
0x89: {  	s3 =	sld [smem:$0x3FFE];
	_ =	sdelay $0x1  }
0x8a: {  	s1 =	srdreg.scid  }
0x8b: {  	s0 =	sand.u32 $0x1, s1  }
0x8c: {  	s16 =	sshll.u32 s0, $0xA;
	s2 =	sadd.s32 s3, s2  }
0x8d: {  	s2 =	sadd.s32 s2, s16  }
0x8e: {  	[smem:$0x3FBE] =	sst s2  }
0x8f: {  	_ = 	snop  }
0x90: {  	(tm) =	ssettm $0x1  }
0x91: {  	s17 =	sld [smem:$0x3FFB];
	_ =	sdelay $0x3  }
0x92: {  	_ =	strace s17  }
0x93: {  	s2 =	sld [smem:$0x3FFC];
	_ =	sdelay $0x3  }
0x94: {  	_ =	strace s2  }
0x95: {  	s2 =	sld [smem:$0x3FFD];
	_ =	sdelay $0x3  }
0x96: {  	_ =	strace s2  }
0x97: {  	_ =	strace $0x8FFFFFFF  }
0x98: {  	s18 =	sld [smem:$0x3FDB];
	_ =	sdelay $0x1  }
0x99: {  	s19 =	simm.s32 $_scs_section_size  }
0x9a: {  	s4 =	simm.s32 $_size__tile_overlayer_lowered;
	s5 =	simm.s32 $_tile_overlayer_lowered  }
0x9b: {  	s22 =	simm.s32 $0x1BFF;
	s21 =	sshll.u32 s5, $0x1;
	s2 =	sadd.s32 s19, s18  }
0x9c: {  	s6 =	simm.s32 $0x0;
	s20 =	sshll.u32 s4, $0x1;
	s4 =	sadd.s32 s21, s2  }
0x9d: {  	[timem:s6], [sflag:s22] =	dma.local [hbm:s4], s20  }
0x9e: {  	_ =	swait.ge [sflag:s22], s20  }
0x9f: {  	s3 =	ssub.s32 $0x0, s20;
	[sflag:s22] =	ssyncset.done $0x0  }
0xa0: {  	[sflag:s22] =	ssyncadd.s32 s3;
	_ =	sdelay $0x1  }
0xa1: {  	s23 =	simm.s32 $0x1B8B  }
0xa2: {  	_ =	swait.ge [sflag:s23], $0x1  }
0xa3: {  	[sflag:s23] =	ssyncset.done $0x0  }
0xa4: {  	s25 =	simm.s32 $0x1B8E;
	s24 =	sld [smem:$0x3FFE];
	[sflag:s23] =	ssyncadd.s32 $0xFFFFFFFF  }
0xa5: {  	s26 =	simm.s32 $execute0_lowered;
	[smem:$0x3FD2] =	sst s25  }
0xa6: {  	s4 =	sshll.u32 s26, $0x1;
	_ =	strace $0x80000049;
	[dreg:$0x1] =	wrdreg $0xFFFFFFFF  }
0xa7: {  	s28 =	simm.s32 $_size_execute0_lowered;
	s2 =	sadd.s32 s2, s4;
	[dreg:$0x0] =	wrdreg $0x0  }
0xa8: {  	s4 =	sshll.u32 s28, $0x1;
	[dreg:$0x2] =	wrdreg s2  }
0xa9: {  	[dreg:$0x3] =	wrdreg s4  }
0xaa: {  	[dreg:$0x4] =	wrdreg $0xC0  }
0xab: {  	_ =	task [dreg:s6], $0x5FFFF  }
0xac: {  	[dreg:$0x1] =	wrdreg $0xFFFFFFFF  }
0xad: {  	[dreg:$0x0] =	wrdreg $0x60  }
0xae: {  	[dreg:$0x2] =	wrdreg s24  }
0xaf: {  	[dreg:$0x3] =	wrdreg $0xE7000  }
0xb0: {  	[dreg:$0x4] =	wrdreg $0x9  }
0xb1: {  	_ =	task.clear_ibuf [dreg:s6], $0x5FFFF;
	_ =	strace $0x90000049  }
0xb2: {  	s29 =	simm.s32 $0x9;
	_ =	strace $0x8000004B  }
0xb3: {  	_ =	swait.ge [sflag:s29], $0x1  }
0xb4: {  	[sflag:s29] =	ssyncadd.s32 $0xFFFFFFFF  }
0xb5: {  	_ =	strace $0x9000004B  }
0xb6: {  	_ =	sfence  }
0xb7: {  	s30 =	sld [smem:$0x0];
	_ =	sdelay $0x2  }
0xb8: {  	s31 =	sshll.u32 s1, $0xD;
	s1 =	sshrl.u32 s1, $0x2  }
0xb9: {  	s3 =	sand.u32 $0x4000, s31;
	s1 =	sadd.s32 s1, s30  }
0xba: {  	s0 =	sor.u32 s3, s0;
	s1 =	sshll.u32 s1, $0x11  }
0xbb: {  	s0 =	sor.u32 s1, s0  }
0xbc: {  	s0 =	sadd.s32 $0x8F2B, s0  }
0xbd: {  	[sflag:s0] =	ssyncadd.remote.s32 $0x1  }
0xbe: {  	_ =	sfence.sel $0xFFFF  }
0xbf: {  	[dreg:$0x0] =	wrdreg $0xFFFFFFFF;
	(pc) =	sbr.abs _section_cstart, $3  }
0xc0: {  	[dreg:$0x1] =	wrdreg $0xFFFFFFFF  }
0xc1: {  	_ =	task.clear_ibuf [dreg:s6], $0x2FFFF;
	_ =	strace $0x9FFFFFFF  }
0xc2: {  	(tm) =	ssettm $0x7FFFFFFF  }
0xc3: {  	_ =	shalt  }
tec
execute0_lowered:
.L_overlay_start_1:
0x0: {  	(tag) =	ssettag $0x1  }
0x1: {  	s0 =	rddreg [dreg:$0x0]  }
0x2: {  	s2 =	rddreg [dreg:$0x1]  }
0x3: {  	s1 =	srdreg.scid;
	s12 =	stileid.u32  }
0x4: {  	s3 =	simm.s32 $0x0;
	s11 =	simm.s32 $0x48;
	s17 =	simm.s32 $0x1D  }
0x5: {  	s19 =	simm.s32 $0x80;
	s1 =	sand.u32 $0x1, s1;
	s5 =	smul.u32 $0x2800, s12  }
0x6: {  	[smem:$0x7FF] =	sst s3;
	s4 =	sadd.s32 $0x16200, s0;
	s24 =	smul.u32 $0xA000, s12  }
0x7: {  	s8 =	sadd.s32 $0x2800, s0;
	s28 =	sshll.u32 s12, $0x4;
	s6 =	smul.u32 $0x28000, s1  }
0x8: {  	_ =	strace $0x8000004A;
	s7 =	ssub.s32 $0x2, s1;
	s9 =	sshll.u32 s1, $0x4  }
0x9: {  	p0 =	seq.s32 s1, $0x1;
	s10 =	sshrl.u32 s7, $0x1;
	s9 =	sor.u32 s12, s9  }
0xa: {  	s23 =	sshrl.u32 s5, $0x3;
	s13 =	sadd.s32 s5, s2;
	s26 =	sshrl.u32 s24, $0x2  }
0xb: {  	s6 =	sadd.s32 s5, s6;
	s21 =	ssub.s32 s7, s10;
	s22 =	smul.u32 $0x2700, s9  }
0xc: {  	s1 =	sadd.s32 s4, s23;
	s5 =	sadd.s32 s26, s2;
	p1 =	slt.u32 s9, $0x4  }
0xd: {  	s15 =	smov.u32 s13;
	s16 =	sshrl.u32 @!p0 s13, $0x3;
	[dreg:$0x3] =	wrdreg s1  }
0xe: {  	[dreg:$0x5] =	wrdreg s5;
	s1 =	sadd.s32 s28, s8;
	s31 =	smax.u32 s21, $0x1  }
0xf: {  	s6 =	sshrl.u32 s6, $0x3;
	s30 =	sadd.s32 $0x9C00, s1;
	[dreg:$0xa] =	wrdreg s31  }
0x10: {  	s25 =	sshrl.u32 s22, $0x3;
	s1 =	sadd.s32 $0x13840, s1;
	[dreg:$0x7] =	wrdreg s30  }
0x11: {  	s0 =	sadd.s32 s6, s0;
	s7 =	sadd.s32 s8, s25;
	[dreg:$0x8] =	wrdreg s1  }
0x12: {  	s11 =	simm.s32 @!p1 $0x47;
	s0 =	sadd.s32 $0x1B200, s0;
	[dreg:$0x4] =	wrdreg s7  }
0x13: {  	s1 =	sshll.u32 @!p0 s12, $0x6;
	s29 =	sadd.s32 $0x9C40, s7;
	[dreg:$0x9] =	wrdreg s0  }
0x14: {  	p1 =	sgt.u32 s9, $0x3;
	s0 =	sor.u32 @!p0 $0x1C1D, s1;
	[dreg:$0x6] =	wrdreg s29  }
0x15: {  	v0 =	vimm.f32 $0.0e+00;
	s1 =	simm.s32 $0x0;
	[dreg:$0xb] =	wrdreg s0;
	s0 =	simm.s32 $0xBF00  }
.LBB2_1:
0x16: {  	s5 =	simm.s32 $0x40;
	s6 =	simm.s32 $0x0  }
.LBB2_2:
0x17: {  	p2 =	sne.s32 s5, $0x9FC0;
	[tilespmem:s6+$0xBF00] =	vst v0;
	s6 =	smov.u32 s5;
	s5 =	sadd.s32 $0x40, s5  }
.Ltmp0:
0x18: {  	(pc) =	sbr.rel @p2 .LBB2_2-.Ltmp0, $2  }
0x19: {  	_ =	sdelay $0x2  }
0x1a: {  	s6 =	sshra.s32 s6, $0x2  }
0x1b: {  	[tilespmem:s6+$0xBF00] =	vst v0;
	s5 =	simm.s32 @p0 $0xBF00;
	s6 =	rddreg [dreg:$0x5]  }
0x1c: {  	[spmem:s6] =	stream.linear.scatter @p0 [tilespmem:s5], [sflag:$0x1D], $0x2800, $0x38;
	[tilespmem:$0x10F00] =	vst v63  }
0x1d: {  	s5 =	simm.s32 @p0 $0x1D  }
0x1e: {  	_ =	swait.ge @p0 [sflag:s5], $0x2800  }
0x1f: {  	[sflag:s5] =	ssyncset.done @p0 $0x0;
	s6 =	rddreg [dreg:$0xb]  }
0x20: {  	[sflag:s5] =	ssyncadd.s32 @p0 $0xFFFFD800;
	s5 =	rddreg [dreg:$0x3]  }
0x21: {  	[spmem:s16], [sflag:s6] =	dma.local @!p0 [hbm:s5], $0x500  }
0x22: {  	s5 =	simm.s32 @!p0 $0x1D  }
0x23: {  	_ =	swait.ge @!p0 [sflag:s5], $0x500  }
0x24: {  	[sflag:s5] =	ssyncset.done @!p0 $0x0  }
0x25: {  	s10 =	rddreg [dreg:$0x4];
	[sflag:s5] =	ssyncadd.s32 @!p0 $0xFFFFFB00  }
0x26: {  	[tilespmem:s3], [sflag:$0x1D] =	stream.linear.gather [hbm4b:s10+s3], $0x2700, $0x38;
	[tilespmem:$0x10F00] =	vst v63  }
0x27: {  	_ =	swait.ge [sflag:s17], $0x2700  }
0x28: {  	[sflag:s17] =	ssyncset.done $0x0  }
0x29: {  	s13 =	simm.s32 $0x2780;
	s12 =	rddreg [dreg:$0x6];
	[sflag:s17] =	ssyncadd.s32 $0xFFFFD900  }
0x2a: {  	[tilespmem:s13], [sflag:$0x1D] =	stream.linear.gather [hbm4b:s12+s3], $0x2700, $0x38;
	[tilespmem:$0x10F00] =	vst v63  }
0x2b: {  	_ =	swait.ge [sflag:s17], $0x2700  }
0x2c: {  	s6 =	simm.s32 @!p1 $0x2700;
	[sflag:s17] =	ssyncset.done $0x0  }
0x2d: {  	s5 =	simm.s32 @!p1 $0x0;
	s7 =	rddreg [dreg:$0x7];
	[sflag:s17] =	ssyncadd.s32 $0xFFFFD900  }
0x2e: {  	[tilespmem:s6], [sflag:$0x1D] =	stream.linear.gather @!p1 [hbm4b:s7+s5], $0x80, $0x38;
	[tilespmem:$0x10F00] =	vst v63  }
0x2f: {  	s6 =	simm.s32 @!p1 $0x1D  }
0x30: {  	s8 =	simm.s32 @!p1 $0x4E80;
	_ =	swait.ge @!p1 [sflag:s6], $0x80  }
0x31: {  	s14 =	simm.s32 $0x0;
	s18 =	simm.s32 $0x4F00;
	[sflag:s6] =	ssyncset.done @!p1 $0x0  }
0x32: {  	s20 =	simm.s32 $0x5700;
	s7 =	rddreg [dreg:$0x8];
	[sflag:s6] =	ssyncadd.s32 @!p1 $0xFFFFFF80  }
0x33: {  	[tilespmem:s8], [sflag:$0x1D] =	stream.linear.gather @!p1 [hbm4b:s7+s5], $0x80, $0x38;
	[tilespmem:$0x10F00] =	vst v63  }
0x34: {  	s21 =	simm.s32 $0x100;
	s22 =	simm.s32 $0x5F00;
	_ =	swait.ge @!p1 [sflag:s6], $0x80  }
0x35: {  	s23 =	simm.s32 $0x180;
	s24 =	simm.s32 $0x6700;
	[sflag:s6] =	ssyncset.done @!p1 $0x0  }
0x36: {  	s25 =	simm.s32 $0x200;
	s26 =	simm.s32 $0x6F00;
	[sflag:s6] =	ssyncadd.s32 @!p1 $0xFFFFFF80  }
0x37: {  	s9 =	simm.s32 $0x300;
	s30 =	simm.s32 $0x3;
	[bflag:$0x0] =	sbarrier.arrive $0xFFFF  }
0x38: {  	[tilespmem:s18], [sflag:$0x1] =	stream.indirect.gather [hbm4b:s4+s19], $0x10, s14, s19, $0xb8;
	[tilespmem:$0x10F00] =	vst v63  }
0x39: {  	s28 =	simm.s32 $0xFFFFFFFA;
	s31 =	smulhi.u32 $0x92492493, s30;
	s8 =	simm.s32 $0x0  }
0x3a: {  	[tilespmem:s20], [sflag:$0x2] =	stream.indirect.gather [hbm4b:s4+s19], $0x10, s19, s19, $0xb8;
	[tilespmem:$0x10F00] =	vst v63  }
0x3b: {  	p3 =	por $0x1, $0x1;
	s30 =	simm.s32 $0x1;
	s5 =	smulhi.u32 $0x92492493, s8  }
0x3c: {  	[tilespmem:s22], [sflag:$0x3] =	stream.indirect.gather [hbm4b:s4+s19], $0x10, s21, s19, $0xb8;
	[tilespmem:$0x10F00] =	vst v63  }
0x3d: {  	s10 =	simm.s32 $0x7F00;
	s13 =	simm.s32 $0x2780;
	s5 =	sshrl.u32 s5, $0x2  }
0x3e: {  	[tilespmem:s24], [sflag:$0x4] =	stream.indirect.gather [hbm4b:s4+s19], $0x10, s23, s19, $0xb8;
	[tilespmem:$0x10F00] =	vst v63  }
0x3f: {  	s7 =	simm.s32 $0x7700;
	s6 =	simm.s32 $0x280;
	s12 =	smul.u32 $0xFFFFFFC8, s5  }
0x40: {  	[tilespmem:s26], [sflag:$0x5] =	stream.indirect.gather [hbm4b:s4+s19], $0x10, s25, s19, $0xb8;
	[tilespmem:$0x10F00] =	vst v63  }
0x41: {  	s5 =	smul.u32 $0xFFFE4000, s5;
	s18 =	simm.s32 $0x380;
	s14 =	sshrl.u32 s31, $0x2  }
0x42: {  	[tilespmem:s7], [sflag:$0x6] =	stream.indirect.gather [hbm4b:s4+s19], $0x10, s6, s19, $0xb8;
	[tilespmem:$0x10F00] =	vst v63  }
0x43: {  	s5 =	sshra.s32 s5, $0x2;
	s31 =	smul.u32 $0xFFFE4000, s14;
	s6 =	sshra.s32 s12, $0x2  }
0x44: {  	[tilespmem:s10], [sflag:$0x7] =	stream.indirect.gather [hbm4b:s4+s19], $0x10, s9, s19, $0xb8;
	[tilespmem:$0x10F00] =	vst v63  }
0x45: {  	s20 =	simm.s32 $0x8700;
	s6 =	sadd.s32 $0x0, s6;
	s9 =	simm.s32 $0x7FFFFFFC  }
0x46: {  	s21 =	simm.s32 @!p1 $0x4F;
	s29 =	sadd.s32 $0x1, s6;
	s9 =	smulhi.u32 $0x92492493, s9  }
0x47: {  	s5 =	sadd.s32 $0x4F00, s5;
	s21 =	simm.s32 @p1 $0x4E;
	_ =	swait.ge [sflag:s29], $0x800  }
0x48: {  	p4 =	sne.s32 s21, $0x1;
	[sflag:s29] =	ssyncset.done $0x0;
	s9 =	sshrl.u32 s9, $0x2  }
0x49: {  	s6 =	sadd.s32 $0xF, s6;
	[sflag:s29] =	ssyncadd.s32 $0xFFFFF800;
	s9 =	smul.u32 $0xFFFFFFC8, s9  }
0x4a: {  	[spmem:s2] =	stream.indirect.scatter.add.f32 [tilespmem:s5], [sflag:s6], $0x10, s13, s19, $0xb8;
	[tilespmem:$0x10F00] =	vst v63  }
.Ltmp1:
0x4b: {  	s22 =	simm.s32 $0x2800;
	s9 =	sshra.s32 s9, $0x2;
	(pc) =	sbr.rel @!p4 .LBB2_5-.Ltmp1, $4  }
0x4c: {  	s23 =	simm.s32 $0x5700;
	s24 =	simm.s32 $0x8;
	s5 =	sadd.s32 $0x8, s9  }
0x4d: {  	p2 =	sle.u32 s21, $0x7;
	s25 =	simm.s32 $0x8F00;
	s8 =	sadd.s32 @!p3 $0x0, s5  }
0x4e: {  	s26 =	simm.s32 $0x400;
	s29 =	simm.s32 $0x4;
	_ =	swait.ge @!p3 [sflag:s8], $0x800  }
0x4f: {  	s9 =	simm.s32 @!p2 $0x0;
	s5 =	smul.u32 $0xFFFFFFC8, s14;
	[sflag:s8] =	ssyncset.done @!p3 $0x0  }
.LBB2_4:
0x50: {  	s6 =	sshra.s32 s31, $0x2;
	[sflag:s8] =	ssyncadd.s32 @!p3 $0xFFFFF800;
	s10 =	simm.s32 @!p2 $0x80  }
0x51: {  	s31 =	smov.u32 s22;
	s8 =	smov.u32 s23;
	s12 =	smov.u32 s24  }
0x52: {  	s5 =	sshra.s32 s5, $0x2;
	s7 =	sadd.s32 s6, s20;
	s20 =	smov.u32 s25  }
0x53: {  	s13 =	smov.u32 s28;
	s6 =	smov.u32 s29;
	s5 =	sadd.s32 $0x8, s5  }
0x54: {  	s22 =	sadd.s32 $0x80, s22;
	s5 =	sadd.s32 @!p2 s9, s5;
	s9 =	smov.u32 s30  }
0x55: {  	[tilespmem:s7], [sflag:s5] =	stream.indirect.gather @!p2 [hbm4b:s4+s10], $0x10, s18, s10, $0xb8;
	[tilespmem:$0x10F00] =	vst v63  }
0x56: {  	s23 =	sadd.s32 $0x800, s23;
	s5 =	sshrl.u32 s30, $0x1;
	s18 =	smov.u32 s26  }
0x57: {  	s24 =	sadd.s32 $0x1, s24;
	s28 =	sadd.s32 $0x1, s28;
	s5 =	smulhi.u32 $0x92492493, s5  }
0x58: {  	s25 =	sadd.s32 $0x800, s25;
	s26 =	sadd.s32 $0x80, s26;
	s7 =	sshrl.u32 s13, $0x1  }
0x59: {  	s29 =	sadd.s32 $0x4, s29;
	s7 =	smulhi.u32 $0x92492493, s7;
	s5 =	sshrl.u32 s5, $0x2  }
0x5a: {  	s14 =	sadd.s32 $0x7, s30;
	s10 =	sshrl.u32 s12, $0x1;
	s12 =	smul.u32 $0xFFFFFFC8, s5  }
0x5b: {  	s13 =	sshra.s32 s6, $0x2;
	s30 =	sadd.s32 $0xFFFFFFFA, s14  }
0x5c: {  	s7 =	sshrl.u32 s7, $0x2;
	s5 =	smul.u32 $0xFFFE4000, s5;
	s12 =	sshra.s32 s12, $0x2  }
0x5d: {  	p4 =	sne.s32 s30, s21;
	s7 =	smul.u32 $0xFFFFFFC8, s7;
	s12 =	sadd.s32 s13, s12  }
0x5e: {  	p3 =	slt.u32 s9, $0x7;
	s5 =	sshra.s32 s5, $0x2;
	s13 =	sadd.s32 $0x1, s12  }
0x5f: {  	s10 =	smulhi.u32 $0x92492493, s10;
	s7 =	sshra.s32 s7, $0x2;
	_ =	swait.ge [sflag:s13], $0x800  }
0x60: {  	s9 =	sshra.s32 @!p3 s6, $0x2;
	s7 =	sadd.s32 $0x8, s7;
	[sflag:s13] =	ssyncset.done $0x0  }
.Ltmp2:
0x61: {  	s12 =	sadd.s32 $0xF, s12;
	[sflag:s13] =	ssyncadd.s32 $0xFFFFF800;
	(pc) =	sbr.rel @p4 .LBB2_4-.Ltmp2, $4  }
0x62: {  	s10 =	sshrl.u32 s10, $0x2;
	s5 =	sadd.s32 s5, s8;
	s8 =	sadd.s32 @!p3 s9, s7  }
0x63: {  	[spmem:s2] =	stream.indirect.scatter.add.f32 [tilespmem:s5], [sflag:s12], $0x10, s31, s19, $0xb8;
	[tilespmem:$0x10F00] =	vst v63  }
0x64: {  	p2 =	sge.u32 s14, s21;
	s31 =	smul.u32 $0xFFFE4000, s10;
	_ =	swait.ge @!p3 [sflag:s8], $0x800  }
0x65: {  	s9 =	sshra.s32 @!p2 s6, $0x2;
	s5 =	smul.u32 $0xFFFFFFC8, s10;
	[sflag:s8] =	ssyncset.done @!p3 $0x0  }
.LBB2_5:
0x66: {  	s6 =	sshra.s32 s31, $0x2;
	s7 =	sadd.s32 $0x0, s11  }
0x67: {  	[sflag:s8] =	ssyncadd.s32 @!p3 $0xFFFFF800;
	s5 =	sshra.s32 s5, $0x2;
	s28 =	sand.u32 $0xFE, s7  }
0x68: {  	s6 =	sadd.s32 s6, s20;
	s5 =	sadd.s32 $0x8, s5;
	s8 =	sshrl.u32 s28, $0x1  }
0x69: {  	s5 =	sadd.s32 @!p2 s9, s5;
	s9 =	simm.s32 @!p2 $0x80;
	s8 =	smul.u32 $0x93, s8  }
0x6a: {  	[tilespmem:s6], [sflag:s5] =	stream.indirect.gather @!p2 [hbm4b:s4+s9], $0x10, s18, s9, $0xb8;
	[tilespmem:$0x10F00] =	vst v63  }
0x6b: {  	s29 =	sshrl.u32 s8, $0xA  }
0x6c: {  	s6 =	sadd.s32 $0x1, s11;
	s5 =	smul.u32 $0xE, s29  }
0x6d: {  	s30 =	sand.u32 $0xFE, s6  }
0x6e: {  	s31 =	sshrl.u32 s30, $0x1;
	s5 =	ssub.s32 s7, s5  }
0x6f: {  	s9 =	smul.u32 $0x93, s31;
	s5 =	sand.u32 $0xFF, s5  }
0x70: {  	s8 =	simm.s32 $0x2;
	s5 =	sadd.s32 $0xF, s5  }
.LBB2_6:
0x71: {  	s7 =	sadd.s32 s8, s11;
	s9 =	sshrl.u32 s9, $0xA  }
0x72: {  	_ =	swait.ge [sflag:s5], $0x800;
	p2 =	sne.s32 s8, $0x6;
	s9 =	smul.u32 $0xE, s9  }
.Ltmp3:
0x73: {  	s10 =	sand.u32 $0xFE, s7;
	[sflag:s5] =	ssyncset.done $0x0;
	(pc) =	sbr.rel @p2 .LBB2_6-.Ltmp3, $4  }
0x74: {  	s8 =	sadd.s32 $0x1, s8;
	[sflag:s5] =	ssyncadd.s32 $0xFFFFF800  }
0x75: {  	s5 =	sshrl.u32 s10, $0x1;
	s10 =	ssub.s32 s6, s9;
	s6 =	smov.u32 s7  }
0x76: {  	s9 =	smul.u32 $0x93, s5;
	s5 =	sand.u32 $0xFF, s10  }
0x77: {  	s5 =	sadd.s32 $0xF, s5  }
0x78: {  	s7 =	sshrl.u32 s9, $0xA  }
0x79: {  	s7 =	smul.u32 $0xE, s7;
	_ =	sdelay $0x1  }
0x7a: {  	_ =	swait.ge [sflag:s5], $0x800;
	s6 =	ssub.s32 s6, s7  }
0x7b: {  	[sflag:s5] =	ssyncset.done $0x0;
	s6 =	sand.u32 $0xFF, s6  }
0x7c: {  	[sflag:s5] =	ssyncadd.s32 $0xFFFFF800;
	s29 =	sadd.s32 $0xF, s6  }
0x7d: {  	_ =	swait.ge [sflag:s29], $0x800  }
0x7e: {  	[sflag:s29] =	ssyncset.done $0x0  }
0x7f: {  	[sflag:s29] =	ssyncadd.s32 $0xFFFFF800  }
0x80: {  	[bflag:$0x0] =	sbarrier.arrive $0xFFFF  }
0x81: {  	[tilespmem:s0], [sflag:$0x1D] =	stream.linear.gather [spmem:s15], $0x2800, $0x38;
	[tilespmem:$0x10F00] =	vst v63  }
0x82: {  	_ =	swait.ge [sflag:s17], $0x2800  }
0x83: {  	[sflag:s17] =	ssyncset.done $0x0  }
0x84: {  	s30 =	rddreg [dreg:$0x9];
	[sflag:s17] =	ssyncadd.s32 $0xFFFFD800  }
0x85: {  	[hbm4b:s30+s3] =	stream.linear.scatter [tilespmem:s0], [sflag:$0x1D], $0x2800, $0x38;
	[tilespmem:$0x10F00] =	vst v63  }
0x86: {  	_ =	swait.ge [sflag:s17], $0x2800  }
0x87: {  	s1 =	sadd.s32 $0x1, s1;
	s31 =	rddreg [dreg:$0xa]  }
0x88: {  	p2 =	sne.s32 s1, s31  }
.Ltmp4:
0x89: {  	_ = 	snop;
	(pc) =	sbr.rel @p2 .LBB2_1-.Ltmp4, $3  }
0x8a: {  	_ =	sdelay $0x1  }
0x8b: {  	[sflag:s17] =	ssyncset.done $0x0  }
0x8c: {  	[sflag:s17] =	ssyncadd.s32 $0xFFFFD800  }
0x8d: {  	_ =	sfence.sel $0x180000  }
0x8e: {  	[bflag:$0x0] =	sbarrier.arrive $0xFFFF  }
0x8f: {  	_ =	strace $0x9000004A  }
0x90: {  	s0 =	stileid.u32;
	[bflag:$0x2] =	sbarrier.arrive $0xFFFF  }
0x91: {  	p0 =	sne.s32 s0, $0x0;
	s0 =	rddreg [dreg:$0x2]  }
0x92: {  	s0 =	sadd.s32 @!p0 $0x100000, s0  }
0x93: {  	[sflag:s0] =	ssyncadd.tile.s32 @!p0 $0x1;
	_ =	shalt  }
.Lfunc_end2:
_tile_overlayer_lowered:
.L_overlay_start_2:
0x94: {  	(tag) =	ssettag $0x2  }
0x95: {  	s0 =	rddreg [dreg:$0x0];
	s2 =	stileid.u32  }
0x96: {  	s1 =	rddreg [dreg:$0x1];
	p0 =	sne.s32 s2, $0x0  }
0x97: {  	s3 =	rddreg [dreg:$0x2];
	[bflag:$0x3] =	sbarrier.arrive $0xFFFF;
	s2 =	simm.s32 @!p0 $0x1C1D  }
0x98: {  	[timem:s3], [sflag:s2] =	dma.local @!p0 [hbm:s0], s1  }
0x99: {  	s0 =	simm.s32 @!p0 $0x1D  }
0x9a: {  	_ =	swait.ge @!p0 [sflag:s0], s1  }
0x9b: {  	s1 =	ssub.s32 @!p0 $0x0, s1;
	[sflag:s0] =	ssyncset.done @!p0 $0x0  }
0x9c: {  	[sflag:s0] =	ssyncadd.s32 @!p0 s1  }
0x9d: {  	[bflag:$0x3] =	sbarrier.arrive $0xFFFF  }
0x9e: {  	_ =	shalt  }

// kernel: kernel.15.cloned.1.call-start
scs
__scs_entry_jumppad:
0x0: {  	(pc) =	sbr.rel $0x88, $3  }
0x1: {  	(tag) =	ssettag $0x0;
	lr =	simm.s32 $0x1  }
0x2: {  	[smem:$0x3F97] =	sst lr;
	_ =	strace $0xD0000000  }
0x3: {  	_ = 	snop  }
0x4: {  	_ = 	snop  }
0x5: {  	_ = 	snop  }
0x6: {  	_ = 	snop  }
0x7: {  	_ = 	snop  }
__scs_overlays_trampoline_lowered:
0x8: {  	[smem:$0x3FA6] =	sst s0  }
0x9: {  	[smem:$0x3FA7] =	sst s1  }
0xa: {  	[smem:$0x3FA8] =	sst s2  }
0xb: {  	[smem:$0x3FA9] =	sst s3  }
0xc: {  	[smem:$0x3FAA] =	sst s4  }
0xd: {  	[smem:$0x3FAB] =	sst s5  }
0xe: {  	[smem:$0x3FAC] =	sst s6  }
0xf: {  	[smem:$0x3FAD] =	sst s7  }
0x10: {  	[smem:$0x3FAE] =	sst s8  }
0x11: {  	[smem:$0x3FAF] =	sst s9;
	s0 =	simm.s32 @!p0 $0x0  }
0x12: {  	s1 =	sld [smem:$0x3F95];
	s0 =	simm.s32 @p0 $0x1  }
0x13: {  	[smem:$0x3FB0] =	sst s0;
	s0 =	simm.s32 @!p1 $0x0  }
0x14: {  	s2 =	sld [smem:$0x3F94];
	s0 =	simm.s32 @p1 $0x1  }
0x15: {  	[smem:$0x3FB1] =	sst s0;
	s0 =	simm.s32 @!p2 $0x0  }
0x16: {  	s3 =	sld [smem:$0x3FDB];
	s0 =	simm.s32 @p2 $0x1  }
0x17: {  	s4 =	simm.s32 $0x1BF5;
	[smem:$0x3FB3] =	sst s0  }
0x18: {  	s0 =	sld [smem:$0x3F96];
	_ =	swait.ge [sflag:s4], $0x0  }
0x19: {  	s7 =	sld [smem:$0x3F97]  }
0x1a: {  	s8 =	sadd.s32 $0xFFFFE003, lr  }
0x1b: {  	s9 =	sadd.s32 $0xFFFFFEF7, lr;
	s5 =	simm.s32 $0xFFFFFFFF;
	p2 =	slt.u32 s8, $0xFFFFF086  }
0x1c: {  	p1 =	slt.u32 s9, $0xF7A;
	s5 =	simm.s32 @!p2 $0x0  }
0x1d: {  	s5 =	simm.s32 @p1 $0x1;
	p0 =	seq.s32 s7, s2  }
0x1e: {  	s7 =	smul.u32 @!p0 $0xF7A, s2;
	p2 =	seq.s32 @!p0 s5, $0x0  }
0x1f: {  	s9 =	smul.u32 $0xF7A, s1;
	s8 =	simm.s32 @!p0 $0x1BF5;
	p2 =	por !p2, p0  }
0x20: {  	[sflag:s8] =	ssyncset.s32 @!p0 $0xFFFFF086;
	s6 =	sadd.s32 @!p0 s3, s7;
	s7 =	simm.s32 @!p0 $0x108  }
0x21: {  	s3 =	sadd.s32 s3, s9;
	s6 =	sadd.s32 @!p0 $0x88, s6;
	s7 =	simm.s32 @p2 $0x1082  }
0x22: {  	[simem:s7], [sflag:s8] =	dma.local @!p0 [hbm:s6], $0xF7A  }
0x23: {  	s9 =	sor.u32 $0xD0000000, s2;
	s6 =	simm.s32 $0x108;
	_ =	swait.ge @!p0 [sflag:s8], $0x0  }
0x24: {  	s3 =	sadd.s32 $0x88, s3;
	s6 =	simm.s32 @!p1 $0x1082;
	[sflag:s4] =	ssyncset.s32 $0xFFFFF086  }
0x25: {  	[simem:s6], [sflag:s4] =	dma.local [hbm:s3], $0xF7A  }
0x26: {  	[smem:$0x3F97] =	sst s1;
	(tag) =	ssettag s2;
	_ =	strace s9  }
0x27: {  	s1 =	sld [smem:$0x3FA7]  }
0x28: {  	s2 =	sld [smem:$0x3FA8]  }
0x29: {  	s4 =	sld [smem:$0x3FAA]  }
0x2a: {  	p0 =	seq.s32 s5, $0x0;
	s5 =	sld [smem:$0x3FAB]  }
0x2b: {  	s6 =	sld [smem:$0x3FAC]  }
0x2c: {  	s7 =	sld [smem:$0x3FAD]  }
0x2d: {  	s3 =	simm.s32 $0x108;
	s8 =	sld [smem:$0x3FAE]  }
0x2e: {  	s3 =	simm.s32 @!p0 $0x1082;
	s9 =	sld [smem:$0x3FAF]  }
0x2f: {  	lr =	sadd.s32 s0, s3;
	s0 =	sld [smem:$0x3FA6]  }
0x30: {  	s3 =	sld [smem:$0x3FA9]  }
0x31: {  	[smem:$0x3FB2] =	sst s10  }
0x32: {  	s10 =	sld [smem:$0x3FB0];
	_ =	sdelay $0x3  }
0x33: {  	p0 =	seq.s32 s10, $0x1;
	s10 =	sld [smem:$0x3FB2];
	_ =	sdelay $0x3  }
0x34: {  	[smem:$0x3FB2] =	sst s10  }
0x35: {  	s10 =	sld [smem:$0x3FB1];
	_ =	sdelay $0x3  }
0x36: {  	p1 =	seq.s32 s10, $0x1;
	s10 =	sld [smem:$0x3FB2];
	_ =	sdelay $0x3  }
0x37: {  	[smem:$0x3FB2] =	sst s10  }
0x38: {  	s10 =	sld [smem:$0x3FB3]  }
0x39: {  	_ = 	snop;
	(pc) =	sbr.ind lr, $3  }
0x3a: {  	_ = 	snop  }
0x3b: {  	_ = 	snop  }
0x3c: {  	p2 =	seq.s32 s10, $0x1;
	s10 =	sld [smem:$0x3FB2]  }
0x3d: {  	_ =	shalt  }
0x3e: {  	_ =	shalt  }
0x3f: {  	_ =	shalt  }
0x40: {  	_ =	shalt  }
0x41: {  	_ =	shalt  }
0x42: {  	_ =	shalt  }
0x43: {  	_ =	shalt  }
0x44: {  	_ =	shalt  }
0x45: {  	_ =	shalt  }
0x46: {  	_ =	shalt  }
0x47: {  	_ =	shalt  }
0x48: {  	_ =	shalt  }
0x49: {  	_ =	shalt  }
0x4a: {  	_ =	shalt  }
0x4b: {  	_ =	shalt  }
0x4c: {  	_ =	shalt  }
0x4d: {  	_ =	shalt  }
0x4e: {  	_ =	shalt  }
0x4f: {  	_ =	shalt  }
0x50: {  	_ =	shalt  }
0x51: {  	_ =	shalt  }
0x52: {  	_ =	shalt  }
0x53: {  	_ =	shalt  }
0x54: {  	_ =	shalt  }
0x55: {  	_ =	shalt  }
0x56: {  	_ =	shalt  }
0x57: {  	_ =	shalt  }
0x58: {  	_ =	shalt  }
0x59: {  	_ =	shalt  }
0x5a: {  	_ =	shalt  }
0x5b: {  	_ =	shalt  }
0x5c: {  	_ =	shalt  }
0x5d: {  	_ =	shalt  }
0x5e: {  	_ =	shalt  }
0x5f: {  	_ =	shalt  }
0x60: {  	_ =	shalt  }
0x61: {  	_ =	shalt  }
0x62: {  	_ =	shalt  }
0x63: {  	_ =	shalt  }
0x64: {  	_ =	shalt  }
0x65: {  	_ =	shalt  }
0x66: {  	_ =	shalt  }
0x67: {  	_ =	shalt  }
0x68: {  	_ =	shalt  }
0x69: {  	_ =	shalt  }
0x6a: {  	_ =	shalt  }
0x6b: {  	_ =	shalt  }
0x6c: {  	_ =	shalt  }
0x6d: {  	_ =	shalt  }
0x6e: {  	_ =	shalt  }
0x6f: {  	_ =	shalt  }
0x70: {  	_ =	shalt  }
0x71: {  	_ =	shalt  }
0x72: {  	_ =	shalt  }
0x73: {  	_ =	shalt  }
0x74: {  	_ =	shalt  }
0x75: {  	_ =	shalt  }
0x76: {  	_ =	shalt  }
0x77: {  	_ =	shalt  }
0x78: {  	_ =	shalt  }
0x79: {  	_ =	shalt  }
0x7a: {  	_ =	shalt  }
0x7b: {  	_ =	shalt  }
0x7c: {  	_ =	shalt  }
0x7d: {  	_ =	shalt  }
0x7e: {  	_ =	shalt  }
0x7f: {  	_ =	shalt  }
0x80: {  	_ =	shalt  }
0x81: {  	_ =	shalt  }
0x82: {  	_ =	shalt  }
0x83: {  	_ =	shalt  }
0x84: {  	_ =	shalt  }
0x85: {  	_ =	shalt  }
0x86: {  	_ =	shalt  }
0x87: {  	_ =	shalt  }
.Lfunc_end0:
.L_simem_size_0:
called_computation.2_lowered:
.L_overlay_start_0:
0x88: {  	s2 =	sld [smem:$0x3FD9]  }
0x89: {  	s3 =	sld [smem:$0x3FFE];
	_ =	sdelay $0x1  }
0x8a: {  	s1 =	srdreg.scid  }
0x8b: {  	s0 =	sand.u32 $0x1, s1  }
0x8c: {  	s17 =	sshll.u32 s0, $0xA;
	s2 =	sadd.s32 s3, s2  }
0x8d: {  	s2 =	sadd.s32 s2, s17  }
0x8e: {  	[smem:$0x3FBE] =	sst s2  }
0x8f: {  	_ = 	snop  }
0x90: {  	s2 =	sld [smem:$0x3FC6]  }
0x91: {  	s18 =	sld [smem:$0x3FD0];
	(tm) =	ssettm $0x1  }
0x92: {  	s4 =	sld [smem:$0x3FFB];
	_ =	sdelay $0x3  }
0x93: {  	_ =	strace s4  }
0x94: {  	s4 =	sld [smem:$0x3FFC];
	_ =	sdelay $0x3  }
0x95: {  	_ =	strace s4  }
0x96: {  	s4 =	sld [smem:$0x3FFD];
	_ =	sdelay $0x3  }
0x97: {  	_ =	strace s4  }
0x98: {  	_ =	strace $0x8FFFFFFF  }
0x99: {  	s19 =	sld [smem:$0x3FDB];
	_ =	sdelay $0x1  }
0x9a: {  	s5 =	simm.s32 $_scs_section_size  }
0x9b: {  	s6 =	simm.s32 $_size__tile_overlayer_lowered;
	s7 =	simm.s32 $_tile_overlayer_lowered  }
0x9c: {  	s22 =	simm.s32 $0x1BFF;
	s21 =	sshll.u32 s7, $0x1;
	s4 =	sadd.s32 s5, s19  }
0x9d: {  	s8 =	simm.s32 $0x0;
	s20 =	sshll.u32 s6, $0x1;
	s6 =	sadd.s32 s21, s4  }
0x9e: {  	[timem:s8], [sflag:s22] =	dma.local [hbm:s6], s20  }
0x9f: {  	_ =	swait.ge [sflag:s22], s20  }
0xa0: {  	s5 =	ssub.s32 $0x0, s20;
	[sflag:s22] =	ssyncset.done $0x0  }
0xa1: {  	[sflag:s22] =	ssyncadd.s32 s5;
	_ =	sdelay $0x1  }
0xa2: {  	s23 =	simm.s32 $0x1B8B  }
0xa3: {  	_ =	swait.ge [sflag:s23], $0x1  }
0xa4: {  	[sflag:s23] =	ssyncset.done $0x0  }
0xa5: {  	s25 =	simm.s32 $0x1B8E;
	s24 =	sld [smem:$0x3FFE];
	[sflag:s23] =	ssyncadd.s32 $0xFFFFFFFF  }
0xa6: {  	s26 =	simm.s32 $execute0_lowered;
	[smem:$0x3FD2] =	sst s25  }
0xa7: {  	s6 =	sshll.u32 s26, $0x1;
	_ =	strace $0x8000004C;
	[dreg:$0x1] =	wrdreg $0xFFFFFFFF  }
0xa8: {  	s28 =	simm.s32 $_size_execute0_lowered;
	s4 =	sadd.s32 s4, s6;
	[dreg:$0x0] =	wrdreg $0x0  }
0xa9: {  	s6 =	sshll.u32 s28, $0x1;
	[dreg:$0x2] =	wrdreg s4  }
0xaa: {  	[dreg:$0x3] =	wrdreg s6  }
0xab: {  	[dreg:$0x4] =	wrdreg $0xC0  }
0xac: {  	_ =	task [dreg:s8], $0x5FFFF  }
0xad: {  	[dreg:$0x1] =	wrdreg $0xFFFFFFFF  }
0xae: {  	[dreg:$0x0] =	wrdreg $0x60  }
0xaf: {  	[dreg:$0x2] =	wrdreg s24  }
0xb0: {  	[dreg:$0x3] =	wrdreg s18  }
0xb1: {  	[dreg:$0x4] =	wrdreg s2  }
0xb2: {  	[dreg:$0x5] =	wrdreg $0x9  }
0xb3: {  	_ =	task.clear_ibuf [dreg:s8], $0x6FFFF;
	_ =	strace $0x9000004C  }
0xb4: {  	s29 =	simm.s32 $0x9;
	_ =	strace $0x8000004E  }
0xb5: {  	_ =	swait.ge [sflag:s29], $0x1  }
0xb6: {  	[sflag:s29] =	ssyncadd.s32 $0xFFFFFFFF  }
0xb7: {  	_ =	strace $0x9000004E  }
0xb8: {  	_ =	sfence  }
0xb9: {  	s30 =	sld [smem:$0x0];
	_ =	sdelay $0x2  }
0xba: {  	s31 =	sshll.u32 s1, $0xD;
	s1 =	sshrl.u32 s1, $0x2  }
0xbb: {  	s3 =	sand.u32 $0x4000, s31;
	s1 =	sadd.s32 s1, s30  }
0xbc: {  	s0 =	sor.u32 s3, s0;
	s1 =	sshll.u32 s1, $0x11  }
0xbd: {  	s0 =	sor.u32 s1, s0  }
0xbe: {  	s0 =	sadd.s32 $0x8F2B, s0  }
0xbf: {  	[sflag:s0] =	ssyncadd.remote.s32 $0x1  }
0xc0: {  	_ =	sfence.sel $0xFFFF  }
0xc1: {  	[dreg:$0x0] =	wrdreg $0xFFFFFFFF;
	(pc) =	sbr.abs _section_cstart, $3  }
0xc2: {  	[dreg:$0x1] =	wrdreg $0xFFFFFFFF  }
0xc3: {  	_ =	task.clear_ibuf [dreg:s8], $0x2FFFF;
	_ =	strace $0x9FFFFFFF  }
0xc4: {  	(tm) =	ssettm $0x7FFFFFFF  }
0xc5: {  	_ =	shalt  }
tec
execute0_lowered:
.L_overlay_start_1:
0x0: {  	(tag) =	ssettag $0x1  }
0x1: {  	s5 =	rddreg [dreg:$0x0]  }
0x2: {  	s0 =	srdreg.scid;
	s6 =	rddreg [dreg:$0x1]  }
0x3: {  	s2 =	rddreg [dreg:$0x2];
	s4 =	sand.u32 $0x1, s0  }
0x4: {  	s3 =	simm.s32 $0x0;
	s0 =	stileid.u32;
	s1 =	sshll.u32 s4, $0x4  }
0x5: {  	s10 =	simm.s32 $0x1400;
	s11 =	simm.s32 $0x3D40;
	s7 =	sor.u32 s0, s1  }
0x6: {  	vm0 =	vmmov $0x1;
	s12 =	simm.s32 $0x2940;
	[smem:$0x7FF] =	sst s3;
	s8 =	smul.u32 $0x1400, s7  }
0x7: {  	vm1 =	vcmask $0x308;
	vm2 =	vcmask $0x70C;
	vm3 =	vcmask $0xB10;
	s13 =	simm.s32 $0x0;
	s4 =	ssub.s32 $0x2, s4;
	s1 =	rddreg [dreg:$0x3]  }
0x8: {  	vm4 =	vcmask $0xF14;
	vm5 =	vcmask $0x1318;
	vm6 =	vcmask $0x171C;
	s31 =	sshrl.u32 s4, $0x1;
	s7 =	smul.u32 $0x28, s7;
	s8 =	sshrl.u32 s8, $0x3  }
0x9: {  	vm7 =	vcmask $0x1B20;
	vm8 =	vcmask $0x1F24;
	vm9 =	vcmask $0x2328;
	_ =	strace $0x8000004D;
	s9 =	ssub.s32 s4, s31;
	s8 =	sadd.s32 s8, s5  }
0xa: {  	vm10 =	vcmask $0x272C;
	vm11 =	vcmask $0x2B30;
	vm12 =	vcmask $0x2F34;
	s6 =	sadd.s32 s6, s7;
	s4 =	sadd.s32 $0x1B200, s8;
	s5 =	sadd.s32 $0x20200, s8  }
0xb: {  	vm13 =	vcmask $0x3338;
	vm14 =	vcmask $0x373C;
	vm15 =	vmmov $0x7fff;
	s7 =	sadd.s32 $0x16200, s8;
	s8 =	smax.u32 s9, $0x1;
	s9 =	simm.s32 $0x1  }
.LBB2_1:
0xc: {  	[tilespmem:s3], [sflag:$0x1] =	stream.linear.gather [hbm4b:s4+s3], $0x1400, $0x38;
	[tilespmem:$0x3D50] =	vst v63  }
0xd: {  	_ =	swait.ge [sflag:s9], $0x1400  }
0xe: {  	[sflag:s9] =	ssyncset.done $0x0  }
0xf: {  	[sflag:s9] =	ssyncadd.s32 $0xFFFFEC00  }
0x10: {  	[tilespmem:s10], [sflag:$0x1] =	stream.linear.gather [hbm4b:s5+s3], $0x1400, $0x38;
	[tilespmem:$0x3D50] =	vst v63  }
0x11: {  	_ =	swait.ge [sflag:s9], $0x1400  }
0x12: {  	[sflag:s9] =	ssyncset.done $0x0  }
0x13: {  	s14 =	simm.s32 $0x2800;
	[sflag:s9] =	ssyncadd.s32 $0xFFFFEC00  }
0x14: {  	[tilespmem:s14], [sflag:$0x1] =	stream.linear.gather [hbm4b:s6+s3], $0x140, $0x38;
	[tilespmem:$0x3D50] =	vst v63  }
0x15: {  	_ =	swait.ge [sflag:s9], $0x140  }
0x16: {  	[sflag:s9] =	ssyncset.done $0x0  }
0x17: {  	[sflag:s9] =	ssyncadd.s32 $0xFFFFFEC0  }
0x18: {  	[tilespmem:s11], [sflag:$0x1] =	stream.linear.gather [hbm4b:s2+s3], $0x10, $0x38;
	[tilespmem:$0x3D50] =	vst v63  }
0x19: {  	_ =	swait.ge [sflag:s9], $0x10  }
0x1a: {  	[sflag:s9] =	ssyncset.done $0x0  }
0x1b: {  	[sflag:s9] =	ssyncadd.s32 $0xFFFFFFF0  }
0x1c: {  	s15 =	simm.s32 $0x0;
	v0 =	vld [tilespmem:$0x3D40]  }
.LBB2_2:
0x1d: {  	v1 =	vld [tilespmem:s14+$0x0];
	_ =	sdelay $0x4  }
0x1e: {  	v1 =	vadd.f32 $1.000000000e+00, v1;
	_ =	sdelay $0x1  }
0x1f: {  	v2 =	vshra.s32 v1, $0x1;
	v1 =	vmul.f32 $5.000000000e-01, v1  }
0x20: {  	v2 =	vsub.s32 $0x5F3759DF, v2  }
0x21: {  	v3 =	vmul.f32 v2, v1;
	_ =	sdelay $0x1  }
0x22: {  	v3 =	vmul.f32 v2, v3;
	_ =	sdelay $0x1  }
0x23: {  	v3 =	vsub.f32 $1.500000000e+00, v3;
	_ =	sdelay $0x1  }
0x24: {  	v2 =	vmul.f32 v2, v3;
	_ =	sdelay $0x1  }
0x25: {  	v3 =	vmul.f32 v2, v1;
	_ =	sdelay $0x1  }
0x26: {  	v3 =	vmul.f32 v3, v2;
	_ =	sdelay $0x1  }
0x27: {  	v3 =	vsub.f32 $1.500000000e+00, v3;
	_ =	sdelay $0x1  }
0x28: {  	s16 =	sshra.s32 s15, $0x2;
	v2 =	vmul.f32 v3, v2  }
0x29: {  	v4 =	vld [tilespmem:s16+$0x10]  }
0x2a: {  	v6 =	vld [tilespmem:s16+$0x1410];
	v1 =	vmul.f32 v2, v1  }
0x2b: {  	v7 =	vld [tilespmem:s16+$0x20]  }
0x2c: {  	v41 =	vld [tilespmem:s16+$0x1420];
	v1 =	vmul.f32 v1, v2  }
0x2d: {  	v10 =	vld [tilespmem:s16+$0x30]  }
0x2e: {  	v43 =	vld [tilespmem:s16+$0x1430];
	v1 =	vsub.f32 $1.500000000e+00, v1  }
0x2f: {  	v44 =	vld [tilespmem:s16+$0x40]  }
0x30: {  	v12 =	vld [tilespmem:s16+$0x1440];
	v1 =	vmul.f32 v1, v2  }
0x31: {  	v47 =	vld [tilespmem:s16+$0x50]  }
0x32: {  	v14 =	vld [tilespmem:s16+$0x1450];
	v2 =	vnsel vm0, $0x0, v1  }
0x33: {  	v15 =	vld [tilespmem:s16+$0x60];
	(xrf2) =	vadd.scan.msk.f32 $0xffff, v2;
	v2 =	vsel vm1, $0x0, v1  }
0x34: {  	v51 =	vld [tilespmem:s16+$0x1460];
	(xrf2) =	vadd.scan.msk.f32 $0xffff, v2  }
0x35: {  	v53 =	vld [tilespmem:s16+$0x70];
	v2 =	vsel vm2, $0x0, v1  }
0x36: {  	v17 =	vld [tilespmem:s16+$0x1470];
	v5 =	vsel vm3, $0x0, v1;
	(xrf2) =	vadd.scan.msk.f32 $0xffff, v2  }
0x37: {  	v56 =	vld [tilespmem:s16+$0x80];
	v39 =	vsel vm4, $0x0, v1;
	(xrf2) =	vadd.scan.msk.f32 $0xffff, v5  }
0x38: {  	v19 =	vld [tilespmem:s16+$0x90];
	(xrf2) =	vadd.scan.msk.f32 $0xffff, v39  }
0x39: {  	v3 =	vld [tilespmem:s16+$0x0]  }
0x3a: {  	v2 =	vld [tilespmem:s16+$0x1400]  }
0x3b: {  	v60 =	vld [tilespmem:s16+$0x1490];
	v4 =	vadd.f32 v6, v4;
	v8 =	vsel vm5, $0x0, v1;
	v13 =	vsel vm6, $0x0, v1  }
0x3c: {  	v28 =	vld [tilespmem:s16+$0xB0];
	v46 =	vsel vm7, $0x0, v1;
	v16 =	vsel vm8, $0x0, v1;
	v52 =	vsel vm9, $0x0, v1  }
0x3d: {  	v22 =	vld [tilespmem:s16+$0x14B0];
	v18 =	vsel vm10, $0x0, v1;
	v20 =	vsel vm11, $0x0, v1;
	v29 =	vsel vm12, $0x0, v1;
	v40, _, _ =	vpop (xrf2);
	(xrf2) =	vadd.scan.msk.f32 $0xffff, v8  }
0x3e: {  	v23 =	vld [tilespmem:s16+$0xC0];
	v30 =	vsel vm13, $0x0, v1;
	v33 =	vsel vm14, $0x0, v1;
	v5 =	vadd.f32 v41, v7;
	v9, _, _ =	vpop (xrf2);
	(xrf2) =	vadd.scan.msk.f32 $0xffff, v13  }
0x3f: {  	v35 =	vld [tilespmem:s16+$0x14C0];
	v2 =	vadd.f32 v2, v3;
	v8 =	vadd.f32 v43, v10;
	v3 =	vbroadcast v40, $0xF  }
0x40: {  	v62 =	vld [tilespmem:s16+$0xA0];
	v1 =	vsel vm15, $0x0, v1;
	v10 =	vadd.f32 v60, v19;
	v13 =	vadd.f32 v14, v47;
	v11, _, _ =	vpop (xrf2);
	(xrf2) =	vadd.scan.msk.f32 $0xffff, v46  }
0x41: {  	v63 =	vld [tilespmem:s16+$0x14A0];
	v42 =	vbroadcast v9, $0xF;
	v9 =	vadd.f32 v12, v44;
	v2 =	vmul.f32 v3, v2;
	v48, _, _ =	vpop (xrf2)  }
0x42: {  	v24 =	vld [tilespmem:s16+$0xE0];
	v12 =	vadd.f32 v51, v15;
	v46 =	vadd.f32 v22, v28;
	v45 =	vbroadcast v11, $0xF;
	v50, _, _ =	vpop (xrf2);
	(xrf2) =	vadd.scan.msk.f32 $0xffff, v16  }
0x43: {  	v39 =	vld [tilespmem:s16+$0x14E0];
	v4 =	vmul.f32 v42, v4;
	v2 =	vadd.f32 v2, v0;
	v11 =	vbroadcast v50, $0xF;
	(xrf2) =	vadd.scan.msk.f32 $0xffff, v52  }
0x44: {  	v58 =	vld [tilespmem:s16+$0x1480];
	v49 =	vbroadcast v48, $0xF;
	v5 =	vmul.f32 v45, v5;
	v50 =	vadd.f32 v35, v23  }
0x45: {  	v4 =	vadd.f32 v4, v0;
	v2 =	vmax.f32 v2, $0.0e+00;
	v9 =	vmul.f32 v11, v9  }
0x46: {  	v5 =	vadd.f32 v5, v0;
	v2 =	vmul.f32 v2, v3;
	v3 =	vmul.f32 v49, v8  }
0x47: {  	v4 =	vmax.f32 v4, $0.0e+00;
	v8 =	vadd.f32 v17, v53;
	v17 =	vadd.f32 v63, v62;
	v54, _, _ =	vpop (xrf2);
	(xrf2) =	vadd.scan.msk.f32 $0xffff, v18  }
0x48: {  	v53 =	vadd.f32 v39, v24;
	v4 =	vmul.f32 v4, v42;
	v57 =	vadd.f32 v9, v0;
	v59, _, _ =	vpop (xrf2);
	(xrf2) =	vadd.scan.msk.f32 $0xffff, v20  }
0x49: {  	v5 =	vmax.f32 v5, $0.0e+00;
	v9 =	vadd.f32 v58, v56;
	v55 =	vbroadcast v54, $0xF  }
0x4a: {  	v36 =	vld [tilespmem:s16+$0xD0];
	v3 =	vadd.f32 v3, v0;
	v5 =	vmul.f32 v5, v45;
	v7 =	vbroadcast v59, $0xF;
	v61, _, _ =	vpop (xrf2);
	(xrf2) =	vadd.scan.msk.f32 $0xffff, v29  }
0x4b: {  	v37 =	vld [tilespmem:s16+$0x14D0];
	v6 =	vmax.f32 v57, $0.0e+00;
	v13 =	vmul.f32 v55, v13;
	v15 =	vbroadcast v61, $0xF;
	(xrf2) =	vadd.scan.msk.f32 $0xffff, v30  }
0x4c: {  	v3 =	vmax.f32 v3, $0.0e+00;
	v6 =	vmul.f32 v6, v11;
	v12 =	vmul.f32 v12, v7;
	v21, _, _ =	vpop (xrf2);
	(xrf2) =	vadd.scan.msk.f32 $0xffff, v33  }
0x4d: {  	v13 =	vadd.f32 v13, v0;
	v8 =	vmul.f32 v8, v15;
	v31 =	vbroadcast v21, $0xF;
	v32, _, _ =	vpop (xrf2);
	(xrf2) =	vadd.scan.msk.f32 $0xffff, v1  }
0x4e: {  	v43 =	vld [tilespmem:s16+$0x14F0];
	v3 =	vmul.f32 v3, v49;
	v34 =	vbroadcast v32, $0xF;
	v12 =	vadd.f32 v12, v0  }
0x4f: {  	v40 =	vld [tilespmem:s16+$0xF0];
	v27 =	vmax.f32 v13, $0.0e+00;
	v8 =	vadd.f32 v8, v0;
	v9 =	vmul.f32 v9, v31  }
0x50: {  	[tilespmem:s16+$0x2970] =	vst v3;
	v3 =	vadd.f32 v37, v36;
	v1 =	vmul.f32 v27, v55;
	v10 =	vmul.f32 v10, v34  }
0x51: {  	v12 =	vmax.f32 v12, $0.0e+00;
	v8 =	vmax.f32 v8, $0.0e+00;
	v9 =	vadd.f32 v9, v0;
	v38, _, _ =	vpop (xrf2)  }
0x52: {  	v7 =	vmul.f32 v12, v7;
	v10 =	vadd.f32 v10, v0;
	v14 =	vbroadcast v38, $0xF;
	v44, _, _ =	vpop (xrf2)  }
0x53: {  	[tilespmem:s16+$0x2940] =	vst v2;
	v8 =	vmul.f32 v8, v15;
	v2 =	vmax.f32 v9, $0.0e+00;
	v49 =	vbroadcast v44, $0xF  }
0x54: {  	[tilespmem:s16+$0x2950] =	vst v4;
	v12 =	vadd.f32 v43, v40;
	v2 =	vmul.f32 v2, v31;
	v47, _, _ =	vpop (xrf2);
	v42 =	vmul.f32 v17, v14  }
0x55: {  	[tilespmem:s16+$0x2960] =	vst v5;
	v41 =	vmax.f32 v10, $0.0e+00;
	v51, _, _ =	vpop (xrf2);
	v52 =	vbroadcast v47, $0xF;
	v55 =	vmul.f32 v46, v49  }
0x56: {  	[tilespmem:s16+$0x2980] =	vst v6;
	v45 =	vmul.f32 v41, v34;
	v54, _, _ =	vpop (xrf2);
	v56 =	vbroadcast v51, $0xF;
	v48 =	vadd.f32 v42, v0  }
0x57: {  	[tilespmem:s16+$0x2990] =	vst v1;
	v1 =	vmul.f32 v50, v52;
	v57 =	vbroadcast v54, $0xF;
	v58, _, _ =	vpop (xrf2);
	v6 =	vadd.f32 v55, v0  }
0x58: {  	[tilespmem:s16+$0x29A0] =	vst v7;
	v3 =	vmul.f32 v3, v56;
	v59 =	vbroadcast v58, $0xF;
	v5 =	vmax.f32 v48, $0.0e+00  }
0x59: {  	[tilespmem:s16+$0x29B0] =	vst v8;
	v1 =	vadd.f32 v1, v0;
	v60 =	vmul.f32 v53, v57;
	v5 =	vmul.f32 v5, v14  }
0x5a: {  	[tilespmem:s16+$0x29C0] =	vst v2;
	v2 =	vmax.f32 v6, $0.0e+00;
	v3 =	vadd.f32 v3, v0;
	v61 =	vmul.f32 v12, v59  }
0x5b: {  	[tilespmem:s16+$0x29D0] =	vst v45;
	v2 =	vmul.f32 v2, v49;
	v1 =	vmax.f32 v1, $0.0e+00;
	v62 =	vadd.f32 v60, v0  }
0x5c: {  	p0 =	sne.s32 s15, $0x4C00;
	[tilespmem:s16+$0x29E0] =	vst v5;
	v1 =	vmul.f32 v1, v52;
	v3 =	vmax.f32 v3, $0.0e+00;
	v63 =	vadd.f32 v61, v0  }
.Ltmp0:
0x5d: {  	[tilespmem:s16+$0x29F0] =	vst v2;
	v2 =	vmul.f32 v3, v56;
	v3 =	vmax.f32 v62, $0.0e+00;
	(pc) =	sbr.rel @p0 .LBB2_2-.Ltmp0, $4  }
0x5e: {  	[tilespmem:s16+$0x2A00] =	vst v1;
	v1 =	vmul.f32 v3, v57;
	v3 =	vmax.f32 v63, $0.0e+00  }
0x5f: {  	[tilespmem:s16+$0x2A10] =	vst v2;
	v2 =	vmul.f32 v3, v59  }
0x60: {  	[tilespmem:s16+$0x2A20] =	vst v1  }
0x61: {  	s14 =	sadd.s32 $0x10, s14;
	s15 =	sadd.s32 $0x400, s15;
	[tilespmem:s16+$0x2A30] =	vst v2  }
0x62: {  	s13 =	sadd.s32 $0x1, s13  }
0x63: {  	p0 =	sne.s32 s13, s8  }
.Ltmp1:
0x64: {  	_ = 	snop;
	(pc) =	sbr.rel @p0 .LBB2_1-.Ltmp1, $4  }
0x65: {  	[hbm4b:s7+s3] =	stream.linear.scatter [tilespmem:s12], [sflag:$0x1], $0x1400, $0x38;
	[tilespmem:$0x3D50] =	vst v63  }
0x66: {  	_ =	swait.ge [sflag:s9], $0x1400  }
0x67: {  	[sflag:s9] =	ssyncset.done $0x0  }
0x68: {  	[sflag:s9] =	ssyncadd.s32 $0xFFFFEC00  }
0x69: {  	_ =	sfence.sel $0x180000  }
0x6a: {  	[bflag:$0x0] =	sbarrier.arrive $0xFFFF  }
0x6b: {  	p0 =	sne.s32 s0, $0x0;
	_ =	strace $0x9000004D  }
0x6c: {  	s0 =	sadd.s32 @!p0 $0x100000, s1;
	[bflag:$0x2] =	sbarrier.arrive $0xFFFF  }
0x6d: {  	[sflag:s0] =	ssyncadd.tile.s32 @!p0 $0x1;
	_ =	shalt  }
.Lfunc_end2:
_tile_overlayer_lowered:
.L_overlay_start_2:
0x6e: {  	(tag) =	ssettag $0x2  }
0x6f: {  	s0 =	rddreg [dreg:$0x0];
	s2 =	stileid.u32  }
0x70: {  	s1 =	rddreg [dreg:$0x1];
	p0 =	sne.s32 s2, $0x0  }
0x71: {  	s3 =	rddreg [dreg:$0x2];
	[bflag:$0x3] =	sbarrier.arrive $0xFFFF;
	s2 =	simm.s32 @!p0 $0x1C01  }
0x72: {  	[timem:s3], [sflag:s2] =	dma.local @!p0 [hbm:s0], s1  }
0x73: {  	s0 =	simm.s32 @!p0 $0x1  }
0x74: {  	_ =	swait.ge @!p0 [sflag:s0], s1  }
0x75: {  	s1 =	ssub.s32 @!p0 $0x0, s1;
	[sflag:s0] =	ssyncset.done @!p0 $0x0  }
0x76: {  	[sflag:s0] =	ssyncadd.s32 @!p0 s1  }
0x77: {  	[bflag:$0x3] =	sbarrier.arrive $0xFFFF  }
0x78: {  	_ =	shalt  }

// kernel: kernel.18.cloned.1.call-start
scs
__scs_entry_jumppad:
0x0: {  	(pc) =	sbr.rel $0x88, $3  }
0x1: {  	(tag) =	ssettag $0x0;
	lr =	simm.s32 $0x1  }
0x2: {  	[smem:$0x3F97] =	sst lr;
	_ =	strace $0xD0000000  }
0x3: {  	_ = 	snop  }
0x4: {  	_ = 	snop  }
0x5: {  	_ = 	snop  }
0x6: {  	_ = 	snop  }
0x7: {  	_ = 	snop  }
__scs_overlays_trampoline_lowered:
0x8: {  	[smem:$0x3FA6] =	sst s0  }
0x9: {  	[smem:$0x3FA7] =	sst s1  }
0xa: {  	[smem:$0x3FA8] =	sst s2  }
0xb: {  	[smem:$0x3FA9] =	sst s3  }
0xc: {  	[smem:$0x3FAA] =	sst s4  }
0xd: {  	[smem:$0x3FAB] =	sst s5  }
0xe: {  	[smem:$0x3FAC] =	sst s6  }
0xf: {  	[smem:$0x3FAD] =	sst s7  }
0x10: {  	[smem:$0x3FAE] =	sst s8  }
0x11: {  	[smem:$0x3FAF] =	sst s9;
	s0 =	simm.s32 @!p0 $0x0  }
0x12: {  	s1 =	sld [smem:$0x3F95];
	s0 =	simm.s32 @p0 $0x1  }
0x13: {  	[smem:$0x3FB0] =	sst s0;
	s0 =	simm.s32 @!p1 $0x0  }
0x14: {  	s2 =	sld [smem:$0x3F94];
	s0 =	simm.s32 @p1 $0x1  }
0x15: {  	[smem:$0x3FB1] =	sst s0;
	s0 =	simm.s32 @!p2 $0x0  }
0x16: {  	s3 =	sld [smem:$0x3FDB];
	s0 =	simm.s32 @p2 $0x1  }
0x17: {  	s4 =	simm.s32 $0x1BF5;
	[smem:$0x3FB3] =	sst s0  }
0x18: {  	s0 =	sld [smem:$0x3F96];
	_ =	swait.ge [sflag:s4], $0x0  }
0x19: {  	s7 =	sld [smem:$0x3F97]  }
0x1a: {  	s8 =	sadd.s32 $0xFFFFE003, lr  }
0x1b: {  	s9 =	sadd.s32 $0xFFFFFEF7, lr;
	s5 =	simm.s32 $0xFFFFFFFF;
	p2 =	slt.u32 s8, $0xFFFFF086  }
0x1c: {  	p1 =	slt.u32 s9, $0xF7A;
	s5 =	simm.s32 @!p2 $0x0  }
0x1d: {  	s5 =	simm.s32 @p1 $0x1;
	p0 =	seq.s32 s7, s2  }
0x1e: {  	s7 =	smul.u32 @!p0 $0xF7A, s2;
	p2 =	seq.s32 @!p0 s5, $0x0  }
0x1f: {  	s9 =	smul.u32 $0xF7A, s1;
	s8 =	simm.s32 @!p0 $0x1BF5;
	p2 =	por !p2, p0  }
0x20: {  	[sflag:s8] =	ssyncset.s32 @!p0 $0xFFFFF086;
	s6 =	sadd.s32 @!p0 s3, s7;
	s7 =	simm.s32 @!p0 $0x108  }
0x21: {  	s3 =	sadd.s32 s3, s9;
	s6 =	sadd.s32 @!p0 $0x88, s6;
	s7 =	simm.s32 @p2 $0x1082  }
0x22: {  	[simem:s7], [sflag:s8] =	dma.local @!p0 [hbm:s6], $0xF7A  }
0x23: {  	s9 =	sor.u32 $0xD0000000, s2;
	s6 =	simm.s32 $0x108;
	_ =	swait.ge @!p0 [sflag:s8], $0x0  }
0x24: {  	s3 =	sadd.s32 $0x88, s3;
	s6 =	simm.s32 @!p1 $0x1082;
	[sflag:s4] =	ssyncset.s32 $0xFFFFF086  }
0x25: {  	[simem:s6], [sflag:s4] =	dma.local [hbm:s3], $0xF7A  }
0x26: {  	[smem:$0x3F97] =	sst s1;
	(tag) =	ssettag s2;
	_ =	strace s9  }
0x27: {  	s1 =	sld [smem:$0x3FA7]  }
0x28: {  	s2 =	sld [smem:$0x3FA8]  }
0x29: {  	s4 =	sld [smem:$0x3FAA]  }
0x2a: {  	p0 =	seq.s32 s5, $0x0;
	s5 =	sld [smem:$0x3FAB]  }
0x2b: {  	s6 =	sld [smem:$0x3FAC]  }
0x2c: {  	s7 =	sld [smem:$0x3FAD]  }
0x2d: {  	s3 =	simm.s32 $0x108;
	s8 =	sld [smem:$0x3FAE]  }
0x2e: {  	s3 =	simm.s32 @!p0 $0x1082;
	s9 =	sld [smem:$0x3FAF]  }
0x2f: {  	lr =	sadd.s32 s0, s3;
	s0 =	sld [smem:$0x3FA6]  }
0x30: {  	s3 =	sld [smem:$0x3FA9]  }
0x31: {  	[smem:$0x3FB2] =	sst s10  }
0x32: {  	s10 =	sld [smem:$0x3FB0];
	_ =	sdelay $0x3  }
0x33: {  	p0 =	seq.s32 s10, $0x1;
	s10 =	sld [smem:$0x3FB2];
	_ =	sdelay $0x3  }
0x34: {  	[smem:$0x3FB2] =	sst s10  }
0x35: {  	s10 =	sld [smem:$0x3FB1];
	_ =	sdelay $0x3  }
0x36: {  	p1 =	seq.s32 s10, $0x1;
	s10 =	sld [smem:$0x3FB2];
	_ =	sdelay $0x3  }
0x37: {  	[smem:$0x3FB2] =	sst s10  }
0x38: {  	s10 =	sld [smem:$0x3FB3]  }
0x39: {  	_ = 	snop;
	(pc) =	sbr.ind lr, $3  }
0x3a: {  	_ = 	snop  }
0x3b: {  	_ = 	snop  }
0x3c: {  	p2 =	seq.s32 s10, $0x1;
	s10 =	sld [smem:$0x3FB2]  }
0x3d: {  	_ =	shalt  }
0x3e: {  	_ =	shalt  }
0x3f: {  	_ =	shalt  }
0x40: {  	_ =	shalt  }
0x41: {  	_ =	shalt  }
0x42: {  	_ =	shalt  }
0x43: {  	_ =	shalt  }
0x44: {  	_ =	shalt  }
0x45: {  	_ =	shalt  }
0x46: {  	_ =	shalt  }
0x47: {  	_ =	shalt  }
0x48: {  	_ =	shalt  }
0x49: {  	_ =	shalt  }
0x4a: {  	_ =	shalt  }
0x4b: {  	_ =	shalt  }
0x4c: {  	_ =	shalt  }
0x4d: {  	_ =	shalt  }
0x4e: {  	_ =	shalt  }
0x4f: {  	_ =	shalt  }
0x50: {  	_ =	shalt  }
0x51: {  	_ =	shalt  }
0x52: {  	_ =	shalt  }
0x53: {  	_ =	shalt  }
0x54: {  	_ =	shalt  }
0x55: {  	_ =	shalt  }
0x56: {  	_ =	shalt  }
0x57: {  	_ =	shalt  }
0x58: {  	_ =	shalt  }
0x59: {  	_ =	shalt  }
0x5a: {  	_ =	shalt  }
0x5b: {  	_ =	shalt  }
0x5c: {  	_ =	shalt  }
0x5d: {  	_ =	shalt  }
0x5e: {  	_ =	shalt  }
0x5f: {  	_ =	shalt  }
0x60: {  	_ =	shalt  }
0x61: {  	_ =	shalt  }
0x62: {  	_ =	shalt  }
0x63: {  	_ =	shalt  }
0x64: {  	_ =	shalt  }
0x65: {  	_ =	shalt  }
0x66: {  	_ =	shalt  }
0x67: {  	_ =	shalt  }
0x68: {  	_ =	shalt  }
0x69: {  	_ =	shalt  }
0x6a: {  	_ =	shalt  }
0x6b: {  	_ =	shalt  }
0x6c: {  	_ =	shalt  }
0x6d: {  	_ =	shalt  }
0x6e: {  	_ =	shalt  }
0x6f: {  	_ =	shalt  }
0x70: {  	_ =	shalt  }
0x71: {  	_ =	shalt  }
0x72: {  	_ =	shalt  }
0x73: {  	_ =	shalt  }
0x74: {  	_ =	shalt  }
0x75: {  	_ =	shalt  }
0x76: {  	_ =	shalt  }
0x77: {  	_ =	shalt  }
0x78: {  	_ =	shalt  }
0x79: {  	_ =	shalt  }
0x7a: {  	_ =	shalt  }
0x7b: {  	_ =	shalt  }
0x7c: {  	_ =	shalt  }
0x7d: {  	_ =	shalt  }
0x7e: {  	_ =	shalt  }
0x7f: {  	_ =	shalt  }
0x80: {  	_ =	shalt  }
0x81: {  	_ =	shalt  }
0x82: {  	_ =	shalt  }
0x83: {  	_ =	shalt  }
0x84: {  	_ =	shalt  }
0x85: {  	_ =	shalt  }
0x86: {  	_ =	shalt  }
0x87: {  	_ =	shalt  }
.Lfunc_end0:
.L_simem_size_0:
called_computation.3_lowered:
.L_overlay_start_0:
0x88: {  	s2 =	sld [smem:$0x3FD9]  }
0x89: {  	s3 =	sld [smem:$0x3FFE];
	_ =	sdelay $0x1  }
0x8a: {  	s1 =	srdreg.scid  }
0x8b: {  	s0 =	sand.u32 $0x1, s1  }
0x8c: {  	s16 =	sshll.u32 s0, $0xA;
	s2 =	sadd.s32 s3, s2  }
0x8d: {  	s2 =	sadd.s32 s2, s16  }
0x8e: {  	[smem:$0x3FBE] =	sst s2  }
0x8f: {  	_ = 	snop  }
0x90: {  	(tm) =	ssettm $0x1  }
0x91: {  	s17 =	sld [smem:$0x3FFB];
	_ =	sdelay $0x3  }
0x92: {  	_ =	strace s17  }
0x93: {  	s2 =	sld [smem:$0x3FFC];
	_ =	sdelay $0x3  }
0x94: {  	_ =	strace s2  }
0x95: {  	s2 =	sld [smem:$0x3FFD];
	_ =	sdelay $0x3  }
0x96: {  	_ =	strace s2  }
0x97: {  	_ =	strace $0x8FFFFFFF  }
0x98: {  	s18 =	sld [smem:$0x3FDB];
	_ =	sdelay $0x1  }
0x99: {  	s19 =	simm.s32 $_scs_section_size  }
0x9a: {  	s4 =	simm.s32 $_size__tile_overlayer_lowered;
	s5 =	simm.s32 $_tile_overlayer_lowered  }
0x9b: {  	s22 =	simm.s32 $0x1BFF;
	s21 =	sshll.u32 s5, $0x1;
	s2 =	sadd.s32 s19, s18  }
0x9c: {  	s6 =	simm.s32 $0x0;
	s20 =	sshll.u32 s4, $0x1;
	s4 =	sadd.s32 s21, s2  }
0x9d: {  	[timem:s6], [sflag:s22] =	dma.local [hbm:s4], s20  }
0x9e: {  	_ =	swait.ge [sflag:s22], s20  }
0x9f: {  	s3 =	ssub.s32 $0x0, s20;
	[sflag:s22] =	ssyncset.done $0x0  }
0xa0: {  	[sflag:s22] =	ssyncadd.s32 s3;
	_ =	sdelay $0x1  }
0xa1: {  	s23 =	simm.s32 $0x1B8B  }
0xa2: {  	_ =	swait.ge [sflag:s23], $0x1  }
0xa3: {  	[sflag:s23] =	ssyncset.done $0x0  }
0xa4: {  	s25 =	simm.s32 $0x1B8E;
	s24 =	sld [smem:$0x3FFE];
	[sflag:s23] =	ssyncadd.s32 $0xFFFFFFFF  }
0xa5: {  	s26 =	simm.s32 $execute0_lowered;
	[smem:$0x3FD2] =	sst s25  }
0xa6: {  	s4 =	sshll.u32 s26, $0x1;
	_ =	strace $0x8000004F;
	[dreg:$0x1] =	wrdreg $0xFFFFFFFF  }
0xa7: {  	s28 =	simm.s32 $_size_execute0_lowered;
	s2 =	sadd.s32 s2, s4;
	[dreg:$0x0] =	wrdreg $0x0  }
0xa8: {  	s4 =	sshll.u32 s28, $0x1;
	[dreg:$0x2] =	wrdreg s2  }
0xa9: {  	[dreg:$0x3] =	wrdreg s4  }
0xaa: {  	[dreg:$0x4] =	wrdreg $0xC0  }
0xab: {  	_ =	task [dreg:s6], $0x5FFFF  }
0xac: {  	[dreg:$0x1] =	wrdreg $0xFFFFFFFF  }
0xad: {  	[dreg:$0x0] =	wrdreg $0x60  }
0xae: {  	[dreg:$0x2] =	wrdreg s24  }
0xaf: {  	[dreg:$0x3] =	wrdreg $0xE7000  }
0xb0: {  	[dreg:$0x4] =	wrdreg $0x9  }
0xb1: {  	_ =	task.clear_ibuf [dreg:s6], $0x5FFFF;
	_ =	strace $0x9000004F  }
0xb2: {  	s29 =	simm.s32 $0x9;
	_ =	strace $0x80000051  }
0xb3: {  	_ =	swait.ge [sflag:s29], $0x1  }
0xb4: {  	[sflag:s29] =	ssyncadd.s32 $0xFFFFFFFF  }
0xb5: {  	_ =	strace $0x90000051  }
0xb6: {  	_ =	sfence  }
0xb7: {  	s30 =	sld [smem:$0x0];
	_ =	sdelay $0x2  }
0xb8: {  	s31 =	sshll.u32 s1, $0xD;
	s1 =	sshrl.u32 s1, $0x2  }
0xb9: {  	s3 =	sand.u32 $0x4000, s31;
	s1 =	sadd.s32 s1, s30  }
0xba: {  	s0 =	sor.u32 s3, s0;
	s1 =	sshll.u32 s1, $0x11  }
0xbb: {  	s0 =	sor.u32 s1, s0  }
0xbc: {  	s0 =	sadd.s32 $0x8F2B, s0  }
0xbd: {  	[sflag:s0] =	ssyncadd.remote.s32 $0x1  }
0xbe: {  	_ =	sfence.sel $0xFFFF  }
0xbf: {  	[dreg:$0x0] =	wrdreg $0xFFFFFFFF;
	(pc) =	sbr.abs _section_cstart, $3  }
0xc0: {  	[dreg:$0x1] =	wrdreg $0xFFFFFFFF  }
0xc1: {  	_ =	task.clear_ibuf [dreg:s6], $0x2FFFF;
	_ =	strace $0x9FFFFFFF  }
0xc2: {  	(tm) =	ssettm $0x7FFFFFFF  }
0xc3: {  	_ =	shalt  }
tec
execute0_lowered:
.L_overlay_start_1:
0x0: {  	(tag) =	ssettag $0x1  }
0x1: {  	s0 =	rddreg [dreg:$0x0]  }
0x2: {  	s2 =	rddreg [dreg:$0x1]  }
0x3: {  	s1 =	srdreg.scid;
	s12 =	stileid.u32  }
0x4: {  	s3 =	simm.s32 $0x0;
	s11 =	simm.s32 $0x48;
	s17 =	simm.s32 $0x1D  }
0x5: {  	s19 =	simm.s32 $0x80;
	s1 =	sand.u32 $0x1, s1;
	s5 =	smul.u32 $0x2800, s12  }
0x6: {  	[smem:$0x7FF] =	sst s3;
	s4 =	sadd.s32 $0x16200, s0;
	s24 =	smul.u32 $0xA000, s12  }
0x7: {  	s8 =	sadd.s32 $0x2800, s0;
	s28 =	sshll.u32 s12, $0x4;
	s6 =	smul.u32 $0x28000, s1  }
0x8: {  	_ =	strace $0x80000050;
	s7 =	ssub.s32 $0x2, s1;
	s9 =	sshll.u32 s1, $0x4  }
0x9: {  	p0 =	seq.s32 s1, $0x1;
	s10 =	sshrl.u32 s7, $0x1;
	s9 =	sor.u32 s12, s9  }
0xa: {  	s23 =	sshrl.u32 s5, $0x3;
	s13 =	sadd.s32 s5, s2;
	s26 =	sshrl.u32 s24, $0x2  }
0xb: {  	s6 =	sadd.s32 s5, s6;
	s21 =	ssub.s32 s7, s10;
	s22 =	smul.u32 $0x2700, s9  }
0xc: {  	s1 =	sadd.s32 s4, s23;
	s5 =	sadd.s32 s26, s2;
	p1 =	slt.u32 s9, $0x4  }
0xd: {  	s15 =	smov.u32 s13;
	s16 =	sshrl.u32 @!p0 s13, $0x3;
	[dreg:$0x3] =	wrdreg s1  }
0xe: {  	[dreg:$0x5] =	wrdreg s5;
	s1 =	sadd.s32 s28, s8;
	s31 =	smax.u32 s21, $0x1  }
0xf: {  	s6 =	sshrl.u32 s6, $0x3;
	s30 =	sadd.s32 $0x9C00, s1;
	[dreg:$0xa] =	wrdreg s31  }
0x10: {  	s25 =	sshrl.u32 s22, $0x3;
	s1 =	sadd.s32 $0x13840, s1;
	[dreg:$0x7] =	wrdreg s30  }
0x11: {  	s0 =	sadd.s32 s6, s0;
	s7 =	sadd.s32 s8, s25;
	[dreg:$0x8] =	wrdreg s1  }
0x12: {  	s11 =	simm.s32 @!p1 $0x47;
	s0 =	sadd.s32 $0x1B200, s0;
	[dreg:$0x4] =	wrdreg s7  }
0x13: {  	s1 =	sshll.u32 @!p0 s12, $0x6;
	s29 =	sadd.s32 $0x9C40, s7;
	[dreg:$0x9] =	wrdreg s0  }
0x14: {  	p1 =	sgt.u32 s9, $0x3;
	s0 =	sor.u32 @!p0 $0x1C1D, s1;
	[dreg:$0x6] =	wrdreg s29  }
0x15: {  	v0 =	vimm.f32 $0.0e+00;
	s1 =	simm.s32 $0x0;
	[dreg:$0xb] =	wrdreg s0;
	s0 =	simm.s32 $0xBF00  }
.LBB2_1:
0x16: {  	s5 =	simm.s32 $0x40;
	s6 =	simm.s32 $0x0  }
.LBB2_2:
0x17: {  	p2 =	sne.s32 s5, $0x9FC0;
	[tilespmem:s6+$0xBF00] =	vst v0;
	s6 =	smov.u32 s5;
	s5 =	sadd.s32 $0x40, s5  }
.Ltmp0:
0x18: {  	(pc) =	sbr.rel @p2 .LBB2_2-.Ltmp0, $2  }
0x19: {  	_ =	sdelay $0x2  }
0x1a: {  	s6 =	sshra.s32 s6, $0x2  }
0x1b: {  	[tilespmem:s6+$0xBF00] =	vst v0;
	s5 =	simm.s32 @p0 $0xBF00;
	s6 =	rddreg [dreg:$0x5]  }
0x1c: {  	[spmem:s6] =	stream.linear.scatter @p0 [tilespmem:s5], [sflag:$0x1D], $0x2800, $0x38;
	[tilespmem:$0x10F00] =	vst v63  }
0x1d: {  	s5 =	simm.s32 @p0 $0x1D  }
0x1e: {  	_ =	swait.ge @p0 [sflag:s5], $0x2800  }
0x1f: {  	[sflag:s5] =	ssyncset.done @p0 $0x0;
	s6 =	rddreg [dreg:$0xb]  }
0x20: {  	[sflag:s5] =	ssyncadd.s32 @p0 $0xFFFFD800;
	s5 =	rddreg [dreg:$0x3]  }
0x21: {  	[spmem:s16], [sflag:s6] =	dma.local @!p0 [hbm:s5], $0x500  }
0x22: {  	s5 =	simm.s32 @!p0 $0x1D  }
0x23: {  	_ =	swait.ge @!p0 [sflag:s5], $0x500  }
0x24: {  	[sflag:s5] =	ssyncset.done @!p0 $0x0  }
0x25: {  	s10 =	rddreg [dreg:$0x4];
	[sflag:s5] =	ssyncadd.s32 @!p0 $0xFFFFFB00  }
0x26: {  	[tilespmem:s3], [sflag:$0x1D] =	stream.linear.gather [hbm4b:s10+s3], $0x2700, $0x38;
	[tilespmem:$0x10F00] =	vst v63  }
0x27: {  	_ =	swait.ge [sflag:s17], $0x2700  }
0x28: {  	[sflag:s17] =	ssyncset.done $0x0  }
0x29: {  	s13 =	simm.s32 $0x2780;
	s12 =	rddreg [dreg:$0x6];
	[sflag:s17] =	ssyncadd.s32 $0xFFFFD900  }
0x2a: {  	[tilespmem:s13], [sflag:$0x1D] =	stream.linear.gather [hbm4b:s12+s3], $0x2700, $0x38;
	[tilespmem:$0x10F00] =	vst v63  }
0x2b: {  	_ =	swait.ge [sflag:s17], $0x2700  }
0x2c: {  	s6 =	simm.s32 @!p1 $0x2700;
	[sflag:s17] =	ssyncset.done $0x0  }
0x2d: {  	s5 =	simm.s32 @!p1 $0x0;
	s7 =	rddreg [dreg:$0x7];
	[sflag:s17] =	ssyncadd.s32 $0xFFFFD900  }
0x2e: {  	[tilespmem:s6], [sflag:$0x1D] =	stream.linear.gather @!p1 [hbm4b:s7+s5], $0x80, $0x38;
	[tilespmem:$0x10F00] =	vst v63  }
0x2f: {  	s6 =	simm.s32 @!p1 $0x1D  }
0x30: {  	s8 =	simm.s32 @!p1 $0x4E80;
	_ =	swait.ge @!p1 [sflag:s6], $0x80  }
0x31: {  	s14 =	simm.s32 $0x0;
	s18 =	simm.s32 $0x4F00;
	[sflag:s6] =	ssyncset.done @!p1 $0x0  }
0x32: {  	s20 =	simm.s32 $0x5700;
	s7 =	rddreg [dreg:$0x8];
	[sflag:s6] =	ssyncadd.s32 @!p1 $0xFFFFFF80  }
0x33: {  	[tilespmem:s8], [sflag:$0x1D] =	stream.linear.gather @!p1 [hbm4b:s7+s5], $0x80, $0x38;
	[tilespmem:$0x10F00] =	vst v63  }
0x34: {  	s21 =	simm.s32 $0x100;
	s22 =	simm.s32 $0x5F00;
	_ =	swait.ge @!p1 [sflag:s6], $0x80  }
0x35: {  	s23 =	simm.s32 $0x180;
	s24 =	simm.s32 $0x6700;
	[sflag:s6] =	ssyncset.done @!p1 $0x0  }
0x36: {  	s25 =	simm.s32 $0x200;
	s26 =	simm.s32 $0x6F00;
	[sflag:s6] =	ssyncadd.s32 @!p1 $0xFFFFFF80  }
0x37: {  	s9 =	simm.s32 $0x300;
	s30 =	simm.s32 $0x3;
	[bflag:$0x0] =	sbarrier.arrive $0xFFFF  }
0x38: {  	[tilespmem:s18], [sflag:$0x1] =	stream.indirect.gather [hbm4b:s4+s19], $0x10, s14, s19, $0xb8;
	[tilespmem:$0x10F00] =	vst v63  }
0x39: {  	s28 =	simm.s32 $0xFFFFFFFA;
	s31 =	smulhi.u32 $0x92492493, s30;
	s8 =	simm.s32 $0x0  }
0x3a: {  	[tilespmem:s20], [sflag:$0x2] =	stream.indirect.gather [hbm4b:s4+s19], $0x10, s19, s19, $0xb8;
	[tilespmem:$0x10F00] =	vst v63  }
0x3b: {  	p3 =	por $0x1, $0x1;
	s30 =	simm.s32 $0x1;
	s5 =	smulhi.u32 $0x92492493, s8  }
0x3c: {  	[tilespmem:s22], [sflag:$0x3] =	stream.indirect.gather [hbm4b:s4+s19], $0x10, s21, s19, $0xb8;
	[tilespmem:$0x10F00] =	vst v63  }
0x3d: {  	s10 =	simm.s32 $0x7F00;
	s13 =	simm.s32 $0x2780;
	s5 =	sshrl.u32 s5, $0x2  }
0x3e: {  	[tilespmem:s24], [sflag:$0x4] =	stream.indirect.gather [hbm4b:s4+s19], $0x10, s23, s19, $0xb8;
	[tilespmem:$0x10F00] =	vst v63  }
0x3f: {  	s7 =	simm.s32 $0x7700;
	s6 =	simm.s32 $0x280;
	s12 =	smul.u32 $0xFFFFFFC8, s5  }
0x40: {  	[tilespmem:s26], [sflag:$0x5] =	stream.indirect.gather [hbm4b:s4+s19], $0x10, s25, s19, $0xb8;
	[tilespmem:$0x10F00] =	vst v63  }
0x41: {  	s5 =	smul.u32 $0xFFFE4000, s5;
	s18 =	simm.s32 $0x380;
	s14 =	sshrl.u32 s31, $0x2  }
0x42: {  	[tilespmem:s7], [sflag:$0x6] =	stream.indirect.gather [hbm4b:s4+s19], $0x10, s6, s19, $0xb8;
	[tilespmem:$0x10F00] =	vst v63  }
0x43: {  	s5 =	sshra.s32 s5, $0x2;
	s31 =	smul.u32 $0xFFFE4000, s14;
	s6 =	sshra.s32 s12, $0x2  }
0x44: {  	[tilespmem:s10], [sflag:$0x7] =	stream.indirect.gather [hbm4b:s4+s19], $0x10, s9, s19, $0xb8;
	[tilespmem:$0x10F00] =	vst v63  }
0x45: {  	s20 =	simm.s32 $0x8700;
	s6 =	sadd.s32 $0x0, s6;
	s9 =	simm.s32 $0x7FFFFFFC  }
0x46: {  	s21 =	simm.s32 @!p1 $0x4F;
	s29 =	sadd.s32 $0x1, s6;
	s9 =	smulhi.u32 $0x92492493, s9  }
0x47: {  	s5 =	sadd.s32 $0x4F00, s5;
	s21 =	simm.s32 @p1 $0x4E;
	_ =	swait.ge [sflag:s29], $0x800  }
0x48: {  	p4 =	sne.s32 s21, $0x1;
	[sflag:s29] =	ssyncset.done $0x0;
	s9 =	sshrl.u32 s9, $0x2  }
0x49: {  	s6 =	sadd.s32 $0xF, s6;
	[sflag:s29] =	ssyncadd.s32 $0xFFFFF800;
	s9 =	smul.u32 $0xFFFFFFC8, s9  }
0x4a: {  	[spmem:s2] =	stream.indirect.scatter.add.f32 [tilespmem:s5], [sflag:s6], $0x10, s13, s19, $0xb8;
	[tilespmem:$0x10F00] =	vst v63  }
.Ltmp1:
0x4b: {  	s22 =	simm.s32 $0x2800;
	s9 =	sshra.s32 s9, $0x2;
	(pc) =	sbr.rel @!p4 .LBB2_5-.Ltmp1, $4  }
0x4c: {  	s23 =	simm.s32 $0x5700;
	s24 =	simm.s32 $0x8;
	s5 =	sadd.s32 $0x8, s9  }
0x4d: {  	p2 =	sle.u32 s21, $0x7;
	s25 =	simm.s32 $0x8F00;
	s8 =	sadd.s32 @!p3 $0x0, s5  }
0x4e: {  	s26 =	simm.s32 $0x400;
	s29 =	simm.s32 $0x4;
	_ =	swait.ge @!p3 [sflag:s8], $0x800  }
0x4f: {  	s9 =	simm.s32 @!p2 $0x0;
	s5 =	smul.u32 $0xFFFFFFC8, s14;
	[sflag:s8] =	ssyncset.done @!p3 $0x0  }
.LBB2_4:
0x50: {  	s6 =	sshra.s32 s31, $0x2;
	[sflag:s8] =	ssyncadd.s32 @!p3 $0xFFFFF800;
	s10 =	simm.s32 @!p2 $0x80  }
0x51: {  	s31 =	smov.u32 s22;
	s8 =	smov.u32 s23;
	s12 =	smov.u32 s24  }
0x52: {  	s5 =	sshra.s32 s5, $0x2;
	s7 =	sadd.s32 s6, s20;
	s20 =	smov.u32 s25  }
0x53: {  	s13 =	smov.u32 s28;
	s6 =	smov.u32 s29;
	s5 =	sadd.s32 $0x8, s5  }
0x54: {  	s22 =	sadd.s32 $0x80, s22;
	s5 =	sadd.s32 @!p2 s9, s5;
	s9 =	smov.u32 s30  }
0x55: {  	[tilespmem:s7], [sflag:s5] =	stream.indirect.gather @!p2 [hbm4b:s4+s10], $0x10, s18, s10, $0xb8;
	[tilespmem:$0x10F00] =	vst v63  }
0x56: {  	s23 =	sadd.s32 $0x800, s23;
	s5 =	sshrl.u32 s30, $0x1;
	s18 =	smov.u32 s26  }
0x57: {  	s24 =	sadd.s32 $0x1, s24;
	s28 =	sadd.s32 $0x1, s28;
	s5 =	smulhi.u32 $0x92492493, s5  }
0x58: {  	s25 =	sadd.s32 $0x800, s25;
	s26 =	sadd.s32 $0x80, s26;
	s7 =	sshrl.u32 s13, $0x1  }
0x59: {  	s29 =	sadd.s32 $0x4, s29;
	s7 =	smulhi.u32 $0x92492493, s7;
	s5 =	sshrl.u32 s5, $0x2  }
0x5a: {  	s14 =	sadd.s32 $0x7, s30;
	s10 =	sshrl.u32 s12, $0x1;
	s12 =	smul.u32 $0xFFFFFFC8, s5  }
0x5b: {  	s13 =	sshra.s32 s6, $0x2;
	s30 =	sadd.s32 $0xFFFFFFFA, s14  }
0x5c: {  	s7 =	sshrl.u32 s7, $0x2;
	s5 =	smul.u32 $0xFFFE4000, s5;
	s12 =	sshra.s32 s12, $0x2  }
0x5d: {  	p4 =	sne.s32 s30, s21;
	s7 =	smul.u32 $0xFFFFFFC8, s7;
	s12 =	sadd.s32 s13, s12  }
0x5e: {  	p3 =	slt.u32 s9, $0x7;
	s5 =	sshra.s32 s5, $0x2;
	s13 =	sadd.s32 $0x1, s12  }
0x5f: {  	s10 =	smulhi.u32 $0x92492493, s10;
	s7 =	sshra.s32 s7, $0x2;
	_ =	swait.ge [sflag:s13], $0x800  }
0x60: {  	s9 =	sshra.s32 @!p3 s6, $0x2;
	s7 =	sadd.s32 $0x8, s7;
	[sflag:s13] =	ssyncset.done $0x0  }
.Ltmp2:
0x61: {  	s12 =	sadd.s32 $0xF, s12;
	[sflag:s13] =	ssyncadd.s32 $0xFFFFF800;
	(pc) =	sbr.rel @p4 .LBB2_4-.Ltmp2, $4  }
0x62: {  	s10 =	sshrl.u32 s10, $0x2;
	s5 =	sadd.s32 s5, s8;
	s8 =	sadd.s32 @!p3 s9, s7  }
0x63: {  	[spmem:s2] =	stream.indirect.scatter.add.f32 [tilespmem:s5], [sflag:s12], $0x10, s31, s19, $0xb8;
	[tilespmem:$0x10F00] =	vst v63  }
0x64: {  	p2 =	sge.u32 s14, s21;
	s31 =	smul.u32 $0xFFFE4000, s10;
	_ =	swait.ge @!p3 [sflag:s8], $0x800  }
0x65: {  	s9 =	sshra.s32 @!p2 s6, $0x2;
	s5 =	smul.u32 $0xFFFFFFC8, s10;
	[sflag:s8] =	ssyncset.done @!p3 $0x0  }
.LBB2_5:
0x66: {  	s6 =	sshra.s32 s31, $0x2;
	s7 =	sadd.s32 $0x0, s11  }
0x67: {  	[sflag:s8] =	ssyncadd.s32 @!p3 $0xFFFFF800;
	s5 =	sshra.s32 s5, $0x2;
	s28 =	sand.u32 $0xFE, s7  }
0x68: {  	s6 =	sadd.s32 s6, s20;
	s5 =	sadd.s32 $0x8, s5;
	s8 =	sshrl.u32 s28, $0x1  }
0x69: {  	s5 =	sadd.s32 @!p2 s9, s5;
	s9 =	simm.s32 @!p2 $0x80;
	s8 =	smul.u32 $0x93, s8  }
0x6a: {  	[tilespmem:s6], [sflag:s5] =	stream.indirect.gather @!p2 [hbm4b:s4+s9], $0x10, s18, s9, $0xb8;
	[tilespmem:$0x10F00] =	vst v63  }
0x6b: {  	s29 =	sshrl.u32 s8, $0xA  }
0x6c: {  	s6 =	sadd.s32 $0x1, s11;
	s5 =	smul.u32 $0xE, s29  }
0x6d: {  	s30 =	sand.u32 $0xFE, s6  }
0x6e: {  	s31 =	sshrl.u32 s30, $0x1;
	s5 =	ssub.s32 s7, s5  }
0x6f: {  	s9 =	smul.u32 $0x93, s31;
	s5 =	sand.u32 $0xFF, s5  }
0x70: {  	s8 =	simm.s32 $0x2;
	s5 =	sadd.s32 $0xF, s5  }
.LBB2_6:
0x71: {  	s7 =	sadd.s32 s8, s11;
	s9 =	sshrl.u32 s9, $0xA  }
0x72: {  	_ =	swait.ge [sflag:s5], $0x800;
	p2 =	sne.s32 s8, $0x6;
	s9 =	smul.u32 $0xE, s9  }
.Ltmp3:
0x73: {  	s10 =	sand.u32 $0xFE, s7;
	[sflag:s5] =	ssyncset.done $0x0;
	(pc) =	sbr.rel @p2 .LBB2_6-.Ltmp3, $4  }
0x74: {  	s8 =	sadd.s32 $0x1, s8;
	[sflag:s5] =	ssyncadd.s32 $0xFFFFF800  }
0x75: {  	s5 =	sshrl.u32 s10, $0x1;
	s10 =	ssub.s32 s6, s9;
	s6 =	smov.u32 s7  }
0x76: {  	s9 =	smul.u32 $0x93, s5;
	s5 =	sand.u32 $0xFF, s10  }
0x77: {  	s5 =	sadd.s32 $0xF, s5  }
0x78: {  	s7 =	sshrl.u32 s9, $0xA  }
0x79: {  	s7 =	smul.u32 $0xE, s7;
	_ =	sdelay $0x1  }
0x7a: {  	_ =	swait.ge [sflag:s5], $0x800;
	s6 =	ssub.s32 s6, s7  }
0x7b: {  	[sflag:s5] =	ssyncset.done $0x0;
	s6 =	sand.u32 $0xFF, s6  }
0x7c: {  	[sflag:s5] =	ssyncadd.s32 $0xFFFFF800;
	s29 =	sadd.s32 $0xF, s6  }
0x7d: {  	_ =	swait.ge [sflag:s29], $0x800  }
0x7e: {  	[sflag:s29] =	ssyncset.done $0x0  }
0x7f: {  	[sflag:s29] =	ssyncadd.s32 $0xFFFFF800  }
0x80: {  	[bflag:$0x0] =	sbarrier.arrive $0xFFFF  }
0x81: {  	[tilespmem:s0], [sflag:$0x1D] =	stream.linear.gather [spmem:s15], $0x2800, $0x38;
	[tilespmem:$0x10F00] =	vst v63  }
0x82: {  	_ =	swait.ge [sflag:s17], $0x2800  }
0x83: {  	[sflag:s17] =	ssyncset.done $0x0  }
0x84: {  	s30 =	rddreg [dreg:$0x9];
	[sflag:s17] =	ssyncadd.s32 $0xFFFFD800  }
0x85: {  	[hbm4b:s30+s3] =	stream.linear.scatter [tilespmem:s0], [sflag:$0x1D], $0x2800, $0x38;
	[tilespmem:$0x10F00] =	vst v63  }
0x86: {  	_ =	swait.ge [sflag:s17], $0x2800  }
0x87: {  	s1 =	sadd.s32 $0x1, s1;
	s31 =	rddreg [dreg:$0xa]  }
0x88: {  	p2 =	sne.s32 s1, s31  }
.Ltmp4:
0x89: {  	_ = 	snop;
	(pc) =	sbr.rel @p2 .LBB2_1-.Ltmp4, $3  }
0x8a: {  	_ =	sdelay $0x1  }
0x8b: {  	[sflag:s17] =	ssyncset.done $0x0  }
0x8c: {  	[sflag:s17] =	ssyncadd.s32 $0xFFFFD800  }
0x8d: {  	_ =	sfence.sel $0x180000  }
0x8e: {  	[bflag:$0x0] =	sbarrier.arrive $0xFFFF  }
0x8f: {  	_ =	strace $0x90000050  }
0x90: {  	s0 =	stileid.u32;
	[bflag:$0x2] =	sbarrier.arrive $0xFFFF  }
0x91: {  	p0 =	sne.s32 s0, $0x0;
	s0 =	rddreg [dreg:$0x2]  }
0x92: {  	s0 =	sadd.s32 @!p0 $0x100000, s0  }
0x93: {  	[sflag:s0] =	ssyncadd.tile.s32 @!p0 $0x1;
	_ =	shalt  }
.Lfunc_end2:
_tile_overlayer_lowered:
.L_overlay_start_2:
0x94: {  	(tag) =	ssettag $0x2  }
0x95: {  	s0 =	rddreg [dreg:$0x0];
	s2 =	stileid.u32  }
0x96: {  	s1 =	rddreg [dreg:$0x1];
	p0 =	sne.s32 s2, $0x0  }
0x97: {  	s3 =	rddreg [dreg:$0x2];
	[bflag:$0x3] =	sbarrier.arrive $0xFFFF;
	s2 =	simm.s32 @!p0 $0x1C1D  }
0x98: {  	[timem:s3], [sflag:s2] =	dma.local @!p0 [hbm:s0], s1  }
0x99: {  	s0 =	simm.s32 @!p0 $0x1D  }
0x9a: {  	_ =	swait.ge @!p0 [sflag:s0], s1  }
0x9b: {  	s1 =	ssub.s32 @!p0 $0x0, s1;
	[sflag:s0] =	ssyncset.done @!p0 $0x0  }
0x9c: {  	[sflag:s0] =	ssyncadd.s32 @!p0 s1  }
0x9d: {  	[bflag:$0x3] =	sbarrier.arrive $0xFFFF  }
0x9e: {  	_ =	shalt  }

// kernel: kernel.9.cloned.1.call-start
scs
__scs_entry_jumppad:
0x0: {  	(pc) =	sbr.rel $0x88, $3  }
0x1: {  	(tag) =	ssettag $0x0;
	lr =	simm.s32 $0x1  }
0x2: {  	[smem:$0x3F97] =	sst lr;
	_ =	strace $0xD0000000  }
0x3: {  	_ = 	snop  }
0x4: {  	_ = 	snop  }
0x5: {  	_ = 	snop  }
0x6: {  	_ = 	snop  }
0x7: {  	_ = 	snop  }
__scs_overlays_trampoline_lowered:
0x8: {  	[smem:$0x3FA6] =	sst s0  }
0x9: {  	[smem:$0x3FA7] =	sst s1  }
0xa: {  	[smem:$0x3FA8] =	sst s2  }
0xb: {  	[smem:$0x3FA9] =	sst s3  }
0xc: {  	[smem:$0x3FAA] =	sst s4  }
0xd: {  	[smem:$0x3FAB] =	sst s5  }
0xe: {  	[smem:$0x3FAC] =	sst s6  }
0xf: {  	[smem:$0x3FAD] =	sst s7  }
0x10: {  	[smem:$0x3FAE] =	sst s8  }
0x11: {  	[smem:$0x3FAF] =	sst s9;
	s0 =	simm.s32 @!p0 $0x0  }
0x12: {  	s1 =	sld [smem:$0x3F95];
	s0 =	simm.s32 @p0 $0x1  }
0x13: {  	[smem:$0x3FB0] =	sst s0;
	s0 =	simm.s32 @!p1 $0x0  }
0x14: {  	s2 =	sld [smem:$0x3F94];
	s0 =	simm.s32 @p1 $0x1  }
0x15: {  	[smem:$0x3FB1] =	sst s0;
	s0 =	simm.s32 @!p2 $0x0  }
0x16: {  	s3 =	sld [smem:$0x3FDB];
	s0 =	simm.s32 @p2 $0x1  }
0x17: {  	s4 =	simm.s32 $0x1BF5;
	[smem:$0x3FB3] =	sst s0  }
0x18: {  	s0 =	sld [smem:$0x3F96];
	_ =	swait.ge [sflag:s4], $0x0  }
0x19: {  	s7 =	sld [smem:$0x3F97]  }
0x1a: {  	s8 =	sadd.s32 $0xFFFFE003, lr  }
0x1b: {  	s9 =	sadd.s32 $0xFFFFFEF7, lr;
	s5 =	simm.s32 $0xFFFFFFFF;
	p2 =	slt.u32 s8, $0xFFFFF086  }
0x1c: {  	p1 =	slt.u32 s9, $0xF7A;
	s5 =	simm.s32 @!p2 $0x0  }
0x1d: {  	s5 =	simm.s32 @p1 $0x1;
	p0 =	seq.s32 s7, s2  }
0x1e: {  	s7 =	smul.u32 @!p0 $0xF7A, s2;
	p2 =	seq.s32 @!p0 s5, $0x0  }
0x1f: {  	s9 =	smul.u32 $0xF7A, s1;
	s8 =	simm.s32 @!p0 $0x1BF5;
	p2 =	por !p2, p0  }
0x20: {  	[sflag:s8] =	ssyncset.s32 @!p0 $0xFFFFF086;
	s6 =	sadd.s32 @!p0 s3, s7;
	s7 =	simm.s32 @!p0 $0x108  }
0x21: {  	s3 =	sadd.s32 s3, s9;
	s6 =	sadd.s32 @!p0 $0x88, s6;
	s7 =	simm.s32 @p2 $0x1082  }
0x22: {  	[simem:s7], [sflag:s8] =	dma.local @!p0 [hbm:s6], $0xF7A  }
0x23: {  	s9 =	sor.u32 $0xD0000000, s2;
	s6 =	simm.s32 $0x108;
	_ =	swait.ge @!p0 [sflag:s8], $0x0  }
0x24: {  	s3 =	sadd.s32 $0x88, s3;
	s6 =	simm.s32 @!p1 $0x1082;
	[sflag:s4] =	ssyncset.s32 $0xFFFFF086  }
0x25: {  	[simem:s6], [sflag:s4] =	dma.local [hbm:s3], $0xF7A  }
0x26: {  	[smem:$0x3F97] =	sst s1;
	(tag) =	ssettag s2;
	_ =	strace s9  }
0x27: {  	s1 =	sld [smem:$0x3FA7]  }
0x28: {  	s2 =	sld [smem:$0x3FA8]  }
0x29: {  	s4 =	sld [smem:$0x3FAA]  }
0x2a: {  	p0 =	seq.s32 s5, $0x0;
	s5 =	sld [smem:$0x3FAB]  }
0x2b: {  	s6 =	sld [smem:$0x3FAC]  }
0x2c: {  	s7 =	sld [smem:$0x3FAD]  }
0x2d: {  	s3 =	simm.s32 $0x108;
	s8 =	sld [smem:$0x3FAE]  }
0x2e: {  	s3 =	simm.s32 @!p0 $0x1082;
	s9 =	sld [smem:$0x3FAF]  }
0x2f: {  	lr =	sadd.s32 s0, s3;
	s0 =	sld [smem:$0x3FA6]  }
0x30: {  	s3 =	sld [smem:$0x3FA9]  }
0x31: {  	[smem:$0x3FB2] =	sst s10  }
0x32: {  	s10 =	sld [smem:$0x3FB0];
	_ =	sdelay $0x3  }
0x33: {  	p0 =	seq.s32 s10, $0x1;
	s10 =	sld [smem:$0x3FB2];
	_ =	sdelay $0x3  }
0x34: {  	[smem:$0x3FB2] =	sst s10  }
0x35: {  	s10 =	sld [smem:$0x3FB1];
	_ =	sdelay $0x3  }
0x36: {  	p1 =	seq.s32 s10, $0x1;
	s10 =	sld [smem:$0x3FB2];
	_ =	sdelay $0x3  }
0x37: {  	[smem:$0x3FB2] =	sst s10  }
0x38: {  	s10 =	sld [smem:$0x3FB3]  }
0x39: {  	_ = 	snop;
	(pc) =	sbr.ind lr, $3  }
0x3a: {  	_ = 	snop  }
0x3b: {  	_ = 	snop  }
0x3c: {  	p2 =	seq.s32 s10, $0x1;
	s10 =	sld [smem:$0x3FB2]  }
0x3d: {  	_ =	shalt  }
0x3e: {  	_ =	shalt  }
0x3f: {  	_ =	shalt  }
0x40: {  	_ =	shalt  }
0x41: {  	_ =	shalt  }
0x42: {  	_ =	shalt  }
0x43: {  	_ =	shalt  }
0x44: {  	_ =	shalt  }
0x45: {  	_ =	shalt  }
0x46: {  	_ =	shalt  }
0x47: {  	_ =	shalt  }
0x48: {  	_ =	shalt  }
0x49: {  	_ =	shalt  }
0x4a: {  	_ =	shalt  }
0x4b: {  	_ =	shalt  }
0x4c: {  	_ =	shalt  }
0x4d: {  	_ =	shalt  }
0x4e: {  	_ =	shalt  }
0x4f: {  	_ =	shalt  }
0x50: {  	_ =	shalt  }
0x51: {  	_ =	shalt  }
0x52: {  	_ =	shalt  }
0x53: {  	_ =	shalt  }
0x54: {  	_ =	shalt  }
0x55: {  	_ =	shalt  }
0x56: {  	_ =	shalt  }
0x57: {  	_ =	shalt  }
0x58: {  	_ =	shalt  }
0x59: {  	_ =	shalt  }
0x5a: {  	_ =	shalt  }
0x5b: {  	_ =	shalt  }
0x5c: {  	_ =	shalt  }
0x5d: {  	_ =	shalt  }
0x5e: {  	_ =	shalt  }
0x5f: {  	_ =	shalt  }
0x60: {  	_ =	shalt  }
0x61: {  	_ =	shalt  }
0x62: {  	_ =	shalt  }
0x63: {  	_ =	shalt  }
0x64: {  	_ =	shalt  }
0x65: {  	_ =	shalt  }
0x66: {  	_ =	shalt  }
0x67: {  	_ =	shalt  }
0x68: {  	_ =	shalt  }
0x69: {  	_ =	shalt  }
0x6a: {  	_ =	shalt  }
0x6b: {  	_ =	shalt  }
0x6c: {  	_ =	shalt  }
0x6d: {  	_ =	shalt  }
0x6e: {  	_ =	shalt  }
0x6f: {  	_ =	shalt  }
0x70: {  	_ =	shalt  }
0x71: {  	_ =	shalt  }
0x72: {  	_ =	shalt  }
0x73: {  	_ =	shalt  }
0x74: {  	_ =	shalt  }
0x75: {  	_ =	shalt  }
0x76: {  	_ =	shalt  }
0x77: {  	_ =	shalt  }
0x78: {  	_ =	shalt  }
0x79: {  	_ =	shalt  }
0x7a: {  	_ =	shalt  }
0x7b: {  	_ =	shalt  }
0x7c: {  	_ =	shalt  }
0x7d: {  	_ =	shalt  }
0x7e: {  	_ =	shalt  }
0x7f: {  	_ =	shalt  }
0x80: {  	_ =	shalt  }
0x81: {  	_ =	shalt  }
0x82: {  	_ =	shalt  }
0x83: {  	_ =	shalt  }
0x84: {  	_ =	shalt  }
0x85: {  	_ =	shalt  }
0x86: {  	_ =	shalt  }
0x87: {  	_ =	shalt  }
.Lfunc_end0:
.L_simem_size_0:
called_computation_lowered:
.L_overlay_start_0:
0x88: {  	s2 =	sld [smem:$0x3FD9]  }
0x89: {  	s3 =	sld [smem:$0x3FFE];
	_ =	sdelay $0x1  }
0x8a: {  	s1 =	srdreg.scid  }
0x8b: {  	s0 =	sand.u32 $0x1, s1  }
0x8c: {  	s17 =	sshll.u32 s0, $0xA;
	s2 =	sadd.s32 s3, s2  }
0x8d: {  	s2 =	sadd.s32 s2, s17  }
0x8e: {  	[smem:$0x3FBE] =	sst s2  }
0x8f: {  	_ = 	snop  }
0x90: {  	s2 =	sld [smem:$0x3FD0];
	(tm) =	ssettm $0x1  }
0x91: {  	s18 =	sld [smem:$0x3FFB];
	_ =	sdelay $0x3  }
0x92: {  	_ =	strace s18  }
0x93: {  	s3 =	sld [smem:$0x3FFC];
	_ =	sdelay $0x3  }
0x94: {  	_ =	strace s3  }
0x95: {  	s3 =	sld [smem:$0x3FFD];
	_ =	sdelay $0x3  }
0x96: {  	_ =	strace s3  }
0x97: {  	_ =	strace $0x8FFFFFFF  }
0x98: {  	s19 =	sld [smem:$0x3FDB];
	_ =	sdelay $0x1  }
0x99: {  	s4 =	simm.s32 $_scs_section_size  }
0x9a: {  	s5 =	simm.s32 $_size__tile_overlayer_lowered;
	s6 =	simm.s32 $_tile_overlayer_lowered  }
0x9b: {  	s22 =	simm.s32 $0x1BFF;
	s21 =	sshll.u32 s6, $0x1;
	s3 =	sadd.s32 s4, s19  }
0x9c: {  	s7 =	simm.s32 $0x0;
	s20 =	sshll.u32 s5, $0x1;
	s5 =	sadd.s32 s21, s3  }
0x9d: {  	[timem:s7], [sflag:s22] =	dma.local [hbm:s5], s20  }
0x9e: {  	_ =	swait.ge [sflag:s22], s20  }
0x9f: {  	s4 =	ssub.s32 $0x0, s20;
	[sflag:s22] =	ssyncset.done $0x0  }
0xa0: {  	[sflag:s22] =	ssyncadd.s32 s4;
	_ =	sdelay $0x1  }
0xa1: {  	s23 =	simm.s32 $0x1B8B  }
0xa2: {  	_ =	swait.ge [sflag:s23], $0x1  }
0xa3: {  	[sflag:s23] =	ssyncset.done $0x0  }
0xa4: {  	s25 =	simm.s32 $0x1B8E;
	s24 =	sld [smem:$0x3FFE];
	[sflag:s23] =	ssyncadd.s32 $0xFFFFFFFF  }
0xa5: {  	s26 =	simm.s32 $execute0_lowered;
	[smem:$0x3FD2] =	sst s25  }
0xa6: {  	s5 =	sshll.u32 s26, $0x1;
	_ =	strace $0x80000046;
	[dreg:$0x1] =	wrdreg $0xFFFFFFFF  }
0xa7: {  	s28 =	simm.s32 $_size_execute0_lowered;
	s3 =	sadd.s32 s3, s5;
	[dreg:$0x0] =	wrdreg $0x0  }
0xa8: {  	s5 =	sshll.u32 s28, $0x1;
	[dreg:$0x2] =	wrdreg s3  }
0xa9: {  	[dreg:$0x3] =	wrdreg s5  }
0xaa: {  	[dreg:$0x4] =	wrdreg $0xC0  }
0xab: {  	_ =	task [dreg:s7], $0x5FFFF  }
0xac: {  	[dreg:$0x1] =	wrdreg $0xFFFFFFFF  }
0xad: {  	[dreg:$0x0] =	wrdreg $0x60  }
0xae: {  	[dreg:$0x2] =	wrdreg s24  }
0xaf: {  	[dreg:$0x3] =	wrdreg s2  }
0xb0: {  	[dreg:$0x4] =	wrdreg $0x50400  }
0xb1: {  	[dreg:$0x5] =	wrdreg $0x9  }
0xb2: {  	_ =	task.clear_ibuf [dreg:s7], $0x6FFFF;
	_ =	strace $0x90000046  }
0xb3: {  	s29 =	simm.s32 $0x9;
	_ =	strace $0x80000048  }
0xb4: {  	_ =	swait.ge [sflag:s29], $0x1  }
0xb5: {  	[sflag:s29] =	ssyncadd.s32 $0xFFFFFFFF  }
0xb6: {  	_ =	strace $0x90000048  }
0xb7: {  	_ =	sfence  }
0xb8: {  	s30 =	sld [smem:$0x0];
	_ =	sdelay $0x2  }
0xb9: {  	s31 =	sshll.u32 s1, $0xD;
	s1 =	sshrl.u32 s1, $0x2  }
0xba: {  	s3 =	sand.u32 $0x4000, s31;
	s1 =	sadd.s32 s1, s30  }
0xbb: {  	s0 =	sor.u32 s3, s0;
	s1 =	sshll.u32 s1, $0x11  }
0xbc: {  	s0 =	sor.u32 s1, s0  }
0xbd: {  	s0 =	sadd.s32 $0x8F2B, s0  }
0xbe: {  	[sflag:s0] =	ssyncadd.remote.s32 $0x1  }
0xbf: {  	_ =	sfence.sel $0xFFFF  }
0xc0: {  	[dreg:$0x0] =	wrdreg $0xFFFFFFFF;
	(pc) =	sbr.abs _section_cstart, $3  }
0xc1: {  	[dreg:$0x1] =	wrdreg $0xFFFFFFFF  }
0xc2: {  	_ =	task.clear_ibuf [dreg:s7], $0x2FFFF;
	_ =	strace $0x9FFFFFFF  }
0xc3: {  	(tm) =	ssettm $0x7FFFFFFF  }
tec
execute0_lowered:
.L_overlay_start_1:
0x0: {  	(tag) =	ssettag $0x1  }
0x1: {  	s4 =	rddreg [dreg:$0x0]  }
0x2: {  	s10 =	rddreg [dreg:$0x1]  }
0x3: {  	s2 =	rddreg [dreg:$0x2]  }
0x4: {  	s0 =	rddreg [dreg:$0x3];
	s5 =	srdreg.scid  }
0x5: {  	s3 =	simm.s32 $0x0;
	s1 =	stileid.u32;
	s13 =	simm.s32 $0x7  }
0x6: {  	s14 =	simm.s32 $0x80;
	s15 =	simm.s32 $0x4E80;
	s7 =	smul.u32 $0xA00, s1  }
0x7: {  	s16 =	simm.s32 $0x0;
	s5 =	sand.u32 $0x1, s5;
	s9 =	smul.u32 $0x4E00, s1  }
0x8: {  	[smem:$0x7FF] =	sst s3;
	s11 =	sadd.s32 $0x2800, s4;
	s29 =	smul.u32 $0x140, s1  }
0x9: {  	p0 =	slt.u32 s1, $0x4;
	s30 =	sshll.u32 s1, $0x4;
	s6 =	ssub.s32 $0x2, s5  }
0xa: {  	_ =	strace $0x80000047;
	s28 =	smul.u32 $0x1400, s5;
	s8 =	sshrl.u32 s6, $0x1  }
0xb: {  	s25 =	sshrl.u32 s7, $0x2;
	s26 =	sshrl.u32 s9, $0x3;
	s7 =	simm.s32 $0x97  }
0xc: {  	s12 =	ssub.s32 s6, s8;
	s4 =	sadd.s32 s25, s2;
	s6 =	sadd.s32 s11, s26  }
0xd: {  	s11 =	sadd.s32 s30, s11;
	s9 =	sadd.s32 s29, s28;
	s7 =	simm.s32 @!p0 $0x96  }
0xe: {  	p0 =	sgt.u32 s1, $0x3;
	s5 =	sadd.s32 $0x140, s4;
	s6 =	sadd.s32 $0x9C40, s6  }
0xf: {  	s8 =	sadd.s32 $0x13840, s11;
	s31 =	sshrl.u32 s9, $0x3;
	s9 =	sadd.s32 s9, s2  }
0x10: {  	v0 =	vimm.f32 $1.000000000e+00;
	v1 =	vimm.f32 $0.0e+00;
	s11 =	smax.u32 s12, $0x1;
	s12 =	simm.s32 $0x4F00;
	s10 =	sadd.s32 s10, s31  }
.LBB2_1:
0x11: {  	[tilespmem:$0x4E80] =	vst v0  }
0x12: {  	[tilespmem:$0x4E90] =	vst v0  }
0x13: {  	[tilespmem:$0x4EA0] =	vst v0  }
0x14: {  	[tilespmem:$0x4EB0] =	vst v0  }
0x15: {  	[tilespmem:$0x4EC0] =	vst v0  }
0x16: {  	[tilespmem:$0x4ED0] =	vst v0  }
0x17: {  	[tilespmem:$0x4EE0] =	vst v0  }
0x18: {  	[tilespmem:$0x4EF0] =	vst v0  }
0x19: {  	[tilespmem:$0x4F00] =	vst v1  }
0x1a: {  	[tilespmem:$0x4F10] =	vst v1  }
0x1b: {  	[tilespmem:$0x4F20] =	vst v1  }
0x1c: {  	[tilespmem:$0x4F30] =	vst v1  }
0x1d: {  	[tilespmem:$0x4F40] =	vst v1  }
0x1e: {  	[tilespmem:$0x4F50] =	vst v1  }
0x1f: {  	[tilespmem:$0x4F60] =	vst v1  }
0x20: {  	[tilespmem:$0x4F70] =	vst v1  }
0x21: {  	[tilespmem:$0x4F80] =	vst v1  }
0x22: {  	[tilespmem:$0x4F90] =	vst v1  }
0x23: {  	[tilespmem:$0x4FA0] =	vst v1  }
0x24: {  	[tilespmem:$0x4FB0] =	vst v1  }
0x25: {  	[tilespmem:$0x4FC0] =	vst v1  }
0x26: {  	[tilespmem:$0x4FD0] =	vst v1  }
0x27: {  	[tilespmem:$0x4FE0] =	vst v1  }
0x28: {  	[tilespmem:$0x4FF0] =	vst v1  }
0x29: {  	[tilespmem:$0x5000] =	vst v1  }
0x2a: {  	[tilespmem:$0x5010] =	vst v1  }
0x2b: {  	[tilespmem:$0x5020] =	vst v1  }
0x2c: {  	[tilespmem:$0x5030] =	vst v1  }
0x2d: {  	[spmem:s4] =	stream.linear.scatter [tilespmem:s12], [sflag:$0x7], $0x140, $0x38;
	[tilespmem:$0x52C0] =	vst v63  }
0x2e: {  	_ =	swait.ge [sflag:s13], $0x140  }
0x2f: {  	[sflag:s13] =	ssyncset.done $0x0  }
0x30: {  	[sflag:s13] =	ssyncadd.s32 $0xFFFFFEC0  }
0x31: {  	[spmem:s5] =	stream.linear.scatter [tilespmem:s12], [sflag:$0x7], $0x140, $0x38;
	[tilespmem:$0x52C0] =	vst v63  }
0x32: {  	_ =	swait.ge [sflag:s13], $0x140  }
0x33: {  	[sflag:s13] =	ssyncset.done $0x0  }
0x34: {  	[sflag:s13] =	ssyncadd.s32 $0xFFFFFEC0  }
0x35: {  	[tilespmem:s3], [sflag:$0x7] =	stream.linear.gather [hbm4b:s6+s3], $0x4E00, $0x38;
	[tilespmem:$0x52C0] =	vst v63  }
0x36: {  	_ =	swait.ge [sflag:s13], $0x4E00  }
0x37: {  	s17 =	simm.s32 @!p0 $0x0;
	s20 =	simm.s32 @!p0 $0x9D;
	[sflag:s13] =	ssyncset.done $0x0  }
0x38: {  	s18 =	simm.s32 @!p0 $0x4E00;
	s20 =	simm.s32 @p0 $0x9C;
	[sflag:s13] =	ssyncadd.s32 $0xFFFFB200  }
0x39: {  	[tilespmem:s18], [sflag:$0x7] =	stream.linear.gather @!p0 [hbm4b:s8+s17], $0x80, $0x38;
	[tilespmem:$0x52C0] =	vst v63  }
0x3a: {  	p2 =	sne.s32 s20, $0x1;
	s17 =	simm.s32 @!p0 $0x7  }
.Ltmp0:
0x3b: {  	_ =	swait.ge @!p0 [sflag:s17], $0x80;
	(pc) =	sbr.rel @!p2 .LBB2_2-.Ltmp0, $4  }
0x3c: {  	[sflag:s17] =	ssyncset.done @!p0 $0x0  }
0x3d: {  	s19 =	simm.s32 $0xFFFFFFFB;
	[sflag:s17] =	ssyncadd.s32 @!p0 $0xFFFFFF80  }
0x3e: {  	s21 =	simm.s32 $0xFFFFFFFA;
	p1 =	por $0x0, $0x0;
	[bflag:$0x0] =	sbarrier.arrive $0xFFFF  }
0x3f: {  	s25 =	smulhi.u32 $0xAAAAAAAB, s21;
	s18 =	simm.s32 $0x1;
	s17 =	simm.s32 $0x1  }
0x40: {  	s19 =	smulhi.u32 $0xAAAAAAAB, s3  }
0x41: {  	s18 =	sshrl.u32 s25, $0x2  }
0x42: {  	s22 =	simm.s32 $0x2;
	s18 =	smul.u32 $0xFFFFFFE8, s18;
	s19 =	sshrl.u32 s19, $0x2  }
0x43: {  	p2 =	sne.s32 s20, $0x2;
	p1 =	por $0x1, $0x1;
	s23 =	smul.u32 $0xFFFFFFE8, s19  }
.Ltmp1:
0x44: {  	s21 =	simm.s32 $0x80;
	s18 =	sshra.s32 s18, $0x2;
	(pc) =	sbr.rel @!p2 .LBB2_4-.Ltmp1, $4  }
0x45: {  	s19 =	simm.s32 $0xFFFFFFFC;
	s24 =	sadd.s32 $0xFFFFFFFB, s18;
	s18 =	simm.s32 $0x2  }
0x46: {  	s26 =	sshra.s32 s23, $0x2;
	s23 =	simm.s32 $0xFFFFFFFB;
	_ =	swait.ge @!p1 [sflag:s24], $0x80  }
0x47: {  	s25 =	smulhi.u32 $0xAAAAAAAB, s23;
	s26 =	sadd.s32 $0x1, s26;
	[sflag:s24] =	ssyncset.done @!p1 $0x0  }
0x48: {  	[sflag:s24] =	ssyncadd.s32 @!p1 $0xFFFFFF80;
	p1 =	por $0x1, $0x1;
	s24 =	simm.s32 $0x0  }
.LBB2_5:
0x49: {  	[spmem:s2] =	stream.indirect.scatter.add.f32 [tilespmem:s15], [sflag:s26], $0x1, s24, s14, $0xb8;
	[tilespmem:$0x52C0] =	vst v63  }
0x4a: {  	s26 =	smov.u32 s17;
	s17 =	smov.u32 s22;
	s28 =	smov.u32 s18  }
0x4b: {  	s22 =	sadd.s32 $0x1, s22;
	s24 =	sshrl.u32 s25, $0x2;
	s25 =	smulhi.u32 $0xAAAAAAAB, s26  }
0x4c: {  	p2 =	sne.s32 s20, s22;
	s29 =	smul.u32 $0xFFFFFFE8, s24;
	s24 =	smov.u32 s21  }
0x4d: {  	s25 =	sshrl.u32 s25, $0x2  }
.Ltmp2:
0x4e: {  	s18 =	sadd.s32 $0x1, s18;
	s29 =	sshra.s32 s29, $0x2;
	(pc) =	sbr.rel @p2 .LBB2_5-.Ltmp2, $4  }
0x4f: {  	p3 =	slt.u32 s26, $0x6;
	s25 =	smul.u32 $0xFFFFFFE8, s25;
	s29 =	sadd.s32 s29, s19  }
0x50: {  	s21 =	sadd.s32 $0x80, s21;
	s19 =	sadd.s32 $0x1, s19;
	_ =	swait.ge @!p3 [sflag:s29], $0x80  }
0x51: {  	s23 =	sadd.s32 $0x1, s23;
	s26 =	sshra.s32 s25, $0x2;
	[sflag:s29] =	ssyncset.done @!p3 $0x0  }
0x52: {  	s25 =	smulhi.u32 $0xAAAAAAAB, s23;
	s26 =	sadd.s32 s26, s28;
	[sflag:s29] =	ssyncadd.s32 @!p3 $0xFFFFFF80  }
.LBB2_6:
0x53: {  	_ = 	snop  }
0x54: {  	s22 =	smulhi.u32 $0xAAAAAAAB, s17;
	s20 =	sshrl.u32 s25, $0x2  }
0x55: {  	s20 =	smul.u32 $0xFFFFFFE8, s20  }
0x56: {  	[spmem:s2] =	stream.indirect.scatter.add.f32 @p1 [tilespmem:s15], [sflag:s26], $0x1, s24, s14, $0xb8;
	[tilespmem:$0x52C0] =	vst v63  }
0x57: {  	p1 =	slt.u32 s17, $0x6;
	s22 =	sshrl.u32 s22, $0x2;
	s20 =	sshra.s32 s20, $0x2  }
0x58: {  	s25 =	sadd.s32 $0x0, s7;
	s23 =	smul.u32 $0xFFFFFFE8, s22;
	s19 =	sadd.s32 s20, s19  }
0x59: {  	s26 =	smul.u32 $0xAB, s25;
	_ =	swait.ge @!p1 [sflag:s19], $0x80  }
0x5a: {  	s24 =	sshra.s32 s23, $0x2;
	[sflag:s19] =	ssyncset.done @!p1 $0x0  }
0x5b: {  	s28 =	sshrl.u32 s26, $0xA;
	s17 =	sadd.s32 s24, s18;
	[sflag:s19] =	ssyncadd.s32 @!p1 $0xFFFFFF80  }
0x5c: {  	[spmem:s2] =	stream.indirect.scatter.add.f32 [tilespmem:s15], [sflag:s17], $0x1, s21, s14, $0xb8;
	[tilespmem:$0x52C0] =	vst v63  }
0x5d: {  	s17 =	sand.u32 $0x3F, s28  }
0x5e: {  	s29 =	smul.u32 $0x6, s17  }
0x5f: {  	s17 =	sadd.s32 $0x1, s7  }
0x60: {  	s30 =	smul.u32 $0xAB, s17;
	s18 =	ssub.s32 s25, s29  }
0x61: {  	s18 =	sand.u32 $0xFF, s18  }
0x62: {  	s31 =	sshrl.u32 s30, $0xA;
	s19 =	sadd.s32 $0x1, s18  }
0x63: {  	s18 =	simm.s32 $0x2;
	s20 =	sand.u32 $0x3F, s31;
	_ =	swait.ge [sflag:s19], $0x80  }
.LBB2_7:
0x64: {  	s21 =	sadd.s32 s18, s7;
	s20 =	smul.u32 $0x6, s20  }
0x65: {  	[sflag:s19] =	ssyncset.done $0x0;
	p1 =	sne.s32 s18, $0x5;
	s22 =	smul.u32 $0xAB, s21  }
.Ltmp3:
0x66: {  	[sflag:s19] =	ssyncadd.s32 $0xFFFFFF80;
	(pc) =	sbr.rel @p1 .LBB2_7-.Ltmp3, $4  }
0x67: {  	s18 =	sadd.s32 $0x1, s18;
	s17 =	ssub.s32 s17, s20  }
0x68: {  	s19 =	sand.u32 $0xFF, s17;
	s17 =	smov.u32 s21  }
0x69: {  	s20 =	sshrl.u32 s22, $0xA;
	s19 =	sadd.s32 $0x1, s19  }
0x6a: {  	s20 =	sand.u32 $0x3F, s20;
	_ =	swait.ge [sflag:s19], $0x80  }
0x6b: {  	s18 =	smul.u32 $0x6, s20;
	_ =	sdelay $0x1  }
0x6c: {  	s17 =	ssub.s32 s17, s18  }
0x6d: {  	[sflag:s19] =	ssyncset.done $0x0;
	s17 =	sand.u32 $0xFF, s17  }
0x6e: {  	[sflag:s19] =	ssyncadd.s32 $0xFFFFFF80;
	s17 =	sadd.s32 $0x1, s17  }
0x6f: {  	_ =	swait.ge [sflag:s17], $0x80  }
0x70: {  	[sflag:s17] =	ssyncset.done $0x0  }
0x71: {  	[sflag:s17] =	ssyncadd.s32 $0xFFFFFF80  }
0x72: {  	[bflag:$0x0] =	sbarrier.arrive $0xFFFF  }
0x73: {  	[tilespmem:s12], [sflag:$0x7] =	stream.linear.gather [spmem:s9], $0x140, $0x38;
	[tilespmem:$0x52C0] =	vst v63  }
0x74: {  	_ =	swait.ge [sflag:s13], $0x140  }
0x75: {  	s16 =	sadd.s32 $0x1, s16;
	[sflag:s13] =	ssyncset.done $0x0  }
0x76: {  	p1 =	sne.s32 s16, s11;
	[sflag:s13] =	ssyncadd.s32 $0xFFFFFEC0  }
0x77: {  	[hbm4b:s10+s3] =	stream.linear.scatter [tilespmem:s12], [sflag:$0x7], $0x140, $0x38;
	[tilespmem:$0x52C0] =	vst v63  }
.Ltmp4:
0x78: {  	_ = 	snop;
	(pc) =	sbr.rel @p1 .LBB2_1-.Ltmp4, $4  }
.Ltmp5:
0x79: {  	_ = 	snop;
	(pc) =	sbr.rel @!p1 .LBB2_9-.Ltmp5, $4  }
0x7a: {  	_ =	swait.ge [sflag:s13], $0x140  }
0x7b: {  	[sflag:s13] =	ssyncset.done $0x0  }
0x7c: {  	[sflag:s13] =	ssyncadd.s32 $0xFFFFFEC0  }
0x7d: {  	_ = 	snop  }
.LBB2_2:
.Ltmp6:
0x7e: {  	(pc) =	sbr.rel .LBB2_6-.Ltmp6, $2  }
0x7f: {  	_ =	sdelay $0x2  }
0x80: {  	s17 =	simm.s32 $0x0;
	s21 =	simm.s32 $0x0  }
.LBB2_4:
.Ltmp7:
0x81: {  	(pc) =	sbr.rel .LBB2_6-.Ltmp7, $2  }
0x82: {  	_ =	sdelay $0x2  }
0x83: {  	s24 =	simm.s32 $0x0  }
.LBB2_9:
0x84: {  	_ =	sfence.sel $0x180000  }
0x85: {  	[bflag:$0x0] =	sbarrier.arrive $0xFFFF  }
0x86: {  	p0 =	sne.s32 s1, $0x0;
	_ =	strace $0x90000047  }
0x87: {  	s0 =	sadd.s32 @!p0 $0x100000, s0;
	[bflag:$0x2] =	sbarrier.arrive $0xFFFF  }
0x88: {  	[sflag:s0] =	ssyncadd.tile.s32 @!p0 $0x1;
	_ =	shalt  }
.Lfunc_end2:
_tile_overlayer_lowered:
.L_overlay_start_2:
0x89: {  	(tag) =	ssettag $0x2  }
0x8a: {  	s0 =	rddreg [dreg:$0x0];
	s2 =	stileid.u32  }
0x8b: {  	s1 =	rddreg [dreg:$0x1];
	p0 =	sne.s32 s2, $0x0  }
0x8c: {  	s3 =	rddreg [dreg:$0x2];
	[bflag:$0x3] =	sbarrier.arrive $0xFFFF;
	s2 =	simm.s32 @!p0 $0x1C07  }
0x8d: {  	[timem:s3], [sflag:s2] =	dma.local @!p0 [hbm:s0], s1  }
0x8e: {  	s0 =	simm.s32 @!p0 $0x7  }
0x8f: {  	_ =	swait.ge @!p0 [sflag:s0], s1  }
0x90: {  	s1 =	ssub.s32 @!p0 $0x0, s1;
	[sflag:s0] =	ssyncset.done @!p0 $0x0  }
0x91: {  	[sflag:s0] =	ssyncadd.s32 @!p0 s1  }
0x92: {  	[bflag:$0x3] =	sbarrier.arrive $0xFFFF  }
0x93: {  	_ =	shalt  }

</sc_bundles>
